<compile_context>
chip_gen: v7x
topology: tpu7x:2x2x1
jax: 0.10.2.dev20260603
libtpu: 0.0.44.dev20260713+nightly
codegen_flags: <defaults>
</compile_context>

<pallas_src>
import functools

import jax
import jax.numpy as jnp
from jax import lax
from jax.experimental import pallas as pl
from jax.experimental.pallas import tpu as pltpu
from jax.experimental.pallas import tpu_sc as plsc

_A = 100000
_F = 2
_B0, _B1 = 4, 4
_T1 = 2
_CD = 16
_BATCH = 16384
_NC, _NS = 2, 16
_NW = _NC * _NS
_PW = _BATCH // _NW
_CH = 128
_NCH = _PW // _CH
_G = 16

_mesh = plsc.VectorSubcoreMesh(
    core_axis_name="c", subcore_axis_name="s", num_cores=_NC, num_subcores=_NS
)


@functools.partial(
    pl.kernel,
    out_type=jax.ShapeDtypeStruct((_BATCH,), jnp.float32),
    mesh=_mesh,
    compiler_params=pltpu.CompilerParams(
        needs_layout_passes=False, use_tc_tiling_on_sc=False
    ),
    scratch_types=[
        pltpu.VMEM((_NCH, _CH), jnp.int32),
        pltpu.VMEM((_PW,), jnp.int32),
        pltpu.VMEM((2, _PW), jnp.int32),
        pltpu.VMEM((_CD, _PW), jnp.float32),
        pltpu.VMEM((_NCH, _CD, _CH), jnp.int32),
        pltpu.VMEM((_NCH, _CD, _CH), jnp.float32),
        pltpu.VMEM((_NCH, _CH), jnp.float32),
        pltpu.VMEM((_PW,), jnp.float32),
        pltpu.SemaphoreType.DMA,
        pltpu.SemaphoreType.DMA,
        pltpu.SemaphoreType.DMA,
    ],
)
def _sc_gather_dot(a_hbm, st_hbm, bhT_hbm, defT_hbm, w_hbm, b_hbm,
                   out_hbm, a_v, st_v, bh2_v, defT_v, idxb_v, val_v,
                   bias_v, out_v, sem, bsem, dsem):
    wid = lax.axis_index("s") * _NC + lax.axis_index("c")
    base = wid * _PW

    stage = [pltpu.async_copy(a_hbm.at[pl.ds(base + c * _CH, _CH)],
                              a_v.at[c], bsem) for c in range(_NCH)]
    stage.append(pltpu.async_copy(st_hbm.at[pl.ds(base, _PW)], st_v, bsem))
    stage.append(pltpu.async_copy(bhT_hbm.at[:, pl.ds(base, _PW)], bh2_v, bsem))
    dstage = pltpu.async_copy(defT_hbm.at[:, pl.ds(base, _PW)], defT_v, dsem)
    for h in stage:
        h.wait()


    handles = []
    for c in range(_NCH):
        def idx_body(k, _, c=c):
            off = k * _G
            av = a_v[c, pl.ds(off, _G)]
            sv = st_v[pl.ds(c * _CH + off, _G)]
            t1 = bh2_v[0, pl.ds(c * _CH + off, _G)]
            t2 = bh2_v[1, pl.ds(c * _CH + off, _G)]
            t1 = jnp.where(t1 >= _F, _F - 1, t1)
            t2 = jnp.where(t2 >= _B0, _B0 - 1, t2)
            fb = ((sv * _T1 + t1) * _B1 + t2) * (_CD * _A) + av
            for j in range(_CD):
                idxb_v[c, j, pl.ds(off, _G)] = fb + j * _A
            return 0
        lax.fori_loop(0, _CH // _G, idx_body, 0)
        chunk = [pltpu.async_copy(w_hbm.at[idxb_v.at[c, j]],
                                  val_v.at[c, j], sem)
                 for j in range(_CD)]
        chunk.append(pltpu.async_copy(b_hbm.at[a_v.at[c]], bias_v.at[c], bsem))
        handles.append(chunk)

    dstage.wait()
    for chunk in handles:
        for h in chunk:
            h.wait()

    for c in range(_NCH):
        def dot_body(k, _, c=c):
            off = k * _G
            acc = bias_v[c, pl.ds(off, _G)]
            for j in range(_CD):
                rv = val_v[c, j, pl.ds(off, _G)]
                dv = defT_v[j, pl.ds(c * _CH + off, _G)]
                acc = acc + rv * dv
            out_v[pl.ds(c * _CH + off, _G)] = acc
            return 0
        lax.fori_loop(0, _CH // _G, dot_body, 0)

    pltpu.sync_copy(out_v, out_hbm.at[pl.ds(base, _PW)])


def kernel(a, style, bh_pos, def_pos, W, b):
    w1 = jnp.transpose(W[:, :, :_T1], (1, 2, 3, 4, 5, 0)).reshape(-1)
    defT = jnp.transpose(def_pos, (1, 2, 0)).reshape(_CD, _BATCH)
    bhT = jnp.transpose(bh_pos, (1, 0))
    return _sc_gather_dot(a, style, bhT, defT, w1, b)

# --- scband reference (transcript-rebuilt; emitter-appended) ---
"""Pipeline reference for scband-full-46213848105991 (READ-ONLY COPY).

The authoritative reference and input builder live on the scoring server;
editing this copy changes nothing except your own understanding.
"""

import jax, jax.numpy as jnp
import numpy as np

A_DIMS = 100000
F_DIMS = 2
B_DIMS = (4, 4)
C_DIMS = (4, 4)
BATCH = 16384


def setup_inputs(seed: int = 0) -> dict:
    key = jax.random.key(seed)
    k1, k2, k3, k4, k5 = jax.random.split(key, 5)
    a = jax.random.randint(k1, (BATCH,), 0, A_DIMS, dtype=jnp.int32)
    style = jax.random.randint(k2, (BATCH,), 0, F_DIMS, dtype=jnp.int32)
    bh_pos = jax.random.randint(k3, (BATCH, 2), 0, 10, dtype=jnp.int32)
    def_pos = jax.random.normal(k4, (BATCH,) + C_DIMS, dtype=jnp.float32)
    W = jax.random.normal(k5, (A_DIMS, F_DIMS) + B_DIMS + C_DIMS, dtype=jnp.float32)
    b = jnp.zeros((A_DIMS,), dtype=jnp.float32)
    return {"a": a, "style": style, "bh_pos": bh_pos, "def_pos": def_pos, "W": W, "b": b}


def reference(a, style, bh_pos, def_pos, W, b):
    temp1 = bh_pos[:, 0].astype(jnp.int32)
    temp2 = bh_pos[:, 1].astype(jnp.int32)
    one1 = jnp.ones_like(temp1) * (W.shape[1] - 1)
    temp1 = jnp.where(temp1 >= W.shape[1], one1, temp1)
    one2 = jnp.ones_like(temp2) * (W.shape[2] - 1)
    temp2 = jnp.where(temp2 >= W.shape[2], one2, temp2)
    # gather rows of the big table: shape [B, c0, c1]
    first = W[a, style, temp1, temp2, :, :]
    second = def_pos.astype(jnp.float32)
    out = jnp.einsum('bcd,bcd->b', first, second)
    return out + b[a]

if __name__ == "__main__":
    import jax
    _d = setup_inputs()
    print(jax.jit(kernel)(*tuple(_d.values())))

</pallas_src>

<mosaic_0001>
#map = affine_map<(d0, d1) -> (0)>
#map1 = affine_map<(d0, d1) -> (0, 0)>
module attributes {stable_mosaic.version = 14 : i64} {
  func.func @_sc_gather_dot(%arg0: i32, %arg1: i32, %arg2: memref<16384xi32, #tpu.memory_space<hbm>>, %arg3: memref<16384xi32, #tpu.memory_space<hbm>>, %arg4: memref<2x16384xi32, #tpu.memory_space<hbm>>, %arg5: memref<16x16384xf32, #tpu.memory_space<hbm>>, %arg6: memref<25600000xf32, #tpu.memory_space<hbm>>, %arg7: memref<100000xf32, #tpu.memory_space<hbm>>, %arg8: memref<16384xf32, #tpu.memory_space<hbm>>, %arg9: memref<4x128xi32, #tpu.memory_space<vmem>>, %arg10: memref<512xi32, #tpu.memory_space<vmem>>, %arg11: memref<2x512xi32, #tpu.memory_space<vmem>>, %arg12: memref<16x512xf32, #tpu.memory_space<vmem>>, %arg13: memref<4x16x128xi32, #tpu.memory_space<vmem>>, %arg14: memref<4x16x128xf32, #tpu.memory_space<vmem>>, %arg15: memref<4x128xf32, #tpu.memory_space<vmem>>, %arg16: memref<512xf32, #tpu.memory_space<vmem>>, %arg17: memref<!tpu.dma_semaphore, #tpu.memory_space<semaphore_mem>>, %arg18: memref<!tpu.dma_semaphore, #tpu.memory_space<semaphore_mem>>, %arg19: memref<!tpu.dma_semaphore, #tpu.memory_space<semaphore_mem>>) attributes {dimension_semantics = [#tpu.dimension_semantics<core_parallel>, #tpu.dimension_semantics<subcore_parallel>], iteration_bounds = array<i64: 2, 16>, scalar_prefetch = 0 : i64, scratch_operands = 11 : i64, tpu.core_type = #tpu.core_type<sc_vector_subcore>, window_params = [{transform_indices = #map}, {transform_indices = #map}, {transform_indices = #map1}, {transform_indices = #map1}, {transform_indices = #map}, {transform_indices = #map}, {transform_indices = #map}]} {
    %mul3A = arith.constant 2 : i32
    %mul3A_0 = arith.muli %arg1, %mul3A : i32
    %add3A = arith.addi %mul3A_0, %arg0 : i32
    %mul3A_1 = arith.constant 512 : i32
    %mul3A_2 = arith.muli %add3A, %mul3A_1 : i32
    %add3A_3 = arith.constant 0 : i32
    %add3A_4 = arith.addi %mul3A_2, %add3A_3 : i32
    %dma_start3A = arith.constant 0 : i32
    %dma_start3A_5 = arith.constant 0 : i32
    %dma_start3A_6 = tpu.memref_slice %arg9[%dma_start3A, %dma_start3A_5] : memref<4x128xi32, #tpu.memory_space<vmem>> -> memref<1x128xi32, #tpu.memory_space<vmem>>
    %dma_start3A_7 = tpu.memref_squeeze %dma_start3A_6 : memref<1x128xi32, #tpu.memory_space<vmem>> -> memref<128xi32, #tpu.memory_space<vmem>>
    %dma_start3A_8 = tpu.memref_slice %arg2[%add3A_4] : memref<16384xi32, #tpu.memory_space<hbm>> -> memref<128xi32, #tpu.memory_space<hbm>>
    %dma_start3A_9 = arith.constant 0 : i32
    %dma_start3A_10 = tpu.memref_slice %arg9[%dma_start3A, %dma_start3A_9] : memref<4x128xi32, #tpu.memory_space<vmem>> -> memref<1x128xi32, #tpu.memory_space<vmem>>
    %dma_start3A_11 = tpu.memref_squeeze %dma_start3A_10 : memref<1x128xi32, #tpu.memory_space<vmem>> -> memref<128xi32, #tpu.memory_space<vmem>>
    %dma_start3A_12 = tpu.memref_slice %arg2[%add3A_4] : memref<16384xi32, #tpu.memory_space<hbm>> -> memref<128xi32, #tpu.memory_space<hbm>>
    tpu.enqueue_dma source(%dma_start3A_12 : memref<128xi32, #tpu.memory_space<hbm>>) target(%dma_start3A_11 : memref<128xi32, #tpu.memory_space<vmem>>) target_semaphore(%arg18 : memref<!tpu.dma_semaphore, #tpu.memory_space<semaphore_mem>>)
    %add3A_13 = arith.constant 128 : i32
    %add3A_14 = arith.addi %mul3A_2, %add3A_13 : i32
    %dma_start3A_15 = arith.constant 1 : i32
    %dma_start3A_16 = arith.constant 0 : i32
    %dma_start3A_17 = tpu.memref_slice %arg9[%dma_start3A_15, %dma_start3A_16] : memref<4x128xi32, #tpu.memory_space<vmem>> -> memref<1x128xi32, #tpu.memory_space<vmem>>
    %dma_start3A_18 = tpu.memref_squeeze %dma_start3A_17 : memref<1x128xi32, #tpu.memory_space<vmem>> -> memref<128xi32, #tpu.memory_space<vmem>>
    %dma_start3A_19 = tpu.memref_slice %arg2[%add3A_14] : memref<16384xi32, #tpu.memory_space<hbm>> -> memref<128xi32, #tpu.memory_space<hbm>>
    %dma_start3A_20 = arith.constant 0 : i32
    %dma_start3A_21 = tpu.memref_slice %arg9[%dma_start3A_15, %dma_start3A_20] : memref<4x128xi32, #tpu.memory_space<vmem>> -> memref<1x128xi32, #tpu.memory_space<vmem>>
    %dma_start3A_22 = tpu.memref_squeeze %dma_start3A_21 : memref<1x128xi32, #tpu.memory_space<vmem>> -> memref<128xi32, #tpu.memory_space<vmem>>
    %dma_start3A_23 = tpu.memref_slice %arg2[%add3A_14] : memref<16384xi32, #tpu.memory_space<hbm>> -> memref<128xi32, #tpu.memory_space<hbm>>
    tpu.enqueue_dma source(%dma_start3A_23 : memref<128xi32, #tpu.memory_space<hbm>>) target(%dma_start3A_22 : memref<128xi32, #tpu.memory_space<vmem>>) target_semaphore(%arg18 : memref<!tpu.dma_semaphore, #tpu.memory_space<semaphore_mem>>)
    %add3A_24 = arith.constant 256 : i32
    %add3A_25 = arith.addi %mul3A_2, %add3A_24 : i32
    %dma_start3A_26 = arith.constant 2 : i32
    %dma_start3A_27 = arith.constant 0 : i32
    %dma_start3A_28 = tpu.memref_slice %arg9[%dma_start3A_26, %dma_start3A_27] : memref<4x128xi32, #tpu.memory_space<vmem>> -> memref<1x128xi32, #tpu.memory_space<vmem>>
    %dma_start3A_29 = tpu.memref_squeeze %dma_start3A_28 : memref<1x128xi32, #tpu.memory_space<vmem>> -> memref<128xi32, #tpu.memory_space<vmem>>
    %dma_start3A_30 = tpu.memref_slice %arg2[%add3A_25] : memref<16384xi32, #tpu.memory_space<hbm>> -> memref<128xi32, #tpu.memory_space<hbm>>
    %dma_start3A_31 = arith.constant 0 : i32
    %dma_start3A_32 = tpu.memref_slice %arg9[%dma_start3A_26, %dma_start3A_31] : memref<4x128xi32, #tpu.memory_space<vmem>> -> memref<1x128xi32, #tpu.memory_space<vmem>>
    %dma_start3A_33 = tpu.memref_squeeze %dma_start3A_32 : memref<1x128xi32, #tpu.memory_space<vmem>> -> memref<128xi32, #tpu.memory_space<vmem>>
    %dma_start3A_34 = tpu.memref_slice %arg2[%add3A_25] : memref<16384xi32, #tpu.memory_space<hbm>> -> memref<128xi32, #tpu.memory_space<hbm>>
    tpu.enqueue_dma source(%dma_start3A_34 : memref<128xi32, #tpu.memory_space<hbm>>) target(%dma_start3A_33 : memref<128xi32, #tpu.memory_space<vmem>>) target_semaphore(%arg18 : memref<!tpu.dma_semaphore, #tpu.memory_space<semaphore_mem>>)
    %add3A_35 = arith.constant 384 : i32
    %add3A_36 = arith.addi %mul3A_2, %add3A_35 : i32
    %dma_start3A_37 = arith.constant 3 : i32
    %dma_start3A_38 = arith.constant 0 : i32
    %dma_start3A_39 = tpu.memref_slice %arg9[%dma_start3A_37, %dma_start3A_38] : memref<4x128xi32, #tpu.memory_space<vmem>> -> memref<1x128xi32, #tpu.memory_space<vmem>>
    %dma_start3A_40 = tpu.memref_squeeze %dma_start3A_39 : memref<1x128xi32, #tpu.memory_space<vmem>> -> memref<128xi32, #tpu.memory_space<vmem>>
    %dma_start3A_41 = tpu.memref_slice %arg2[%add3A_36] : memref<16384xi32, #tpu.memory_space<hbm>> -> memref<128xi32, #tpu.memory_space<hbm>>
    %dma_start3A_42 = arith.constant 0 : i32
    %dma_start3A_43 = tpu.memref_slice %arg9[%dma_start3A_37, %dma_start3A_42] : memref<4x128xi32, #tpu.memory_space<vmem>> -> memref<1x128xi32, #tpu.memory_space<vmem>>
    %dma_start3A_44 = tpu.memref_squeeze %dma_start3A_43 : memref<1x128xi32, #tpu.memory_space<vmem>> -> memref<128xi32, #tpu.memory_space<vmem>>
    %dma_start3A_45 = tpu.memref_slice %arg2[%add3A_36] : memref<16384xi32, #tpu.memory_space<hbm>> -> memref<128xi32, #tpu.memory_space<hbm>>
    tpu.enqueue_dma source(%dma_start3A_45 : memref<128xi32, #tpu.memory_space<hbm>>) target(%dma_start3A_44 : memref<128xi32, #tpu.memory_space<vmem>>) target_semaphore(%arg18 : memref<!tpu.dma_semaphore, #tpu.memory_space<semaphore_mem>>)
    %dma_start3A_46 = tpu.memref_slice %arg3[%mul3A_2] : memref<16384xi32, #tpu.memory_space<hbm>> -> memref<512xi32, #tpu.memory_space<hbm>>
    %dma_start3A_47 = tpu.memref_slice %arg3[%mul3A_2] : memref<16384xi32, #tpu.memory_space<hbm>> -> memref<512xi32, #tpu.memory_space<hbm>>
    tpu.enqueue_dma source(%dma_start3A_47 : memref<512xi32, #tpu.memory_space<hbm>>) target(%arg10 : memref<512xi32, #tpu.memory_space<vmem>>) target_semaphore(%arg18 : memref<!tpu.dma_semaphore, #tpu.memory_space<semaphore_mem>>)
    %dma_start3A_48 = arith.constant 0 : i32
    %dma_start3A_49 = tpu.memref_slice %arg4[%dma_start3A_48, %mul3A_2] : memref<2x16384xi32, #tpu.memory_space<hbm>> -> memref<2x512xi32, #tpu.memory_space<hbm>>
    %dma_start3A_50 = arith.constant 0 : i32
    %dma_start3A_51 = tpu.memref_slice %arg4[%dma_start3A_50, %mul3A_2] : memref<2x16384xi32, #tpu.memory_space<hbm>> -> memref<2x512xi32, #tpu.memory_space<hbm>>
    tpu.enqueue_dma source(%dma_start3A_51 : memref<2x512xi32, #tpu.memory_space<hbm>>) target(%arg11 : memref<2x512xi32, #tpu.memory_space<vmem>>) target_semaphore(%arg18 : memref<!tpu.dma_semaphore, #tpu.memory_space<semaphore_mem>>)
    %dma_start3A_52 = arith.constant 0 : i32
    %dma_start3A_53 = tpu.memref_slice %arg5[%dma_start3A_52, %mul3A_2] : memref<16x16384xf32, #tpu.memory_space<hbm>> -> memref<16x512xf32, #tpu.memory_space<hbm>>
    %dma_start3A_54 = arith.constant 0 : i32
    %dma_start3A_55 = tpu.memref_slice %arg5[%dma_start3A_54, %mul3A_2] : memref<16x16384xf32, #tpu.memory_space<hbm>> -> memref<16x512xf32, #tpu.memory_space<hbm>>
    tpu.enqueue_dma source(%dma_start3A_55 : memref<16x512xf32, #tpu.memory_space<hbm>>) target(%arg12 : memref<16x512xf32, #tpu.memory_space<vmem>>) target_semaphore(%arg19 : memref<!tpu.dma_semaphore, #tpu.memory_space<semaphore_mem>>)
    %dma_wait3A = arith.constant 0 : i32
    %dma_wait3A_56 = arith.constant 0 : i32
    %dma_wait3A_57 = tpu.memref_slice %arg9[%dma_wait3A, %dma_wait3A_56] : memref<4x128xi32, #tpu.memory_space<vmem>> -> memref<1x128xi32, #tpu.memory_space<vmem>>
    %dma_wait3A_58 = tpu.memref_squeeze %dma_wait3A_57 : memref<1x128xi32, #tpu.memory_space<vmem>> -> memref<128xi32, #tpu.memory_space<vmem>>
    %dma_wait3A_59 = tpu.memref_slice %arg2[%add3A_4] : memref<16384xi32, #tpu.memory_space<hbm>> -> memref<128xi32, #tpu.memory_space<hbm>>
    %dma_wait3A_60 = arith.constant 0 : i32
    %dma_wait3A_61 = tpu.memref_slice %arg9[%dma_wait3A, %dma_wait3A_60] : memref<4x128xi32, #tpu.memory_space<vmem>> -> memref<1x128xi32, #tpu.memory_space<vmem>>
    %dma_wait3A_62 = tpu.memref_squeeze %dma_wait3A_61 : memref<1x128xi32, #tpu.memory_space<vmem>> -> memref<128xi32, #tpu.memory_space<vmem>>
    %dma_wait3A_63 = tpu.memref_slice %arg2[%add3A_4] : memref<16384xi32, #tpu.memory_space<hbm>> -> memref<128xi32, #tpu.memory_space<hbm>>
    tpu.wait_dma2 semaphore(%arg18 : memref<!tpu.dma_semaphore, #tpu.memory_space<semaphore_mem>>) src(%dma_wait3A_63 : memref<128xi32, #tpu.memory_space<hbm>>) dst(%dma_wait3A_62 : memref<128xi32, #tpu.memory_space<vmem>>)
    %dma_wait3A_64 = arith.constant 1 : i32
    %dma_wait3A_65 = arith.constant 0 : i32
    %dma_wait3A_66 = tpu.memref_slice %arg9[%dma_wait3A_64, %dma_wait3A_65] : memref<4x128xi32, #tpu.memory_space<vmem>> -> memref<1x128xi32, #tpu.memory_space<vmem>>
    %dma_wait3A_67 = tpu.memref_squeeze %dma_wait3A_66 : memref<1x128xi32, #tpu.memory_space<vmem>> -> memref<128xi32, #tpu.memory_space<vmem>>
    %dma_wait3A_68 = tpu.memref_slice %arg2[%add3A_14] : memref<16384xi32, #tpu.memory_space<hbm>> -> memref<128xi32, #tpu.memory_space<hbm>>
    %dma_wait3A_69 = arith.constant 0 : i32
    %dma_wait3A_70 = tpu.memref_slice %arg9[%dma_wait3A_64, %dma_wait3A_69] : memref<4x128xi32, #tpu.memory_space<vmem>> -> memref<1x128xi32, #tpu.memory_space<vmem>>
    %dma_wait3A_71 = tpu.memref_squeeze %dma_wait3A_70 : memref<1x128xi32, #tpu.memory_space<vmem>> -> memref<128xi32, #tpu.memory_space<vmem>>
    %dma_wait3A_72 = tpu.memref_slice %arg2[%add3A_14] : memref<16384xi32, #tpu.memory_space<hbm>> -> memref<128xi32, #tpu.memory_space<hbm>>
    tpu.wait_dma2 semaphore(%arg18 : memref<!tpu.dma_semaphore, #tpu.memory_space<semaphore_mem>>) src(%dma_wait3A_72 : memref<128xi32, #tpu.memory_space<hbm>>) dst(%dma_wait3A_71 : memref<128xi32, #tpu.memory_space<vmem>>)
    %dma_wait3A_73 = arith.constant 2 : i32
    %dma_wait3A_74 = arith.constant 0 : i32
    %dma_wait3A_75 = tpu.memref_slice %arg9[%dma_wait3A_73, %dma_wait3A_74] : memref<4x128xi32, #tpu.memory_space<vmem>> -> memref<1x128xi32, #tpu.memory_space<vmem>>
    %dma_wait3A_76 = tpu.memref_squeeze %dma_wait3A_75 : memref<1x128xi32, #tpu.memory_space<vmem>> -> memref<128xi32, #tpu.memory_space<vmem>>
    %dma_wait3A_77 = tpu.memref_slice %arg2[%add3A_25] : memref<16384xi32, #tpu.memory_space<hbm>> -> memref<128xi32, #tpu.memory_space<hbm>>
    %dma_wait3A_78 = arith.constant 0 : i32
    %dma_wait3A_79 = tpu.memref_slice %arg9[%dma_wait3A_73, %dma_wait3A_78] : memref<4x128xi32, #tpu.memory_space<vmem>> -> memref<1x128xi32, #tpu.memory_space<vmem>>
    %dma_wait3A_80 = tpu.memref_squeeze %dma_wait3A_79 : memref<1x128xi32, #tpu.memory_space<vmem>> -> memref<128xi32, #tpu.memory_space<vmem>>
    %dma_wait3A_81 = tpu.memref_slice %arg2[%add3A_25] : memref<16384xi32, #tpu.memory_space<hbm>> -> memref<128xi32, #tpu.memory_space<hbm>>
    tpu.wait_dma2 semaphore(%arg18 : memref<!tpu.dma_semaphore, #tpu.memory_space<semaphore_mem>>) src(%dma_wait3A_81 : memref<128xi32, #tpu.memory_space<hbm>>) dst(%dma_wait3A_80 : memref<128xi32, #tpu.memory_space<vmem>>)
    %dma_wait3A_82 = arith.constant 3 : i32
    %dma_wait3A_83 = arith.constant 0 : i32
    %dma_wait3A_84 = tpu.memref_slice %arg9[%dma_wait3A_82, %dma_wait3A_83] : memref<4x128xi32, #tpu.memory_space<vmem>> -> memref<1x128xi32, #tpu.memory_space<vmem>>
    %dma_wait3A_85 = tpu.memref_squeeze %dma_wait3A_84 : memref<1x128xi32, #tpu.memory_space<vmem>> -> memref<128xi32, #tpu.memory_space<vmem>>
    %dma_wait3A_86 = tpu.memref_slice %arg2[%add3A_36] : memref<16384xi32, #tpu.memory_space<hbm>> -> memref<128xi32, #tpu.memory_space<hbm>>
    %dma_wait3A_87 = arith.constant 0 : i32
    %dma_wait3A_88 = tpu.memref_slice %arg9[%dma_wait3A_82, %dma_wait3A_87] : memref<4x128xi32, #tpu.memory_space<vmem>> -> memref<1x128xi32, #tpu.memory_space<vmem>>
    %dma_wait3A_89 = tpu.memref_squeeze %dma_wait3A_88 : memref<1x128xi32, #tpu.memory_space<vmem>> -> memref<128xi32, #tpu.memory_space<vmem>>
    %dma_wait3A_90 = tpu.memref_slice %arg2[%add3A_36] : memref<16384xi32, #tpu.memory_space<hbm>> -> memref<128xi32, #tpu.memory_space<hbm>>
    tpu.wait_dma2 semaphore(%arg18 : memref<!tpu.dma_semaphore, #tpu.memory_space<semaphore_mem>>) src(%dma_wait3A_90 : memref<128xi32, #tpu.memory_space<hbm>>) dst(%dma_wait3A_89 : memref<128xi32, #tpu.memory_space<vmem>>)
    %dma_wait3A_91 = tpu.memref_slice %arg3[%mul3A_2] : memref<16384xi32, #tpu.memory_space<hbm>> -> memref<512xi32, #tpu.memory_space<hbm>>
    %dma_wait3A_92 = tpu.memref_slice %arg3[%mul3A_2] : memref<16384xi32, #tpu.memory_space<hbm>> -> memref<512xi32, #tpu.memory_space<hbm>>
    tpu.wait_dma2 semaphore(%arg18 : memref<!tpu.dma_semaphore, #tpu.memory_space<semaphore_mem>>) src(%dma_wait3A_92 : memref<512xi32, #tpu.memory_space<hbm>>) dst(%arg10 : memref<512xi32, #tpu.memory_space<vmem>>)
    %dma_wait3A_93 = arith.constant 0 : i32
    %dma_wait3A_94 = tpu.memref_slice %arg4[%dma_wait3A_93, %mul3A_2] : memref<2x16384xi32, #tpu.memory_space<hbm>> -> memref<2x512xi32, #tpu.memory_space<hbm>>
    %dma_wait3A_95 = arith.constant 0 : i32
    %dma_wait3A_96 = tpu.memref_slice %arg4[%dma_wait3A_95, %mul3A_2] : memref<2x16384xi32, #tpu.memory_space<hbm>> -> memref<2x512xi32, #tpu.memory_space<hbm>>
    tpu.wait_dma2 semaphore(%arg18 : memref<!tpu.dma_semaphore, #tpu.memory_space<semaphore_mem>>) src(%dma_wait3A_96 : memref<2x512xi32, #tpu.memory_space<hbm>>) dst(%arg11 : memref<2x512xi32, #tpu.memory_space<vmem>>)
    %scan3A = arith.constant 0 : i32
    %scan3A_97 = arith.constant 0 : i32
    %scan3A_98 = arith.constant 8 : i32
    %scan3A_99 = arith.addi %scan3A_97, %scan3A_98 : i32
    %scan3A_100 = arith.constant 1 : i32
    %scan3A_101 = scf.for %scan3A_1772 = %scan3A_97 to %scan3A_99 step %scan3A_100 iter_args(%scan3A_1773 = %scan3A) -> (i32)  : i32 {
      %mul3A_1774 = arith.constant 16 : i32
      %mul3A_1775 = arith.muli %scan3A_1772, %mul3A_1774 : i32
      %get3A = arith.constant 0 : i32
      %get3A_1776 = arith.index_cast %get3A : i32 to index
      %get3A_1777 = arith.index_cast %mul3A_1775 : i32 to index
      %get3A_1778 = tpu.vector_load %arg9[%get3A_1776, %get3A_1777] {strides = array<i32>} : memref<4x128xi32, #tpu.memory_space<vmem>>, vector<16xi32>,
      %add3A_1779 = arith.constant 0 : i32
      %add3A_1780 = arith.addi %add3A_1779, %mul3A_1775 : i32
      %get3A_1781 = arith.index_cast %add3A_1780 : i32 to index
      %get3A_1782 = tpu.vector_load %arg10[%get3A_1781] {strides = array<i32>} : memref<512xi32, #tpu.memory_space<vmem>>, vector<16xi32>,
      %add3A_1783 = arith.constant 0 : i32
      %add3A_1784 = arith.addi %add3A_1783, %mul3A_1775 : i32
      %get3A_1785 = arith.constant 0 : i32
      %get3A_1786 = arith.index_cast %get3A_1785 : i32 to index
      %get3A_1787 = arith.index_cast %add3A_1784 : i32 to index
      %get3A_1788 = tpu.vector_load %arg11[%get3A_1786, %get3A_1787] {strides = array<i32>} : memref<2x512xi32, #tpu.memory_space<vmem>>, vector<16xi32>,
      %add3A_1789 = arith.constant 0 : i32
      %add3A_1790 = arith.addi %add3A_1789, %mul3A_1775 : i32
      %get3A_1791 = arith.constant 1 : i32
      %get3A_1792 = arith.index_cast %get3A_1791 : i32 to index
      %get3A_1793 = arith.index_cast %add3A_1790 : i32 to index
      %get3A_1794 = tpu.vector_load %arg11[%get3A_1792, %get3A_1793] {strides = array<i32>} : memref<2x512xi32, #tpu.memory_space<vmem>>, vector<16xi32>,
      %ge3A = arith.constant 2 : i32
      %ge3A_1795 = vector.broadcast %ge3A : i32 to vector<16xi32>
      %ge3A_1796 = arith.cmpi sge, %get3A_1788, %ge3A_1795 : vector<16xi32>
      %jit3A = arith.constant 1 : i32
      %broadcast_in_dim3A = vector.broadcast %jit3A : i32 to vector<16xi32>
      %select_n3A = arith.select %ge3A_1796, %broadcast_in_dim3A, %get3A_1788 : vector<16xi1>, vector<16xi32>
      %ge3A_1797 = arith.constant 4 : i32
      %ge3A_1798 = vector.broadcast %ge3A_1797 : i32 to vector<16xi32>
      %ge3A_1799 = arith.cmpi sge, %get3A_1794, %ge3A_1798 : vector<16xi32>
      %jit3A_1800 = arith.constant 3 : i32
      %broadcast_in_dim3A_1801 = vector.broadcast %jit3A_1800 : i32 to vector<16xi32>
      %select_n3A_1802 = arith.select %ge3A_1799, %broadcast_in_dim3A_1801, %get3A_1794 : vector<16xi1>, vector<16xi32>
      %mul3A_1803 = arith.constant 2 : i32
      %mul3A_1804 = vector.broadcast %mul3A_1803 : i32 to vector<16xi32>
      %mul3A_1805 = arith.muli %get3A_1782, %mul3A_1804 : vector<16xi32>
      %add3A_1806 = arith.addi %mul3A_1805, %select_n3A : vector<16xi32>
      %mul3A_1807 = arith.constant 4 : i32
      %mul3A_1808 = vector.broadcast %mul3A_1807 : i32 to vector<16xi32>
      %mul3A_1809 = arith.muli %add3A_1806, %mul3A_1808 : vector<16xi32>
      %add3A_1810 = arith.addi %mul3A_1809, %select_n3A_1802 : vector<16xi32>
      %mul3A_1811 = arith.constant 1600000 : i32
      %mul3A_1812 = vector.broadcast %mul3A_1811 : i32 to vector<16xi32>
      %mul3A_1813 = arith.muli %add3A_1810, %mul3A_1812 : vector<16xi32>
      %add3A_1814 = arith.addi %mul3A_1813, %get3A_1778 : vector<16xi32>
      %add3A_1815 = arith.constant 0 : i32
      %add3A_1816 = vector.broadcast %add3A_1815 : i32 to vector<16xi32>
      %add3A_1817 = arith.addi %add3A_1814, %add3A_1816 : vector<16xi32>
      %swap3A = arith.constant 0 : i32
      %swap3A_1818 = arith.constant 0 : i32
      %swap3A_1819 = arith.index_cast %swap3A : i32 to index
      %swap3A_1820 = arith.index_cast %swap3A_1818 : i32 to index
      %swap3A_1821 = arith.index_cast %mul3A_1775 : i32 to index
      %swap3A_1822 = tpu.vector_load %arg13[%swap3A_1819, %swap3A_1820, %swap3A_1821] {strides = array<i32>} : memref<4x16x128xi32, #tpu.memory_space<vmem>>, vector<16xi32>,
      tpu.vector_store %arg13[%swap3A_1819, %swap3A_1820, %swap3A_1821], %add3A_1817 {strides = array<i32>} : memref<4x16x128xi32, #tpu.memory_space<vmem>>, vector<16xi32>,
      %add3A_1823 = arith.constant 100000 : i32
      %add3A_1824 = vector.broadcast %add3A_1823 : i32 to vector<16xi32>
      %add3A_1825 = arith.addi %add3A_1814, %add3A_1824 : vector<16xi32>
      %swap3A_1826 = arith.constant 0 : i32
      %swap3A_1827 = arith.constant 1 : i32
      %swap3A_1828 = arith.index_cast %swap3A_1826 : i32 to index
      %swap3A_1829 = arith.index_cast %swap3A_1827 : i32 to index
      %swap3A_1830 = arith.index_cast %mul3A_1775 : i32 to index
      %swap3A_1831 = tpu.vector_load %arg13[%swap3A_1828, %swap3A_1829, %swap3A_1830] {strides = array<i32>} : memref<4x16x128xi32, #tpu.memory_space<vmem>>, vector<16xi32>,
      tpu.vector_store %arg13[%swap3A_1828, %swap3A_1829, %swap3A_1830], %add3A_1825 {strides = array<i32>} : memref<4x16x128xi32, #tpu.memory_space<vmem>>, vector<16xi32>,
      %add3A_1832 = arith.constant 200000 : i32
      %add3A_1833 = vector.broadcast %add3A_1832 : i32 to vector<16xi32>
      %add3A_1834 = arith.addi %add3A_1814, %add3A_1833 : vector<16xi32>
      %swap3A_1835 = arith.constant 0 : i32
      %swap3A_1836 = arith.constant 2 : i32
      %swap3A_1837 = arith.index_cast %swap3A_1835 : i32 to index
      %swap3A_1838 = arith.index_cast %swap3A_1836 : i32 to index
      %swap3A_1839 = arith.index_cast %mul3A_1775 : i32 to index
      %swap3A_1840 = tpu.vector_load %arg13[%swap3A_1837, %swap3A_1838, %swap3A_1839] {strides = array<i32>} : memref<4x16x128xi32, #tpu.memory_space<vmem>>, vector<16xi32>,
      tpu.vector_store %arg13[%swap3A_1837, %swap3A_1838, %swap3A_1839], %add3A_1834 {strides = array<i32>} : memref<4x16x128xi32, #tpu.memory_space<vmem>>, vector<16xi32>,
      %add3A_1841 = arith.constant 300000 : i32
      %add3A_1842 = vector.broadcast %add3A_1841 : i32 to vector<16xi32>
      %add3A_1843 = arith.addi %add3A_1814, %add3A_1842 : vector<16xi32>
      %swap3A_1844 = arith.constant 0 : i32
      %swap3A_1845 = arith.constant 3 : i32
      %swap3A_1846 = arith.index_cast %swap3A_1844 : i32 to index
      %swap3A_1847 = arith.index_cast %swap3A_1845 : i32 to index
      %swap3A_1848 = arith.index_cast %mul3A_1775 : i32 to index
      %swap3A_1849 = tpu.vector_load %arg13[%swap3A_1846, %swap3A_1847, %swap3A_1848] {strides = array<i32>} : memref<4x16x128xi32, #tpu.memory_space<vmem>>, vector<16xi32>,
      tpu.vector_store %arg13[%swap3A_1846, %swap3A_1847, %swap3A_1848], %add3A_1843 {strides = array<i32>} : memref<4x16x128xi32, #tpu.memory_space<vmem>>, vector<16xi32>,
      %add3A_1850 = arith.constant 400000 : i32
      %add3A_1851 = vector.broadcast %add3A_1850 : i32 to vector<16xi32>
      %add3A_1852 = arith.addi %add3A_1814, %add3A_1851 : vector<16xi32>
      %swap3A_1853 = arith.constant 0 : i32
      %swap3A_1854 = arith.constant 4 : i32
      %swap3A_1855 = arith.index_cast %swap3A_1853 : i32 to index
      %swap3A_1856 = arith.index_cast %swap3A_1854 : i32 to index
      %swap3A_1857 = arith.index_cast %mul3A_1775 : i32 to index
      %swap3A_1858 = tpu.vector_load %arg13[%swap3A_1855, %swap3A_1856, %swap3A_1857] {strides = array<i32>} : memref<4x16x128xi32, #tpu.memory_space<vmem>>, vector<16xi32>,
      tpu.vector_store %arg13[%swap3A_1855, %swap3A_1856, %swap3A_1857], %add3A_1852 {strides = array<i32>} : memref<4x16x128xi32, #tpu.memory_space<vmem>>, vector<16xi32>,
      %add3A_1859 = arith.constant 500000 : i32
      %add3A_1860 = vector.broadcast %add3A_1859 : i32 to vector<16xi32>
      %add3A_1861 = arith.addi %add3A_1814, %add3A_1860 : vector<16xi32>
      %swap3A_1862 = arith.constant 0 : i32
      %swap3A_1863 = arith.constant 5 : i32
      %swap3A_1864 = arith.index_cast %swap3A_1862 : i32 to index
      %swap3A_1865 = arith.index_cast %swap3A_1863 : i32 to index
      %swap3A_1866 = arith.index_cast %mul3A_1775 : i32 to index
      %swap3A_1867 = tpu.vector_load %arg13[%swap3A_1864, %swap3A_1865, %swap3A_1866] {strides = array<i32>} : memref<4x16x128xi32, #tpu.memory_space<vmem>>, vector<16xi32>,
      tpu.vector_store %arg13[%swap3A_1864, %swap3A_1865, %swap3A_1866], %add3A_1861 {strides = array<i32>} : memref<4x16x128xi32, #tpu.memory_space<vmem>>, vector<16xi32>,
      %add3A_1868 = arith.constant 600000 : i32
      %add3A_1869 = vector.broadcast %add3A_1868 : i32 to vector<16xi32>
      %add3A_1870 = arith.addi %add3A_1814, %add3A_1869 : vector<16xi32>
      %swap3A_1871 = arith.constant 0 : i32
      %swap3A_1872 = arith.constant 6 : i32
      %swap3A_1873 = arith.index_cast %swap3A_1871 : i32 to index
      %swap3A_1874 = arith.index_cast %swap3A_1872 : i32 to index
      %swap3A_1875 = arith.index_cast %mul3A_1775 : i32 to index
      %swap3A_1876 = tpu.vector_load %arg13[%swap3A_1873, %swap3A_1874, %swap3A_1875] {strides = array<i32>} : memref<4x16x128xi32, #tpu.memory_space<vmem>>, vector<16xi32>,
      tpu.vector_store %arg13[%swap3A_1873, %swap3A_1874, %swap3A_1875], %add3A_1870 {strides = array<i32>} : memref<4x16x128xi32, #tpu.memory_space<vmem>>, vector<16xi32>,
      %add3A_1877 = arith.constant 700000 : i32
      %add3A_1878 = vector.broadcast %add3A_1877 : i32 to vector<16xi32>
      %add3A_1879 = arith.addi %add3A_1814, %add3A_1878 : vector<16xi32>
      %swap3A_1880 = arith.constant 0 : i32
      %swap3A_1881 = arith.constant 7 : i32
      %swap3A_1882 = arith.index_cast %swap3A_1880 : i32 to index
      %swap3A_1883 = arith.index_cast %swap3A_1881 : i32 to index
      %swap3A_1884 = arith.index_cast %mul3A_1775 : i32 to index
      %swap3A_1885 = tpu.vector_load %arg13[%swap3A_1882, %swap3A_1883, %swap3A_1884] {strides = array<i32>} : memref<4x16x128xi32, #tpu.memory_space<vmem>>, vector<16xi32>,
      tpu.vector_store %arg13[%swap3A_1882, %swap3A_1883, %swap3A_1884], %add3A_1879 {strides = array<i32>} : memref<4x16x128xi32, #tpu.memory_space<vmem>>, vector<16xi32>,
      %add3A_1886 = arith.constant 800000 : i32
      %add3A_1887 = vector.broadcast %add3A_1886 : i32 to vector<16xi32>
      %add3A_1888 = arith.addi %add3A_1814, %add3A_1887 : vector<16xi32>
      %swap3A_1889 = arith.constant 0 : i32
      %swap3A_1890 = arith.constant 8 : i32
      %swap3A_1891 = arith.index_cast %swap3A_1889 : i32 to index
      %swap3A_1892 = arith.index_cast %swap3A_1890 : i32 to index
      %swap3A_1893 = arith.index_cast %mul3A_1775 : i32 to index
      %swap3A_1894 = tpu.vector_load %arg13[%swap3A_1891, %swap3A_1892, %swap3A_1893] {strides = array<i32>} : memref<4x16x128xi32, #tpu.memory_space<vmem>>, vector<16xi32>,
      tpu.vector_store %arg13[%swap3A_1891, %swap3A_1892, %swap3A_1893], %add3A_1888 {strides = array<i32>} : memref<4x16x128xi32, #tpu.memory_space<vmem>>, vector<16xi32>,
      %add3A_1895 = arith.constant 900000 : i32
      %add3A_1896 = vector.broadcast %add3A_1895 : i32 to vector<16xi32>
      %add3A_1897 = arith.addi %add3A_1814, %add3A_1896 : vector<16xi32>
      %swap3A_1898 = arith.constant 0 : i32
      %swap3A_1899 = arith.constant 9 : i32
      %swap3A_1900 = arith.index_cast %swap3A_1898 : i32 to index
      %swap3A_1901 = arith.index_cast %swap3A_1899 : i32 to index
      %swap3A_1902 = arith.index_cast %mul3A_1775 : i32 to index
      %swap3A_1903 = tpu.vector_load %arg13[%swap3A_1900, %swap3A_1901, %swap3A_1902] {strides = array<i32>} : memref<4x16x128xi32, #tpu.memory_space<vmem>>, vector<16xi32>,
      tpu.vector_store %arg13[%swap3A_1900, %swap3A_1901, %swap3A_1902], %add3A_1897 {strides = array<i32>} : memref<4x16x128xi32, #tpu.memory_space<vmem>>, vector<16xi32>,
      %add3A_1904 = arith.constant 1000000 : i32
      %add3A_1905 = vector.broadcast %add3A_1904 : i32 to vector<16xi32>
      %add3A_1906 = arith.addi %add3A_1814, %add3A_1905 : vector<16xi32>
      %swap3A_1907 = arith.constant 0 : i32
      %swap3A_1908 = arith.constant 10 : i32
      %swap3A_1909 = arith.index_cast %swap3A_1907 : i32 to index
      %swap3A_1910 = arith.index_cast %swap3A_1908 : i32 to index
      %swap3A_1911 = arith.index_cast %mul3A_1775 : i32 to index
      %swap3A_1912 = tpu.vector_load %arg13[%swap3A_1909, %swap3A_1910, %swap3A_1911] {strides = array<i32>} : memref<4x16x128xi32, #tpu.memory_space<vmem>>, vector<16xi32>,
      tpu.vector_store %arg13[%swap3A_1909, %swap3A_1910, %swap3A_1911], %add3A_1906 {strides = array<i32>} : memref<4x16x128xi32, #tpu.memory_space<vmem>>, vector<16xi32>,
      %add3A_1913 = arith.constant 1100000 : i32
      %add3A_1914 = vector.broadcast %add3A_1913 : i32 to vector<16xi32>
      %add3A_1915 = arith.addi %add3A_1814, %add3A_1914 : vector<16xi32>
      %swap3A_1916 = arith.constant 0 : i32
      %swap3A_1917 = arith.constant 11 : i32
      %swap3A_1918 = arith.index_cast %swap3A_1916 : i32 to index
      %swap3A_1919 = arith.index_cast %swap3A_1917 : i32 to index
      %swap3A_1920 = arith.index_cast %mul3A_1775 : i32 to index
      %swap3A_1921 = tpu.vector_load %arg13[%swap3A_1918, %swap3A_1919, %swap3A_1920] {strides = array<i32>} : memref<4x16x128xi32, #tpu.memory_space<vmem>>, vector<16xi32>,
      tpu.vector_store %arg13[%swap3A_1918, %swap3A_1919, %swap3A_1920], %add3A_1915 {strides = array<i32>} : memref<4x16x128xi32, #tpu.memory_space<vmem>>, vector<16xi32>,
      %add3A_1922 = arith.constant 1200000 : i32
      %add3A_1923 = vector.broadcast %add3A_1922 : i32 to vector<16xi32>
      %add3A_1924 = arith.addi %add3A_1814, %add3A_1923 : vector<16xi32>
      %swap3A_1925 = arith.constant 0 : i32
      %swap3A_1926 = arith.constant 12 : i32
      %swap3A_1927 = arith.index_cast %swap3A_1925 : i32 to index
      %swap3A_1928 = arith.index_cast %swap3A_1926 : i32 to index
      %swap3A_1929 = arith.index_cast %mul3A_1775 : i32 to index
      %swap3A_1930 = tpu.vector_load %arg13[%swap3A_1927, %swap3A_1928, %swap3A_1929] {strides = array<i32>} : memref<4x16x128xi32, #tpu.memory_space<vmem>>, vector<16xi32>,
      tpu.vector_store %arg13[%swap3A_1927, %swap3A_1928, %swap3A_1929], %add3A_1924 {strides = array<i32>} : memref<4x16x128xi32, #tpu.memory_space<vmem>>, vector<16xi32>,
      %add3A_1931 = arith.constant 1300000 : i32
      %add3A_1932 = vector.broadcast %add3A_1931 : i32 to vector<16xi32>
      %add3A_1933 = arith.addi %add3A_1814, %add3A_1932 : vector<16xi32>
      %swap3A_1934 = arith.constant 0 : i32
      %swap3A_1935 = arith.constant 13 : i32
      %swap3A_1936 = arith.index_cast %swap3A_1934 : i32 to index
      %swap3A_1937 = arith.index_cast %swap3A_1935 : i32 to index
      %swap3A_1938 = arith.index_cast %mul3A_1775 : i32 to index
      %swap3A_1939 = tpu.vector_load %arg13[%swap3A_1936, %swap3A_1937, %swap3A_1938] {strides = array<i32>} : memref<4x16x128xi32, #tpu.memory_space<vmem>>, vector<16xi32>,
      tpu.vector_store %arg13[%swap3A_1936, %swap3A_1937, %swap3A_1938], %add3A_1933 {strides = array<i32>} : memref<4x16x128xi32, #tpu.memory_space<vmem>>, vector<16xi32>,
      %add3A_1940 = arith.constant 1400000 : i32
      %add3A_1941 = vector.broadcast %add3A_1940 : i32 to vector<16xi32>
      %add3A_1942 = arith.addi %add3A_1814, %add3A_1941 : vector<16xi32>
      %swap3A_1943 = arith.constant 0 : i32
      %swap3A_1944 = arith.constant 14 : i32
      %swap3A_1945 = arith.index_cast %swap3A_1943 : i32 to index
      %swap3A_1946 = arith.index_cast %swap3A_1944 : i32 to index
      %swap3A_1947 = arith.index_cast %mul3A_1775 : i32 to index
      %swap3A_1948 = tpu.vector_load %arg13[%swap3A_1945, %swap3A_1946, %swap3A_1947] {strides = array<i32>} : memref<4x16x128xi32, #tpu.memory_space<vmem>>, vector<16xi32>,
      tpu.vector_store %arg13[%swap3A_1945, %swap3A_1946, %swap3A_1947], %add3A_1942 {strides = array<i32>} : memref<4x16x128xi32, #tpu.memory_space<vmem>>, vector<16xi32>,
      %add3A_1949 = arith.constant 1500000 : i32
      %add3A_1950 = vector.broadcast %add3A_1949 : i32 to vector<16xi32>
      %add3A_1951 = arith.addi %add3A_1814, %add3A_1950 : vector<16xi32>
      %swap3A_1952 = arith.constant 0 : i32
      %swap3A_1953 = arith.constant 15 : i32
      %swap3A_1954 = arith.index_cast %swap3A_1952 : i32 to index
      %swap3A_1955 = arith.index_cast %swap3A_1953 : i32 to index
      %swap3A_1956 = arith.index_cast %mul3A_1775 : i32 to index
      %swap3A_1957 = tpu.vector_load %arg13[%swap3A_1954, %swap3A_1955, %swap3A_1956] {strides = array<i32>} : memref<4x16x128xi32, #tpu.memory_space<vmem>>, vector<16xi32>,
      tpu.vector_store %arg13[%swap3A_1954, %swap3A_1955, %swap3A_1956], %add3A_1951 {strides = array<i32>} : memref<4x16x128xi32, #tpu.memory_space<vmem>>, vector<16xi32>,
      %scan3A_1958 = arith.constant 0 : i32
      scf.yield %scan3A_1958 : i32
    }
    %scan3A_102 = arith.constant 8 : i32
    %dma_start3A_103 = arith.constant 0 : i32
    %dma_start3A_104 = arith.constant 0 : i32
    %dma_start3A_105 = arith.constant 0 : i32
    %dma_start3A_106 = arith.constant 0 : i32
    %dma_start3A_107 = arith.constant 0 : i32
    %dma_start3A_108 = tpu.memref_slice %arg14[%dma_start3A_105, %dma_start3A_106, %dma_start3A_107] : memref<4x16x128xf32, #tpu.memory_space<vmem>> -> memref<1x1x128xf32, #tpu.memory_space<vmem>>
    %dma_start3A_109 = tpu.memref_squeeze %dma_start3A_108 : memref<1x1x128xf32, #tpu.memory_space<vmem>> -> memref<128xf32, #tpu.memory_space<vmem>>
    %dma_start3A_110 = arith.constant 0 : i32
    %dma_start3A_111 = tpu.memref_slice %arg13[%dma_start3A_103, %dma_start3A_104, %dma_start3A_110] : memref<4x16x128xi32, #tpu.memory_space<vmem>> -> memref<1x1x128xi32, #tpu.memory_space<vmem>>
    %dma_start3A_112 = tpu.memref_squeeze %dma_start3A_111 : memref<1x1x128xi32, #tpu.memory_space<vmem>> -> memref<128xi32, #tpu.memory_space<vmem>>
    %dma_start3A_113 = arith.constant 0 : i32
    %dma_start3A_114 = tpu.memref_slice %arg6[%dma_start3A_113] : memref<25600000xf32, #tpu.memory_space<hbm>> -> memref<25600000xf32, #tpu.memory_space<hbm>>
    tpu.enqueue_indirect_dma source(%dma_start3A_114 : memref<25600000xf32, #tpu.memory_space<hbm>>) target(%dma_start3A_109 : memref<128xf32, #tpu.memory_space<vmem>>) offsets(%dma_start3A_112 : memref<128xi32, #tpu.memory_space<vmem>>) semaphore(%arg17 : memref<!tpu.dma_semaphore, #tpu.memory_space<semaphore_mem>>)
    %dma_start3A_115 = arith.constant 0 : i32
    %dma_start3A_116 = arith.constant 1 : i32
    %dma_start3A_117 = arith.constant 0 : i32
    %dma_start3A_118 = arith.constant 1 : i32
    %dma_start3A_119 = arith.constant 0 : i32
    %dma_start3A_120 = tpu.memref_slice %arg14[%dma_start3A_117, %dma_start3A_118, %dma_start3A_119] : memref<4x16x128xf32, #tpu.memory_space<vmem>> -> memref<1x1x128xf32, #tpu.memory_space<vmem>>
    %dma_start3A_121 = tpu.memref_squeeze %dma_start3A_120 : memref<1x1x128xf32, #tpu.memory_space<vmem>> -> memref<128xf32, #tpu.memory_space<vmem>>
    %dma_start3A_122 = arith.constant 0 : i32
    %dma_start3A_123 = tpu.memref_slice %arg13[%dma_start3A_115, %dma_start3A_116, %dma_start3A_122] : memref<4x16x128xi32, #tpu.memory_space<vmem>> -> memref<1x1x128xi32, #tpu.memory_space<vmem>>
    %dma_start3A_124 = tpu.memref_squeeze %dma_start3A_123 : memref<1x1x128xi32, #tpu.memory_space<vmem>> -> memref<128xi32, #tpu.memory_space<vmem>>
    %dma_start3A_125 = arith.constant 0 : i32
    %dma_start3A_126 = tpu.memref_slice %arg6[%dma_start3A_125] : memref<25600000xf32, #tpu.memory_space<hbm>> -> memref<25600000xf32, #tpu.memory_space<hbm>>
    tpu.enqueue_indirect_dma source(%dma_start3A_126 : memref<25600000xf32, #tpu.memory_space<hbm>>) target(%dma_start3A_121 : memref<128xf32, #tpu.memory_space<vmem>>) offsets(%dma_start3A_124 : memref<128xi32, #tpu.memory_space<vmem>>) semaphore(%arg17 : memref<!tpu.dma_semaphore, #tpu.memory_space<semaphore_mem>>)
    %dma_start3A_127 = arith.constant 0 : i32
    %dma_start3A_128 = arith.constant 2 : i32
    %dma_start3A_129 = arith.constant 0 : i32
    %dma_start3A_130 = arith.constant 2 : i32
    %dma_start3A_131 = arith.constant 0 : i32
    %dma_start3A_132 = tpu.memref_slice %arg14[%dma_start3A_129, %dma_start3A_130, %dma_start3A_131] : memref<4x16x128xf32, #tpu.memory_space<vmem>> -> memref<1x1x128xf32, #tpu.memory_space<vmem>>
    %dma_start3A_133 = tpu.memref_squeeze %dma_start3A_132 : memref<1x1x128xf32, #tpu.memory_space<vmem>> -> memref<128xf32, #tpu.memory_space<vmem>>
    %dma_start3A_134 = arith.constant 0 : i32
    %dma_start3A_135 = tpu.memref_slice %arg13[%dma_start3A_127, %dma_start3A_128, %dma_start3A_134] : memref<4x16x128xi32, #tpu.memory_space<vmem>> -> memref<1x1x128xi32, #tpu.memory_space<vmem>>
    %dma_start3A_136 = tpu.memref_squeeze %dma_start3A_135 : memref<1x1x128xi32, #tpu.memory_space<vmem>> -> memref<128xi32, #tpu.memory_space<vmem>>
    %dma_start3A_137 = arith.constant 0 : i32
    %dma_start3A_138 = tpu.memref_slice %arg6[%dma_start3A_137] : memref<25600000xf32, #tpu.memory_space<hbm>> -> memref<25600000xf32, #tpu.memory_space<hbm>>
    tpu.enqueue_indirect_dma source(%dma_start3A_138 : memref<25600000xf32, #tpu.memory_space<hbm>>) target(%dma_start3A_133 : memref<128xf32, #tpu.memory_space<vmem>>) offsets(%dma_start3A_136 : memref<128xi32, #tpu.memory_space<vmem>>) semaphore(%arg17 : memref<!tpu.dma_semaphore, #tpu.memory_space<semaphore_mem>>)
    %dma_start3A_139 = arith.constant 0 : i32
    %dma_start3A_140 = arith.constant 3 : i32
    %dma_start3A_141 = arith.constant 0 : i32
    %dma_start3A_142 = arith.constant 3 : i32
    %dma_start3A_143 = arith.constant 0 : i32
    %dma_start3A_144 = tpu.memref_slice %arg14[%dma_start3A_141, %dma_start3A_142, %dma_start3A_143] : memref<4x16x128xf32, #tpu.memory_space<vmem>> -> memref<1x1x128xf32, #tpu.memory_space<vmem>>
    %dma_start3A_145 = tpu.memref_squeeze %dma_start3A_144 : memref<1x1x128xf32, #tpu.memory_space<vmem>> -> memref<128xf32, #tpu.memory_space<vmem>>
    %dma_start3A_146 = arith.constant 0 : i32
    %dma_start3A_147 = tpu.memref_slice %arg13[%dma_start3A_139, %dma_start3A_140, %dma_start3A_146] : memref<4x16x128xi32, #tpu.memory_space<vmem>> -> memref<1x1x128xi32, #tpu.memory_space<vmem>>
    %dma_start3A_148 = tpu.memref_squeeze %dma_start3A_147 : memref<1x1x128xi32, #tpu.memory_space<vmem>> -> memref<128xi32, #tpu.memory_space<vmem>>
    %dma_start3A_149 = arith.constant 0 : i32
    %dma_start3A_150 = tpu.memref_slice %arg6[%dma_start3A_149] : memref<25600000xf32, #tpu.memory_space<hbm>> -> memref<25600000xf32, #tpu.memory_space<hbm>>
    tpu.enqueue_indirect_dma source(%dma_start3A_150 : memref<25600000xf32, #tpu.memory_space<hbm>>) target(%dma_start3A_145 : memref<128xf32, #tpu.memory_space<vmem>>) offsets(%dma_start3A_148 : memref<128xi32, #tpu.memory_space<vmem>>) semaphore(%arg17 : memref<!tpu.dma_semaphore, #tpu.memory_space<semaphore_mem>>)
    %dma_start3A_151 = arith.constant 0 : i32
    %dma_start3A_152 = arith.constant 4 : i32
    %dma_start3A_153 = arith.constant 0 : i32
    %dma_start3A_154 = arith.constant 4 : i32
    %dma_start3A_155 = arith.constant 0 : i32
    %dma_start3A_156 = tpu.memref_slice %arg14[%dma_start3A_153, %dma_start3A_154, %dma_start3A_155] : memref<4x16x128xf32, #tpu.memory_space<vmem>> -> memref<1x1x128xf32, #tpu.memory_space<vmem>>
    %dma_start3A_157 = tpu.memref_squeeze %dma_start3A_156 : memref<1x1x128xf32, #tpu.memory_space<vmem>> -> memref<128xf32, #tpu.memory_space<vmem>>
    %dma_start3A_158 = arith.constant 0 : i32
    %dma_start3A_159 = tpu.memref_slice %arg13[%dma_start3A_151, %dma_start3A_152, %dma_start3A_158] : memref<4x16x128xi32, #tpu.memory_space<vmem>> -> memref<1x1x128xi32, #tpu.memory_space<vmem>>
    %dma_start3A_160 = tpu.memref_squeeze %dma_start3A_159 : memref<1x1x128xi32, #tpu.memory_space<vmem>> -> memref<128xi32, #tpu.memory_space<vmem>>
    %dma_start3A_161 = arith.constant 0 : i32
    %dma_start3A_162 = tpu.memref_slice %arg6[%dma_start3A_161] : memref<25600000xf32, #tpu.memory_space<hbm>> -> memref<25600000xf32, #tpu.memory_space<hbm>>
    tpu.enqueue_indirect_dma source(%dma_start3A_162 : memref<25600000xf32, #tpu.memory_space<hbm>>) target(%dma_start3A_157 : memref<128xf32, #tpu.memory_space<vmem>>) offsets(%dma_start3A_160 : memref<128xi32, #tpu.memory_space<vmem>>) semaphore(%arg17 : memref<!tpu.dma_semaphore, #tpu.memory_space<semaphore_mem>>)
    %dma_start3A_163 = arith.constant 0 : i32
    %dma_start3A_164 = arith.constant 5 : i32
    %dma_start3A_165 = arith.constant 0 : i32
    %dma_start3A_166 = arith.constant 5 : i32
    %dma_start3A_167 = arith.constant 0 : i32
    %dma_start3A_168 = tpu.memref_slice %arg14[%dma_start3A_165, %dma_start3A_166, %dma_start3A_167] : memref<4x16x128xf32, #tpu.memory_space<vmem>> -> memref<1x1x128xf32, #tpu.memory_space<vmem>>
    %dma_start3A_169 = tpu.memref_squeeze %dma_start3A_168 : memref<1x1x128xf32, #tpu.memory_space<vmem>> -> memref<128xf32, #tpu.memory_space<vmem>>
    %dma_start3A_170 = arith.constant 0 : i32
    %dma_start3A_171 = tpu.memref_slice %arg13[%dma_start3A_163, %dma_start3A_164, %dma_start3A_170] : memref<4x16x128xi32, #tpu.memory_space<vmem>> -> memref<1x1x128xi32, #tpu.memory_space<vmem>>
    %dma_start3A_172 = tpu.memref_squeeze %dma_start3A_171 : memref<1x1x128xi32, #tpu.memory_space<vmem>> -> memref<128xi32, #tpu.memory_space<vmem>>
    %dma_start3A_173 = arith.constant 0 : i32
    %dma_start3A_174 = tpu.memref_slice %arg6[%dma_start3A_173] : memref<25600000xf32, #tpu.memory_space<hbm>> -> memref<25600000xf32, #tpu.memory_space<hbm>>
    tpu.enqueue_indirect_dma source(%dma_start3A_174 : memref<25600000xf32, #tpu.memory_space<hbm>>) target(%dma_start3A_169 : memref<128xf32, #tpu.memory_space<vmem>>) offsets(%dma_start3A_172 : memref<128xi32, #tpu.memory_space<vmem>>) semaphore(%arg17 : memref<!tpu.dma_semaphore, #tpu.memory_space<semaphore_mem>>)
    %dma_start3A_175 = arith.constant 0 : i32
    %dma_start3A_176 = arith.constant 6 : i32
    %dma_start3A_177 = arith.constant 0 : i32
    %dma_start3A_178 = arith.constant 6 : i32
    %dma_start3A_179 = arith.constant 0 : i32
    %dma_start3A_180 = tpu.memref_slice %arg14[%dma_start3A_177, %dma_start3A_178, %dma_start3A_179] : memref<4x16x128xf32, #tpu.memory_space<vmem>> -> memref<1x1x128xf32, #tpu.memory_space<vmem>>
    %dma_start3A_181 = tpu.memref_squeeze %dma_start3A_180 : memref<1x1x128xf32, #tpu.memory_space<vmem>> -> memref<128xf32, #tpu.memory_space<vmem>>
    %dma_start3A_182 = arith.constant 0 : i32
    %dma_start3A_183 = tpu.memref_slice %arg13[%dma_start3A_175, %dma_start3A_176, %dma_start3A_182] : memref<4x16x128xi32, #tpu.memory_space<vmem>> -> memref<1x1x128xi32, #tpu.memory_space<vmem>>
    %dma_start3A_184 = tpu.memref_squeeze %dma_start3A_183 : memref<1x1x128xi32, #tpu.memory_space<vmem>> -> memref<128xi32, #tpu.memory_space<vmem>>
    %dma_start3A_185 = arith.constant 0 : i32
    %dma_start3A_186 = tpu.memref_slice %arg6[%dma_start3A_185] : memref<25600000xf32, #tpu.memory_space<hbm>> -> memref<25600000xf32, #tpu.memory_space<hbm>>
    tpu.enqueue_indirect_dma source(%dma_start3A_186 : memref<25600000xf32, #tpu.memory_space<hbm>>) target(%dma_start3A_181 : memref<128xf32, #tpu.memory_space<vmem>>) offsets(%dma_start3A_184 : memref<128xi32, #tpu.memory_space<vmem>>) semaphore(%arg17 : memref<!tpu.dma_semaphore, #tpu.memory_space<semaphore_mem>>)
    %dma_start3A_187 = arith.constant 0 : i32
    %dma_start3A_188 = arith.constant 7 : i32
    %dma_start3A_189 = arith.constant 0 : i32
    %dma_start3A_190 = arith.constant 7 : i32
    %dma_start3A_191 = arith.constant 0 : i32
    %dma_start3A_192 = tpu.memref_slice %arg14[%dma_start3A_189, %dma_start3A_190, %dma_start3A_191] : memref<4x16x128xf32, #tpu.memory_space<vmem>> -> memref<1x1x128xf32, #tpu.memory_space<vmem>>
    %dma_start3A_193 = tpu.memref_squeeze %dma_start3A_192 : memref<1x1x128xf32, #tpu.memory_space<vmem>> -> memref<128xf32, #tpu.memory_space<vmem>>
    %dma_start3A_194 = arith.constant 0 : i32
    %dma_start3A_195 = tpu.memref_slice %arg13[%dma_start3A_187, %dma_start3A_188, %dma_start3A_194] : memref<4x16x128xi32, #tpu.memory_space<vmem>> -> memref<1x1x128xi32, #tpu.memory_space<vmem>>
    %dma_start3A_196 = tpu.memref_squeeze %dma_start3A_195 : memref<1x1x128xi32, #tpu.memory_space<vmem>> -> memref<128xi32, #tpu.memory_space<vmem>>
    %dma_start3A_197 = arith.constant 0 : i32
    %dma_start3A_198 = tpu.memref_slice %arg6[%dma_start3A_197] : memref<25600000xf32, #tpu.memory_space<hbm>> -> memref<25600000xf32, #tpu.memory_space<hbm>>
    tpu.enqueue_indirect_dma source(%dma_start3A_198 : memref<25600000xf32, #tpu.memory_space<hbm>>) target(%dma_start3A_193 : memref<128xf32, #tpu.memory_space<vmem>>) offsets(%dma_start3A_196 : memref<128xi32, #tpu.memory_space<vmem>>) semaphore(%arg17 : memref<!tpu.dma_semaphore, #tpu.memory_space<semaphore_mem>>)
    %dma_start3A_199 = arith.constant 0 : i32
    %dma_start3A_200 = arith.constant 8 : i32
    %dma_start3A_201 = arith.constant 0 : i32
    %dma_start3A_202 = arith.constant 8 : i32
    %dma_start3A_203 = arith.constant 0 : i32
    %dma_start3A_204 = tpu.memref_slice %arg14[%dma_start3A_201, %dma_start3A_202, %dma_start3A_203] : memref<4x16x128xf32, #tpu.memory_space<vmem>> -> memref<1x1x128xf32, #tpu.memory_space<vmem>>
    %dma_start3A_205 = tpu.memref_squeeze %dma_start3A_204 : memref<1x1x128xf32, #tpu.memory_space<vmem>> -> memref<128xf32, #tpu.memory_space<vmem>>
    %dma_start3A_206 = arith.constant 0 : i32
    %dma_start3A_207 = tpu.memref_slice %arg13[%dma_start3A_199, %dma_start3A_200, %dma_start3A_206] : memref<4x16x128xi32, #tpu.memory_space<vmem>> -> memref<1x1x128xi32, #tpu.memory_space<vmem>>
    %dma_start3A_208 = tpu.memref_squeeze %dma_start3A_207 : memref<1x1x128xi32, #tpu.memory_space<vmem>> -> memref<128xi32, #tpu.memory_space<vmem>>
    %dma_start3A_209 = arith.constant 0 : i32
    %dma_start3A_210 = tpu.memref_slice %arg6[%dma_start3A_209] : memref<25600000xf32, #tpu.memory_space<hbm>> -> memref<25600000xf32, #tpu.memory_space<hbm>>
    tpu.enqueue_indirect_dma source(%dma_start3A_210 : memref<25600000xf32, #tpu.memory_space<hbm>>) target(%dma_start3A_205 : memref<128xf32, #tpu.memory_space<vmem>>) offsets(%dma_start3A_208 : memref<128xi32, #tpu.memory_space<vmem>>) semaphore(%arg17 : memref<!tpu.dma_semaphore, #tpu.memory_space<semaphore_mem>>)
    %dma_start3A_211 = arith.constant 0 : i32
    %dma_start3A_212 = arith.constant 9 : i32
    %dma_start3A_213 = arith.constant 0 : i32
    %dma_start3A_214 = arith.constant 9 : i32
    %dma_start3A_215 = arith.constant 0 : i32
    %dma_start3A_216 = tpu.memref_slice %arg14[%dma_start3A_213, %dma_start3A_214, %dma_start3A_215] : memref<4x16x128xf32, #tpu.memory_space<vmem>> -> memref<1x1x128xf32, #tpu.memory_space<vmem>>
    %dma_start3A_217 = tpu.memref_squeeze %dma_start3A_216 : memref<1x1x128xf32, #tpu.memory_space<vmem>> -> memref<128xf32, #tpu.memory_space<vmem>>
    %dma_start3A_218 = arith.constant 0 : i32
    %dma_start3A_219 = tpu.memref_slice %arg13[%dma_start3A_211, %dma_start3A_212, %dma_start3A_218] : memref<4x16x128xi32, #tpu.memory_space<vmem>> -> memref<1x1x128xi32, #tpu.memory_space<vmem>>
    %dma_start3A_220 = tpu.memref_squeeze %dma_start3A_219 : memref<1x1x128xi32, #tpu.memory_space<vmem>> -> memref<128xi32, #tpu.memory_space<vmem>>
    %dma_start3A_221 = arith.constant 0 : i32
    %dma_start3A_222 = tpu.memref_slice %arg6[%dma_start3A_221] : memref<25600000xf32, #tpu.memory_space<hbm>> -> memref<25600000xf32, #tpu.memory_space<hbm>>
    tpu.enqueue_indirect_dma source(%dma_start3A_222 : memref<25600000xf32, #tpu.memory_space<hbm>>) target(%dma_start3A_217 : memref<128xf32, #tpu.memory_space<vmem>>) offsets(%dma_start3A_220 : memref<128xi32, #tpu.memory_space<vmem>>) semaphore(%arg17 : memref<!tpu.dma_semaphore, #tpu.memory_space<semaphore_mem>>)
    %dma_start3A_223 = arith.constant 0 : i32
    %dma_start3A_224 = arith.constant 10 : i32
    %dma_start3A_225 = arith.constant 0 : i32
    %dma_start3A_226 = arith.constant 10 : i32
    %dma_start3A_227 = arith.constant 0 : i32
    %dma_start3A_228 = tpu.memref_slice %arg14[%dma_start3A_225, %dma_start3A_226, %dma_start3A_227] : memref<4x16x128xf32, #tpu.memory_space<vmem>> -> memref<1x1x128xf32, #tpu.memory_space<vmem>>
    %dma_start3A_229 = tpu.memref_squeeze %dma_start3A_228 : memref<1x1x128xf32, #tpu.memory_space<vmem>> -> memref<128xf32, #tpu.memory_space<vmem>>
    %dma_start3A_230 = arith.constant 0 : i32
    %dma_start3A_231 = tpu.memref_slice %arg13[%dma_start3A_223, %dma_start3A_224, %dma_start3A_230] : memref<4x16x128xi32, #tpu.memory_space<vmem>> -> memref<1x1x128xi32, #tpu.memory_space<vmem>>
    %dma_start3A_232 = tpu.memref_squeeze %dma_start3A_231 : memref<1x1x128xi32, #tpu.memory_space<vmem>> -> memref<128xi32, #tpu.memory_space<vmem>>
    %dma_start3A_233 = arith.constant 0 : i32
    %dma_start3A_234 = tpu.memref_slice %arg6[%dma_start3A_233] : memref<25600000xf32, #tpu.memory_space<hbm>> -> memref<25600000xf32, #tpu.memory_space<hbm>>
    tpu.enqueue_indirect_dma source(%dma_start3A_234 : memref<25600000xf32, #tpu.memory_space<hbm>>) target(%dma_start3A_229 : memref<128xf32, #tpu.memory_space<vmem>>) offsets(%dma_start3A_232 : memref<128xi32, #tpu.memory_space<vmem>>) semaphore(%arg17 : memref<!tpu.dma_semaphore, #tpu.memory_space<semaphore_mem>>)
    %dma_start3A_235 = arith.constant 0 : i32
    %dma_start3A_236 = arith.constant 11 : i32
    %dma_start3A_237 = arith.constant 0 : i32
    %dma_start3A_238 = arith.constant 11 : i32
    %dma_start3A_239 = arith.constant 0 : i32
    %dma_start3A_240 = tpu.memref_slice %arg14[%dma_start3A_237, %dma_start3A_238, %dma_start3A_239] : memref<4x16x128xf32, #tpu.memory_space<vmem>> -> memref<1x1x128xf32, #tpu.memory_space<vmem>>
    %dma_start3A_241 = tpu.memref_squeeze %dma_start3A_240 : memref<1x1x128xf32, #tpu.memory_space<vmem>> -> memref<128xf32, #tpu.memory_space<vmem>>
    %dma_start3A_242 = arith.constant 0 : i32
    %dma_start3A_243 = tpu.memref_slice %arg13[%dma_start3A_235, %dma_start3A_236, %dma_start3A_242] : memref<4x16x128xi32, #tpu.memory_space<vmem>> -> memref<1x1x128xi32, #tpu.memory_space<vmem>>
    %dma_start3A_244 = tpu.memref_squeeze %dma_start3A_243 : memref<1x1x128xi32, #tpu.memory_space<vmem>> -> memref<128xi32, #tpu.memory_space<vmem>>
    %dma_start3A_245 = arith.constant 0 : i32
    %dma_start3A_246 = tpu.memref_slice %arg6[%dma_start3A_245] : memref<25600000xf32, #tpu.memory_space<hbm>> -> memref<25600000xf32, #tpu.memory_space<hbm>>
    tpu.enqueue_indirect_dma source(%dma_start3A_246 : memref<25600000xf32, #tpu.memory_space<hbm>>) target(%dma_start3A_241 : memref<128xf32, #tpu.memory_space<vmem>>) offsets(%dma_start3A_244 : memref<128xi32, #tpu.memory_space<vmem>>) semaphore(%arg17 : memref<!tpu.dma_semaphore, #tpu.memory_space<semaphore_mem>>)
    %dma_start3A_247 = arith.constant 0 : i32
    %dma_start3A_248 = arith.constant 12 : i32
    %dma_start3A_249 = arith.constant 0 : i32
    %dma_start3A_250 = arith.constant 12 : i32
    %dma_start3A_251 = arith.constant 0 : i32
    %dma_start3A_252 = tpu.memref_slice %arg14[%dma_start3A_249, %dma_start3A_250, %dma_start3A_251] : memref<4x16x128xf32, #tpu.memory_space<vmem>> -> memref<1x1x128xf32, #tpu.memory_space<vmem>>
    %dma_start3A_253 = tpu.memref_squeeze %dma_start3A_252 : memref<1x1x128xf32, #tpu.memory_space<vmem>> -> memref<128xf32, #tpu.memory_space<vmem>>
    %dma_start3A_254 = arith.constant 0 : i32
    %dma_start3A_255 = tpu.memref_slice %arg13[%dma_start3A_247, %dma_start3A_248, %dma_start3A_254] : memref<4x16x128xi32, #tpu.memory_space<vmem>> -> memref<1x1x128xi32, #tpu.memory_space<vmem>>
    %dma_start3A_256 = tpu.memref_squeeze %dma_start3A_255 : memref<1x1x128xi32, #tpu.memory_space<vmem>> -> memref<128xi32, #tpu.memory_space<vmem>>
    %dma_start3A_257 = arith.constant 0 : i32
    %dma_start3A_258 = tpu.memref_slice %arg6[%dma_start3A_257] : memref<25600000xf32, #tpu.memory_space<hbm>> -> memref<25600000xf32, #tpu.memory_space<hbm>>
    tpu.enqueue_indirect_dma source(%dma_start3A_258 : memref<25600000xf32, #tpu.memory_space<hbm>>) target(%dma_start3A_253 : memref<128xf32, #tpu.memory_space<vmem>>) offsets(%dma_start3A_256 : memref<128xi32, #tpu.memory_space<vmem>>) semaphore(%arg17 : memref<!tpu.dma_semaphore, #tpu.memory_space<semaphore_mem>>)
    %dma_start3A_259 = arith.constant 0 : i32
    %dma_start3A_260 = arith.constant 13 : i32
    %dma_start3A_261 = arith.constant 0 : i32
    %dma_start3A_262 = arith.constant 13 : i32
    %dma_start3A_263 = arith.constant 0 : i32
    %dma_start3A_264 = tpu.memref_slice %arg14[%dma_start3A_261, %dma_start3A_262, %dma_start3A_263] : memref<4x16x128xf32, #tpu.memory_space<vmem>> -> memref<1x1x128xf32, #tpu.memory_space<vmem>>
    %dma_start3A_265 = tpu.memref_squeeze %dma_start3A_264 : memref<1x1x128xf32, #tpu.memory_space<vmem>> -> memref<128xf32, #tpu.memory_space<vmem>>
    %dma_start3A_266 = arith.constant 0 : i32
    %dma_start3A_267 = tpu.memref_slice %arg13[%dma_start3A_259, %dma_start3A_260, %dma_start3A_266] : memref<4x16x128xi32, #tpu.memory_space<vmem>> -> memref<1x1x128xi32, #tpu.memory_space<vmem>>
    %dma_start3A_268 = tpu.memref_squeeze %dma_start3A_267 : memref<1x1x128xi32, #tpu.memory_space<vmem>> -> memref<128xi32, #tpu.memory_space<vmem>>
    %dma_start3A_269 = arith.constant 0 : i32
    %dma_start3A_270 = tpu.memref_slice %arg6[%dma_start3A_269] : memref<25600000xf32, #tpu.memory_space<hbm>> -> memref<25600000xf32, #tpu.memory_space<hbm>>
    tpu.enqueue_indirect_dma source(%dma_start3A_270 : memref<25600000xf32, #tpu.memory_space<hbm>>) target(%dma_start3A_265 : memref<128xf32, #tpu.memory_space<vmem>>) offsets(%dma_start3A_268 : memref<128xi32, #tpu.memory_space<vmem>>) semaphore(%arg17 : memref<!tpu.dma_semaphore, #tpu.memory_space<semaphore_mem>>)
    %dma_start3A_271 = arith.constant 0 : i32
    %dma_start3A_272 = arith.constant 14 : i32
    %dma_start3A_273 = arith.constant 0 : i32
    %dma_start3A_274 = arith.constant 14 : i32
    %dma_start3A_275 = arith.constant 0 : i32
    %dma_start3A_276 = tpu.memref_slice %arg14[%dma_start3A_273, %dma_start3A_274, %dma_start3A_275] : memref<4x16x128xf32, #tpu.memory_space<vmem>> -> memref<1x1x128xf32, #tpu.memory_space<vmem>>
    %dma_start3A_277 = tpu.memref_squeeze %dma_start3A_276 : memref<1x1x128xf32, #tpu.memory_space<vmem>> -> memref<128xf32, #tpu.memory_space<vmem>>
    %dma_start3A_278 = arith.constant 0 : i32
    %dma_start3A_279 = tpu.memref_slice %arg13[%dma_start3A_271, %dma_start3A_272, %dma_start3A_278] : memref<4x16x128xi32, #tpu.memory_space<vmem>> -> memref<1x1x128xi32, #tpu.memory_space<vmem>>
    %dma_start3A_280 = tpu.memref_squeeze %dma_start3A_279 : memref<1x1x128xi32, #tpu.memory_space<vmem>> -> memref<128xi32, #tpu.memory_space<vmem>>
    %dma_start3A_281 = arith.constant 0 : i32
    %dma_start3A_282 = tpu.memref_slice %arg6[%dma_start3A_281] : memref<25600000xf32, #tpu.memory_space<hbm>> -> memref<25600000xf32, #tpu.memory_space<hbm>>
    tpu.enqueue_indirect_dma source(%dma_start3A_282 : memref<25600000xf32, #tpu.memory_space<hbm>>) target(%dma_start3A_277 : memref<128xf32, #tpu.memory_space<vmem>>) offsets(%dma_start3A_280 : memref<128xi32, #tpu.memory_space<vmem>>) semaphore(%arg17 : memref<!tpu.dma_semaphore, #tpu.memory_space<semaphore_mem>>)
    %dma_start3A_283 = arith.constant 0 : i32
    %dma_start3A_284 = arith.constant 15 : i32
    %dma_start3A_285 = arith.constant 0 : i32
    %dma_start3A_286 = arith.constant 15 : i32
    %dma_start3A_287 = arith.constant 0 : i32
    %dma_start3A_288 = tpu.memref_slice %arg14[%dma_start3A_285, %dma_start3A_286, %dma_start3A_287] : memref<4x16x128xf32, #tpu.memory_space<vmem>> -> memref<1x1x128xf32, #tpu.memory_space<vmem>>
    %dma_start3A_289 = tpu.memref_squeeze %dma_start3A_288 : memref<1x1x128xf32, #tpu.memory_space<vmem>> -> memref<128xf32, #tpu.memory_space<vmem>>
    %dma_start3A_290 = arith.constant 0 : i32
    %dma_start3A_291 = tpu.memref_slice %arg13[%dma_start3A_283, %dma_start3A_284, %dma_start3A_290] : memref<4x16x128xi32, #tpu.memory_space<vmem>> -> memref<1x1x128xi32, #tpu.memory_space<vmem>>
    %dma_start3A_292 = tpu.memref_squeeze %dma_start3A_291 : memref<1x1x128xi32, #tpu.memory_space<vmem>> -> memref<128xi32, #tpu.memory_space<vmem>>
    %dma_start3A_293 = arith.constant 0 : i32
    %dma_start3A_294 = tpu.memref_slice %arg6[%dma_start3A_293] : memref<25600000xf32, #tpu.memory_space<hbm>> -> memref<25600000xf32, #tpu.memory_space<hbm>>
    tpu.enqueue_indirect_dma source(%dma_start3A_294 : memref<25600000xf32, #tpu.memory_space<hbm>>) target(%dma_start3A_289 : memref<128xf32, #tpu.memory_space<vmem>>) offsets(%dma_start3A_292 : memref<128xi32, #tpu.memory_space<vmem>>) semaphore(%arg17 : memref<!tpu.dma_semaphore, #tpu.memory_space<semaphore_mem>>)
    %dma_start3A_295 = arith.constant 0 : i32
    %dma_start3A_296 = arith.constant 0 : i32
    %dma_start3A_297 = arith.constant 0 : i32
    %dma_start3A_298 = tpu.memref_slice %arg15[%dma_start3A_296, %dma_start3A_297] : memref<4x128xf32, #tpu.memory_space<vmem>> -> memref<1x128xf32, #tpu.memory_space<vmem>>
    %dma_start3A_299 = tpu.memref_squeeze %dma_start3A_298 : memref<1x128xf32, #tpu.memory_space<vmem>> -> memref<128xf32, #tpu.memory_space<vmem>>
    %dma_start3A_300 = arith.constant 0 : i32
    %dma_start3A_301 = tpu.memref_slice %arg9[%dma_start3A_295, %dma_start3A_300] : memref<4x128xi32, #tpu.memory_space<vmem>> -> memref<1x128xi32, #tpu.memory_space<vmem>>
    %dma_start3A_302 = tpu.memref_squeeze %dma_start3A_301 : memref<1x128xi32, #tpu.memory_space<vmem>> -> memref<128xi32, #tpu.memory_space<vmem>>
    %dma_start3A_303 = arith.constant 0 : i32
    %dma_start3A_304 = tpu.memref_slice %arg7[%dma_start3A_303] : memref<100000xf32, #tpu.memory_space<hbm>> -> memref<100000xf32, #tpu.memory_space<hbm>>
    tpu.enqueue_indirect_dma source(%dma_start3A_304 : memref<100000xf32, #tpu.memory_space<hbm>>) target(%dma_start3A_299 : memref<128xf32, #tpu.memory_space<vmem>>) offsets(%dma_start3A_302 : memref<128xi32, #tpu.memory_space<vmem>>) semaphore(%arg18 : memref<!tpu.dma_semaphore, #tpu.memory_space<semaphore_mem>>)
    %scan3A_305 = arith.constant 0 : i32
    %scan3A_306 = arith.constant 0 : i32
    %scan3A_307 = arith.constant 8 : i32
    %scan3A_308 = arith.addi %scan3A_306, %scan3A_307 : i32
    %scan3A_309 = arith.constant 1 : i32
    %scan3A_310 = scf.for %scan3A_1772 = %scan3A_306 to %scan3A_308 step %scan3A_309 iter_args(%scan3A_1773 = %scan3A_305) -> (i32)  : i32 {
      %mul3A_1774 = arith.constant 16 : i32
      %mul3A_1775 = arith.muli %scan3A_1772, %mul3A_1774 : i32
      %get3A = arith.constant 1 : i32
      %get3A_1776 = arith.index_cast %get3A : i32 to index
      %get3A_1777 = arith.index_cast %mul3A_1775 : i32 to index
      %get3A_1778 = tpu.vector_load %arg9[%get3A_1776, %get3A_1777] {strides = array<i32>} : memref<4x128xi32, #tpu.memory_space<vmem>>, vector<16xi32>,
      %add3A_1779 = arith.constant 128 : i32
      %add3A_1780 = arith.addi %add3A_1779, %mul3A_1775 : i32
      %get3A_1781 = arith.index_cast %add3A_1780 : i32 to index
      %get3A_1782 = tpu.vector_load %arg10[%get3A_1781] {strides = array<i32>} : memref<512xi32, #tpu.memory_space<vmem>>, vector<16xi32>,
      %add3A_1783 = arith.constant 128 : i32
      %add3A_1784 = arith.addi %add3A_1783, %mul3A_1775 : i32
      %get3A_1785 = arith.constant 0 : i32
      %get3A_1786 = arith.index_cast %get3A_1785 : i32 to index
      %get3A_1787 = arith.index_cast %add3A_1784 : i32 to index
      %get3A_1788 = tpu.vector_load %arg11[%get3A_1786, %get3A_1787] {strides = array<i32>} : memref<2x512xi32, #tpu.memory_space<vmem>>, vector<16xi32>,
      %add3A_1789 = arith.constant 128 : i32
      %add3A_1790 = arith.addi %add3A_1789, %mul3A_1775 : i32
      %get3A_1791 = arith.constant 1 : i32
      %get3A_1792 = arith.index_cast %get3A_1791 : i32 to index
      %get3A_1793 = arith.index_cast %add3A_1790 : i32 to index
      %get3A_1794 = tpu.vector_load %arg11[%get3A_1792, %get3A_1793] {strides = array<i32>} : memref<2x512xi32, #tpu.memory_space<vmem>>, vector<16xi32>,
      %ge3A = arith.constant 2 : i32
      %ge3A_1795 = vector.broadcast %ge3A : i32 to vector<16xi32>
      %ge3A_1796 = arith.cmpi sge, %get3A_1788, %ge3A_1795 : vector<16xi32>
      %jit3A = arith.constant 1 : i32
      %broadcast_in_dim3A = vector.broadcast %jit3A : i32 to vector<16xi32>
      %select_n3A = arith.select %ge3A_1796, %broadcast_in_dim3A, %get3A_1788 : vector<16xi1>, vector<16xi32>
      %ge3A_1797 = arith.constant 4 : i32
      %ge3A_1798 = vector.broadcast %ge3A_1797 : i32 to vector<16xi32>
      %ge3A_1799 = arith.cmpi sge, %get3A_1794, %ge3A_1798 : vector<16xi32>
      %jit3A_1800 = arith.constant 3 : i32
      %broadcast_in_dim3A_1801 = vector.broadcast %jit3A_1800 : i32 to vector<16xi32>
      %select_n3A_1802 = arith.select %ge3A_1799, %broadcast_in_dim3A_1801, %get3A_1794 : vector<16xi1>, vector<16xi32>
      %mul3A_1803 = arith.constant 2 : i32
      %mul3A_1804 = vector.broadcast %mul3A_1803 : i32 to vector<16xi32>
      %mul3A_1805 = arith.muli %get3A_1782, %mul3A_1804 : vector<16xi32>
      %add3A_1806 = arith.addi %mul3A_1805, %select_n3A : vector<16xi32>
      %mul3A_1807 = arith.constant 4 : i32
      %mul3A_1808 = vector.broadcast %mul3A_1807 : i32 to vector<16xi32>
      %mul3A_1809 = arith.muli %add3A_1806, %mul3A_1808 : vector<16xi32>
      %add3A_1810 = arith.addi %mul3A_1809, %select_n3A_1802 : vector<16xi32>
      %mul3A_1811 = arith.constant 1600000 : i32
      %mul3A_1812 = vector.broadcast %mul3A_1811 : i32 to vector<16xi32>
      %mul3A_1813 = arith.muli %add3A_1810, %mul3A_1812 : vector<16xi32>
      %add3A_1814 = arith.addi %mul3A_1813, %get3A_1778 : vector<16xi32>
      %add3A_1815 = arith.constant 0 : i32
      %add3A_1816 = vector.broadcast %add3A_1815 : i32 to vector<16xi32>
      %add3A_1817 = arith.addi %add3A_1814, %add3A_1816 : vector<16xi32>
      %swap3A = arith.constant 1 : i32
      %swap3A_1818 = arith.constant 0 : i32
      %swap3A_1819 = arith.index_cast %swap3A : i32 to index
      %swap3A_1820 = arith.index_cast %swap3A_1818 : i32 to index
      %swap3A_1821 = arith.index_cast %mul3A_1775 : i32 to index
      %swap3A_1822 = tpu.vector_load %arg13[%swap3A_1819, %swap3A_1820, %swap3A_1821] {strides = array<i32>} : memref<4x16x128xi32, #tpu.memory_space<vmem>>, vector<16xi32>,
      tpu.vector_store %arg13[%swap3A_1819, %swap3A_1820, %swap3A_1821], %add3A_1817 {strides = array<i32>} : memref<4x16x128xi32, #tpu.memory_space<vmem>>, vector<16xi32>,
      %add3A_1823 = arith.constant 100000 : i32
      %add3A_1824 = vector.broadcast %add3A_1823 : i32 to vector<16xi32>
      %add3A_1825 = arith.addi %add3A_1814, %add3A_1824 : vector<16xi32>
      %swap3A_1826 = arith.constant 1 : i32
      %swap3A_1827 = arith.constant 1 : i32
      %swap3A_1828 = arith.index_cast %swap3A_1826 : i32 to index
      %swap3A_1829 = arith.index_cast %swap3A_1827 : i32 to index
      %swap3A_1830 = arith.index_cast %mul3A_1775 : i32 to index
      %swap3A_1831 = tpu.vector_load %arg13[%swap3A_1828, %swap3A_1829, %swap3A_1830] {strides = array<i32>} : memref<4x16x128xi32, #tpu.memory_space<vmem>>, vector<16xi32>,
      tpu.vector_store %arg13[%swap3A_1828, %swap3A_1829, %swap3A_1830], %add3A_1825 {strides = array<i32>} : memref<4x16x128xi32, #tpu.memory_space<vmem>>, vector<16xi32>,
      %add3A_1832 = arith.constant 200000 : i32
      %add3A_1833 = vector.broadcast %add3A_1832 : i32 to vector<16xi32>
      %add3A_1834 = arith.addi %add3A_1814, %add3A_1833 : vector<16xi32>
      %swap3A_1835 = arith.constant 1 : i32
      %swap3A_1836 = arith.constant 2 : i32
      %swap3A_1837 = arith.index_cast %swap3A_1835 : i32 to index
      %swap3A_1838 = arith.index_cast %swap3A_1836 : i32 to index
      %swap3A_1839 = arith.index_cast %mul3A_1775 : i32 to index
      %swap3A_1840 = tpu.vector_load %arg13[%swap3A_1837, %swap3A_1838, %swap3A_1839] {strides = array<i32>} : memref<4x16x128xi32, #tpu.memory_space<vmem>>, vector<16xi32>,
      tpu.vector_store %arg13[%swap3A_1837, %swap3A_1838, %swap3A_1839], %add3A_1834 {strides = array<i32>} : memref<4x16x128xi32, #tpu.memory_space<vmem>>, vector<16xi32>,
      %add3A_1841 = arith.constant 300000 : i32
      %add3A_1842 = vector.broadcast %add3A_1841 : i32 to vector<16xi32>
      %add3A_1843 = arith.addi %add3A_1814, %add3A_1842 : vector<16xi32>
      %swap3A_1844 = arith.constant 1 : i32
      %swap3A_1845 = arith.constant 3 : i32
      %swap3A_1846 = arith.index_cast %swap3A_1844 : i32 to index
      %swap3A_1847 = arith.index_cast %swap3A_1845 : i32 to index
      %swap3A_1848 = arith.index_cast %mul3A_1775 : i32 to index
      %swap3A_1849 = tpu.vector_load %arg13[%swap3A_1846, %swap3A_1847, %swap3A_1848] {strides = array<i32>} : memref<4x16x128xi32, #tpu.memory_space<vmem>>, vector<16xi32>,
      tpu.vector_store %arg13[%swap3A_1846, %swap3A_1847, %swap3A_1848], %add3A_1843 {strides = array<i32>} : memref<4x16x128xi32, #tpu.memory_space<vmem>>, vector<16xi32>,
      %add3A_1850 = arith.constant 400000 : i32
      %add3A_1851 = vector.broadcast %add3A_1850 : i32 to vector<16xi32>
      %add3A_1852 = arith.addi %add3A_1814, %add3A_1851 : vector<16xi32>
      %swap3A_1853 = arith.constant 1 : i32
      %swap3A_1854 = arith.constant 4 : i32
      %swap3A_1855 = arith.index_cast %swap3A_1853 : i32 to index
      %swap3A_1856 = arith.index_cast %swap3A_1854 : i32 to index
      %swap3A_1857 = arith.index_cast %mul3A_1775 : i32 to index
      %swap3A_1858 = tpu.vector_load %arg13[%swap3A_1855, %swap3A_1856, %swap3A_1857] {strides = array<i32>} : memref<4x16x128xi32, #tpu.memory_space<vmem>>, vector<16xi32>,
      tpu.vector_store %arg13[%swap3A_1855, %swap3A_1856, %swap3A_1857], %add3A_1852 {strides = array<i32>} : memref<4x16x128xi32, #tpu.memory_space<vmem>>, vector<16xi32>,
      %add3A_1859 = arith.constant 500000 : i32
      %add3A_1860 = vector.broadcast %add3A_1859 : i32 to vector<16xi32>
      %add3A_1861 = arith.addi %add3A_1814, %add3A_1860 : vector<16xi32>
      %swap3A_1862 = arith.constant 1 : i32
      %swap3A_1863 = arith.constant 5 : i32
      %swap3A_1864 = arith.index_cast %swap3A_1862 : i32 to index
      %swap3A_1865 = arith.index_cast %swap3A_1863 : i32 to index
      %swap3A_1866 = arith.index_cast %mul3A_1775 : i32 to index
      %swap3A_1867 = tpu.vector_load %arg13[%swap3A_1864, %swap3A_1865, %swap3A_1866] {strides = array<i32>} : memref<4x16x128xi32, #tpu.memory_space<vmem>>, vector<16xi32>,
      tpu.vector_store %arg13[%swap3A_1864, %swap3A_1865, %swap3A_1866], %add3A_1861 {strides = array<i32>} : memref<4x16x128xi32, #tpu.memory_space<vmem>>, vector<16xi32>,
      %add3A_1868 = arith.constant 600000 : i32
      %add3A_1869 = vector.broadcast %add3A_1868 : i32 to vector<16xi32>
      %add3A_1870 = arith.addi %add3A_1814, %add3A_1869 : vector<16xi32>
      %swap3A_1871 = arith.constant 1 : i32
      %swap3A_1872 = arith.constant 6 : i32
      %swap3A_1873 = arith.index_cast %swap3A_1871 : i32 to index
      %swap3A_1874 = arith.index_cast %swap3A_1872 : i32 to index
      %swap3A_1875 = arith.index_cast %mul3A_1775 : i32 to index
      %swap3A_1876 = tpu.vector_load %arg13[%swap3A_1873, %swap3A_1874, %swap3A_1875] {strides = array<i32>} : memref<4x16x128xi32, #tpu.memory_space<vmem>>, vector<16xi32>,
      tpu.vector_store %arg13[%swap3A_1873, %swap3A_1874, %swap3A_1875], %add3A_1870 {strides = array<i32>} : memref<4x16x128xi32, #tpu.memory_space<vmem>>, vector<16xi32>,
      %add3A_1877 = arith.constant 700000 : i32
      %add3A_1878 = vector.broadcast %add3A_1877 : i32 to vector<16xi32>
      %add3A_1879 = arith.addi %add3A_1814, %add3A_1878 : vector<16xi32>
      %swap3A_1880 = arith.constant 1 : i32
      %swap3A_1881 = arith.constant 7 : i32
      %swap3A_1882 = arith.index_cast %swap3A_1880 : i32 to index
      %swap3A_1883 = arith.index_cast %swap3A_1881 : i32 to index
      %swap3A_1884 = arith.index_cast %mul3A_1775 : i32 to index
      %swap3A_1885 = tpu.vector_load %arg13[%swap3A_1882, %swap3A_1883, %swap3A_1884] {strides = array<i32>} : memref<4x16x128xi32, #tpu.memory_space<vmem>>, vector<16xi32>,
      tpu.vector_store %arg13[%swap3A_1882, %swap3A_1883, %swap3A_1884], %add3A_1879 {strides = array<i32>} : memref<4x16x128xi32, #tpu.memory_space<vmem>>, vector<16xi32>,
      %add3A_1886 = arith.constant 800000 : i32
      %add3A_1887 = vector.broadcast %add3A_1886 : i32 to vector<16xi32>
      %add3A_1888 = arith.addi %add3A_1814, %add3A_1887 : vector<16xi32>
      %swap3A_1889 = arith.constant 1 : i32
      %swap3A_1890 = arith.constant 8 : i32
      %swap3A_1891 = arith.index_cast %swap3A_1889 : i32 to index
      %swap3A_1892 = arith.index_cast %swap3A_1890 : i32 to index
      %swap3A_1893 = arith.index_cast %mul3A_1775 : i32 to index
      %swap3A_1894 = tpu.vector_load %arg13[%swap3A_1891, %swap3A_1892, %swap3A_1893] {strides = array<i32>} : memref<4x16x128xi32, #tpu.memory_space<vmem>>, vector<16xi32>,
      tpu.vector_store %arg13[%swap3A_1891, %swap3A_1892, %swap3A_1893], %add3A_1888 {strides = array<i32>} : memref<4x16x128xi32, #tpu.memory_space<vmem>>, vector<16xi32>,
      %add3A_1895 = arith.constant 900000 : i32
      %add3A_1896 = vector.broadcast %add3A_1895 : i32 to vector<16xi32>
      %add3A_1897 = arith.addi %add3A_1814, %add3A_1896 : vector<16xi32>
      %swap3A_1898 = arith.constant 1 : i32
      %swap3A_1899 = arith.constant 9 : i32
      %swap3A_1900 = arith.index_cast %swap3A_1898 : i32 to index
      %swap3A_1901 = arith.index_cast %swap3A_1899 : i32 to index
      %swap3A_1902 = arith.index_cast %mul3A_1775 : i32 to index
      %swap3A_1903 = tpu.vector_load %arg13[%swap3A_1900, %swap3A_1901, %swap3A_1902] {strides = array<i32>} : memref<4x16x128xi32, #tpu.memory_space<vmem>>, vector<16xi32>,
      tpu.vector_store %arg13[%swap3A_1900, %swap3A_1901, %swap3A_1902], %add3A_1897 {strides = array<i32>} : memref<4x16x128xi32, #tpu.memory_space<vmem>>, vector<16xi32>,
      %add3A_1904 = arith.constant 1000000 : i32
      %add3A_1905 = vector.broadcast %add3A_1904 : i32 to vector<16xi32>
      %add3A_1906 = arith.addi %add3A_1814, %add3A_1905 : vector<16xi32>
      %swap3A_1907 = arith.constant 1 : i32
      %swap3A_1908 = arith.constant 10 : i32
      %swap3A_1909 = arith.index_cast %swap3A_1907 : i32 to index
      %swap3A_1910 = arith.index_cast %swap3A_1908 : i32 to index
      %swap3A_1911 = arith.index_cast %mul3A_1775 : i32 to index
      %swap3A_1912 = tpu.vector_load %arg13[%swap3A_1909, %swap3A_1910, %swap3A_1911] {strides = array<i32>} : memref<4x16x128xi32, #tpu.memory_space<vmem>>, vector<16xi32>,
      tpu.vector_store %arg13[%swap3A_1909, %swap3A_1910, %swap3A_1911], %add3A_1906 {strides = array<i32>} : memref<4x16x128xi32, #tpu.memory_space<vmem>>, vector<16xi32>,
      %add3A_1913 = arith.constant 1100000 : i32
      %add3A_1914 = vector.broadcast %add3A_1913 : i32 to vector<16xi32>
      %add3A_1915 = arith.addi %add3A_1814, %add3A_1914 : vector<16xi32>
      %swap3A_1916 = arith.constant 1 : i32
      %swap3A_1917 = arith.constant 11 : i32
      %swap3A_1918 = arith.index_cast %swap3A_1916 : i32 to index
      %swap3A_1919 = arith.index_cast %swap3A_1917 : i32 to index
      %swap3A_1920 = arith.index_cast %mul3A_1775 : i32 to index
      %swap3A_1921 = tpu.vector_load %arg13[%swap3A_1918, %swap3A_1919, %swap3A_1920] {strides = array<i32>} : memref<4x16x128xi32, #tpu.memory_space<vmem>>, vector<16xi32>,
      tpu.vector_store %arg13[%swap3A_1918, %swap3A_1919, %swap3A_1920], %add3A_1915 {strides = array<i32>} : memref<4x16x128xi32, #tpu.memory_space<vmem>>, vector<16xi32>,
      %add3A_1922 = arith.constant 1200000 : i32
      %add3A_1923 = vector.broadcast %add3A_1922 : i32 to vector<16xi32>
      %add3A_1924 = arith.addi %add3A_1814, %add3A_1923 : vector<16xi32>
      %swap3A_1925 = arith.constant 1 : i32
      %swap3A_1926 = arith.constant 12 : i32
      %swap3A_1927 = arith.index_cast %swap3A_1925 : i32 to index
      %swap3A_1928 = arith.index_cast %swap3A_1926 : i32 to index
      %swap3A_1929 = arith.index_cast %mul3A_1775 : i32 to index
      %swap3A_1930 = tpu.vector_load %arg13[%swap3A_1927, %swap3A_1928, %swap3A_1929] {strides = array<i32>} : memref<4x16x128xi32, #tpu.memory_space<vmem>>, vector<16xi32>,
      tpu.vector_store %arg13[%swap3A_1927, %swap3A_1928, %swap3A_1929], %add3A_1924 {strides = array<i32>} : memref<4x16x128xi32, #tpu.memory_space<vmem>>, vector<16xi32>,
      %add3A_1931 = arith.constant 1300000 : i32
      %add3A_1932 = vector.broadcast %add3A_1931 : i32 to vector<16xi32>
      %add3A_1933 = arith.addi %add3A_1814, %add3A_1932 : vector<16xi32>
      %swap3A_1934 = arith.constant 1 : i32
      %swap3A_1935 = arith.constant 13 : i32
      %swap3A_1936 = arith.index_cast %swap3A_1934 : i32 to index
      %swap3A_1937 = arith.index_cast %swap3A_1935 : i32 to index
      %swap3A_1938 = arith.index_cast %mul3A_1775 : i32 to index
      %swap3A_1939 = tpu.vector_load %arg13[%swap3A_1936, %swap3A_1937, %swap3A_1938] {strides = array<i32>} : memref<4x16x128xi32, #tpu.memory_space<vmem>>, vector<16xi32>,
      tpu.vector_store %arg13[%swap3A_1936, %swap3A_1937, %swap3A_1938], %add3A_1933 {strides = array<i32>} : memref<4x16x128xi32, #tpu.memory_space<vmem>>, vector<16xi32>,
      %add3A_1940 = arith.constant 1400000 : i32
      %add3A_1941 = vector.broadcast %add3A_1940 : i32 to vector<16xi32>
      %add3A_1942 = arith.addi %add3A_1814, %add3A_1941 : vector<16xi32>
      %swap3A_1943 = arith.constant 1 : i32
      %swap3A_1944 = arith.constant 14 : i32
      %swap3A_1945 = arith.index_cast %swap3A_1943 : i32 to index
      %swap3A_1946 = arith.index_cast %swap3A_1944 : i32 to index
      %swap3A_1947 = arith.index_cast %mul3A_1775 : i32 to index
      %swap3A_1948 = tpu.vector_load %arg13[%swap3A_1945, %swap3A_1946, %swap3A_1947] {strides = array<i32>} : memref<4x16x128xi32, #tpu.memory_space<vmem>>, vector<16xi32>,
      tpu.vector_store %arg13[%swap3A_1945, %swap3A_1946, %swap3A_1947], %add3A_1942 {strides = array<i32>} : memref<4x16x128xi32, #tpu.memory_space<vmem>>, vector<16xi32>,
      %add3A_1949 = arith.constant 1500000 : i32
      %add3A_1950 = vector.broadcast %add3A_1949 : i32 to vector<16xi32>
      %add3A_1951 = arith.addi %add3A_1814, %add3A_1950 : vector<16xi32>
      %swap3A_1952 = arith.constant 1 : i32
      %swap3A_1953 = arith.constant 15 : i32
      %swap3A_1954 = arith.index_cast %swap3A_1952 : i32 to index
      %swap3A_1955 = arith.index_cast %swap3A_1953 : i32 to index
      %swap3A_1956 = arith.index_cast %mul3A_1775 : i32 to index
      %swap3A_1957 = tpu.vector_load %arg13[%swap3A_1954, %swap3A_1955, %swap3A_1956] {strides = array<i32>} : memref<4x16x128xi32, #tpu.memory_space<vmem>>, vector<16xi32>,
      tpu.vector_store %arg13[%swap3A_1954, %swap3A_1955, %swap3A_1956], %add3A_1951 {strides = array<i32>} : memref<4x16x128xi32, #tpu.memory_space<vmem>>, vector<16xi32>,
      %scan3A_1958 = arith.constant 0 : i32
      scf.yield %scan3A_1958 : i32
    }
    %scan3A_311 = arith.constant 8 : i32
    %dma_start3A_312 = arith.constant 1 : i32
    %dma_start3A_313 = arith.constant 0 : i32
    %dma_start3A_314 = arith.constant 1 : i32
    %dma_start3A_315 = arith.constant 0 : i32
    %dma_start3A_316 = arith.constant 0 : i32
    %dma_start3A_317 = tpu.memref_slice %arg14[%dma_start3A_314, %dma_start3A_315, %dma_start3A_316] : memref<4x16x128xf32, #tpu.memory_space<vmem>> -> memref<1x1x128xf32, #tpu.memory_space<vmem>>
    %dma_start3A_318 = tpu.memref_squeeze %dma_start3A_317 : memref<1x1x128xf32, #tpu.memory_space<vmem>> -> memref<128xf32, #tpu.memory_space<vmem>>
    %dma_start3A_319 = arith.constant 0 : i32
    %dma_start3A_320 = tpu.memref_slice %arg13[%dma_start3A_312, %dma_start3A_313, %dma_start3A_319] : memref<4x16x128xi32, #tpu.memory_space<vmem>> -> memref<1x1x128xi32, #tpu.memory_space<vmem>>
    %dma_start3A_321 = tpu.memref_squeeze %dma_start3A_320 : memref<1x1x128xi32, #tpu.memory_space<vmem>> -> memref<128xi32, #tpu.memory_space<vmem>>
    %dma_start3A_322 = arith.constant 0 : i32
    %dma_start3A_323 = tpu.memref_slice %arg6[%dma_start3A_322] : memref<25600000xf32, #tpu.memory_space<hbm>> -> memref<25600000xf32, #tpu.memory_space<hbm>>
    tpu.enqueue_indirect_dma source(%dma_start3A_323 : memref<25600000xf32, #tpu.memory_space<hbm>>) target(%dma_start3A_318 : memref<128xf32, #tpu.memory_space<vmem>>) offsets(%dma_start3A_321 : memref<128xi32, #tpu.memory_space<vmem>>) semaphore(%arg17 : memref<!tpu.dma_semaphore, #tpu.memory_space<semaphore_mem>>)
    %dma_start3A_324 = arith.constant 1 : i32
    %dma_start3A_325 = arith.constant 1 : i32
    %dma_start3A_326 = arith.constant 1 : i32
    %dma_start3A_327 = arith.constant 1 : i32
    %dma_start3A_328 = arith.constant 0 : i32
    %dma_start3A_329 = tpu.memref_slice %arg14[%dma_start3A_326, %dma_start3A_327, %dma_start3A_328] : memref<4x16x128xf32, #tpu.memory_space<vmem>> -> memref<1x1x128xf32, #tpu.memory_space<vmem>>
    %dma_start3A_330 = tpu.memref_squeeze %dma_start3A_329 : memref<1x1x128xf32, #tpu.memory_space<vmem>> -> memref<128xf32, #tpu.memory_space<vmem>>
    %dma_start3A_331 = arith.constant 0 : i32
    %dma_start3A_332 = tpu.memref_slice %arg13[%dma_start3A_324, %dma_start3A_325, %dma_start3A_331] : memref<4x16x128xi32, #tpu.memory_space<vmem>> -> memref<1x1x128xi32, #tpu.memory_space<vmem>>
    %dma_start3A_333 = tpu.memref_squeeze %dma_start3A_332 : memref<1x1x128xi32, #tpu.memory_space<vmem>> -> memref<128xi32, #tpu.memory_space<vmem>>
    %dma_start3A_334 = arith.constant 0 : i32
    %dma_start3A_335 = tpu.memref_slice %arg6[%dma_start3A_334] : memref<25600000xf32, #tpu.memory_space<hbm>> -> memref<25600000xf32, #tpu.memory_space<hbm>>
    tpu.enqueue_indirect_dma source(%dma_start3A_335 : memref<25600000xf32, #tpu.memory_space<hbm>>) target(%dma_start3A_330 : memref<128xf32, #tpu.memory_space<vmem>>) offsets(%dma_start3A_333 : memref<128xi32, #tpu.memory_space<vmem>>) semaphore(%arg17 : memref<!tpu.dma_semaphore, #tpu.memory_space<semaphore_mem>>)
    %dma_start3A_336 = arith.constant 1 : i32
    %dma_start3A_337 = arith.constant 2 : i32
    %dma_start3A_338 = arith.constant 1 : i32
    %dma_start3A_339 = arith.constant 2 : i32
    %dma_start3A_340 = arith.constant 0 : i32
    %dma_start3A_341 = tpu.memref_slice %arg14[%dma_start3A_338, %dma_start3A_339, %dma_start3A_340] : memref<4x16x128xf32, #tpu.memory_space<vmem>> -> memref<1x1x128xf32, #tpu.memory_space<vmem>>
    %dma_start3A_342 = tpu.memref_squeeze %dma_start3A_341 : memref<1x1x128xf32, #tpu.memory_space<vmem>> -> memref<128xf32, #tpu.memory_space<vmem>>
    %dma_start3A_343 = arith.constant 0 : i32
    %dma_start3A_344 = tpu.memref_slice %arg13[%dma_start3A_336, %dma_start3A_337, %dma_start3A_343] : memref<4x16x128xi32, #tpu.memory_space<vmem>> -> memref<1x1x128xi32, #tpu.memory_space<vmem>>
    %dma_start3A_345 = tpu.memref_squeeze %dma_start3A_344 : memref<1x1x128xi32, #tpu.memory_space<vmem>> -> memref<128xi32, #tpu.memory_space<vmem>>
    %dma_start3A_346 = arith.constant 0 : i32
    %dma_start3A_347 = tpu.memref_slice %arg6[%dma_start3A_346] : memref<25600000xf32, #tpu.memory_space<hbm>> -> memref<25600000xf32, #tpu.memory_space<hbm>>
    tpu.enqueue_indirect_dma source(%dma_start3A_347 : memref<25600000xf32, #tpu.memory_space<hbm>>) target(%dma_start3A_342 : memref<128xf32, #tpu.memory_space<vmem>>) offsets(%dma_start3A_345 : memref<128xi32, #tpu.memory_space<vmem>>) semaphore(%arg17 : memref<!tpu.dma_semaphore, #tpu.memory_space<semaphore_mem>>)
    %dma_start3A_348 = arith.constant 1 : i32
    %dma_start3A_349 = arith.constant 3 : i32
    %dma_start3A_350 = arith.constant 1 : i32
    %dma_start3A_351 = arith.constant 3 : i32
    %dma_start3A_352 = arith.constant 0 : i32
    %dma_start3A_353 = tpu.memref_slice %arg14[%dma_start3A_350, %dma_start3A_351, %dma_start3A_352] : memref<4x16x128xf32, #tpu.memory_space<vmem>> -> memref<1x1x128xf32, #tpu.memory_space<vmem>>
    %dma_start3A_354 = tpu.memref_squeeze %dma_start3A_353 : memref<1x1x128xf32, #tpu.memory_space<vmem>> -> memref<128xf32, #tpu.memory_space<vmem>>
    %dma_start3A_355 = arith.constant 0 : i32
    %dma_start3A_356 = tpu.memref_slice %arg13[%dma_start3A_348, %dma_start3A_349, %dma_start3A_355] : memref<4x16x128xi32, #tpu.memory_space<vmem>> -> memref<1x1x128xi32, #tpu.memory_space<vmem>>
    %dma_start3A_357 = tpu.memref_squeeze %dma_start3A_356 : memref<1x1x128xi32, #tpu.memory_space<vmem>> -> memref<128xi32, #tpu.memory_space<vmem>>
    %dma_start3A_358 = arith.constant 0 : i32
    %dma_start3A_359 = tpu.memref_slice %arg6[%dma_start3A_358] : memref<25600000xf32, #tpu.memory_space<hbm>> -> memref<25600000xf32, #tpu.memory_space<hbm>>
    tpu.enqueue_indirect_dma source(%dma_start3A_359 : memref<25600000xf32, #tpu.memory_space<hbm>>) target(%dma_start3A_354 : memref<128xf32, #tpu.memory_space<vmem>>) offsets(%dma_start3A_357 : memref<128xi32, #tpu.memory_space<vmem>>) semaphore(%arg17 : memref<!tpu.dma_semaphore, #tpu.memory_space<semaphore_mem>>)
    %dma_start3A_360 = arith.constant 1 : i32
    %dma_start3A_361 = arith.constant 4 : i32
    %dma_start3A_362 = arith.constant 1 : i32
    %dma_start3A_363 = arith.constant 4 : i32
    %dma_start3A_364 = arith.constant 0 : i32
    %dma_start3A_365 = tpu.memref_slice %arg14[%dma_start3A_362, %dma_start3A_363, %dma_start3A_364] : memref<4x16x128xf32, #tpu.memory_space<vmem>> -> memref<1x1x128xf32, #tpu.memory_space<vmem>>
    %dma_start3A_366 = tpu.memref_squeeze %dma_start3A_365 : memref<1x1x128xf32, #tpu.memory_space<vmem>> -> memref<128xf32, #tpu.memory_space<vmem>>
    %dma_start3A_367 = arith.constant 0 : i32
    %dma_start3A_368 = tpu.memref_slice %arg13[%dma_start3A_360, %dma_start3A_361, %dma_start3A_367] : memref<4x16x128xi32, #tpu.memory_space<vmem>> -> memref<1x1x128xi32, #tpu.memory_space<vmem>>
    %dma_start3A_369 = tpu.memref_squeeze %dma_start3A_368 : memref<1x1x128xi32, #tpu.memory_space<vmem>> -> memref<128xi32, #tpu.memory_space<vmem>>
    %dma_start3A_370 = arith.constant 0 : i32
    %dma_start3A_371 = tpu.memref_slice %arg6[%dma_start3A_370] : memref<25600000xf32, #tpu.memory_space<hbm>> -> memref<25600000xf32, #tpu.memory_space<hbm>>
    tpu.enqueue_indirect_dma source(%dma_start3A_371 : memref<25600000xf32, #tpu.memory_space<hbm>>) target(%dma_start3A_366 : memref<128xf32, #tpu.memory_space<vmem>>) offsets(%dma_start3A_369 : memref<128xi32, #tpu.memory_space<vmem>>) semaphore(%arg17 : memref<!tpu.dma_semaphore, #tpu.memory_space<semaphore_mem>>)
    %dma_start3A_372 = arith.constant 1 : i32
    %dma_start3A_373 = arith.constant 5 : i32
    %dma_start3A_374 = arith.constant 1 : i32
    %dma_start3A_375 = arith.constant 5 : i32
    %dma_start3A_376 = arith.constant 0 : i32
    %dma_start3A_377 = tpu.memref_slice %arg14[%dma_start3A_374, %dma_start3A_375, %dma_start3A_376] : memref<4x16x128xf32, #tpu.memory_space<vmem>> -> memref<1x1x128xf32, #tpu.memory_space<vmem>>
    %dma_start3A_378 = tpu.memref_squeeze %dma_start3A_377 : memref<1x1x128xf32, #tpu.memory_space<vmem>> -> memref<128xf32, #tpu.memory_space<vmem>>
    %dma_start3A_379 = arith.constant 0 : i32
    %dma_start3A_380 = tpu.memref_slice %arg13[%dma_start3A_372, %dma_start3A_373, %dma_start3A_379] : memref<4x16x128xi32, #tpu.memory_space<vmem>> -> memref<1x1x128xi32, #tpu.memory_space<vmem>>
    %dma_start3A_381 = tpu.memref_squeeze %dma_start3A_380 : memref<1x1x128xi32, #tpu.memory_space<vmem>> -> memref<128xi32, #tpu.memory_space<vmem>>
    %dma_start3A_382 = arith.constant 0 : i32
    %dma_start3A_383 = tpu.memref_slice %arg6[%dma_start3A_382] : memref<25600000xf32, #tpu.memory_space<hbm>> -> memref<25600000xf32, #tpu.memory_space<hbm>>
    tpu.enqueue_indirect_dma source(%dma_start3A_383 : memref<25600000xf32, #tpu.memory_space<hbm>>) target(%dma_start3A_378 : memref<128xf32, #tpu.memory_space<vmem>>) offsets(%dma_start3A_381 : memref<128xi32, #tpu.memory_space<vmem>>) semaphore(%arg17 : memref<!tpu.dma_semaphore, #tpu.memory_space<semaphore_mem>>)
    %dma_start3A_384 = arith.constant 1 : i32
    %dma_start3A_385 = arith.constant 6 : i32
    %dma_start3A_386 = arith.constant 1 : i32
    %dma_start3A_387 = arith.constant 6 : i32
    %dma_start3A_388 = arith.constant 0 : i32
    %dma_start3A_389 = tpu.memref_slice %arg14[%dma_start3A_386, %dma_start3A_387, %dma_start3A_388] : memref<4x16x128xf32, #tpu.memory_space<vmem>> -> memref<1x1x128xf32, #tpu.memory_space<vmem>>
    %dma_start3A_390 = tpu.memref_squeeze %dma_start3A_389 : memref<1x1x128xf32, #tpu.memory_space<vmem>> -> memref<128xf32, #tpu.memory_space<vmem>>
    %dma_start3A_391 = arith.constant 0 : i32
    %dma_start3A_392 = tpu.memref_slice %arg13[%dma_start3A_384, %dma_start3A_385, %dma_start3A_391] : memref<4x16x128xi32, #tpu.memory_space<vmem>> -> memref<1x1x128xi32, #tpu.memory_space<vmem>>
    %dma_start3A_393 = tpu.memref_squeeze %dma_start3A_392 : memref<1x1x128xi32, #tpu.memory_space<vmem>> -> memref<128xi32, #tpu.memory_space<vmem>>
    %dma_start3A_394 = arith.constant 0 : i32
    %dma_start3A_395 = tpu.memref_slice %arg6[%dma_start3A_394] : memref<25600000xf32, #tpu.memory_space<hbm>> -> memref<25600000xf32, #tpu.memory_space<hbm>>
    tpu.enqueue_indirect_dma source(%dma_start3A_395 : memref<25600000xf32, #tpu.memory_space<hbm>>) target(%dma_start3A_390 : memref<128xf32, #tpu.memory_space<vmem>>) offsets(%dma_start3A_393 : memref<128xi32, #tpu.memory_space<vmem>>) semaphore(%arg17 : memref<!tpu.dma_semaphore, #tpu.memory_space<semaphore_mem>>)
    %dma_start3A_396 = arith.constant 1 : i32
    %dma_start3A_397 = arith.constant 7 : i32
    %dma_start3A_398 = arith.constant 1 : i32
    %dma_start3A_399 = arith.constant 7 : i32
    %dma_start3A_400 = arith.constant 0 : i32
    %dma_start3A_401 = tpu.memref_slice %arg14[%dma_start3A_398, %dma_start3A_399, %dma_start3A_400] : memref<4x16x128xf32, #tpu.memory_space<vmem>> -> memref<1x1x128xf32, #tpu.memory_space<vmem>>
    %dma_start3A_402 = tpu.memref_squeeze %dma_start3A_401 : memref<1x1x128xf32, #tpu.memory_space<vmem>> -> memref<128xf32, #tpu.memory_space<vmem>>
    %dma_start3A_403 = arith.constant 0 : i32
    %dma_start3A_404 = tpu.memref_slice %arg13[%dma_start3A_396, %dma_start3A_397, %dma_start3A_403] : memref<4x16x128xi32, #tpu.memory_space<vmem>> -> memref<1x1x128xi32, #tpu.memory_space<vmem>>
    %dma_start3A_405 = tpu.memref_squeeze %dma_start3A_404 : memref<1x1x128xi32, #tpu.memory_space<vmem>> -> memref<128xi32, #tpu.memory_space<vmem>>
    %dma_start3A_406 = arith.constant 0 : i32
    %dma_start3A_407 = tpu.memref_slice %arg6[%dma_start3A_406] : memref<25600000xf32, #tpu.memory_space<hbm>> -> memref<25600000xf32, #tpu.memory_space<hbm>>
    tpu.enqueue_indirect_dma source(%dma_start3A_407 : memref<25600000xf32, #tpu.memory_space<hbm>>) target(%dma_start3A_402 : memref<128xf32, #tpu.memory_space<vmem>>) offsets(%dma_start3A_405 : memref<128xi32, #tpu.memory_space<vmem>>) semaphore(%arg17 : memref<!tpu.dma_semaphore, #tpu.memory_space<semaphore_mem>>)
    %dma_start3A_408 = arith.constant 1 : i32
    %dma_start3A_409 = arith.constant 8 : i32
    %dma_start3A_410 = arith.constant 1 : i32
    %dma_start3A_411 = arith.constant 8 : i32
    %dma_start3A_412 = arith.constant 0 : i32
    %dma_start3A_413 = tpu.memref_slice %arg14[%dma_start3A_410, %dma_start3A_411, %dma_start3A_412] : memref<4x16x128xf32, #tpu.memory_space<vmem>> -> memref<1x1x128xf32, #tpu.memory_space<vmem>>
    %dma_start3A_414 = tpu.memref_squeeze %dma_start3A_413 : memref<1x1x128xf32, #tpu.memory_space<vmem>> -> memref<128xf32, #tpu.memory_space<vmem>>
    %dma_start3A_415 = arith.constant 0 : i32
    %dma_start3A_416 = tpu.memref_slice %arg13[%dma_start3A_408, %dma_start3A_409, %dma_start3A_415] : memref<4x16x128xi32, #tpu.memory_space<vmem>> -> memref<1x1x128xi32, #tpu.memory_space<vmem>>
    %dma_start3A_417 = tpu.memref_squeeze %dma_start3A_416 : memref<1x1x128xi32, #tpu.memory_space<vmem>> -> memref<128xi32, #tpu.memory_space<vmem>>
    %dma_start3A_418 = arith.constant 0 : i32
    %dma_start3A_419 = tpu.memref_slice %arg6[%dma_start3A_418] : memref<25600000xf32, #tpu.memory_space<hbm>> -> memref<25600000xf32, #tpu.memory_space<hbm>>
    tpu.enqueue_indirect_dma source(%dma_start3A_419 : memref<25600000xf32, #tpu.memory_space<hbm>>) target(%dma_start3A_414 : memref<128xf32, #tpu.memory_space<vmem>>) offsets(%dma_start3A_417 : memref<128xi32, #tpu.memory_space<vmem>>) semaphore(%arg17 : memref<!tpu.dma_semaphore, #tpu.memory_space<semaphore_mem>>)
    %dma_start3A_420 = arith.constant 1 : i32
    %dma_start3A_421 = arith.constant 9 : i32
    %dma_start3A_422 = arith.constant 1 : i32
    %dma_start3A_423 = arith.constant 9 : i32
    %dma_start3A_424 = arith.constant 0 : i32
    %dma_start3A_425 = tpu.memref_slice %arg14[%dma_start3A_422, %dma_start3A_423, %dma_start3A_424] : memref<4x16x128xf32, #tpu.memory_space<vmem>> -> memref<1x1x128xf32, #tpu.memory_space<vmem>>
    %dma_start3A_426 = tpu.memref_squeeze %dma_start3A_425 : memref<1x1x128xf32, #tpu.memory_space<vmem>> -> memref<128xf32, #tpu.memory_space<vmem>>
    %dma_start3A_427 = arith.constant 0 : i32
    %dma_start3A_428 = tpu.memref_slice %arg13[%dma_start3A_420, %dma_start3A_421, %dma_start3A_427] : memref<4x16x128xi32, #tpu.memory_space<vmem>> -> memref<1x1x128xi32, #tpu.memory_space<vmem>>
    %dma_start3A_429 = tpu.memref_squeeze %dma_start3A_428 : memref<1x1x128xi32, #tpu.memory_space<vmem>> -> memref<128xi32, #tpu.memory_space<vmem>>
    %dma_start3A_430 = arith.constant 0 : i32
    %dma_start3A_431 = tpu.memref_slice %arg6[%dma_start3A_430] : memref<25600000xf32, #tpu.memory_space<hbm>> -> memref<25600000xf32, #tpu.memory_space<hbm>>
    tpu.enqueue_indirect_dma source(%dma_start3A_431 : memref<25600000xf32, #tpu.memory_space<hbm>>) target(%dma_start3A_426 : memref<128xf32, #tpu.memory_space<vmem>>) offsets(%dma_start3A_429 : memref<128xi32, #tpu.memory_space<vmem>>) semaphore(%arg17 : memref<!tpu.dma_semaphore, #tpu.memory_space<semaphore_mem>>)
    %dma_start3A_432 = arith.constant 1 : i32
    %dma_start3A_433 = arith.constant 10 : i32
    %dma_start3A_434 = arith.constant 1 : i32
    %dma_start3A_435 = arith.constant 10 : i32
    %dma_start3A_436 = arith.constant 0 : i32
    %dma_start3A_437 = tpu.memref_slice %arg14[%dma_start3A_434, %dma_start3A_435, %dma_start3A_436] : memref<4x16x128xf32, #tpu.memory_space<vmem>> -> memref<1x1x128xf32, #tpu.memory_space<vmem>>
    %dma_start3A_438 = tpu.memref_squeeze %dma_start3A_437 : memref<1x1x128xf32, #tpu.memory_space<vmem>> -> memref<128xf32, #tpu.memory_space<vmem>>
    %dma_start3A_439 = arith.constant 0 : i32
    %dma_start3A_440 = tpu.memref_slice %arg13[%dma_start3A_432, %dma_start3A_433, %dma_start3A_439] : memref<4x16x128xi32, #tpu.memory_space<vmem>> -> memref<1x1x128xi32, #tpu.memory_space<vmem>>
    %dma_start3A_441 = tpu.memref_squeeze %dma_start3A_440 : memref<1x1x128xi32, #tpu.memory_space<vmem>> -> memref<128xi32, #tpu.memory_space<vmem>>
    %dma_start3A_442 = arith.constant 0 : i32
    %dma_start3A_443 = tpu.memref_slice %arg6[%dma_start3A_442] : memref<25600000xf32, #tpu.memory_space<hbm>> -> memref<25600000xf32, #tpu.memory_space<hbm>>
    tpu.enqueue_indirect_dma source(%dma_start3A_443 : memref<25600000xf32, #tpu.memory_space<hbm>>) target(%dma_start3A_438 : memref<128xf32, #tpu.memory_space<vmem>>) offsets(%dma_start3A_441 : memref<128xi32, #tpu.memory_space<vmem>>) semaphore(%arg17 : memref<!tpu.dma_semaphore, #tpu.memory_space<semaphore_mem>>)
    %dma_start3A_444 = arith.constant 1 : i32
    %dma_start3A_445 = arith.constant 11 : i32
    %dma_start3A_446 = arith.constant 1 : i32
    %dma_start3A_447 = arith.constant 11 : i32
    %dma_start3A_448 = arith.constant 0 : i32
    %dma_start3A_449 = tpu.memref_slice %arg14[%dma_start3A_446, %dma_start3A_447, %dma_start3A_448] : memref<4x16x128xf32, #tpu.memory_space<vmem>> -> memref<1x1x128xf32, #tpu.memory_space<vmem>>
    %dma_start3A_450 = tpu.memref_squeeze %dma_start3A_449 : memref<1x1x128xf32, #tpu.memory_space<vmem>> -> memref<128xf32, #tpu.memory_space<vmem>>
    %dma_start3A_451 = arith.constant 0 : i32
    %dma_start3A_452 = tpu.memref_slice %arg13[%dma_start3A_444, %dma_start3A_445, %dma_start3A_451] : memref<4x16x128xi32, #tpu.memory_space<vmem>> -> memref<1x1x128xi32, #tpu.memory_space<vmem>>
    %dma_start3A_453 = tpu.memref_squeeze %dma_start3A_452 : memref<1x1x128xi32, #tpu.memory_space<vmem>> -> memref<128xi32, #tpu.memory_space<vmem>>
    %dma_start3A_454 = arith.constant 0 : i32
    %dma_start3A_455 = tpu.memref_slice %arg6[%dma_start3A_454] : memref<25600000xf32, #tpu.memory_space<hbm>> -> memref<25600000xf32, #tpu.memory_space<hbm>>
    tpu.enqueue_indirect_dma source(%dma_start3A_455 : memref<25600000xf32, #tpu.memory_space<hbm>>) target(%dma_start3A_450 : memref<128xf32, #tpu.memory_space<vmem>>) offsets(%dma_start3A_453 : memref<128xi32, #tpu.memory_space<vmem>>) semaphore(%arg17 : memref<!tpu.dma_semaphore, #tpu.memory_space<semaphore_mem>>)
    %dma_start3A_456 = arith.constant 1 : i32
    %dma_start3A_457 = arith.constant 12 : i32
    %dma_start3A_458 = arith.constant 1 : i32
    %dma_start3A_459 = arith.constant 12 : i32
    %dma_start3A_460 = arith.constant 0 : i32
    %dma_start3A_461 = tpu.memref_slice %arg14[%dma_start3A_458, %dma_start3A_459, %dma_start3A_460] : memref<4x16x128xf32, #tpu.memory_space<vmem>> -> memref<1x1x128xf32, #tpu.memory_space<vmem>>
    %dma_start3A_462 = tpu.memref_squeeze %dma_start3A_461 : memref<1x1x128xf32, #tpu.memory_space<vmem>> -> memref<128xf32, #tpu.memory_space<vmem>>
    %dma_start3A_463 = arith.constant 0 : i32
    %dma_start3A_464 = tpu.memref_slice %arg13[%dma_start3A_456, %dma_start3A_457, %dma_start3A_463] : memref<4x16x128xi32, #tpu.memory_space<vmem>> -> memref<1x1x128xi32, #tpu.memory_space<vmem>>
    %dma_start3A_465 = tpu.memref_squeeze %dma_start3A_464 : memref<1x1x128xi32, #tpu.memory_space<vmem>> -> memref<128xi32, #tpu.memory_space<vmem>>
    %dma_start3A_466 = arith.constant 0 : i32
    %dma_start3A_467 = tpu.memref_slice %arg6[%dma_start3A_466] : memref<25600000xf32, #tpu.memory_space<hbm>> -> memref<25600000xf32, #tpu.memory_space<hbm>>
    tpu.enqueue_indirect_dma source(%dma_start3A_467 : memref<25600000xf32, #tpu.memory_space<hbm>>) target(%dma_start3A_462 : memref<128xf32, #tpu.memory_space<vmem>>) offsets(%dma_start3A_465 : memref<128xi32, #tpu.memory_space<vmem>>) semaphore(%arg17 : memref<!tpu.dma_semaphore, #tpu.memory_space<semaphore_mem>>)
    %dma_start3A_468 = arith.constant 1 : i32
    %dma_start3A_469 = arith.constant 13 : i32
    %dma_start3A_470 = arith.constant 1 : i32
    %dma_start3A_471 = arith.constant 13 : i32
    %dma_start3A_472 = arith.constant 0 : i32
    %dma_start3A_473 = tpu.memref_slice %arg14[%dma_start3A_470, %dma_start3A_471, %dma_start3A_472] : memref<4x16x128xf32, #tpu.memory_space<vmem>> -> memref<1x1x128xf32, #tpu.memory_space<vmem>>
    %dma_start3A_474 = tpu.memref_squeeze %dma_start3A_473 : memref<1x1x128xf32, #tpu.memory_space<vmem>> -> memref<128xf32, #tpu.memory_space<vmem>>
    %dma_start3A_475 = arith.constant 0 : i32
    %dma_start3A_476 = tpu.memref_slice %arg13[%dma_start3A_468, %dma_start3A_469, %dma_start3A_475] : memref<4x16x128xi32, #tpu.memory_space<vmem>> -> memref<1x1x128xi32, #tpu.memory_space<vmem>>
    %dma_start3A_477 = tpu.memref_squeeze %dma_start3A_476 : memref<1x1x128xi32, #tpu.memory_space<vmem>> -> memref<128xi32, #tpu.memory_space<vmem>>
    %dma_start3A_478 = arith.constant 0 : i32
    %dma_start3A_479 = tpu.memref_slice %arg6[%dma_start3A_478] : memref<25600000xf32, #tpu.memory_space<hbm>> -> memref<25600000xf32, #tpu.memory_space<hbm>>
    tpu.enqueue_indirect_dma source(%dma_start3A_479 : memref<25600000xf32, #tpu.memory_space<hbm>>) target(%dma_start3A_474 : memref<128xf32, #tpu.memory_space<vmem>>) offsets(%dma_start3A_477 : memref<128xi32, #tpu.memory_space<vmem>>) semaphore(%arg17 : memref<!tpu.dma_semaphore, #tpu.memory_space<semaphore_mem>>)
    %dma_start3A_480 = arith.constant 1 : i32
    %dma_start3A_481 = arith.constant 14 : i32
    %dma_start3A_482 = arith.constant 1 : i32
    %dma_start3A_483 = arith.constant 14 : i32
    %dma_start3A_484 = arith.constant 0 : i32
    %dma_start3A_485 = tpu.memref_slice %arg14[%dma_start3A_482, %dma_start3A_483, %dma_start3A_484] : memref<4x16x128xf32, #tpu.memory_space<vmem>> -> memref<1x1x128xf32, #tpu.memory_space<vmem>>
    %dma_start3A_486 = tpu.memref_squeeze %dma_start3A_485 : memref<1x1x128xf32, #tpu.memory_space<vmem>> -> memref<128xf32, #tpu.memory_space<vmem>>
    %dma_start3A_487 = arith.constant 0 : i32
    %dma_start3A_488 = tpu.memref_slice %arg13[%dma_start3A_480, %dma_start3A_481, %dma_start3A_487] : memref<4x16x128xi32, #tpu.memory_space<vmem>> -> memref<1x1x128xi32, #tpu.memory_space<vmem>>
    %dma_start3A_489 = tpu.memref_squeeze %dma_start3A_488 : memref<1x1x128xi32, #tpu.memory_space<vmem>> -> memref<128xi32, #tpu.memory_space<vmem>>
    %dma_start3A_490 = arith.constant 0 : i32
    %dma_start3A_491 = tpu.memref_slice %arg6[%dma_start3A_490] : memref<25600000xf32, #tpu.memory_space<hbm>> -> memref<25600000xf32, #tpu.memory_space<hbm>>
    tpu.enqueue_indirect_dma source(%dma_start3A_491 : memref<25600000xf32, #tpu.memory_space<hbm>>) target(%dma_start3A_486 : memref<128xf32, #tpu.memory_space<vmem>>) offsets(%dma_start3A_489 : memref<128xi32, #tpu.memory_space<vmem>>) semaphore(%arg17 : memref<!tpu.dma_semaphore, #tpu.memory_space<semaphore_mem>>)
    %dma_start3A_492 = arith.constant 1 : i32
    %dma_start3A_493 = arith.constant 15 : i32
    %dma_start3A_494 = arith.constant 1 : i32
    %dma_start3A_495 = arith.constant 15 : i32
    %dma_start3A_496 = arith.constant 0 : i32
    %dma_start3A_497 = tpu.memref_slice %arg14[%dma_start3A_494, %dma_start3A_495, %dma_start3A_496] : memref<4x16x128xf32, #tpu.memory_space<vmem>> -> memref<1x1x128xf32, #tpu.memory_space<vmem>>
    %dma_start3A_498 = tpu.memref_squeeze %dma_start3A_497 : memref<1x1x128xf32, #tpu.memory_space<vmem>> -> memref<128xf32, #tpu.memory_space<vmem>>
    %dma_start3A_499 = arith.constant 0 : i32
    %dma_start3A_500 = tpu.memref_slice %arg13[%dma_start3A_492, %dma_start3A_493, %dma_start3A_499] : memref<4x16x128xi32, #tpu.memory_space<vmem>> -> memref<1x1x128xi32, #tpu.memory_space<vmem>>
    %dma_start3A_501 = tpu.memref_squeeze %dma_start3A_500 : memref<1x1x128xi32, #tpu.memory_space<vmem>> -> memref<128xi32, #tpu.memory_space<vmem>>
    %dma_start3A_502 = arith.constant 0 : i32
    %dma_start3A_503 = tpu.memref_slice %arg6[%dma_start3A_502] : memref<25600000xf32, #tpu.memory_space<hbm>> -> memref<25600000xf32, #tpu.memory_space<hbm>>
    tpu.enqueue_indirect_dma source(%dma_start3A_503 : memref<25600000xf32, #tpu.memory_space<hbm>>) target(%dma_start3A_498 : memref<128xf32, #tpu.memory_space<vmem>>) offsets(%dma_start3A_501 : memref<128xi32, #tpu.memory_space<vmem>>) semaphore(%arg17 : memref<!tpu.dma_semaphore, #tpu.memory_space<semaphore_mem>>)
    %dma_start3A_504 = arith.constant 1 : i32
    %dma_start3A_505 = arith.constant 1 : i32
    %dma_start3A_506 = arith.constant 0 : i32
    %dma_start3A_507 = tpu.memref_slice %arg15[%dma_start3A_505, %dma_start3A_506] : memref<4x128xf32, #tpu.memory_space<vmem>> -> memref<1x128xf32, #tpu.memory_space<vmem>>
    %dma_start3A_508 = tpu.memref_squeeze %dma_start3A_507 : memref<1x128xf32, #tpu.memory_space<vmem>> -> memref<128xf32, #tpu.memory_space<vmem>>
    %dma_start3A_509 = arith.constant 0 : i32
    %dma_start3A_510 = tpu.memref_slice %arg9[%dma_start3A_504, %dma_start3A_509] : memref<4x128xi32, #tpu.memory_space<vmem>> -> memref<1x128xi32, #tpu.memory_space<vmem>>
    %dma_start3A_511 = tpu.memref_squeeze %dma_start3A_510 : memref<1x128xi32, #tpu.memory_space<vmem>> -> memref<128xi32, #tpu.memory_space<vmem>>
    %dma_start3A_512 = arith.constant 0 : i32
    %dma_start3A_513 = tpu.memref_slice %arg7[%dma_start3A_512] : memref<100000xf32, #tpu.memory_space<hbm>> -> memref<100000xf32, #tpu.memory_space<hbm>>
    tpu.enqueue_indirect_dma source(%dma_start3A_513 : memref<100000xf32, #tpu.memory_space<hbm>>) target(%dma_start3A_508 : memref<128xf32, #tpu.memory_space<vmem>>) offsets(%dma_start3A_511 : memref<128xi32, #tpu.memory_space<vmem>>) semaphore(%arg18 : memref<!tpu.dma_semaphore, #tpu.memory_space<semaphore_mem>>)
    %scan3A_514 = arith.constant 0 : i32
    %scan3A_515 = arith.constant 0 : i32
    %scan3A_516 = arith.constant 8 : i32
    %scan3A_517 = arith.addi %scan3A_515, %scan3A_516 : i32
    %scan3A_518 = arith.constant 1 : i32
    %scan3A_519 = scf.for %scan3A_1772 = %scan3A_515 to %scan3A_517 step %scan3A_518 iter_args(%scan3A_1773 = %scan3A_514) -> (i32)  : i32 {
      %mul3A_1774 = arith.constant 16 : i32
      %mul3A_1775 = arith.muli %scan3A_1772, %mul3A_1774 : i32
      %get3A = arith.constant 2 : i32
      %get3A_1776 = arith.index_cast %get3A : i32 to index
      %get3A_1777 = arith.index_cast %mul3A_1775 : i32 to index
      %get3A_1778 = tpu.vector_load %arg9[%get3A_1776, %get3A_1777] {strides = array<i32>} : memref<4x128xi32, #tpu.memory_space<vmem>>, vector<16xi32>,
      %add3A_1779 = arith.constant 256 : i32
      %add3A_1780 = arith.addi %add3A_1779, %mul3A_1775 : i32
      %get3A_1781 = arith.index_cast %add3A_1780 : i32 to index
      %get3A_1782 = tpu.vector_load %arg10[%get3A_1781] {strides = array<i32>} : memref<512xi32, #tpu.memory_space<vmem>>, vector<16xi32>,
      %add3A_1783 = arith.constant 256 : i32
      %add3A_1784 = arith.addi %add3A_1783, %mul3A_1775 : i32
      %get3A_1785 = arith.constant 0 : i32
      %get3A_1786 = arith.index_cast %get3A_1785 : i32 to index
      %get3A_1787 = arith.index_cast %add3A_1784 : i32 to index
      %get3A_1788 = tpu.vector_load %arg11[%get3A_1786, %get3A_1787] {strides = array<i32>} : memref<2x512xi32, #tpu.memory_space<vmem>>, vector<16xi32>,
      %add3A_1789 = arith.constant 256 : i32
      %add3A_1790 = arith.addi %add3A_1789, %mul3A_1775 : i32
      %get3A_1791 = arith.constant 1 : i32
      %get3A_1792 = arith.index_cast %get3A_1791 : i32 to index
      %get3A_1793 = arith.index_cast %add3A_1790 : i32 to index
      %get3A_1794 = tpu.vector_load %arg11[%get3A_1792, %get3A_1793] {strides = array<i32>} : memref<2x512xi32, #tpu.memory_space<vmem>>, vector<16xi32>,
      %ge3A = arith.constant 2 : i32
      %ge3A_1795 = vector.broadcast %ge3A : i32 to vector<16xi32>
      %ge3A_1796 = arith.cmpi sge, %get3A_1788, %ge3A_1795 : vector<16xi32>
      %jit3A = arith.constant 1 : i32
      %broadcast_in_dim3A = vector.broadcast %jit3A : i32 to vector<16xi32>
      %select_n3A = arith.select %ge3A_1796, %broadcast_in_dim3A, %get3A_1788 : vector<16xi1>, vector<16xi32>
      %ge3A_1797 = arith.constant 4 : i32
      %ge3A_1798 = vector.broadcast %ge3A_1797 : i32 to vector<16xi32>
      %ge3A_1799 = arith.cmpi sge, %get3A_1794, %ge3A_1798 : vector<16xi32>
      %jit3A_1800 = arith.constant 3 : i32
      %broadcast_in_dim3A_1801 = vector.broadcast %jit3A_1800 : i32 to vector<16xi32>
      %select_n3A_1802 = arith.select %ge3A_1799, %broadcast_in_dim3A_1801, %get3A_1794 : vector<16xi1>, vector<16xi32>
      %mul3A_1803 = arith.constant 2 : i32
      %mul3A_1804 = vector.broadcast %mul3A_1803 : i32 to vector<16xi32>
      %mul3A_1805 = arith.muli %get3A_1782, %mul3A_1804 : vector<16xi32>
      %add3A_1806 = arith.addi %mul3A_1805, %select_n3A : vector<16xi32>
      %mul3A_1807 = arith.constant 4 : i32
      %mul3A_1808 = vector.broadcast %mul3A_1807 : i32 to vector<16xi32>
      %mul3A_1809 = arith.muli %add3A_1806, %mul3A_1808 : vector<16xi32>
      %add3A_1810 = arith.addi %mul3A_1809, %select_n3A_1802 : vector<16xi32>
      %mul3A_1811 = arith.constant 1600000 : i32
      %mul3A_1812 = vector.broadcast %mul3A_1811 : i32 to vector<16xi32>
      %mul3A_1813 = arith.muli %add3A_1810, %mul3A_1812 : vector<16xi32>
      %add3A_1814 = arith.addi %mul3A_1813, %get3A_1778 : vector<16xi32>
      %add3A_1815 = arith.constant 0 : i32
      %add3A_1816 = vector.broadcast %add3A_1815 : i32 to vector<16xi32>
      %add3A_1817 = arith.addi %add3A_1814, %add3A_1816 : vector<16xi32>
      %swap3A = arith.constant 2 : i32
      %swap3A_1818 = arith.constant 0 : i32
      %swap3A_1819 = arith.index_cast %swap3A : i32 to index
      %swap3A_1820 = arith.index_cast %swap3A_1818 : i32 to index
      %swap3A_1821 = arith.index_cast %mul3A_1775 : i32 to index
      %swap3A_1822 = tpu.vector_load %arg13[%swap3A_1819, %swap3A_1820, %swap3A_1821] {strides = array<i32>} : memref<4x16x128xi32, #tpu.memory_space<vmem>>, vector<16xi32>,
      tpu.vector_store %arg13[%swap3A_1819, %swap3A_1820, %swap3A_1821], %add3A_1817 {strides = array<i32>} : memref<4x16x128xi32, #tpu.memory_space<vmem>>, vector<16xi32>,
      %add3A_1823 = arith.constant 100000 : i32
      %add3A_1824 = vector.broadcast %add3A_1823 : i32 to vector<16xi32>
      %add3A_1825 = arith.addi %add3A_1814, %add3A_1824 : vector<16xi32>
      %swap3A_1826 = arith.constant 2 : i32
      %swap3A_1827 = arith.constant 1 : i32
      %swap3A_1828 = arith.index_cast %swap3A_1826 : i32 to index
      %swap3A_1829 = arith.index_cast %swap3A_1827 : i32 to index
      %swap3A_1830 = arith.index_cast %mul3A_1775 : i32 to index
      %swap3A_1831 = tpu.vector_load %arg13[%swap3A_1828, %swap3A_1829, %swap3A_1830] {strides = array<i32>} : memref<4x16x128xi32, #tpu.memory_space<vmem>>, vector<16xi32>,
      tpu.vector_store %arg13[%swap3A_1828, %swap3A_1829, %swap3A_1830], %add3A_1825 {strides = array<i32>} : memref<4x16x128xi32, #tpu.memory_space<vmem>>, vector<16xi32>,
      %add3A_1832 = arith.constant 200000 : i32
      %add3A_1833 = vector.broadcast %add3A_1832 : i32 to vector<16xi32>
      %add3A_1834 = arith.addi %add3A_1814, %add3A_1833 : vector<16xi32>
      %swap3A_1835 = arith.constant 2 : i32
      %swap3A_1836 = arith.constant 2 : i32
      %swap3A_1837 = arith.index_cast %swap3A_1835 : i32 to index
      %swap3A_1838 = arith.index_cast %swap3A_1836 : i32 to index
      %swap3A_1839 = arith.index_cast %mul3A_1775 : i32 to index
      %swap3A_1840 = tpu.vector_load %arg13[%swap3A_1837, %swap3A_1838, %swap3A_1839] {strides = array<i32>} : memref<4x16x128xi32, #tpu.memory_space<vmem>>, vector<16xi32>,
      tpu.vector_store %arg13[%swap3A_1837, %swap3A_1838, %swap3A_1839], %add3A_1834 {strides = array<i32>} : memref<4x16x128xi32, #tpu.memory_space<vmem>>, vector<16xi32>,
      %add3A_1841 = arith.constant 300000 : i32
      %add3A_1842 = vector.broadcast %add3A_1841 : i32 to vector<16xi32>
      %add3A_1843 = arith.addi %add3A_1814, %add3A_1842 : vector<16xi32>
      %swap3A_1844 = arith.constant 2 : i32
      %swap3A_1845 = arith.constant 3 : i32
      %swap3A_1846 = arith.index_cast %swap3A_1844 : i32 to index
      %swap3A_1847 = arith.index_cast %swap3A_1845 : i32 to index
      %swap3A_1848 = arith.index_cast %mul3A_1775 : i32 to index
      %swap3A_1849 = tpu.vector_load %arg13[%swap3A_1846, %swap3A_1847, %swap3A_1848] {strides = array<i32>} : memref<4x16x128xi32, #tpu.memory_space<vmem>>, vector<16xi32>,
      tpu.vector_store %arg13[%swap3A_1846, %swap3A_1847, %swap3A_1848], %add3A_1843 {strides = array<i32>} : memref<4x16x128xi32, #tpu.memory_space<vmem>>, vector<16xi32>,
      %add3A_1850 = arith.constant 400000 : i32
      %add3A_1851 = vector.broadcast %add3A_1850 : i32 to vector<16xi32>
      %add3A_1852 = arith.addi %add3A_1814, %add3A_1851 : vector<16xi32>
      %swap3A_1853 = arith.constant 2 : i32
      %swap3A_1854 = arith.constant 4 : i32
      %swap3A_1855 = arith.index_cast %swap3A_1853 : i32 to index
      %swap3A_1856 = arith.index_cast %swap3A_1854 : i32 to index
      %swap3A_1857 = arith.index_cast %mul3A_1775 : i32 to index
      %swap3A_1858 = tpu.vector_load %arg13[%swap3A_1855, %swap3A_1856, %swap3A_1857] {strides = array<i32>} : memref<4x16x128xi32, #tpu.memory_space<vmem>>, vector<16xi32>,
      tpu.vector_store %arg13[%swap3A_1855, %swap3A_1856, %swap3A_1857], %add3A_1852 {strides = array<i32>} : memref<4x16x128xi32, #tpu.memory_space<vmem>>, vector<16xi32>,
      %add3A_1859 = arith.constant 500000 : i32
      %add3A_1860 = vector.broadcast %add3A_1859 : i32 to vector<16xi32>
      %add3A_1861 = arith.addi %add3A_1814, %add3A_1860 : vector<16xi32>
      %swap3A_1862 = arith.constant 2 : i32
      %swap3A_1863 = arith.constant 5 : i32
      %swap3A_1864 = arith.index_cast %swap3A_1862 : i32 to index
      %swap3A_1865 = arith.index_cast %swap3A_1863 : i32 to index
      %swap3A_1866 = arith.index_cast %mul3A_1775 : i32 to index
      %swap3A_1867 = tpu.vector_load %arg13[%swap3A_1864, %swap3A_1865, %swap3A_1866] {strides = array<i32>} : memref<4x16x128xi32, #tpu.memory_space<vmem>>, vector<16xi32>,
      tpu.vector_store %arg13[%swap3A_1864, %swap3A_1865, %swap3A_1866], %add3A_1861 {strides = array<i32>} : memref<4x16x128xi32, #tpu.memory_space<vmem>>, vector<16xi32>,
      %add3A_1868 = arith.constant 600000 : i32
      %add3A_1869 = vector.broadcast %add3A_1868 : i32 to vector<16xi32>
      %add3A_1870 = arith.addi %add3A_1814, %add3A_1869 : vector<16xi32>
      %swap3A_1871 = arith.constant 2 : i32
      %swap3A_1872 = arith.constant 6 : i32
      %swap3A_1873 = arith.index_cast %swap3A_1871 : i32 to index
      %swap3A_1874 = arith.index_cast %swap3A_1872 : i32 to index
      %swap3A_1875 = arith.index_cast %mul3A_1775 : i32 to index
      %swap3A_1876 = tpu.vector_load %arg13[%swap3A_1873, %swap3A_1874, %swap3A_1875] {strides = array<i32>} : memref<4x16x128xi32, #tpu.memory_space<vmem>>, vector<16xi32>,
      tpu.vector_store %arg13[%swap3A_1873, %swap3A_1874, %swap3A_1875], %add3A_1870 {strides = array<i32>} : memref<4x16x128xi32, #tpu.memory_space<vmem>>, vector<16xi32>,
      %add3A_1877 = arith.constant 700000 : i32
      %add3A_1878 = vector.broadcast %add3A_1877 : i32 to vector<16xi32>
      %add3A_1879 = arith.addi %add3A_1814, %add3A_1878 : vector<16xi32>
      %swap3A_1880 = arith.constant 2 : i32
      %swap3A_1881 = arith.constant 7 : i32
      %swap3A_1882 = arith.index_cast %swap3A_1880 : i32 to index
      %swap3A_1883 = arith.index_cast %swap3A_1881 : i32 to index
      %swap3A_1884 = arith.index_cast %mul3A_1775 : i32 to index
      %swap3A_1885 = tpu.vector_load %arg13[%swap3A_1882, %swap3A_1883, %swap3A_1884] {strides = array<i32>} : memref<4x16x128xi32, #tpu.memory_space<vmem>>, vector<16xi32>,
      tpu.vector_store %arg13[%swap3A_1882, %swap3A_1883, %swap3A_1884], %add3A_1879 {strides = array<i32>} : memref<4x16x128xi32, #tpu.memory_space<vmem>>, vector<16xi32>,
      %add3A_1886 = arith.constant 800000 : i32
      %add3A_1887 = vector.broadcast %add3A_1886 : i32 to vector<16xi32>
      %add3A_1888 = arith.addi %add3A_1814, %add3A_1887 : vector<16xi32>
      %swap3A_1889 = arith.constant 2 : i32
      %swap3A_1890 = arith.constant 8 : i32
      %swap3A_1891 = arith.index_cast %swap3A_1889 : i32 to index
      %swap3A_1892 = arith.index_cast %swap3A_1890 : i32 to index
      %swap3A_1893 = arith.index_cast %mul3A_1775 : i32 to index
      %swap3A_1894 = tpu.vector_load %arg13[%swap3A_1891, %swap3A_1892, %swap3A_1893] {strides = array<i32>} : memref<4x16x128xi32, #tpu.memory_space<vmem>>, vector<16xi32>,
      tpu.vector_store %arg13[%swap3A_1891, %swap3A_1892, %swap3A_1893], %add3A_1888 {strides = array<i32>} : memref<4x16x128xi32, #tpu.memory_space<vmem>>, vector<16xi32>,
      %add3A_1895 = arith.constant 900000 : i32
      %add3A_1896 = vector.broadcast %add3A_1895 : i32 to vector<16xi32>
      %add3A_1897 = arith.addi %add3A_1814, %add3A_1896 : vector<16xi32>
      %swap3A_1898 = arith.constant 2 : i32
      %swap3A_1899 = arith.constant 9 : i32
      %swap3A_1900 = arith.index_cast %swap3A_1898 : i32 to index
      %swap3A_1901 = arith.index_cast %swap3A_1899 : i32 to index
      %swap3A_1902 = arith.index_cast %mul3A_1775 : i32 to index
      %swap3A_1903 = tpu.vector_load %arg13[%swap3A_1900, %swap3A_1901, %swap3A_1902] {strides = array<i32>} : memref<4x16x128xi32, #tpu.memory_space<vmem>>, vector<16xi32>,
      tpu.vector_store %arg13[%swap3A_1900, %swap3A_1901, %swap3A_1902], %add3A_1897 {strides = array<i32>} : memref<4x16x128xi32, #tpu.memory_space<vmem>>, vector<16xi32>,
      %add3A_1904 = arith.constant 1000000 : i32
      %add3A_1905 = vector.broadcast %add3A_1904 : i32 to vector<16xi32>
      %add3A_1906 = arith.addi %add3A_1814, %add3A_1905 : vector<16xi32>
      %swap3A_1907 = arith.constant 2 : i32
      %swap3A_1908 = arith.constant 10 : i32
      %swap3A_1909 = arith.index_cast %swap3A_1907 : i32 to index
      %swap3A_1910 = arith.index_cast %swap3A_1908 : i32 to index
      %swap3A_1911 = arith.index_cast %mul3A_1775 : i32 to index
      %swap3A_1912 = tpu.vector_load %arg13[%swap3A_1909, %swap3A_1910, %swap3A_1911] {strides = array<i32>} : memref<4x16x128xi32, #tpu.memory_space<vmem>>, vector<16xi32>,
      tpu.vector_store %arg13[%swap3A_1909, %swap3A_1910, %swap3A_1911], %add3A_1906 {strides = array<i32>} : memref<4x16x128xi32, #tpu.memory_space<vmem>>, vector<16xi32>,
      %add3A_1913 = arith.constant 1100000 : i32
      %add3A_1914 = vector.broadcast %add3A_1913 : i32 to vector<16xi32>
      %add3A_1915 = arith.addi %add3A_1814, %add3A_1914 : vector<16xi32>
      %swap3A_1916 = arith.constant 2 : i32
      %swap3A_1917 = arith.constant 11 : i32
      %swap3A_1918 = arith.index_cast %swap3A_1916 : i32 to index
      %swap3A_1919 = arith.index_cast %swap3A_1917 : i32 to index
      %swap3A_1920 = arith.index_cast %mul3A_1775 : i32 to index
      %swap3A_1921 = tpu.vector_load %arg13[%swap3A_1918, %swap3A_1919, %swap3A_1920] {strides = array<i32>} : memref<4x16x128xi32, #tpu.memory_space<vmem>>, vector<16xi32>,
      tpu.vector_store %arg13[%swap3A_1918, %swap3A_1919, %swap3A_1920], %add3A_1915 {strides = array<i32>} : memref<4x16x128xi32, #tpu.memory_space<vmem>>, vector<16xi32>,
      %add3A_1922 = arith.constant 1200000 : i32
      %add3A_1923 = vector.broadcast %add3A_1922 : i32 to vector<16xi32>
      %add3A_1924 = arith.addi %add3A_1814, %add3A_1923 : vector<16xi32>
      %swap3A_1925 = arith.constant 2 : i32
      %swap3A_1926 = arith.constant 12 : i32
      %swap3A_1927 = arith.index_cast %swap3A_1925 : i32 to index
      %swap3A_1928 = arith.index_cast %swap3A_1926 : i32 to index
      %swap3A_1929 = arith.index_cast %mul3A_1775 : i32 to index
      %swap3A_1930 = tpu.vector_load %arg13[%swap3A_1927, %swap3A_1928, %swap3A_1929] {strides = array<i32>} : memref<4x16x128xi32, #tpu.memory_space<vmem>>, vector<16xi32>,
      tpu.vector_store %arg13[%swap3A_1927, %swap3A_1928, %swap3A_1929], %add3A_1924 {strides = array<i32>} : memref<4x16x128xi32, #tpu.memory_space<vmem>>, vector<16xi32>,
      %add3A_1931 = arith.constant 1300000 : i32
      %add3A_1932 = vector.broadcast %add3A_1931 : i32 to vector<16xi32>
      %add3A_1933 = arith.addi %add3A_1814, %add3A_1932 : vector<16xi32>
      %swap3A_1934 = arith.constant 2 : i32
      %swap3A_1935 = arith.constant 13 : i32
      %swap3A_1936 = arith.index_cast %swap3A_1934 : i32 to index
      %swap3A_1937 = arith.index_cast %swap3A_1935 : i32 to index
      %swap3A_1938 = arith.index_cast %mul3A_1775 : i32 to index
      %swap3A_1939 = tpu.vector_load %arg13[%swap3A_1936, %swap3A_1937, %swap3A_1938] {strides = array<i32>} : memref<4x16x128xi32, #tpu.memory_space<vmem>>, vector<16xi32>,
      tpu.vector_store %arg13[%swap3A_1936, %swap3A_1937, %swap3A_1938], %add3A_1933 {strides = array<i32>} : memref<4x16x128xi32, #tpu.memory_space<vmem>>, vector<16xi32>,
      %add3A_1940 = arith.constant 1400000 : i32
      %add3A_1941 = vector.broadcast %add3A_1940 : i32 to vector<16xi32>
      %add3A_1942 = arith.addi %add3A_1814, %add3A_1941 : vector<16xi32>
      %swap3A_1943 = arith.constant 2 : i32
      %swap3A_1944 = arith.constant 14 : i32
      %swap3A_1945 = arith.index_cast %swap3A_1943 : i32 to index
      %swap3A_1946 = arith.index_cast %swap3A_1944 : i32 to index
      %swap3A_1947 = arith.index_cast %mul3A_1775 : i32 to index
      %swap3A_1948 = tpu.vector_load %arg13[%swap3A_1945, %swap3A_1946, %swap3A_1947] {strides = array<i32>} : memref<4x16x128xi32, #tpu.memory_space<vmem>>, vector<16xi32>,
      tpu.vector_store %arg13[%swap3A_1945, %swap3A_1946, %swap3A_1947], %add3A_1942 {strides = array<i32>} : memref<4x16x128xi32, #tpu.memory_space<vmem>>, vector<16xi32>,
      %add3A_1949 = arith.constant 1500000 : i32
      %add3A_1950 = vector.broadcast %add3A_1949 : i32 to vector<16xi32>
      %add3A_1951 = arith.addi %add3A_1814, %add3A_1950 : vector<16xi32>
      %swap3A_1952 = arith.constant 2 : i32
      %swap3A_1953 = arith.constant 15 : i32
      %swap3A_1954 = arith.index_cast %swap3A_1952 : i32 to index
      %swap3A_1955 = arith.index_cast %swap3A_1953 : i32 to index
      %swap3A_1956 = arith.index_cast %mul3A_1775 : i32 to index
      %swap3A_1957 = tpu.vector_load %arg13[%swap3A_1954, %swap3A_1955, %swap3A_1956] {strides = array<i32>} : memref<4x16x128xi32, #tpu.memory_space<vmem>>, vector<16xi32>,
      tpu.vector_store %arg13[%swap3A_1954, %swap3A_1955, %swap3A_1956], %add3A_1951 {strides = array<i32>} : memref<4x16x128xi32, #tpu.memory_space<vmem>>, vector<16xi32>,
      %scan3A_1958 = arith.constant 0 : i32
      scf.yield %scan3A_1958 : i32
    }
    %scan3A_520 = arith.constant 8 : i32
    %dma_start3A_521 = arith.constant 2 : i32
    %dma_start3A_522 = arith.constant 0 : i32
    %dma_start3A_523 = arith.constant 2 : i32
    %dma_start3A_524 = arith.constant 0 : i32
    %dma_start3A_525 = arith.constant 0 : i32
    %dma_start3A_526 = tpu.memref_slice %arg14[%dma_start3A_523, %dma_start3A_524, %dma_start3A_525] : memref<4x16x128xf32, #tpu.memory_space<vmem>> -> memref<1x1x128xf32, #tpu.memory_space<vmem>>
    %dma_start3A_527 = tpu.memref_squeeze %dma_start3A_526 : memref<1x1x128xf32, #tpu.memory_space<vmem>> -> memref<128xf32, #tpu.memory_space<vmem>>
    %dma_start3A_528 = arith.constant 0 : i32
    %dma_start3A_529 = tpu.memref_slice %arg13[%dma_start3A_521, %dma_start3A_522, %dma_start3A_528] : memref<4x16x128xi32, #tpu.memory_space<vmem>> -> memref<1x1x128xi32, #tpu.memory_space<vmem>>
    %dma_start3A_530 = tpu.memref_squeeze %dma_start3A_529 : memref<1x1x128xi32, #tpu.memory_space<vmem>> -> memref<128xi32, #tpu.memory_space<vmem>>
    %dma_start3A_531 = arith.constant 0 : i32
    %dma_start3A_532 = tpu.memref_slice %arg6[%dma_start3A_531] : memref<25600000xf32, #tpu.memory_space<hbm>> -> memref<25600000xf32, #tpu.memory_space<hbm>>
    tpu.enqueue_indirect_dma source(%dma_start3A_532 : memref<25600000xf32, #tpu.memory_space<hbm>>) target(%dma_start3A_527 : memref<128xf32, #tpu.memory_space<vmem>>) offsets(%dma_start3A_530 : memref<128xi32, #tpu.memory_space<vmem>>) semaphore(%arg17 : memref<!tpu.dma_semaphore, #tpu.memory_space<semaphore_mem>>)
    %dma_start3A_533 = arith.constant 2 : i32
    %dma_start3A_534 = arith.constant 1 : i32
    %dma_start3A_535 = arith.constant 2 : i32
    %dma_start3A_536 = arith.constant 1 : i32
    %dma_start3A_537 = arith.constant 0 : i32
    %dma_start3A_538 = tpu.memref_slice %arg14[%dma_start3A_535, %dma_start3A_536, %dma_start3A_537] : memref<4x16x128xf32, #tpu.memory_space<vmem>> -> memref<1x1x128xf32, #tpu.memory_space<vmem>>
    %dma_start3A_539 = tpu.memref_squeeze %dma_start3A_538 : memref<1x1x128xf32, #tpu.memory_space<vmem>> -> memref<128xf32, #tpu.memory_space<vmem>>
    %dma_start3A_540 = arith.constant 0 : i32
    %dma_start3A_541 = tpu.memref_slice %arg13[%dma_start3A_533, %dma_start3A_534, %dma_start3A_540] : memref<4x16x128xi32, #tpu.memory_space<vmem>> -> memref<1x1x128xi32, #tpu.memory_space<vmem>>
    %dma_start3A_542 = tpu.memref_squeeze %dma_start3A_541 : memref<1x1x128xi32, #tpu.memory_space<vmem>> -> memref<128xi32, #tpu.memory_space<vmem>>
    %dma_start3A_543 = arith.constant 0 : i32
    %dma_start3A_544 = tpu.memref_slice %arg6[%dma_start3A_543] : memref<25600000xf32, #tpu.memory_space<hbm>> -> memref<25600000xf32, #tpu.memory_space<hbm>>
    tpu.enqueue_indirect_dma source(%dma_start3A_544 : memref<25600000xf32, #tpu.memory_space<hbm>>) target(%dma_start3A_539 : memref<128xf32, #tpu.memory_space<vmem>>) offsets(%dma_start3A_542 : memref<128xi32, #tpu.memory_space<vmem>>) semaphore(%arg17 : memref<!tpu.dma_semaphore, #tpu.memory_space<semaphore_mem>>)
    %dma_start3A_545 = arith.constant 2 : i32
    %dma_start3A_546 = arith.constant 2 : i32
    %dma_start3A_547 = arith.constant 2 : i32
    %dma_start3A_548 = arith.constant 2 : i32
    %dma_start3A_549 = arith.constant 0 : i32
    %dma_start3A_550 = tpu.memref_slice %arg14[%dma_start3A_547, %dma_start3A_548, %dma_start3A_549] : memref<4x16x128xf32, #tpu.memory_space<vmem>> -> memref<1x1x128xf32, #tpu.memory_space<vmem>>
    %dma_start3A_551 = tpu.memref_squeeze %dma_start3A_550 : memref<1x1x128xf32, #tpu.memory_space<vmem>> -> memref<128xf32, #tpu.memory_space<vmem>>
    %dma_start3A_552 = arith.constant 0 : i32
    %dma_start3A_553 = tpu.memref_slice %arg13[%dma_start3A_545, %dma_start3A_546, %dma_start3A_552] : memref<4x16x128xi32, #tpu.memory_space<vmem>> -> memref<1x1x128xi32, #tpu.memory_space<vmem>>
    %dma_start3A_554 = tpu.memref_squeeze %dma_start3A_553 : memref<1x1x128xi32, #tpu.memory_space<vmem>> -> memref<128xi32, #tpu.memory_space<vmem>>
    %dma_start3A_555 = arith.constant 0 : i32
    %dma_start3A_556 = tpu.memref_slice %arg6[%dma_start3A_555] : memref<25600000xf32, #tpu.memory_space<hbm>> -> memref<25600000xf32, #tpu.memory_space<hbm>>
    tpu.enqueue_indirect_dma source(%dma_start3A_556 : memref<25600000xf32, #tpu.memory_space<hbm>>) target(%dma_start3A_551 : memref<128xf32, #tpu.memory_space<vmem>>) offsets(%dma_start3A_554 : memref<128xi32, #tpu.memory_space<vmem>>) semaphore(%arg17 : memref<!tpu.dma_semaphore, #tpu.memory_space<semaphore_mem>>)
    %dma_start3A_557 = arith.constant 2 : i32
    %dma_start3A_558 = arith.constant 3 : i32
    %dma_start3A_559 = arith.constant 2 : i32
    %dma_start3A_560 = arith.constant 3 : i32
    %dma_start3A_561 = arith.constant 0 : i32
    %dma_start3A_562 = tpu.memref_slice %arg14[%dma_start3A_559, %dma_start3A_560, %dma_start3A_561] : memref<4x16x128xf32, #tpu.memory_space<vmem>> -> memref<1x1x128xf32, #tpu.memory_space<vmem>>
    %dma_start3A_563 = tpu.memref_squeeze %dma_start3A_562 : memref<1x1x128xf32, #tpu.memory_space<vmem>> -> memref<128xf32, #tpu.memory_space<vmem>>
    %dma_start3A_564 = arith.constant 0 : i32
    %dma_start3A_565 = tpu.memref_slice %arg13[%dma_start3A_557, %dma_start3A_558, %dma_start3A_564] : memref<4x16x128xi32, #tpu.memory_space<vmem>> -> memref<1x1x128xi32, #tpu.memory_space<vmem>>
    %dma_start3A_566 = tpu.memref_squeeze %dma_start3A_565 : memref<1x1x128xi32, #tpu.memory_space<vmem>> -> memref<128xi32, #tpu.memory_space<vmem>>
    %dma_start3A_567 = arith.constant 0 : i32
    %dma_start3A_568 = tpu.memref_slice %arg6[%dma_start3A_567] : memref<25600000xf32, #tpu.memory_space<hbm>> -> memref<25600000xf32, #tpu.memory_space<hbm>>
    tpu.enqueue_indirect_dma source(%dma_start3A_568 : memref<25600000xf32, #tpu.memory_space<hbm>>) target(%dma_start3A_563 : memref<128xf32, #tpu.memory_space<vmem>>) offsets(%dma_start3A_566 : memref<128xi32, #tpu.memory_space<vmem>>) semaphore(%arg17 : memref<!tpu.dma_semaphore, #tpu.memory_space<semaphore_mem>>)
    %dma_start3A_569 = arith.constant 2 : i32
    %dma_start3A_570 = arith.constant 4 : i32
    %dma_start3A_571 = arith.constant 2 : i32
    %dma_start3A_572 = arith.constant 4 : i32
    %dma_start3A_573 = arith.constant 0 : i32
    %dma_start3A_574 = tpu.memref_slice %arg14[%dma_start3A_571, %dma_start3A_572, %dma_start3A_573] : memref<4x16x128xf32, #tpu.memory_space<vmem>> -> memref<1x1x128xf32, #tpu.memory_space<vmem>>
    %dma_start3A_575 = tpu.memref_squeeze %dma_start3A_574 : memref<1x1x128xf32, #tpu.memory_space<vmem>> -> memref<128xf32, #tpu.memory_space<vmem>>
    %dma_start3A_576 = arith.constant 0 : i32
    %dma_start3A_577 = tpu.memref_slice %arg13[%dma_start3A_569, %dma_start3A_570, %dma_start3A_576] : memref<4x16x128xi32, #tpu.memory_space<vmem>> -> memref<1x1x128xi32, #tpu.memory_space<vmem>>
    %dma_start3A_578 = tpu.memref_squeeze %dma_start3A_577 : memref<1x1x128xi32, #tpu.memory_space<vmem>> -> memref<128xi32, #tpu.memory_space<vmem>>
    %dma_start3A_579 = arith.constant 0 : i32
    %dma_start3A_580 = tpu.memref_slice %arg6[%dma_start3A_579] : memref<25600000xf32, #tpu.memory_space<hbm>> -> memref<25600000xf32, #tpu.memory_space<hbm>>
    tpu.enqueue_indirect_dma source(%dma_start3A_580 : memref<25600000xf32, #tpu.memory_space<hbm>>) target(%dma_start3A_575 : memref<128xf32, #tpu.memory_space<vmem>>) offsets(%dma_start3A_578 : memref<128xi32, #tpu.memory_space<vmem>>) semaphore(%arg17 : memref<!tpu.dma_semaphore, #tpu.memory_space<semaphore_mem>>)
    %dma_start3A_581 = arith.constant 2 : i32
    %dma_start3A_582 = arith.constant 5 : i32
    %dma_start3A_583 = arith.constant 2 : i32
    %dma_start3A_584 = arith.constant 5 : i32
    %dma_start3A_585 = arith.constant 0 : i32
    %dma_start3A_586 = tpu.memref_slice %arg14[%dma_start3A_583, %dma_start3A_584, %dma_start3A_585] : memref<4x16x128xf32, #tpu.memory_space<vmem>> -> memref<1x1x128xf32, #tpu.memory_space<vmem>>
    %dma_start3A_587 = tpu.memref_squeeze %dma_start3A_586 : memref<1x1x128xf32, #tpu.memory_space<vmem>> -> memref<128xf32, #tpu.memory_space<vmem>>
    %dma_start3A_588 = arith.constant 0 : i32
    %dma_start3A_589 = tpu.memref_slice %arg13[%dma_start3A_581, %dma_start3A_582, %dma_start3A_588] : memref<4x16x128xi32, #tpu.memory_space<vmem>> -> memref<1x1x128xi32, #tpu.memory_space<vmem>>
    %dma_start3A_590 = tpu.memref_squeeze %dma_start3A_589 : memref<1x1x128xi32, #tpu.memory_space<vmem>> -> memref<128xi32, #tpu.memory_space<vmem>>
    %dma_start3A_591 = arith.constant 0 : i32
    %dma_start3A_592 = tpu.memref_slice %arg6[%dma_start3A_591] : memref<25600000xf32, #tpu.memory_space<hbm>> -> memref<25600000xf32, #tpu.memory_space<hbm>>
    tpu.enqueue_indirect_dma source(%dma_start3A_592 : memref<25600000xf32, #tpu.memory_space<hbm>>) target(%dma_start3A_587 : memref<128xf32, #tpu.memory_space<vmem>>) offsets(%dma_start3A_590 : memref<128xi32, #tpu.memory_space<vmem>>) semaphore(%arg17 : memref<!tpu.dma_semaphore, #tpu.memory_space<semaphore_mem>>)
    %dma_start3A_593 = arith.constant 2 : i32
    %dma_start3A_594 = arith.constant 6 : i32
    %dma_start3A_595 = arith.constant 2 : i32
    %dma_start3A_596 = arith.constant 6 : i32
    %dma_start3A_597 = arith.constant 0 : i32
    %dma_start3A_598 = tpu.memref_slice %arg14[%dma_start3A_595, %dma_start3A_596, %dma_start3A_597] : memref<4x16x128xf32, #tpu.memory_space<vmem>> -> memref<1x1x128xf32, #tpu.memory_space<vmem>>
    %dma_start3A_599 = tpu.memref_squeeze %dma_start3A_598 : memref<1x1x128xf32, #tpu.memory_space<vmem>> -> memref<128xf32, #tpu.memory_space<vmem>>
    %dma_start3A_600 = arith.constant 0 : i32
    %dma_start3A_601 = tpu.memref_slice %arg13[%dma_start3A_593, %dma_start3A_594, %dma_start3A_600] : memref<4x16x128xi32, #tpu.memory_space<vmem>> -> memref<1x1x128xi32, #tpu.memory_space<vmem>>
    %dma_start3A_602 = tpu.memref_squeeze %dma_start3A_601 : memref<1x1x128xi32, #tpu.memory_space<vmem>> -> memref<128xi32, #tpu.memory_space<vmem>>
    %dma_start3A_603 = arith.constant 0 : i32
    %dma_start3A_604 = tpu.memref_slice %arg6[%dma_start3A_603] : memref<25600000xf32, #tpu.memory_space<hbm>> -> memref<25600000xf32, #tpu.memory_space<hbm>>
    tpu.enqueue_indirect_dma source(%dma_start3A_604 : memref<25600000xf32, #tpu.memory_space<hbm>>) target(%dma_start3A_599 : memref<128xf32, #tpu.memory_space<vmem>>) offsets(%dma_start3A_602 : memref<128xi32, #tpu.memory_space<vmem>>) semaphore(%arg17 : memref<!tpu.dma_semaphore, #tpu.memory_space<semaphore_mem>>)
    %dma_start3A_605 = arith.constant 2 : i32
    %dma_start3A_606 = arith.constant 7 : i32
    %dma_start3A_607 = arith.constant 2 : i32
    %dma_start3A_608 = arith.constant 7 : i32
    %dma_start3A_609 = arith.constant 0 : i32
    %dma_start3A_610 = tpu.memref_slice %arg14[%dma_start3A_607, %dma_start3A_608, %dma_start3A_609] : memref<4x16x128xf32, #tpu.memory_space<vmem>> -> memref<1x1x128xf32, #tpu.memory_space<vmem>>
    %dma_start3A_611 = tpu.memref_squeeze %dma_start3A_610 : memref<1x1x128xf32, #tpu.memory_space<vmem>> -> memref<128xf32, #tpu.memory_space<vmem>>
    %dma_start3A_612 = arith.constant 0 : i32
    %dma_start3A_613 = tpu.memref_slice %arg13[%dma_start3A_605, %dma_start3A_606, %dma_start3A_612] : memref<4x16x128xi32, #tpu.memory_space<vmem>> -> memref<1x1x128xi32, #tpu.memory_space<vmem>>
    %dma_start3A_614 = tpu.memref_squeeze %dma_start3A_613 : memref<1x1x128xi32, #tpu.memory_space<vmem>> -> memref<128xi32, #tpu.memory_space<vmem>>
    %dma_start3A_615 = arith.constant 0 : i32
    %dma_start3A_616 = tpu.memref_slice %arg6[%dma_start3A_615] : memref<25600000xf32, #tpu.memory_space<hbm>> -> memref<25600000xf32, #tpu.memory_space<hbm>>
    tpu.enqueue_indirect_dma source(%dma_start3A_616 : memref<25600000xf32, #tpu.memory_space<hbm>>) target(%dma_start3A_611 : memref<128xf32, #tpu.memory_space<vmem>>) offsets(%dma_start3A_614 : memref<128xi32, #tpu.memory_space<vmem>>) semaphore(%arg17 : memref<!tpu.dma_semaphore, #tpu.memory_space<semaphore_mem>>)
    %dma_start3A_617 = arith.constant 2 : i32
    %dma_start3A_618 = arith.constant 8 : i32
    %dma_start3A_619 = arith.constant 2 : i32
    %dma_start3A_620 = arith.constant 8 : i32
    %dma_start3A_621 = arith.constant 0 : i32
    %dma_start3A_622 = tpu.memref_slice %arg14[%dma_start3A_619, %dma_start3A_620, %dma_start3A_621] : memref<4x16x128xf32, #tpu.memory_space<vmem>> -> memref<1x1x128xf32, #tpu.memory_space<vmem>>
    %dma_start3A_623 = tpu.memref_squeeze %dma_start3A_622 : memref<1x1x128xf32, #tpu.memory_space<vmem>> -> memref<128xf32, #tpu.memory_space<vmem>>
    %dma_start3A_624 = arith.constant 0 : i32
    %dma_start3A_625 = tpu.memref_slice %arg13[%dma_start3A_617, %dma_start3A_618, %dma_start3A_624] : memref<4x16x128xi32, #tpu.memory_space<vmem>> -> memref<1x1x128xi32, #tpu.memory_space<vmem>>
    %dma_start3A_626 = tpu.memref_squeeze %dma_start3A_625 : memref<1x1x128xi32, #tpu.memory_space<vmem>> -> memref<128xi32, #tpu.memory_space<vmem>>
    %dma_start3A_627 = arith.constant 0 : i32
    %dma_start3A_628 = tpu.memref_slice %arg6[%dma_start3A_627] : memref<25600000xf32, #tpu.memory_space<hbm>> -> memref<25600000xf32, #tpu.memory_space<hbm>>
    tpu.enqueue_indirect_dma source(%dma_start3A_628 : memref<25600000xf32, #tpu.memory_space<hbm>>) target(%dma_start3A_623 : memref<128xf32, #tpu.memory_space<vmem>>) offsets(%dma_start3A_626 : memref<128xi32, #tpu.memory_space<vmem>>) semaphore(%arg17 : memref<!tpu.dma_semaphore, #tpu.memory_space<semaphore_mem>>)
    %dma_start3A_629 = arith.constant 2 : i32
    %dma_start3A_630 = arith.constant 9 : i32
    %dma_start3A_631 = arith.constant 2 : i32
    %dma_start3A_632 = arith.constant 9 : i32
    %dma_start3A_633 = arith.constant 0 : i32
    %dma_start3A_634 = tpu.memref_slice %arg14[%dma_start3A_631, %dma_start3A_632, %dma_start3A_633] : memref<4x16x128xf32, #tpu.memory_space<vmem>> -> memref<1x1x128xf32, #tpu.memory_space<vmem>>
    %dma_start3A_635 = tpu.memref_squeeze %dma_start3A_634 : memref<1x1x128xf32, #tpu.memory_space<vmem>> -> memref<128xf32, #tpu.memory_space<vmem>>
    %dma_start3A_636 = arith.constant 0 : i32
    %dma_start3A_637 = tpu.memref_slice %arg13[%dma_start3A_629, %dma_start3A_630, %dma_start3A_636] : memref<4x16x128xi32, #tpu.memory_space<vmem>> -> memref<1x1x128xi32, #tpu.memory_space<vmem>>
    %dma_start3A_638 = tpu.memref_squeeze %dma_start3A_637 : memref<1x1x128xi32, #tpu.memory_space<vmem>> -> memref<128xi32, #tpu.memory_space<vmem>>
    %dma_start3A_639 = arith.constant 0 : i32
    %dma_start3A_640 = tpu.memref_slice %arg6[%dma_start3A_639] : memref<25600000xf32, #tpu.memory_space<hbm>> -> memref<25600000xf32, #tpu.memory_space<hbm>>
    tpu.enqueue_indirect_dma source(%dma_start3A_640 : memref<25600000xf32, #tpu.memory_space<hbm>>) target(%dma_start3A_635 : memref<128xf32, #tpu.memory_space<vmem>>) offsets(%dma_start3A_638 : memref<128xi32, #tpu.memory_space<vmem>>) semaphore(%arg17 : memref<!tpu.dma_semaphore, #tpu.memory_space<semaphore_mem>>)
    %dma_start3A_641 = arith.constant 2 : i32
    %dma_start3A_642 = arith.constant 10 : i32
    %dma_start3A_643 = arith.constant 2 : i32
    %dma_start3A_644 = arith.constant 10 : i32
    %dma_start3A_645 = arith.constant 0 : i32
    %dma_start3A_646 = tpu.memref_slice %arg14[%dma_start3A_643, %dma_start3A_644, %dma_start3A_645] : memref<4x16x128xf32, #tpu.memory_space<vmem>> -> memref<1x1x128xf32, #tpu.memory_space<vmem>>
    %dma_start3A_647 = tpu.memref_squeeze %dma_start3A_646 : memref<1x1x128xf32, #tpu.memory_space<vmem>> -> memref<128xf32, #tpu.memory_space<vmem>>
    %dma_start3A_648 = arith.constant 0 : i32
    %dma_start3A_649 = tpu.memref_slice %arg13[%dma_start3A_641, %dma_start3A_642, %dma_start3A_648] : memref<4x16x128xi32, #tpu.memory_space<vmem>> -> memref<1x1x128xi32, #tpu.memory_space<vmem>>
    %dma_start3A_650 = tpu.memref_squeeze %dma_start3A_649 : memref<1x1x128xi32, #tpu.memory_space<vmem>> -> memref<128xi32, #tpu.memory_space<vmem>>
    %dma_start3A_651 = arith.constant 0 : i32
    %dma_start3A_652 = tpu.memref_slice %arg6[%dma_start3A_651] : memref<25600000xf32, #tpu.memory_space<hbm>> -> memref<25600000xf32, #tpu.memory_space<hbm>>
    tpu.enqueue_indirect_dma source(%dma_start3A_652 : memref<25600000xf32, #tpu.memory_space<hbm>>) target(%dma_start3A_647 : memref<128xf32, #tpu.memory_space<vmem>>) offsets(%dma_start3A_650 : memref<128xi32, #tpu.memory_space<vmem>>) semaphore(%arg17 : memref<!tpu.dma_semaphore, #tpu.memory_space<semaphore_mem>>)
    %dma_start3A_653 = arith.constant 2 : i32
    %dma_start3A_654 = arith.constant 11 : i32
    %dma_start3A_655 = arith.constant 2 : i32
    %dma_start3A_656 = arith.constant 11 : i32
    %dma_start3A_657 = arith.constant 0 : i32
    %dma_start3A_658 = tpu.memref_slice %arg14[%dma_start3A_655, %dma_start3A_656, %dma_start3A_657] : memref<4x16x128xf32, #tpu.memory_space<vmem>> -> memref<1x1x128xf32, #tpu.memory_space<vmem>>
    %dma_start3A_659 = tpu.memref_squeeze %dma_start3A_658 : memref<1x1x128xf32, #tpu.memory_space<vmem>> -> memref<128xf32, #tpu.memory_space<vmem>>
    %dma_start3A_660 = arith.constant 0 : i32
    %dma_start3A_661 = tpu.memref_slice %arg13[%dma_start3A_653, %dma_start3A_654, %dma_start3A_660] : memref<4x16x128xi32, #tpu.memory_space<vmem>> -> memref<1x1x128xi32, #tpu.memory_space<vmem>>
    %dma_start3A_662 = tpu.memref_squeeze %dma_start3A_661 : memref<1x1x128xi32, #tpu.memory_space<vmem>> -> memref<128xi32, #tpu.memory_space<vmem>>
    %dma_start3A_663 = arith.constant 0 : i32
    %dma_start3A_664 = tpu.memref_slice %arg6[%dma_start3A_663] : memref<25600000xf32, #tpu.memory_space<hbm>> -> memref<25600000xf32, #tpu.memory_space<hbm>>
    tpu.enqueue_indirect_dma source(%dma_start3A_664 : memref<25600000xf32, #tpu.memory_space<hbm>>) target(%dma_start3A_659 : memref<128xf32, #tpu.memory_space<vmem>>) offsets(%dma_start3A_662 : memref<128xi32, #tpu.memory_space<vmem>>) semaphore(%arg17 : memref<!tpu.dma_semaphore, #tpu.memory_space<semaphore_mem>>)
    %dma_start3A_665 = arith.constant 2 : i32
    %dma_start3A_666 = arith.constant 12 : i32
    %dma_start3A_667 = arith.constant 2 : i32
    %dma_start3A_668 = arith.constant 12 : i32
    %dma_start3A_669 = arith.constant 0 : i32
    %dma_start3A_670 = tpu.memref_slice %arg14[%dma_start3A_667, %dma_start3A_668, %dma_start3A_669] : memref<4x16x128xf32, #tpu.memory_space<vmem>> -> memref<1x1x128xf32, #tpu.memory_space<vmem>>
    %dma_start3A_671 = tpu.memref_squeeze %dma_start3A_670 : memref<1x1x128xf32, #tpu.memory_space<vmem>> -> memref<128xf32, #tpu.memory_space<vmem>>
    %dma_start3A_672 = arith.constant 0 : i32
    %dma_start3A_673 = tpu.memref_slice %arg13[%dma_start3A_665, %dma_start3A_666, %dma_start3A_672] : memref<4x16x128xi32, #tpu.memory_space<vmem>> -> memref<1x1x128xi32, #tpu.memory_space<vmem>>
    %dma_start3A_674 = tpu.memref_squeeze %dma_start3A_673 : memref<1x1x128xi32, #tpu.memory_space<vmem>> -> memref<128xi32, #tpu.memory_space<vmem>>
    %dma_start3A_675 = arith.constant 0 : i32
    %dma_start3A_676 = tpu.memref_slice %arg6[%dma_start3A_675] : memref<25600000xf32, #tpu.memory_space<hbm>> -> memref<25600000xf32, #tpu.memory_space<hbm>>
    tpu.enqueue_indirect_dma source(%dma_start3A_676 : memref<25600000xf32, #tpu.memory_space<hbm>>) target(%dma_start3A_671 : memref<128xf32, #tpu.memory_space<vmem>>) offsets(%dma_start3A_674 : memref<128xi32, #tpu.memory_space<vmem>>) semaphore(%arg17 : memref<!tpu.dma_semaphore, #tpu.memory_space<semaphore_mem>>)
    %dma_start3A_677 = arith.constant 2 : i32
    %dma_start3A_678 = arith.constant 13 : i32
    %dma_start3A_679 = arith.constant 2 : i32
    %dma_start3A_680 = arith.constant 13 : i32
    %dma_start3A_681 = arith.constant 0 : i32
    %dma_start3A_682 = tpu.memref_slice %arg14[%dma_start3A_679, %dma_start3A_680, %dma_start3A_681] : memref<4x16x128xf32, #tpu.memory_space<vmem>> -> memref<1x1x128xf32, #tpu.memory_space<vmem>>
    %dma_start3A_683 = tpu.memref_squeeze %dma_start3A_682 : memref<1x1x128xf32, #tpu.memory_space<vmem>> -> memref<128xf32, #tpu.memory_space<vmem>>
    %dma_start3A_684 = arith.constant 0 : i32
    %dma_start3A_685 = tpu.memref_slice %arg13[%dma_start3A_677, %dma_start3A_678, %dma_start3A_684] : memref<4x16x128xi32, #tpu.memory_space<vmem>> -> memref<1x1x128xi32, #tpu.memory_space<vmem>>
    %dma_start3A_686 = tpu.memref_squeeze %dma_start3A_685 : memref<1x1x128xi32, #tpu.memory_space<vmem>> -> memref<128xi32, #tpu.memory_space<vmem>>
    %dma_start3A_687 = arith.constant 0 : i32
    %dma_start3A_688 = tpu.memref_slice %arg6[%dma_start3A_687] : memref<25600000xf32, #tpu.memory_space<hbm>> -> memref<25600000xf32, #tpu.memory_space<hbm>>
    tpu.enqueue_indirect_dma source(%dma_start3A_688 : memref<25600000xf32, #tpu.memory_space<hbm>>) target(%dma_start3A_683 : memref<128xf32, #tpu.memory_space<vmem>>) offsets(%dma_start3A_686 : memref<128xi32, #tpu.memory_space<vmem>>) semaphore(%arg17 : memref<!tpu.dma_semaphore, #tpu.memory_space<semaphore_mem>>)
    %dma_start3A_689 = arith.constant 2 : i32
    %dma_start3A_690 = arith.constant 14 : i32
    %dma_start3A_691 = arith.constant 2 : i32
    %dma_start3A_692 = arith.constant 14 : i32
    %dma_start3A_693 = arith.constant 0 : i32
    %dma_start3A_694 = tpu.memref_slice %arg14[%dma_start3A_691, %dma_start3A_692, %dma_start3A_693] : memref<4x16x128xf32, #tpu.memory_space<vmem>> -> memref<1x1x128xf32, #tpu.memory_space<vmem>>
    %dma_start3A_695 = tpu.memref_squeeze %dma_start3A_694 : memref<1x1x128xf32, #tpu.memory_space<vmem>> -> memref<128xf32, #tpu.memory_space<vmem>>
    %dma_start3A_696 = arith.constant 0 : i32
    %dma_start3A_697 = tpu.memref_slice %arg13[%dma_start3A_689, %dma_start3A_690, %dma_start3A_696] : memref<4x16x128xi32, #tpu.memory_space<vmem>> -> memref<1x1x128xi32, #tpu.memory_space<vmem>>
    %dma_start3A_698 = tpu.memref_squeeze %dma_start3A_697 : memref<1x1x128xi32, #tpu.memory_space<vmem>> -> memref<128xi32, #tpu.memory_space<vmem>>
    %dma_start3A_699 = arith.constant 0 : i32
    %dma_start3A_700 = tpu.memref_slice %arg6[%dma_start3A_699] : memref<25600000xf32, #tpu.memory_space<hbm>> -> memref<25600000xf32, #tpu.memory_space<hbm>>
    tpu.enqueue_indirect_dma source(%dma_start3A_700 : memref<25600000xf32, #tpu.memory_space<hbm>>) target(%dma_start3A_695 : memref<128xf32, #tpu.memory_space<vmem>>) offsets(%dma_start3A_698 : memref<128xi32, #tpu.memory_space<vmem>>) semaphore(%arg17 : memref<!tpu.dma_semaphore, #tpu.memory_space<semaphore_mem>>)
    %dma_start3A_701 = arith.constant 2 : i32
    %dma_start3A_702 = arith.constant 15 : i32
    %dma_start3A_703 = arith.constant 2 : i32
    %dma_start3A_704 = arith.constant 15 : i32
    %dma_start3A_705 = arith.constant 0 : i32
    %dma_start3A_706 = tpu.memref_slice %arg14[%dma_start3A_703, %dma_start3A_704, %dma_start3A_705] : memref<4x16x128xf32, #tpu.memory_space<vmem>> -> memref<1x1x128xf32, #tpu.memory_space<vmem>>
    %dma_start3A_707 = tpu.memref_squeeze %dma_start3A_706 : memref<1x1x128xf32, #tpu.memory_space<vmem>> -> memref<128xf32, #tpu.memory_space<vmem>>
    %dma_start3A_708 = arith.constant 0 : i32
    %dma_start3A_709 = tpu.memref_slice %arg13[%dma_start3A_701, %dma_start3A_702, %dma_start3A_708] : memref<4x16x128xi32, #tpu.memory_space<vmem>> -> memref<1x1x128xi32, #tpu.memory_space<vmem>>
    %dma_start3A_710 = tpu.memref_squeeze %dma_start3A_709 : memref<1x1x128xi32, #tpu.memory_space<vmem>> -> memref<128xi32, #tpu.memory_space<vmem>>
    %dma_start3A_711 = arith.constant 0 : i32
    %dma_start3A_712 = tpu.memref_slice %arg6[%dma_start3A_711] : memref<25600000xf32, #tpu.memory_space<hbm>> -> memref<25600000xf32, #tpu.memory_space<hbm>>
    tpu.enqueue_indirect_dma source(%dma_start3A_712 : memref<25600000xf32, #tpu.memory_space<hbm>>) target(%dma_start3A_707 : memref<128xf32, #tpu.memory_space<vmem>>) offsets(%dma_start3A_710 : memref<128xi32, #tpu.memory_space<vmem>>) semaphore(%arg17 : memref<!tpu.dma_semaphore, #tpu.memory_space<semaphore_mem>>)
    %dma_start3A_713 = arith.constant 2 : i32
    %dma_start3A_714 = arith.constant 2 : i32
    %dma_start3A_715 = arith.constant 0 : i32
    %dma_start3A_716 = tpu.memref_slice %arg15[%dma_start3A_714, %dma_start3A_715] : memref<4x128xf32, #tpu.memory_space<vmem>> -> memref<1x128xf32, #tpu.memory_space<vmem>>
    %dma_start3A_717 = tpu.memref_squeeze %dma_start3A_716 : memref<1x128xf32, #tpu.memory_space<vmem>> -> memref<128xf32, #tpu.memory_space<vmem>>
    %dma_start3A_718 = arith.constant 0 : i32
    %dma_start3A_719 = tpu.memref_slice %arg9[%dma_start3A_713, %dma_start3A_718] : memref<4x128xi32, #tpu.memory_space<vmem>> -> memref<1x128xi32, #tpu.memory_space<vmem>>
    %dma_start3A_720 = tpu.memref_squeeze %dma_start3A_719 : memref<1x128xi32, #tpu.memory_space<vmem>> -> memref<128xi32, #tpu.memory_space<vmem>>
    %dma_start3A_721 = arith.constant 0 : i32
    %dma_start3A_722 = tpu.memref_slice %arg7[%dma_start3A_721] : memref<100000xf32, #tpu.memory_space<hbm>> -> memref<100000xf32, #tpu.memory_space<hbm>>
    tpu.enqueue_indirect_dma source(%dma_start3A_722 : memref<100000xf32, #tpu.memory_space<hbm>>) target(%dma_start3A_717 : memref<128xf32, #tpu.memory_space<vmem>>) offsets(%dma_start3A_720 : memref<128xi32, #tpu.memory_space<vmem>>) semaphore(%arg18 : memref<!tpu.dma_semaphore, #tpu.memory_space<semaphore_mem>>)
    %scan3A_723 = arith.constant 0 : i32
    %scan3A_724 = arith.constant 0 : i32
    %scan3A_725 = arith.constant 8 : i32
    %scan3A_726 = arith.addi %scan3A_724, %scan3A_725 : i32
    %scan3A_727 = arith.constant 1 : i32
    %scan3A_728 = scf.for %scan3A_1772 = %scan3A_724 to %scan3A_726 step %scan3A_727 iter_args(%scan3A_1773 = %scan3A_723) -> (i32)  : i32 {
      %mul3A_1774 = arith.constant 16 : i32
      %mul3A_1775 = arith.muli %scan3A_1772, %mul3A_1774 : i32
      %get3A = arith.constant 3 : i32
      %get3A_1776 = arith.index_cast %get3A : i32 to index
      %get3A_1777 = arith.index_cast %mul3A_1775 : i32 to index
      %get3A_1778 = tpu.vector_load %arg9[%get3A_1776, %get3A_1777] {strides = array<i32>} : memref<4x128xi32, #tpu.memory_space<vmem>>, vector<16xi32>,
      %add3A_1779 = arith.constant 384 : i32
      %add3A_1780 = arith.addi %add3A_1779, %mul3A_1775 : i32
      %get3A_1781 = arith.index_cast %add3A_1780 : i32 to index
      %get3A_1782 = tpu.vector_load %arg10[%get3A_1781] {strides = array<i32>} : memref<512xi32, #tpu.memory_space<vmem>>, vector<16xi32>,
      %add3A_1783 = arith.constant 384 : i32
      %add3A_1784 = arith.addi %add3A_1783, %mul3A_1775 : i32
      %get3A_1785 = arith.constant 0 : i32
      %get3A_1786 = arith.index_cast %get3A_1785 : i32 to index
      %get3A_1787 = arith.index_cast %add3A_1784 : i32 to index
      %get3A_1788 = tpu.vector_load %arg11[%get3A_1786, %get3A_1787] {strides = array<i32>} : memref<2x512xi32, #tpu.memory_space<vmem>>, vector<16xi32>,
      %add3A_1789 = arith.constant 384 : i32
      %add3A_1790 = arith.addi %add3A_1789, %mul3A_1775 : i32
      %get3A_1791 = arith.constant 1 : i32
      %get3A_1792 = arith.index_cast %get3A_1791 : i32 to index
      %get3A_1793 = arith.index_cast %add3A_1790 : i32 to index
      %get3A_1794 = tpu.vector_load %arg11[%get3A_1792, %get3A_1793] {strides = array<i32>} : memref<2x512xi32, #tpu.memory_space<vmem>>, vector<16xi32>,
      %ge3A = arith.constant 2 : i32
      %ge3A_1795 = vector.broadcast %ge3A : i32 to vector<16xi32>
      %ge3A_1796 = arith.cmpi sge, %get3A_1788, %ge3A_1795 : vector<16xi32>
      %jit3A = arith.constant 1 : i32
      %broadcast_in_dim3A = vector.broadcast %jit3A : i32 to vector<16xi32>
      %select_n3A = arith.select %ge3A_1796, %broadcast_in_dim3A, %get3A_1788 : vector<16xi1>, vector<16xi32>
      %ge3A_1797 = arith.constant 4 : i32
      %ge3A_1798 = vector.broadcast %ge3A_1797 : i32 to vector<16xi32>
      %ge3A_1799 = arith.cmpi sge, %get3A_1794, %ge3A_1798 : vector<16xi32>
      %jit3A_1800 = arith.constant 3 : i32
      %broadcast_in_dim3A_1801 = vector.broadcast %jit3A_1800 : i32 to vector<16xi32>
      %select_n3A_1802 = arith.select %ge3A_1799, %broadcast_in_dim3A_1801, %get3A_1794 : vector<16xi1>, vector<16xi32>
      %mul3A_1803 = arith.constant 2 : i32
      %mul3A_1804 = vector.broadcast %mul3A_1803 : i32 to vector<16xi32>
      %mul3A_1805 = arith.muli %get3A_1782, %mul3A_1804 : vector<16xi32>
      %add3A_1806 = arith.addi %mul3A_1805, %select_n3A : vector<16xi32>
      %mul3A_1807 = arith.constant 4 : i32
      %mul3A_1808 = vector.broadcast %mul3A_1807 : i32 to vector<16xi32>
      %mul3A_1809 = arith.muli %add3A_1806, %mul3A_1808 : vector<16xi32>
      %add3A_1810 = arith.addi %mul3A_1809, %select_n3A_1802 : vector<16xi32>
      %mul3A_1811 = arith.constant 1600000 : i32
      %mul3A_1812 = vector.broadcast %mul3A_1811 : i32 to vector<16xi32>
      %mul3A_1813 = arith.muli %add3A_1810, %mul3A_1812 : vector<16xi32>
      %add3A_1814 = arith.addi %mul3A_1813, %get3A_1778 : vector<16xi32>
      %add3A_1815 = arith.constant 0 : i32
      %add3A_1816 = vector.broadcast %add3A_1815 : i32 to vector<16xi32>
      %add3A_1817 = arith.addi %add3A_1814, %add3A_1816 : vector<16xi32>
      %swap3A = arith.constant 3 : i32
      %swap3A_1818 = arith.constant 0 : i32
      %swap3A_1819 = arith.index_cast %swap3A : i32 to index
      %swap3A_1820 = arith.index_cast %swap3A_1818 : i32 to index
      %swap3A_1821 = arith.index_cast %mul3A_1775 : i32 to index
      %swap3A_1822 = tpu.vector_load %arg13[%swap3A_1819, %swap3A_1820, %swap3A_1821] {strides = array<i32>} : memref<4x16x128xi32, #tpu.memory_space<vmem>>, vector<16xi32>,
      tpu.vector_store %arg13[%swap3A_1819, %swap3A_1820, %swap3A_1821], %add3A_1817 {strides = array<i32>} : memref<4x16x128xi32, #tpu.memory_space<vmem>>, vector<16xi32>,
      %add3A_1823 = arith.constant 100000 : i32
      %add3A_1824 = vector.broadcast %add3A_1823 : i32 to vector<16xi32>
      %add3A_1825 = arith.addi %add3A_1814, %add3A_1824 : vector<16xi32>
      %swap3A_1826 = arith.constant 3 : i32
      %swap3A_1827 = arith.constant 1 : i32
      %swap3A_1828 = arith.index_cast %swap3A_1826 : i32 to index
      %swap3A_1829 = arith.index_cast %swap3A_1827 : i32 to index
      %swap3A_1830 = arith.index_cast %mul3A_1775 : i32 to index
      %swap3A_1831 = tpu.vector_load %arg13[%swap3A_1828, %swap3A_1829, %swap3A_1830] {strides = array<i32>} : memref<4x16x128xi32, #tpu.memory_space<vmem>>, vector<16xi32>,
      tpu.vector_store %arg13[%swap3A_1828, %swap3A_1829, %swap3A_1830], %add3A_1825 {strides = array<i32>} : memref<4x16x128xi32, #tpu.memory_space<vmem>>, vector<16xi32>,
      %add3A_1832 = arith.constant 200000 : i32
      %add3A_1833 = vector.broadcast %add3A_1832 : i32 to vector<16xi32>
      %add3A_1834 = arith.addi %add3A_1814, %add3A_1833 : vector<16xi32>
      %swap3A_1835 = arith.constant 3 : i32
      %swap3A_1836 = arith.constant 2 : i32
      %swap3A_1837 = arith.index_cast %swap3A_1835 : i32 to index
      %swap3A_1838 = arith.index_cast %swap3A_1836 : i32 to index
      %swap3A_1839 = arith.index_cast %mul3A_1775 : i32 to index
      %swap3A_1840 = tpu.vector_load %arg13[%swap3A_1837, %swap3A_1838, %swap3A_1839] {strides = array<i32>} : memref<4x16x128xi32, #tpu.memory_space<vmem>>, vector<16xi32>,
      tpu.vector_store %arg13[%swap3A_1837, %swap3A_1838, %swap3A_1839], %add3A_1834 {strides = array<i32>} : memref<4x16x128xi32, #tpu.memory_space<vmem>>, vector<16xi32>,
      %add3A_1841 = arith.constant 300000 : i32
      %add3A_1842 = vector.broadcast %add3A_1841 : i32 to vector<16xi32>
      %add3A_1843 = arith.addi %add3A_1814, %add3A_1842 : vector<16xi32>
      %swap3A_1844 = arith.constant 3 : i32
      %swap3A_1845 = arith.constant 3 : i32
      %swap3A_1846 = arith.index_cast %swap3A_1844 : i32 to index
      %swap3A_1847 = arith.index_cast %swap3A_1845 : i32 to index
      %swap3A_1848 = arith.index_cast %mul3A_1775 : i32 to index
      %swap3A_1849 = tpu.vector_load %arg13[%swap3A_1846, %swap3A_1847, %swap3A_1848] {strides = array<i32>} : memref<4x16x128xi32, #tpu.memory_space<vmem>>, vector<16xi32>,
      tpu.vector_store %arg13[%swap3A_1846, %swap3A_1847, %swap3A_1848], %add3A_1843 {strides = array<i32>} : memref<4x16x128xi32, #tpu.memory_space<vmem>>, vector<16xi32>,
      %add3A_1850 = arith.constant 400000 : i32
      %add3A_1851 = vector.broadcast %add3A_1850 : i32 to vector<16xi32>
      %add3A_1852 = arith.addi %add3A_1814, %add3A_1851 : vector<16xi32>
      %swap3A_1853 = arith.constant 3 : i32
      %swap3A_1854 = arith.constant 4 : i32
      %swap3A_1855 = arith.index_cast %swap3A_1853 : i32 to index
      %swap3A_1856 = arith.index_cast %swap3A_1854 : i32 to index
      %swap3A_1857 = arith.index_cast %mul3A_1775 : i32 to index
      %swap3A_1858 = tpu.vector_load %arg13[%swap3A_1855, %swap3A_1856, %swap3A_1857] {strides = array<i32>} : memref<4x16x128xi32, #tpu.memory_space<vmem>>, vector<16xi32>,
      tpu.vector_store %arg13[%swap3A_1855, %swap3A_1856, %swap3A_1857], %add3A_1852 {strides = array<i32>} : memref<4x16x128xi32, #tpu.memory_space<vmem>>, vector<16xi32>,
      %add3A_1859 = arith.constant 500000 : i32
      %add3A_1860 = vector.broadcast %add3A_1859 : i32 to vector<16xi32>
      %add3A_1861 = arith.addi %add3A_1814, %add3A_1860 : vector<16xi32>
      %swap3A_1862 = arith.constant 3 : i32
      %swap3A_1863 = arith.constant 5 : i32
      %swap3A_1864 = arith.index_cast %swap3A_1862 : i32 to index
      %swap3A_1865 = arith.index_cast %swap3A_1863 : i32 to index
      %swap3A_1866 = arith.index_cast %mul3A_1775 : i32 to index
      %swap3A_1867 = tpu.vector_load %arg13[%swap3A_1864, %swap3A_1865, %swap3A_1866] {strides = array<i32>} : memref<4x16x128xi32, #tpu.memory_space<vmem>>, vector<16xi32>,
      tpu.vector_store %arg13[%swap3A_1864, %swap3A_1865, %swap3A_1866], %add3A_1861 {strides = array<i32>} : memref<4x16x128xi32, #tpu.memory_space<vmem>>, vector<16xi32>,
      %add3A_1868 = arith.constant 600000 : i32
      %add3A_1869 = vector.broadcast %add3A_1868 : i32 to vector<16xi32>
      %add3A_1870 = arith.addi %add3A_1814, %add3A_1869 : vector<16xi32>
      %swap3A_1871 = arith.constant 3 : i32
      %swap3A_1872 = arith.constant 6 : i32
      %swap3A_1873 = arith.index_cast %swap3A_1871 : i32 to index
      %swap3A_1874 = arith.index_cast %swap3A_1872 : i32 to index
      %swap3A_1875 = arith.index_cast %mul3A_1775 : i32 to index
      %swap3A_1876 = tpu.vector_load %arg13[%swap3A_1873, %swap3A_1874, %swap3A_1875] {strides = array<i32>} : memref<4x16x128xi32, #tpu.memory_space<vmem>>, vector<16xi32>,
      tpu.vector_store %arg13[%swap3A_1873, %swap3A_1874, %swap3A_1875], %add3A_1870 {strides = array<i32>} : memref<4x16x128xi32, #tpu.memory_space<vmem>>, vector<16xi32>,
      %add3A_1877 = arith.constant 700000 : i32
      %add3A_1878 = vector.broadcast %add3A_1877 : i32 to vector<16xi32>
      %add3A_1879 = arith.addi %add3A_1814, %add3A_1878 : vector<16xi32>
      %swap3A_1880 = arith.constant 3 : i32
      %swap3A_1881 = arith.constant 7 : i32
      %swap3A_1882 = arith.index_cast %swap3A_1880 : i32 to index
      %swap3A_1883 = arith.index_cast %swap3A_1881 : i32 to index
      %swap3A_1884 = arith.index_cast %mul3A_1775 : i32 to index
      %swap3A_1885 = tpu.vector_load %arg13[%swap3A_1882, %swap3A_1883, %swap3A_1884] {strides = array<i32>} : memref<4x16x128xi32, #tpu.memory_space<vmem>>, vector<16xi32>,
      tpu.vector_store %arg13[%swap3A_1882, %swap3A_1883, %swap3A_1884], %add3A_1879 {strides = array<i32>} : memref<4x16x128xi32, #tpu.memory_space<vmem>>, vector<16xi32>,
      %add3A_1886 = arith.constant 800000 : i32
      %add3A_1887 = vector.broadcast %add3A_1886 : i32 to vector<16xi32>
      %add3A_1888 = arith.addi %add3A_1814, %add3A_1887 : vector<16xi32>
      %swap3A_1889 = arith.constant 3 : i32
      %swap3A_1890 = arith.constant 8 : i32
      %swap3A_1891 = arith.index_cast %swap3A_1889 : i32 to index
      %swap3A_1892 = arith.index_cast %swap3A_1890 : i32 to index
      %swap3A_1893 = arith.index_cast %mul3A_1775 : i32 to index
      %swap3A_1894 = tpu.vector_load %arg13[%swap3A_1891, %swap3A_1892, %swap3A_1893] {strides = array<i32>} : memref<4x16x128xi32, #tpu.memory_space<vmem>>, vector<16xi32>,
      tpu.vector_store %arg13[%swap3A_1891, %swap3A_1892, %swap3A_1893], %add3A_1888 {strides = array<i32>} : memref<4x16x128xi32, #tpu.memory_space<vmem>>, vector<16xi32>,
      %add3A_1895 = arith.constant 900000 : i32
      %add3A_1896 = vector.broadcast %add3A_1895 : i32 to vector<16xi32>
      %add3A_1897 = arith.addi %add3A_1814, %add3A_1896 : vector<16xi32>
      %swap3A_1898 = arith.constant 3 : i32
      %swap3A_1899 = arith.constant 9 : i32
      %swap3A_1900 = arith.index_cast %swap3A_1898 : i32 to index
      %swap3A_1901 = arith.index_cast %swap3A_1899 : i32 to index
      %swap3A_1902 = arith.index_cast %mul3A_1775 : i32 to index
      %swap3A_1903 = tpu.vector_load %arg13[%swap3A_1900, %swap3A_1901, %swap3A_1902] {strides = array<i32>} : memref<4x16x128xi32, #tpu.memory_space<vmem>>, vector<16xi32>,
      tpu.vector_store %arg13[%swap3A_1900, %swap3A_1901, %swap3A_1902], %add3A_1897 {strides = array<i32>} : memref<4x16x128xi32, #tpu.memory_space<vmem>>, vector<16xi32>,
      %add3A_1904 = arith.constant 1000000 : i32
      %add3A_1905 = vector.broadcast %add3A_1904 : i32 to vector<16xi32>
      %add3A_1906 = arith.addi %add3A_1814, %add3A_1905 : vector<16xi32>
      %swap3A_1907 = arith.constant 3 : i32
      %swap3A_1908 = arith.constant 10 : i32
      %swap3A_1909 = arith.index_cast %swap3A_1907 : i32 to index
      %swap3A_1910 = arith.index_cast %swap3A_1908 : i32 to index
      %swap3A_1911 = arith.index_cast %mul3A_1775 : i32 to index
      %swap3A_1912 = tpu.vector_load %arg13[%swap3A_1909, %swap3A_1910, %swap3A_1911] {strides = array<i32>} : memref<4x16x128xi32, #tpu.memory_space<vmem>>, vector<16xi32>,
      tpu.vector_store %arg13[%swap3A_1909, %swap3A_1910, %swap3A_1911], %add3A_1906 {strides = array<i32>} : memref<4x16x128xi32, #tpu.memory_space<vmem>>, vector<16xi32>,
      %add3A_1913 = arith.constant 1100000 : i32
      %add3A_1914 = vector.broadcast %add3A_1913 : i32 to vector<16xi32>
      %add3A_1915 = arith.addi %add3A_1814, %add3A_1914 : vector<16xi32>
      %swap3A_1916 = arith.constant 3 : i32
      %swap3A_1917 = arith.constant 11 : i32
      %swap3A_1918 = arith.index_cast %swap3A_1916 : i32 to index
      %swap3A_1919 = arith.index_cast %swap3A_1917 : i32 to index
      %swap3A_1920 = arith.index_cast %mul3A_1775 : i32 to index
      %swap3A_1921 = tpu.vector_load %arg13[%swap3A_1918, %swap3A_1919, %swap3A_1920] {strides = array<i32>} : memref<4x16x128xi32, #tpu.memory_space<vmem>>, vector<16xi32>,
      tpu.vector_store %arg13[%swap3A_1918, %swap3A_1919, %swap3A_1920], %add3A_1915 {strides = array<i32>} : memref<4x16x128xi32, #tpu.memory_space<vmem>>, vector<16xi32>,
      %add3A_1922 = arith.constant 1200000 : i32
      %add3A_1923 = vector.broadcast %add3A_1922 : i32 to vector<16xi32>
      %add3A_1924 = arith.addi %add3A_1814, %add3A_1923 : vector<16xi32>
      %swap3A_1925 = arith.constant 3 : i32
      %swap3A_1926 = arith.constant 12 : i32
      %swap3A_1927 = arith.index_cast %swap3A_1925 : i32 to index
      %swap3A_1928 = arith.index_cast %swap3A_1926 : i32 to index
      %swap3A_1929 = arith.index_cast %mul3A_1775 : i32 to index
      %swap3A_1930 = tpu.vector_load %arg13[%swap3A_1927, %swap3A_1928, %swap3A_1929] {strides = array<i32>} : memref<4x16x128xi32, #tpu.memory_space<vmem>>, vector<16xi32>,
      tpu.vector_store %arg13[%swap3A_1927, %swap3A_1928, %swap3A_1929], %add3A_1924 {strides = array<i32>} : memref<4x16x128xi32, #tpu.memory_space<vmem>>, vector<16xi32>,
      %add3A_1931 = arith.constant 1300000 : i32
      %add3A_1932 = vector.broadcast %add3A_1931 : i32 to vector<16xi32>
      %add3A_1933 = arith.addi %add3A_1814, %add3A_1932 : vector<16xi32>
      %swap3A_1934 = arith.constant 3 : i32
      %swap3A_1935 = arith.constant 13 : i32
      %swap3A_1936 = arith.index_cast %swap3A_1934 : i32 to index
      %swap3A_1937 = arith.index_cast %swap3A_1935 : i32 to index
      %swap3A_1938 = arith.index_cast %mul3A_1775 : i32 to index
      %swap3A_1939 = tpu.vector_load %arg13[%swap3A_1936, %swap3A_1937, %swap3A_1938] {strides = array<i32>} : memref<4x16x128xi32, #tpu.memory_space<vmem>>, vector<16xi32>,
      tpu.vector_store %arg13[%swap3A_1936, %swap3A_1937, %swap3A_1938], %add3A_1933 {strides = array<i32>} : memref<4x16x128xi32, #tpu.memory_space<vmem>>, vector<16xi32>,
      %add3A_1940 = arith.constant 1400000 : i32
      %add3A_1941 = vector.broadcast %add3A_1940 : i32 to vector<16xi32>
      %add3A_1942 = arith.addi %add3A_1814, %add3A_1941 : vector<16xi32>
      %swap3A_1943 = arith.constant 3 : i32
      %swap3A_1944 = arith.constant 14 : i32
      %swap3A_1945 = arith.index_cast %swap3A_1943 : i32 to index
      %swap3A_1946 = arith.index_cast %swap3A_1944 : i32 to index
      %swap3A_1947 = arith.index_cast %mul3A_1775 : i32 to index
      %swap3A_1948 = tpu.vector_load %arg13[%swap3A_1945, %swap3A_1946, %swap3A_1947] {strides = array<i32>} : memref<4x16x128xi32, #tpu.memory_space<vmem>>, vector<16xi32>,
      tpu.vector_store %arg13[%swap3A_1945, %swap3A_1946, %swap3A_1947], %add3A_1942 {strides = array<i32>} : memref<4x16x128xi32, #tpu.memory_space<vmem>>, vector<16xi32>,
      %add3A_1949 = arith.constant 1500000 : i32
      %add3A_1950 = vector.broadcast %add3A_1949 : i32 to vector<16xi32>
      %add3A_1951 = arith.addi %add3A_1814, %add3A_1950 : vector<16xi32>
      %swap3A_1952 = arith.constant 3 : i32
      %swap3A_1953 = arith.constant 15 : i32
      %swap3A_1954 = arith.index_cast %swap3A_1952 : i32 to index
      %swap3A_1955 = arith.index_cast %swap3A_1953 : i32 to index
      %swap3A_1956 = arith.index_cast %mul3A_1775 : i32 to index
      %swap3A_1957 = tpu.vector_load %arg13[%swap3A_1954, %swap3A_1955, %swap3A_1956] {strides = array<i32>} : memref<4x16x128xi32, #tpu.memory_space<vmem>>, vector<16xi32>,
      tpu.vector_store %arg13[%swap3A_1954, %swap3A_1955, %swap3A_1956], %add3A_1951 {strides = array<i32>} : memref<4x16x128xi32, #tpu.memory_space<vmem>>, vector<16xi32>,
      %scan3A_1958 = arith.constant 0 : i32
      scf.yield %scan3A_1958 : i32
    }
    %scan3A_729 = arith.constant 8 : i32
    %dma_start3A_730 = arith.constant 3 : i32
    %dma_start3A_731 = arith.constant 0 : i32
    %dma_start3A_732 = arith.constant 3 : i32
    %dma_start3A_733 = arith.constant 0 : i32
    %dma_start3A_734 = arith.constant 0 : i32
    %dma_start3A_735 = tpu.memref_slice %arg14[%dma_start3A_732, %dma_start3A_733, %dma_start3A_734] : memref<4x16x128xf32, #tpu.memory_space<vmem>> -> memref<1x1x128xf32, #tpu.memory_space<vmem>>
    %dma_start3A_736 = tpu.memref_squeeze %dma_start3A_735 : memref<1x1x128xf32, #tpu.memory_space<vmem>> -> memref<128xf32, #tpu.memory_space<vmem>>
    %dma_start3A_737 = arith.constant 0 : i32
    %dma_start3A_738 = tpu.memref_slice %arg13[%dma_start3A_730, %dma_start3A_731, %dma_start3A_737] : memref<4x16x128xi32, #tpu.memory_space<vmem>> -> memref<1x1x128xi32, #tpu.memory_space<vmem>>
    %dma_start3A_739 = tpu.memref_squeeze %dma_start3A_738 : memref<1x1x128xi32, #tpu.memory_space<vmem>> -> memref<128xi32, #tpu.memory_space<vmem>>
    %dma_start3A_740 = arith.constant 0 : i32
    %dma_start3A_741 = tpu.memref_slice %arg6[%dma_start3A_740] : memref<25600000xf32, #tpu.memory_space<hbm>> -> memref<25600000xf32, #tpu.memory_space<hbm>>
    tpu.enqueue_indirect_dma source(%dma_start3A_741 : memref<25600000xf32, #tpu.memory_space<hbm>>) target(%dma_start3A_736 : memref<128xf32, #tpu.memory_space<vmem>>) offsets(%dma_start3A_739 : memref<128xi32, #tpu.memory_space<vmem>>) semaphore(%arg17 : memref<!tpu.dma_semaphore, #tpu.memory_space<semaphore_mem>>)
    %dma_start3A_742 = arith.constant 3 : i32
    %dma_start3A_743 = arith.constant 1 : i32
    %dma_start3A_744 = arith.constant 3 : i32
    %dma_start3A_745 = arith.constant 1 : i32
    %dma_start3A_746 = arith.constant 0 : i32
    %dma_start3A_747 = tpu.memref_slice %arg14[%dma_start3A_744, %dma_start3A_745, %dma_start3A_746] : memref<4x16x128xf32, #tpu.memory_space<vmem>> -> memref<1x1x128xf32, #tpu.memory_space<vmem>>
    %dma_start3A_748 = tpu.memref_squeeze %dma_start3A_747 : memref<1x1x128xf32, #tpu.memory_space<vmem>> -> memref<128xf32, #tpu.memory_space<vmem>>
    %dma_start3A_749 = arith.constant 0 : i32
    %dma_start3A_750 = tpu.memref_slice %arg13[%dma_start3A_742, %dma_start3A_743, %dma_start3A_749] : memref<4x16x128xi32, #tpu.memory_space<vmem>> -> memref<1x1x128xi32, #tpu.memory_space<vmem>>
    %dma_start3A_751 = tpu.memref_squeeze %dma_start3A_750 : memref<1x1x128xi32, #tpu.memory_space<vmem>> -> memref<128xi32, #tpu.memory_space<vmem>>
    %dma_start3A_752 = arith.constant 0 : i32
    %dma_start3A_753 = tpu.memref_slice %arg6[%dma_start3A_752] : memref<25600000xf32, #tpu.memory_space<hbm>> -> memref<25600000xf32, #tpu.memory_space<hbm>>
    tpu.enqueue_indirect_dma source(%dma_start3A_753 : memref<25600000xf32, #tpu.memory_space<hbm>>) target(%dma_start3A_748 : memref<128xf32, #tpu.memory_space<vmem>>) offsets(%dma_start3A_751 : memref<128xi32, #tpu.memory_space<vmem>>) semaphore(%arg17 : memref<!tpu.dma_semaphore, #tpu.memory_space<semaphore_mem>>)
    %dma_start3A_754 = arith.constant 3 : i32
    %dma_start3A_755 = arith.constant 2 : i32
    %dma_start3A_756 = arith.constant 3 : i32
    %dma_start3A_757 = arith.constant 2 : i32
    %dma_start3A_758 = arith.constant 0 : i32
    %dma_start3A_759 = tpu.memref_slice %arg14[%dma_start3A_756, %dma_start3A_757, %dma_start3A_758] : memref<4x16x128xf32, #tpu.memory_space<vmem>> -> memref<1x1x128xf32, #tpu.memory_space<vmem>>
    %dma_start3A_760 = tpu.memref_squeeze %dma_start3A_759 : memref<1x1x128xf32, #tpu.memory_space<vmem>> -> memref<128xf32, #tpu.memory_space<vmem>>
    %dma_start3A_761 = arith.constant 0 : i32
    %dma_start3A_762 = tpu.memref_slice %arg13[%dma_start3A_754, %dma_start3A_755, %dma_start3A_761] : memref<4x16x128xi32, #tpu.memory_space<vmem>> -> memref<1x1x128xi32, #tpu.memory_space<vmem>>
    %dma_start3A_763 = tpu.memref_squeeze %dma_start3A_762 : memref<1x1x128xi32, #tpu.memory_space<vmem>> -> memref<128xi32, #tpu.memory_space<vmem>>
    %dma_start3A_764 = arith.constant 0 : i32
    %dma_start3A_765 = tpu.memref_slice %arg6[%dma_start3A_764] : memref<25600000xf32, #tpu.memory_space<hbm>> -> memref<25600000xf32, #tpu.memory_space<hbm>>
    tpu.enqueue_indirect_dma source(%dma_start3A_765 : memref<25600000xf32, #tpu.memory_space<hbm>>) target(%dma_start3A_760 : memref<128xf32, #tpu.memory_space<vmem>>) offsets(%dma_start3A_763 : memref<128xi32, #tpu.memory_space<vmem>>) semaphore(%arg17 : memref<!tpu.dma_semaphore, #tpu.memory_space<semaphore_mem>>)
    %dma_start3A_766 = arith.constant 3 : i32
    %dma_start3A_767 = arith.constant 3 : i32
    %dma_start3A_768 = arith.constant 3 : i32
    %dma_start3A_769 = arith.constant 3 : i32
    %dma_start3A_770 = arith.constant 0 : i32
    %dma_start3A_771 = tpu.memref_slice %arg14[%dma_start3A_768, %dma_start3A_769, %dma_start3A_770] : memref<4x16x128xf32, #tpu.memory_space<vmem>> -> memref<1x1x128xf32, #tpu.memory_space<vmem>>
    %dma_start3A_772 = tpu.memref_squeeze %dma_start3A_771 : memref<1x1x128xf32, #tpu.memory_space<vmem>> -> memref<128xf32, #tpu.memory_space<vmem>>
    %dma_start3A_773 = arith.constant 0 : i32
    %dma_start3A_774 = tpu.memref_slice %arg13[%dma_start3A_766, %dma_start3A_767, %dma_start3A_773] : memref<4x16x128xi32, #tpu.memory_space<vmem>> -> memref<1x1x128xi32, #tpu.memory_space<vmem>>
    %dma_start3A_775 = tpu.memref_squeeze %dma_start3A_774 : memref<1x1x128xi32, #tpu.memory_space<vmem>> -> memref<128xi32, #tpu.memory_space<vmem>>
    %dma_start3A_776 = arith.constant 0 : i32
    %dma_start3A_777 = tpu.memref_slice %arg6[%dma_start3A_776] : memref<25600000xf32, #tpu.memory_space<hbm>> -> memref<25600000xf32, #tpu.memory_space<hbm>>
    tpu.enqueue_indirect_dma source(%dma_start3A_777 : memref<25600000xf32, #tpu.memory_space<hbm>>) target(%dma_start3A_772 : memref<128xf32, #tpu.memory_space<vmem>>) offsets(%dma_start3A_775 : memref<128xi32, #tpu.memory_space<vmem>>) semaphore(%arg17 : memref<!tpu.dma_semaphore, #tpu.memory_space<semaphore_mem>>)
    %dma_start3A_778 = arith.constant 3 : i32
    %dma_start3A_779 = arith.constant 4 : i32
    %dma_start3A_780 = arith.constant 3 : i32
    %dma_start3A_781 = arith.constant 4 : i32
    %dma_start3A_782 = arith.constant 0 : i32
    %dma_start3A_783 = tpu.memref_slice %arg14[%dma_start3A_780, %dma_start3A_781, %dma_start3A_782] : memref<4x16x128xf32, #tpu.memory_space<vmem>> -> memref<1x1x128xf32, #tpu.memory_space<vmem>>
    %dma_start3A_784 = tpu.memref_squeeze %dma_start3A_783 : memref<1x1x128xf32, #tpu.memory_space<vmem>> -> memref<128xf32, #tpu.memory_space<vmem>>
    %dma_start3A_785 = arith.constant 0 : i32
    %dma_start3A_786 = tpu.memref_slice %arg13[%dma_start3A_778, %dma_start3A_779, %dma_start3A_785] : memref<4x16x128xi32, #tpu.memory_space<vmem>> -> memref<1x1x128xi32, #tpu.memory_space<vmem>>
    %dma_start3A_787 = tpu.memref_squeeze %dma_start3A_786 : memref<1x1x128xi32, #tpu.memory_space<vmem>> -> memref<128xi32, #tpu.memory_space<vmem>>
    %dma_start3A_788 = arith.constant 0 : i32
    %dma_start3A_789 = tpu.memref_slice %arg6[%dma_start3A_788] : memref<25600000xf32, #tpu.memory_space<hbm>> -> memref<25600000xf32, #tpu.memory_space<hbm>>
    tpu.enqueue_indirect_dma source(%dma_start3A_789 : memref<25600000xf32, #tpu.memory_space<hbm>>) target(%dma_start3A_784 : memref<128xf32, #tpu.memory_space<vmem>>) offsets(%dma_start3A_787 : memref<128xi32, #tpu.memory_space<vmem>>) semaphore(%arg17 : memref<!tpu.dma_semaphore, #tpu.memory_space<semaphore_mem>>)
    %dma_start3A_790 = arith.constant 3 : i32
    %dma_start3A_791 = arith.constant 5 : i32
    %dma_start3A_792 = arith.constant 3 : i32
    %dma_start3A_793 = arith.constant 5 : i32
    %dma_start3A_794 = arith.constant 0 : i32
    %dma_start3A_795 = tpu.memref_slice %arg14[%dma_start3A_792, %dma_start3A_793, %dma_start3A_794] : memref<4x16x128xf32, #tpu.memory_space<vmem>> -> memref<1x1x128xf32, #tpu.memory_space<vmem>>
    %dma_start3A_796 = tpu.memref_squeeze %dma_start3A_795 : memref<1x1x128xf32, #tpu.memory_space<vmem>> -> memref<128xf32, #tpu.memory_space<vmem>>
    %dma_start3A_797 = arith.constant 0 : i32
    %dma_start3A_798 = tpu.memref_slice %arg13[%dma_start3A_790, %dma_start3A_791, %dma_start3A_797] : memref<4x16x128xi32, #tpu.memory_space<vmem>> -> memref<1x1x128xi32, #tpu.memory_space<vmem>>
    %dma_start3A_799 = tpu.memref_squeeze %dma_start3A_798 : memref<1x1x128xi32, #tpu.memory_space<vmem>> -> memref<128xi32, #tpu.memory_space<vmem>>
    %dma_start3A_800 = arith.constant 0 : i32
    %dma_start3A_801 = tpu.memref_slice %arg6[%dma_start3A_800] : memref<25600000xf32, #tpu.memory_space<hbm>> -> memref<25600000xf32, #tpu.memory_space<hbm>>
    tpu.enqueue_indirect_dma source(%dma_start3A_801 : memref<25600000xf32, #tpu.memory_space<hbm>>) target(%dma_start3A_796 : memref<128xf32, #tpu.memory_space<vmem>>) offsets(%dma_start3A_799 : memref<128xi32, #tpu.memory_space<vmem>>) semaphore(%arg17 : memref<!tpu.dma_semaphore, #tpu.memory_space<semaphore_mem>>)
    %dma_start3A_802 = arith.constant 3 : i32
    %dma_start3A_803 = arith.constant 6 : i32
    %dma_start3A_804 = arith.constant 3 : i32
    %dma_start3A_805 = arith.constant 6 : i32
    %dma_start3A_806 = arith.constant 0 : i32
    %dma_start3A_807 = tpu.memref_slice %arg14[%dma_start3A_804, %dma_start3A_805, %dma_start3A_806] : memref<4x16x128xf32, #tpu.memory_space<vmem>> -> memref<1x1x128xf32, #tpu.memory_space<vmem>>
    %dma_start3A_808 = tpu.memref_squeeze %dma_start3A_807 : memref<1x1x128xf32, #tpu.memory_space<vmem>> -> memref<128xf32, #tpu.memory_space<vmem>>
    %dma_start3A_809 = arith.constant 0 : i32
    %dma_start3A_810 = tpu.memref_slice %arg13[%dma_start3A_802, %dma_start3A_803, %dma_start3A_809] : memref<4x16x128xi32, #tpu.memory_space<vmem>> -> memref<1x1x128xi32, #tpu.memory_space<vmem>>
    %dma_start3A_811 = tpu.memref_squeeze %dma_start3A_810 : memref<1x1x128xi32, #tpu.memory_space<vmem>> -> memref<128xi32, #tpu.memory_space<vmem>>
    %dma_start3A_812 = arith.constant 0 : i32
    %dma_start3A_813 = tpu.memref_slice %arg6[%dma_start3A_812] : memref<25600000xf32, #tpu.memory_space<hbm>> -> memref<25600000xf32, #tpu.memory_space<hbm>>
    tpu.enqueue_indirect_dma source(%dma_start3A_813 : memref<25600000xf32, #tpu.memory_space<hbm>>) target(%dma_start3A_808 : memref<128xf32, #tpu.memory_space<vmem>>) offsets(%dma_start3A_811 : memref<128xi32, #tpu.memory_space<vmem>>) semaphore(%arg17 : memref<!tpu.dma_semaphore, #tpu.memory_space<semaphore_mem>>)
    %dma_start3A_814 = arith.constant 3 : i32
    %dma_start3A_815 = arith.constant 7 : i32
    %dma_start3A_816 = arith.constant 3 : i32
    %dma_start3A_817 = arith.constant 7 : i32
    %dma_start3A_818 = arith.constant 0 : i32
    %dma_start3A_819 = tpu.memref_slice %arg14[%dma_start3A_816, %dma_start3A_817, %dma_start3A_818] : memref<4x16x128xf32, #tpu.memory_space<vmem>> -> memref<1x1x128xf32, #tpu.memory_space<vmem>>
    %dma_start3A_820 = tpu.memref_squeeze %dma_start3A_819 : memref<1x1x128xf32, #tpu.memory_space<vmem>> -> memref<128xf32, #tpu.memory_space<vmem>>
    %dma_start3A_821 = arith.constant 0 : i32
    %dma_start3A_822 = tpu.memref_slice %arg13[%dma_start3A_814, %dma_start3A_815, %dma_start3A_821] : memref<4x16x128xi32, #tpu.memory_space<vmem>> -> memref<1x1x128xi32, #tpu.memory_space<vmem>>
    %dma_start3A_823 = tpu.memref_squeeze %dma_start3A_822 : memref<1x1x128xi32, #tpu.memory_space<vmem>> -> memref<128xi32, #tpu.memory_space<vmem>>
    %dma_start3A_824 = arith.constant 0 : i32
    %dma_start3A_825 = tpu.memref_slice %arg6[%dma_start3A_824] : memref<25600000xf32, #tpu.memory_space<hbm>> -> memref<25600000xf32, #tpu.memory_space<hbm>>
    tpu.enqueue_indirect_dma source(%dma_start3A_825 : memref<25600000xf32, #tpu.memory_space<hbm>>) target(%dma_start3A_820 : memref<128xf32, #tpu.memory_space<vmem>>) offsets(%dma_start3A_823 : memref<128xi32, #tpu.memory_space<vmem>>) semaphore(%arg17 : memref<!tpu.dma_semaphore, #tpu.memory_space<semaphore_mem>>)
    %dma_start3A_826 = arith.constant 3 : i32
    %dma_start3A_827 = arith.constant 8 : i32
    %dma_start3A_828 = arith.constant 3 : i32
    %dma_start3A_829 = arith.constant 8 : i32
    %dma_start3A_830 = arith.constant 0 : i32
    %dma_start3A_831 = tpu.memref_slice %arg14[%dma_start3A_828, %dma_start3A_829, %dma_start3A_830] : memref<4x16x128xf32, #tpu.memory_space<vmem>> -> memref<1x1x128xf32, #tpu.memory_space<vmem>>
    %dma_start3A_832 = tpu.memref_squeeze %dma_start3A_831 : memref<1x1x128xf32, #tpu.memory_space<vmem>> -> memref<128xf32, #tpu.memory_space<vmem>>
    %dma_start3A_833 = arith.constant 0 : i32
    %dma_start3A_834 = tpu.memref_slice %arg13[%dma_start3A_826, %dma_start3A_827, %dma_start3A_833] : memref<4x16x128xi32, #tpu.memory_space<vmem>> -> memref<1x1x128xi32, #tpu.memory_space<vmem>>
    %dma_start3A_835 = tpu.memref_squeeze %dma_start3A_834 : memref<1x1x128xi32, #tpu.memory_space<vmem>> -> memref<128xi32, #tpu.memory_space<vmem>>
    %dma_start3A_836 = arith.constant 0 : i32
    %dma_start3A_837 = tpu.memref_slice %arg6[%dma_start3A_836] : memref<25600000xf32, #tpu.memory_space<hbm>> -> memref<25600000xf32, #tpu.memory_space<hbm>>
    tpu.enqueue_indirect_dma source(%dma_start3A_837 : memref<25600000xf32, #tpu.memory_space<hbm>>) target(%dma_start3A_832 : memref<128xf32, #tpu.memory_space<vmem>>) offsets(%dma_start3A_835 : memref<128xi32, #tpu.memory_space<vmem>>) semaphore(%arg17 : memref<!tpu.dma_semaphore, #tpu.memory_space<semaphore_mem>>)
    %dma_start3A_838 = arith.constant 3 : i32
    %dma_start3A_839 = arith.constant 9 : i32
    %dma_start3A_840 = arith.constant 3 : i32
    %dma_start3A_841 = arith.constant 9 : i32
    %dma_start3A_842 = arith.constant 0 : i32
    %dma_start3A_843 = tpu.memref_slice %arg14[%dma_start3A_840, %dma_start3A_841, %dma_start3A_842] : memref<4x16x128xf32, #tpu.memory_space<vmem>> -> memref<1x1x128xf32, #tpu.memory_space<vmem>>
    %dma_start3A_844 = tpu.memref_squeeze %dma_start3A_843 : memref<1x1x128xf32, #tpu.memory_space<vmem>> -> memref<128xf32, #tpu.memory_space<vmem>>
    %dma_start3A_845 = arith.constant 0 : i32
    %dma_start3A_846 = tpu.memref_slice %arg13[%dma_start3A_838, %dma_start3A_839, %dma_start3A_845] : memref<4x16x128xi32, #tpu.memory_space<vmem>> -> memref<1x1x128xi32, #tpu.memory_space<vmem>>
    %dma_start3A_847 = tpu.memref_squeeze %dma_start3A_846 : memref<1x1x128xi32, #tpu.memory_space<vmem>> -> memref<128xi32, #tpu.memory_space<vmem>>
    %dma_start3A_848 = arith.constant 0 : i32
    %dma_start3A_849 = tpu.memref_slice %arg6[%dma_start3A_848] : memref<25600000xf32, #tpu.memory_space<hbm>> -> memref<25600000xf32, #tpu.memory_space<hbm>>
    tpu.enqueue_indirect_dma source(%dma_start3A_849 : memref<25600000xf32, #tpu.memory_space<hbm>>) target(%dma_start3A_844 : memref<128xf32, #tpu.memory_space<vmem>>) offsets(%dma_start3A_847 : memref<128xi32, #tpu.memory_space<vmem>>) semaphore(%arg17 : memref<!tpu.dma_semaphore, #tpu.memory_space<semaphore_mem>>)
    %dma_start3A_850 = arith.constant 3 : i32
    %dma_start3A_851 = arith.constant 10 : i32
    %dma_start3A_852 = arith.constant 3 : i32
    %dma_start3A_853 = arith.constant 10 : i32
    %dma_start3A_854 = arith.constant 0 : i32
    %dma_start3A_855 = tpu.memref_slice %arg14[%dma_start3A_852, %dma_start3A_853, %dma_start3A_854] : memref<4x16x128xf32, #tpu.memory_space<vmem>> -> memref<1x1x128xf32, #tpu.memory_space<vmem>>
    %dma_start3A_856 = tpu.memref_squeeze %dma_start3A_855 : memref<1x1x128xf32, #tpu.memory_space<vmem>> -> memref<128xf32, #tpu.memory_space<vmem>>
    %dma_start3A_857 = arith.constant 0 : i32
    %dma_start3A_858 = tpu.memref_slice %arg13[%dma_start3A_850, %dma_start3A_851, %dma_start3A_857] : memref<4x16x128xi32, #tpu.memory_space<vmem>> -> memref<1x1x128xi32, #tpu.memory_space<vmem>>
    %dma_start3A_859 = tpu.memref_squeeze %dma_start3A_858 : memref<1x1x128xi32, #tpu.memory_space<vmem>> -> memref<128xi32, #tpu.memory_space<vmem>>
    %dma_start3A_860 = arith.constant 0 : i32
    %dma_start3A_861 = tpu.memref_slice %arg6[%dma_start3A_860] : memref<25600000xf32, #tpu.memory_space<hbm>> -> memref<25600000xf32, #tpu.memory_space<hbm>>
    tpu.enqueue_indirect_dma source(%dma_start3A_861 : memref<25600000xf32, #tpu.memory_space<hbm>>) target(%dma_start3A_856 : memref<128xf32, #tpu.memory_space<vmem>>) offsets(%dma_start3A_859 : memref<128xi32, #tpu.memory_space<vmem>>) semaphore(%arg17 : memref<!tpu.dma_semaphore, #tpu.memory_space<semaphore_mem>>)
    %dma_start3A_862 = arith.constant 3 : i32
    %dma_start3A_863 = arith.constant 11 : i32
    %dma_start3A_864 = arith.constant 3 : i32
    %dma_start3A_865 = arith.constant 11 : i32
    %dma_start3A_866 = arith.constant 0 : i32
    %dma_start3A_867 = tpu.memref_slice %arg14[%dma_start3A_864, %dma_start3A_865, %dma_start3A_866] : memref<4x16x128xf32, #tpu.memory_space<vmem>> -> memref<1x1x128xf32, #tpu.memory_space<vmem>>
    %dma_start3A_868 = tpu.memref_squeeze %dma_start3A_867 : memref<1x1x128xf32, #tpu.memory_space<vmem>> -> memref<128xf32, #tpu.memory_space<vmem>>
    %dma_start3A_869 = arith.constant 0 : i32
    %dma_start3A_870 = tpu.memref_slice %arg13[%dma_start3A_862, %dma_start3A_863, %dma_start3A_869] : memref<4x16x128xi32, #tpu.memory_space<vmem>> -> memref<1x1x128xi32, #tpu.memory_space<vmem>>
    %dma_start3A_871 = tpu.memref_squeeze %dma_start3A_870 : memref<1x1x128xi32, #tpu.memory_space<vmem>> -> memref<128xi32, #tpu.memory_space<vmem>>
    %dma_start3A_872 = arith.constant 0 : i32
    %dma_start3A_873 = tpu.memref_slice %arg6[%dma_start3A_872] : memref<25600000xf32, #tpu.memory_space<hbm>> -> memref<25600000xf32, #tpu.memory_space<hbm>>
    tpu.enqueue_indirect_dma source(%dma_start3A_873 : memref<25600000xf32, #tpu.memory_space<hbm>>) target(%dma_start3A_868 : memref<128xf32, #tpu.memory_space<vmem>>) offsets(%dma_start3A_871 : memref<128xi32, #tpu.memory_space<vmem>>) semaphore(%arg17 : memref<!tpu.dma_semaphore, #tpu.memory_space<semaphore_mem>>)
    %dma_start3A_874 = arith.constant 3 : i32
    %dma_start3A_875 = arith.constant 12 : i32
    %dma_start3A_876 = arith.constant 3 : i32
    %dma_start3A_877 = arith.constant 12 : i32
    %dma_start3A_878 = arith.constant 0 : i32
    %dma_start3A_879 = tpu.memref_slice %arg14[%dma_start3A_876, %dma_start3A_877, %dma_start3A_878] : memref<4x16x128xf32, #tpu.memory_space<vmem>> -> memref<1x1x128xf32, #tpu.memory_space<vmem>>
    %dma_start3A_880 = tpu.memref_squeeze %dma_start3A_879 : memref<1x1x128xf32, #tpu.memory_space<vmem>> -> memref<128xf32, #tpu.memory_space<vmem>>
    %dma_start3A_881 = arith.constant 0 : i32
    %dma_start3A_882 = tpu.memref_slice %arg13[%dma_start3A_874, %dma_start3A_875, %dma_start3A_881] : memref<4x16x128xi32, #tpu.memory_space<vmem>> -> memref<1x1x128xi32, #tpu.memory_space<vmem>>
    %dma_start3A_883 = tpu.memref_squeeze %dma_start3A_882 : memref<1x1x128xi32, #tpu.memory_space<vmem>> -> memref<128xi32, #tpu.memory_space<vmem>>
    %dma_start3A_884 = arith.constant 0 : i32
    %dma_start3A_885 = tpu.memref_slice %arg6[%dma_start3A_884] : memref<25600000xf32, #tpu.memory_space<hbm>> -> memref<25600000xf32, #tpu.memory_space<hbm>>
    tpu.enqueue_indirect_dma source(%dma_start3A_885 : memref<25600000xf32, #tpu.memory_space<hbm>>) target(%dma_start3A_880 : memref<128xf32, #tpu.memory_space<vmem>>) offsets(%dma_start3A_883 : memref<128xi32, #tpu.memory_space<vmem>>) semaphore(%arg17 : memref<!tpu.dma_semaphore, #tpu.memory_space<semaphore_mem>>)
    %dma_start3A_886 = arith.constant 3 : i32
    %dma_start3A_887 = arith.constant 13 : i32
    %dma_start3A_888 = arith.constant 3 : i32
    %dma_start3A_889 = arith.constant 13 : i32
    %dma_start3A_890 = arith.constant 0 : i32
    %dma_start3A_891 = tpu.memref_slice %arg14[%dma_start3A_888, %dma_start3A_889, %dma_start3A_890] : memref<4x16x128xf32, #tpu.memory_space<vmem>> -> memref<1x1x128xf32, #tpu.memory_space<vmem>>
    %dma_start3A_892 = tpu.memref_squeeze %dma_start3A_891 : memref<1x1x128xf32, #tpu.memory_space<vmem>> -> memref<128xf32, #tpu.memory_space<vmem>>
    %dma_start3A_893 = arith.constant 0 : i32
    %dma_start3A_894 = tpu.memref_slice %arg13[%dma_start3A_886, %dma_start3A_887, %dma_start3A_893] : memref<4x16x128xi32, #tpu.memory_space<vmem>> -> memref<1x1x128xi32, #tpu.memory_space<vmem>>
    %dma_start3A_895 = tpu.memref_squeeze %dma_start3A_894 : memref<1x1x128xi32, #tpu.memory_space<vmem>> -> memref<128xi32, #tpu.memory_space<vmem>>
    %dma_start3A_896 = arith.constant 0 : i32
    %dma_start3A_897 = tpu.memref_slice %arg6[%dma_start3A_896] : memref<25600000xf32, #tpu.memory_space<hbm>> -> memref<25600000xf32, #tpu.memory_space<hbm>>
    tpu.enqueue_indirect_dma source(%dma_start3A_897 : memref<25600000xf32, #tpu.memory_space<hbm>>) target(%dma_start3A_892 : memref<128xf32, #tpu.memory_space<vmem>>) offsets(%dma_start3A_895 : memref<128xi32, #tpu.memory_space<vmem>>) semaphore(%arg17 : memref<!tpu.dma_semaphore, #tpu.memory_space<semaphore_mem>>)
    %dma_start3A_898 = arith.constant 3 : i32
    %dma_start3A_899 = arith.constant 14 : i32
    %dma_start3A_900 = arith.constant 3 : i32
    %dma_start3A_901 = arith.constant 14 : i32
    %dma_start3A_902 = arith.constant 0 : i32
    %dma_start3A_903 = tpu.memref_slice %arg14[%dma_start3A_900, %dma_start3A_901, %dma_start3A_902] : memref<4x16x128xf32, #tpu.memory_space<vmem>> -> memref<1x1x128xf32, #tpu.memory_space<vmem>>
    %dma_start3A_904 = tpu.memref_squeeze %dma_start3A_903 : memref<1x1x128xf32, #tpu.memory_space<vmem>> -> memref<128xf32, #tpu.memory_space<vmem>>
    %dma_start3A_905 = arith.constant 0 : i32
    %dma_start3A_906 = tpu.memref_slice %arg13[%dma_start3A_898, %dma_start3A_899, %dma_start3A_905] : memref<4x16x128xi32, #tpu.memory_space<vmem>> -> memref<1x1x128xi32, #tpu.memory_space<vmem>>
    %dma_start3A_907 = tpu.memref_squeeze %dma_start3A_906 : memref<1x1x128xi32, #tpu.memory_space<vmem>> -> memref<128xi32, #tpu.memory_space<vmem>>
    %dma_start3A_908 = arith.constant 0 : i32
    %dma_start3A_909 = tpu.memref_slice %arg6[%dma_start3A_908] : memref<25600000xf32, #tpu.memory_space<hbm>> -> memref<25600000xf32, #tpu.memory_space<hbm>>
    tpu.enqueue_indirect_dma source(%dma_start3A_909 : memref<25600000xf32, #tpu.memory_space<hbm>>) target(%dma_start3A_904 : memref<128xf32, #tpu.memory_space<vmem>>) offsets(%dma_start3A_907 : memref<128xi32, #tpu.memory_space<vmem>>) semaphore(%arg17 : memref<!tpu.dma_semaphore, #tpu.memory_space<semaphore_mem>>)
    %dma_start3A_910 = arith.constant 3 : i32
    %dma_start3A_911 = arith.constant 15 : i32
    %dma_start3A_912 = arith.constant 3 : i32
    %dma_start3A_913 = arith.constant 15 : i32
    %dma_start3A_914 = arith.constant 0 : i32
    %dma_start3A_915 = tpu.memref_slice %arg14[%dma_start3A_912, %dma_start3A_913, %dma_start3A_914] : memref<4x16x128xf32, #tpu.memory_space<vmem>> -> memref<1x1x128xf32, #tpu.memory_space<vmem>>
    %dma_start3A_916 = tpu.memref_squeeze %dma_start3A_915 : memref<1x1x128xf32, #tpu.memory_space<vmem>> -> memref<128xf32, #tpu.memory_space<vmem>>
    %dma_start3A_917 = arith.constant 0 : i32
    %dma_start3A_918 = tpu.memref_slice %arg13[%dma_start3A_910, %dma_start3A_911, %dma_start3A_917] : memref<4x16x128xi32, #tpu.memory_space<vmem>> -> memref<1x1x128xi32, #tpu.memory_space<vmem>>
    %dma_start3A_919 = tpu.memref_squeeze %dma_start3A_918 : memref<1x1x128xi32, #tpu.memory_space<vmem>> -> memref<128xi32, #tpu.memory_space<vmem>>
    %dma_start3A_920 = arith.constant 0 : i32
    %dma_start3A_921 = tpu.memref_slice %arg6[%dma_start3A_920] : memref<25600000xf32, #tpu.memory_space<hbm>> -> memref<25600000xf32, #tpu.memory_space<hbm>>
    tpu.enqueue_indirect_dma source(%dma_start3A_921 : memref<25600000xf32, #tpu.memory_space<hbm>>) target(%dma_start3A_916 : memref<128xf32, #tpu.memory_space<vmem>>) offsets(%dma_start3A_919 : memref<128xi32, #tpu.memory_space<vmem>>) semaphore(%arg17 : memref<!tpu.dma_semaphore, #tpu.memory_space<semaphore_mem>>)
    %dma_start3A_922 = arith.constant 3 : i32
    %dma_start3A_923 = arith.constant 3 : i32
    %dma_start3A_924 = arith.constant 0 : i32
    %dma_start3A_925 = tpu.memref_slice %arg15[%dma_start3A_923, %dma_start3A_924] : memref<4x128xf32, #tpu.memory_space<vmem>> -> memref<1x128xf32, #tpu.memory_space<vmem>>
    %dma_start3A_926 = tpu.memref_squeeze %dma_start3A_925 : memref<1x128xf32, #tpu.memory_space<vmem>> -> memref<128xf32, #tpu.memory_space<vmem>>
    %dma_start3A_927 = arith.constant 0 : i32
    %dma_start3A_928 = tpu.memref_slice %arg9[%dma_start3A_922, %dma_start3A_927] : memref<4x128xi32, #tpu.memory_space<vmem>> -> memref<1x128xi32, #tpu.memory_space<vmem>>
    %dma_start3A_929 = tpu.memref_squeeze %dma_start3A_928 : memref<1x128xi32, #tpu.memory_space<vmem>> -> memref<128xi32, #tpu.memory_space<vmem>>
    %dma_start3A_930 = arith.constant 0 : i32
    %dma_start3A_931 = tpu.memref_slice %arg7[%dma_start3A_930] : memref<100000xf32, #tpu.memory_space<hbm>> -> memref<100000xf32, #tpu.memory_space<hbm>>
    tpu.enqueue_indirect_dma source(%dma_start3A_931 : memref<100000xf32, #tpu.memory_space<hbm>>) target(%dma_start3A_926 : memref<128xf32, #tpu.memory_space<vmem>>) offsets(%dma_start3A_929 : memref<128xi32, #tpu.memory_space<vmem>>) semaphore(%arg18 : memref<!tpu.dma_semaphore, #tpu.memory_space<semaphore_mem>>)
    %dma_wait3A_932 = arith.constant 0 : i32
    %dma_wait3A_933 = tpu.memref_slice %arg5[%dma_wait3A_932, %mul3A_2] : memref<16x16384xf32, #tpu.memory_space<hbm>> -> memref<16x512xf32, #tpu.memory_space<hbm>>
    %dma_wait3A_934 = arith.constant 0 : i32
    %dma_wait3A_935 = tpu.memref_slice %arg5[%dma_wait3A_934, %mul3A_2] : memref<16x16384xf32, #tpu.memory_space<hbm>> -> memref<16x512xf32, #tpu.memory_space<hbm>>
    tpu.wait_dma2 semaphore(%arg19 : memref<!tpu.dma_semaphore, #tpu.memory_space<semaphore_mem>>) src(%dma_wait3A_935 : memref<16x512xf32, #tpu.memory_space<hbm>>) dst(%arg12 : memref<16x512xf32, #tpu.memory_space<vmem>>)
    %dma_wait3A_936 = arith.constant 0 : i32
    %dma_wait3A_937 = arith.constant 0 : i32
    %dma_wait3A_938 = arith.constant 0 : i32
    %dma_wait3A_939 = arith.constant 0 : i32
    %dma_wait3A_940 = arith.constant 0 : i32
    %dma_wait3A_941 = tpu.memref_slice %arg14[%dma_wait3A_938, %dma_wait3A_939, %dma_wait3A_940] : memref<4x16x128xf32, #tpu.memory_space<vmem>> -> memref<1x1x128xf32, #tpu.memory_space<vmem>>
    %dma_wait3A_942 = tpu.memref_squeeze %dma_wait3A_941 : memref<1x1x128xf32, #tpu.memory_space<vmem>> -> memref<128xf32, #tpu.memory_space<vmem>>
    %dma_wait3A_943 = arith.constant 0 : i32
    %dma_wait3A_944 = tpu.memref_slice %arg13[%dma_wait3A_936, %dma_wait3A_937, %dma_wait3A_943] : memref<4x16x128xi32, #tpu.memory_space<vmem>> -> memref<1x1x128xi32, #tpu.memory_space<vmem>>
    %dma_wait3A_945 = tpu.memref_squeeze %dma_wait3A_944 : memref<1x1x128xi32, #tpu.memory_space<vmem>> -> memref<128xi32, #tpu.memory_space<vmem>>
    %dma_wait3A_946 = arith.constant 0 : i32
    %dma_wait3A_947 = tpu.memref_slice %arg6[%dma_wait3A_946] : memref<25600000xf32, #tpu.memory_space<hbm>> -> memref<25600000xf32, #tpu.memory_space<hbm>>
    tpu.wait_indirect_dma semaphore(%arg17 : memref<!tpu.dma_semaphore, #tpu.memory_space<semaphore_mem>>) src(%dma_wait3A_947 : memref<25600000xf32, #tpu.memory_space<hbm>>) dst(%dma_wait3A_942 : memref<128xf32, #tpu.memory_space<vmem>>)
    %dma_wait3A_948 = arith.constant 0 : i32
    %dma_wait3A_949 = arith.constant 1 : i32
    %dma_wait3A_950 = arith.constant 0 : i32
    %dma_wait3A_951 = arith.constant 1 : i32
    %dma_wait3A_952 = arith.constant 0 : i32
    %dma_wait3A_953 = tpu.memref_slice %arg14[%dma_wait3A_950, %dma_wait3A_951, %dma_wait3A_952] : memref<4x16x128xf32, #tpu.memory_space<vmem>> -> memref<1x1x128xf32, #tpu.memory_space<vmem>>
    %dma_wait3A_954 = tpu.memref_squeeze %dma_wait3A_953 : memref<1x1x128xf32, #tpu.memory_space<vmem>> -> memref<128xf32, #tpu.memory_space<vmem>>
    %dma_wait3A_955 = arith.constant 0 : i32
    %dma_wait3A_956 = tpu.memref_slice %arg13[%dma_wait3A_948, %dma_wait3A_949, %dma_wait3A_955] : memref<4x16x128xi32, #tpu.memory_space<vmem>> -> memref<1x1x128xi32, #tpu.memory_space<vmem>>
    %dma_wait3A_957 = tpu.memref_squeeze %dma_wait3A_956 : memref<1x1x128xi32, #tpu.memory_space<vmem>> -> memref<128xi32, #tpu.memory_space<vmem>>
    %dma_wait3A_958 = arith.constant 0 : i32
    %dma_wait3A_959 = tpu.memref_slice %arg6[%dma_wait3A_958] : memref<25600000xf32, #tpu.memory_space<hbm>> -> memref<25600000xf32, #tpu.memory_space<hbm>>
    tpu.wait_indirect_dma semaphore(%arg17 : memref<!tpu.dma_semaphore, #tpu.memory_space<semaphore_mem>>) src(%dma_wait3A_959 : memref<25600000xf32, #tpu.memory_space<hbm>>) dst(%dma_wait3A_954 : memref<128xf32, #tpu.memory_space<vmem>>)
    %dma_wait3A_960 = arith.constant 0 : i32
    %dma_wait3A_961 = arith.constant 2 : i32
    %dma_wait3A_962 = arith.constant 0 : i32
    %dma_wait3A_963 = arith.constant 2 : i32
    %dma_wait3A_964 = arith.constant 0 : i32
    %dma_wait3A_965 = tpu.memref_slice %arg14[%dma_wait3A_962, %dma_wait3A_963, %dma_wait3A_964] : memref<4x16x128xf32, #tpu.memory_space<vmem>> -> memref<1x1x128xf32, #tpu.memory_space<vmem>>
    %dma_wait3A_966 = tpu.memref_squeeze %dma_wait3A_965 : memref<1x1x128xf32, #tpu.memory_space<vmem>> -> memref<128xf32, #tpu.memory_space<vmem>>
    %dma_wait3A_967 = arith.constant 0 : i32
    %dma_wait3A_968 = tpu.memref_slice %arg13[%dma_wait3A_960, %dma_wait3A_961, %dma_wait3A_967] : memref<4x16x128xi32, #tpu.memory_space<vmem>> -> memref<1x1x128xi32, #tpu.memory_space<vmem>>
    %dma_wait3A_969 = tpu.memref_squeeze %dma_wait3A_968 : memref<1x1x128xi32, #tpu.memory_space<vmem>> -> memref<128xi32, #tpu.memory_space<vmem>>
    %dma_wait3A_970 = arith.constant 0 : i32
    %dma_wait3A_971 = tpu.memref_slice %arg6[%dma_wait3A_970] : memref<25600000xf32, #tpu.memory_space<hbm>> -> memref<25600000xf32, #tpu.memory_space<hbm>>
    tpu.wait_indirect_dma semaphore(%arg17 : memref<!tpu.dma_semaphore, #tpu.memory_space<semaphore_mem>>) src(%dma_wait3A_971 : memref<25600000xf32, #tpu.memory_space<hbm>>) dst(%dma_wait3A_966 : memref<128xf32, #tpu.memory_space<vmem>>)
    %dma_wait3A_972 = arith.constant 0 : i32
    %dma_wait3A_973 = arith.constant 3 : i32
    %dma_wait3A_974 = arith.constant 0 : i32
    %dma_wait3A_975 = arith.constant 3 : i32
    %dma_wait3A_976 = arith.constant 0 : i32
    %dma_wait3A_977 = tpu.memref_slice %arg14[%dma_wait3A_974, %dma_wait3A_975, %dma_wait3A_976] : memref<4x16x128xf32, #tpu.memory_space<vmem>> -> memref<1x1x128xf32, #tpu.memory_space<vmem>>
    %dma_wait3A_978 = tpu.memref_squeeze %dma_wait3A_977 : memref<1x1x128xf32, #tpu.memory_space<vmem>> -> memref<128xf32, #tpu.memory_space<vmem>>
    %dma_wait3A_979 = arith.constant 0 : i32
    %dma_wait3A_980 = tpu.memref_slice %arg13[%dma_wait3A_972, %dma_wait3A_973, %dma_wait3A_979] : memref<4x16x128xi32, #tpu.memory_space<vmem>> -> memref<1x1x128xi32, #tpu.memory_space<vmem>>
    %dma_wait3A_981 = tpu.memref_squeeze %dma_wait3A_980 : memref<1x1x128xi32, #tpu.memory_space<vmem>> -> memref<128xi32, #tpu.memory_space<vmem>>
    %dma_wait3A_982 = arith.constant 0 : i32
    %dma_wait3A_983 = tpu.memref_slice %arg6[%dma_wait3A_982] : memref<25600000xf32, #tpu.memory_space<hbm>> -> memref<25600000xf32, #tpu.memory_space<hbm>>
    tpu.wait_indirect_dma semaphore(%arg17 : memref<!tpu.dma_semaphore, #tpu.memory_space<semaphore_mem>>) src(%dma_wait3A_983 : memref<25600000xf32, #tpu.memory_space<hbm>>) dst(%dma_wait3A_978 : memref<128xf32, #tpu.memory_space<vmem>>)
    %dma_wait3A_984 = arith.constant 0 : i32
    %dma_wait3A_985 = arith.constant 4 : i32
    %dma_wait3A_986 = arith.constant 0 : i32
    %dma_wait3A_987 = arith.constant 4 : i32
    %dma_wait3A_988 = arith.constant 0 : i32
    %dma_wait3A_989 = tpu.memref_slice %arg14[%dma_wait3A_986, %dma_wait3A_987, %dma_wait3A_988] : memref<4x16x128xf32, #tpu.memory_space<vmem>> -> memref<1x1x128xf32, #tpu.memory_space<vmem>>
    %dma_wait3A_990 = tpu.memref_squeeze %dma_wait3A_989 : memref<1x1x128xf32, #tpu.memory_space<vmem>> -> memref<128xf32, #tpu.memory_space<vmem>>
    %dma_wait3A_991 = arith.constant 0 : i32
    %dma_wait3A_992 = tpu.memref_slice %arg13[%dma_wait3A_984, %dma_wait3A_985, %dma_wait3A_991] : memref<4x16x128xi32, #tpu.memory_space<vmem>> -> memref<1x1x128xi32, #tpu.memory_space<vmem>>
    %dma_wait3A_993 = tpu.memref_squeeze %dma_wait3A_992 : memref<1x1x128xi32, #tpu.memory_space<vmem>> -> memref<128xi32, #tpu.memory_space<vmem>>
    %dma_wait3A_994 = arith.constant 0 : i32
    %dma_wait3A_995 = tpu.memref_slice %arg6[%dma_wait3A_994] : memref<25600000xf32, #tpu.memory_space<hbm>> -> memref<25600000xf32, #tpu.memory_space<hbm>>
    tpu.wait_indirect_dma semaphore(%arg17 : memref<!tpu.dma_semaphore, #tpu.memory_space<semaphore_mem>>) src(%dma_wait3A_995 : memref<25600000xf32, #tpu.memory_space<hbm>>) dst(%dma_wait3A_990 : memref<128xf32, #tpu.memory_space<vmem>>)
    %dma_wait3A_996 = arith.constant 0 : i32
    %dma_wait3A_997 = arith.constant 5 : i32
    %dma_wait3A_998 = arith.constant 0 : i32
    %dma_wait3A_999 = arith.constant 5 : i32
    %dma_wait3A_1000 = arith.constant 0 : i32
    %dma_wait3A_1001 = tpu.memref_slice %arg14[%dma_wait3A_998, %dma_wait3A_999, %dma_wait3A_1000] : memref<4x16x128xf32, #tpu.memory_space<vmem>> -> memref<1x1x128xf32, #tpu.memory_space<vmem>>
    %dma_wait3A_1002 = tpu.memref_squeeze %dma_wait3A_1001 : memref<1x1x128xf32, #tpu.memory_space<vmem>> -> memref<128xf32, #tpu.memory_space<vmem>>
    %dma_wait3A_1003 = arith.constant 0 : i32
    %dma_wait3A_1004 = tpu.memref_slice %arg13[%dma_wait3A_996, %dma_wait3A_997, %dma_wait3A_1003] : memref<4x16x128xi32, #tpu.memory_space<vmem>> -> memref<1x1x128xi32, #tpu.memory_space<vmem>>
    %dma_wait3A_1005 = tpu.memref_squeeze %dma_wait3A_1004 : memref<1x1x128xi32, #tpu.memory_space<vmem>> -> memref<128xi32, #tpu.memory_space<vmem>>
    %dma_wait3A_1006 = arith.constant 0 : i32
    %dma_wait3A_1007 = tpu.memref_slice %arg6[%dma_wait3A_1006] : memref<25600000xf32, #tpu.memory_space<hbm>> -> memref<25600000xf32, #tpu.memory_space<hbm>>
    tpu.wait_indirect_dma semaphore(%arg17 : memref<!tpu.dma_semaphore, #tpu.memory_space<semaphore_mem>>) src(%dma_wait3A_1007 : memref<25600000xf32, #tpu.memory_space<hbm>>) dst(%dma_wait3A_1002 : memref<128xf32, #tpu.memory_space<vmem>>)
    %dma_wait3A_1008 = arith.constant 0 : i32
    %dma_wait3A_1009 = arith.constant 6 : i32
    %dma_wait3A_1010 = arith.constant 0 : i32
    %dma_wait3A_1011 = arith.constant 6 : i32
    %dma_wait3A_1012 = arith.constant 0 : i32
    %dma_wait3A_1013 = tpu.memref_slice %arg14[%dma_wait3A_1010, %dma_wait3A_1011, %dma_wait3A_1012] : memref<4x16x128xf32, #tpu.memory_space<vmem>> -> memref<1x1x128xf32, #tpu.memory_space<vmem>>
    %dma_wait3A_1014 = tpu.memref_squeeze %dma_wait3A_1013 : memref<1x1x128xf32, #tpu.memory_space<vmem>> -> memref<128xf32, #tpu.memory_space<vmem>>
    %dma_wait3A_1015 = arith.constant 0 : i32
    %dma_wait3A_1016 = tpu.memref_slice %arg13[%dma_wait3A_1008, %dma_wait3A_1009, %dma_wait3A_1015] : memref<4x16x128xi32, #tpu.memory_space<vmem>> -> memref<1x1x128xi32, #tpu.memory_space<vmem>>
    %dma_wait3A_1017 = tpu.memref_squeeze %dma_wait3A_1016 : memref<1x1x128xi32, #tpu.memory_space<vmem>> -> memref<128xi32, #tpu.memory_space<vmem>>
    %dma_wait3A_1018 = arith.constant 0 : i32
    %dma_wait3A_1019 = tpu.memref_slice %arg6[%dma_wait3A_1018] : memref<25600000xf32, #tpu.memory_space<hbm>> -> memref<25600000xf32, #tpu.memory_space<hbm>>
    tpu.wait_indirect_dma semaphore(%arg17 : memref<!tpu.dma_semaphore, #tpu.memory_space<semaphore_mem>>) src(%dma_wait3A_1019 : memref<25600000xf32, #tpu.memory_space<hbm>>) dst(%dma_wait3A_1014 : memref<128xf32, #tpu.memory_space<vmem>>)
    %dma_wait3A_1020 = arith.constant 0 : i32
    %dma_wait3A_1021 = arith.constant 7 : i32
    %dma_wait3A_1022 = arith.constant 0 : i32
    %dma_wait3A_1023 = arith.constant 7 : i32
    %dma_wait3A_1024 = arith.constant 0 : i32
    %dma_wait3A_1025 = tpu.memref_slice %arg14[%dma_wait3A_1022, %dma_wait3A_1023, %dma_wait3A_1024] : memref<4x16x128xf32, #tpu.memory_space<vmem>> -> memref<1x1x128xf32, #tpu.memory_space<vmem>>
    %dma_wait3A_1026 = tpu.memref_squeeze %dma_wait3A_1025 : memref<1x1x128xf32, #tpu.memory_space<vmem>> -> memref<128xf32, #tpu.memory_space<vmem>>
    %dma_wait3A_1027 = arith.constant 0 : i32
    %dma_wait3A_1028 = tpu.memref_slice %arg13[%dma_wait3A_1020, %dma_wait3A_1021, %dma_wait3A_1027] : memref<4x16x128xi32, #tpu.memory_space<vmem>> -> memref<1x1x128xi32, #tpu.memory_space<vmem>>
    %dma_wait3A_1029 = tpu.memref_squeeze %dma_wait3A_1028 : memref<1x1x128xi32, #tpu.memory_space<vmem>> -> memref<128xi32, #tpu.memory_space<vmem>>
    %dma_wait3A_1030 = arith.constant 0 : i32
    %dma_wait3A_1031 = tpu.memref_slice %arg6[%dma_wait3A_1030] : memref<25600000xf32, #tpu.memory_space<hbm>> -> memref<25600000xf32, #tpu.memory_space<hbm>>
    tpu.wait_indirect_dma semaphore(%arg17 : memref<!tpu.dma_semaphore, #tpu.memory_space<semaphore_mem>>) src(%dma_wait3A_1031 : memref<25600000xf32, #tpu.memory_space<hbm>>) dst(%dma_wait3A_1026 : memref<128xf32, #tpu.memory_space<vmem>>)
    %dma_wait3A_1032 = arith.constant 0 : i32
    %dma_wait3A_1033 = arith.constant 8 : i32
    %dma_wait3A_1034 = arith.constant 0 : i32
    %dma_wait3A_1035 = arith.constant 8 : i32
    %dma_wait3A_1036 = arith.constant 0 : i32
    %dma_wait3A_1037 = tpu.memref_slice %arg14[%dma_wait3A_1034, %dma_wait3A_1035, %dma_wait3A_1036] : memref<4x16x128xf32, #tpu.memory_space<vmem>> -> memref<1x1x128xf32, #tpu.memory_space<vmem>>
    %dma_wait3A_1038 = tpu.memref_squeeze %dma_wait3A_1037 : memref<1x1x128xf32, #tpu.memory_space<vmem>> -> memref<128xf32, #tpu.memory_space<vmem>>
    %dma_wait3A_1039 = arith.constant 0 : i32
    %dma_wait3A_1040 = tpu.memref_slice %arg13[%dma_wait3A_1032, %dma_wait3A_1033, %dma_wait3A_1039] : memref<4x16x128xi32, #tpu.memory_space<vmem>> -> memref<1x1x128xi32, #tpu.memory_space<vmem>>
    %dma_wait3A_1041 = tpu.memref_squeeze %dma_wait3A_1040 : memref<1x1x128xi32, #tpu.memory_space<vmem>> -> memref<128xi32, #tpu.memory_space<vmem>>
    %dma_wait3A_1042 = arith.constant 0 : i32
    %dma_wait3A_1043 = tpu.memref_slice %arg6[%dma_wait3A_1042] : memref<25600000xf32, #tpu.memory_space<hbm>> -> memref<25600000xf32, #tpu.memory_space<hbm>>
    tpu.wait_indirect_dma semaphore(%arg17 : memref<!tpu.dma_semaphore, #tpu.memory_space<semaphore_mem>>) src(%dma_wait3A_1043 : memref<25600000xf32, #tpu.memory_space<hbm>>) dst(%dma_wait3A_1038 : memref<128xf32, #tpu.memory_space<vmem>>)
    %dma_wait3A_1044 = arith.constant 0 : i32
    %dma_wait3A_1045 = arith.constant 9 : i32
    %dma_wait3A_1046 = arith.constant 0 : i32
    %dma_wait3A_1047 = arith.constant 9 : i32
    %dma_wait3A_1048 = arith.constant 0 : i32
    %dma_wait3A_1049 = tpu.memref_slice %arg14[%dma_wait3A_1046, %dma_wait3A_1047, %dma_wait3A_1048] : memref<4x16x128xf32, #tpu.memory_space<vmem>> -> memref<1x1x128xf32, #tpu.memory_space<vmem>>
    %dma_wait3A_1050 = tpu.memref_squeeze %dma_wait3A_1049 : memref<1x1x128xf32, #tpu.memory_space<vmem>> -> memref<128xf32, #tpu.memory_space<vmem>>
    %dma_wait3A_1051 = arith.constant 0 : i32
    %dma_wait3A_1052 = tpu.memref_slice %arg13[%dma_wait3A_1044, %dma_wait3A_1045, %dma_wait3A_1051] : memref<4x16x128xi32, #tpu.memory_space<vmem>> -> memref<1x1x128xi32, #tpu.memory_space<vmem>>
    %dma_wait3A_1053 = tpu.memref_squeeze %dma_wait3A_1052 : memref<1x1x128xi32, #tpu.memory_space<vmem>> -> memref<128xi32, #tpu.memory_space<vmem>>
    %dma_wait3A_1054 = arith.constant 0 : i32
    %dma_wait3A_1055 = tpu.memref_slice %arg6[%dma_wait3A_1054] : memref<25600000xf32, #tpu.memory_space<hbm>> -> memref<25600000xf32, #tpu.memory_space<hbm>>
    tpu.wait_indirect_dma semaphore(%arg17 : memref<!tpu.dma_semaphore, #tpu.memory_space<semaphore_mem>>) src(%dma_wait3A_1055 : memref<25600000xf32, #tpu.memory_space<hbm>>) dst(%dma_wait3A_1050 : memref<128xf32, #tpu.memory_space<vmem>>)
    %dma_wait3A_1056 = arith.constant 0 : i32
    %dma_wait3A_1057 = arith.constant 10 : i32
    %dma_wait3A_1058 = arith.constant 0 : i32
    %dma_wait3A_1059 = arith.constant 10 : i32
    %dma_wait3A_1060 = arith.constant 0 : i32
    %dma_wait3A_1061 = tpu.memref_slice %arg14[%dma_wait3A_1058, %dma_wait3A_1059, %dma_wait3A_1060] : memref<4x16x128xf32, #tpu.memory_space<vmem>> -> memref<1x1x128xf32, #tpu.memory_space<vmem>>
    %dma_wait3A_1062 = tpu.memref_squeeze %dma_wait3A_1061 : memref<1x1x128xf32, #tpu.memory_space<vmem>> -> memref<128xf32, #tpu.memory_space<vmem>>
    %dma_wait3A_1063 = arith.constant 0 : i32
    %dma_wait3A_1064 = tpu.memref_slice %arg13[%dma_wait3A_1056, %dma_wait3A_1057, %dma_wait3A_1063] : memref<4x16x128xi32, #tpu.memory_space<vmem>> -> memref<1x1x128xi32, #tpu.memory_space<vmem>>
    %dma_wait3A_1065 = tpu.memref_squeeze %dma_wait3A_1064 : memref<1x1x128xi32, #tpu.memory_space<vmem>> -> memref<128xi32, #tpu.memory_space<vmem>>
    %dma_wait3A_1066 = arith.constant 0 : i32
    %dma_wait3A_1067 = tpu.memref_slice %arg6[%dma_wait3A_1066] : memref<25600000xf32, #tpu.memory_space<hbm>> -> memref<25600000xf32, #tpu.memory_space<hbm>>
    tpu.wait_indirect_dma semaphore(%arg17 : memref<!tpu.dma_semaphore, #tpu.memory_space<semaphore_mem>>) src(%dma_wait3A_1067 : memref<25600000xf32, #tpu.memory_space<hbm>>) dst(%dma_wait3A_1062 : memref<128xf32, #tpu.memory_space<vmem>>)
    %dma_wait3A_1068 = arith.constant 0 : i32
    %dma_wait3A_1069 = arith.constant 11 : i32
    %dma_wait3A_1070 = arith.constant 0 : i32
    %dma_wait3A_1071 = arith.constant 11 : i32
    %dma_wait3A_1072 = arith.constant 0 : i32
    %dma_wait3A_1073 = tpu.memref_slice %arg14[%dma_wait3A_1070, %dma_wait3A_1071, %dma_wait3A_1072] : memref<4x16x128xf32, #tpu.memory_space<vmem>> -> memref<1x1x128xf32, #tpu.memory_space<vmem>>
    %dma_wait3A_1074 = tpu.memref_squeeze %dma_wait3A_1073 : memref<1x1x128xf32, #tpu.memory_space<vmem>> -> memref<128xf32, #tpu.memory_space<vmem>>
    %dma_wait3A_1075 = arith.constant 0 : i32
    %dma_wait3A_1076 = tpu.memref_slice %arg13[%dma_wait3A_1068, %dma_wait3A_1069, %dma_wait3A_1075] : memref<4x16x128xi32, #tpu.memory_space<vmem>> -> memref<1x1x128xi32, #tpu.memory_space<vmem>>
    %dma_wait3A_1077 = tpu.memref_squeeze %dma_wait3A_1076 : memref<1x1x128xi32, #tpu.memory_space<vmem>> -> memref<128xi32, #tpu.memory_space<vmem>>
    %dma_wait3A_1078 = arith.constant 0 : i32
    %dma_wait3A_1079 = tpu.memref_slice %arg6[%dma_wait3A_1078] : memref<25600000xf32, #tpu.memory_space<hbm>> -> memref<25600000xf32, #tpu.memory_space<hbm>>
    tpu.wait_indirect_dma semaphore(%arg17 : memref<!tpu.dma_semaphore, #tpu.memory_space<semaphore_mem>>) src(%dma_wait3A_1079 : memref<25600000xf32, #tpu.memory_space<hbm>>) dst(%dma_wait3A_1074 : memref<128xf32, #tpu.memory_space<vmem>>)
    %dma_wait3A_1080 = arith.constant 0 : i32
    %dma_wait3A_1081 = arith.constant 12 : i32
    %dma_wait3A_1082 = arith.constant 0 : i32
    %dma_wait3A_1083 = arith.constant 12 : i32
    %dma_wait3A_1084 = arith.constant 0 : i32
    %dma_wait3A_1085 = tpu.memref_slice %arg14[%dma_wait3A_1082, %dma_wait3A_1083, %dma_wait3A_1084] : memref<4x16x128xf32, #tpu.memory_space<vmem>> -> memref<1x1x128xf32, #tpu.memory_space<vmem>>
    %dma_wait3A_1086 = tpu.memref_squeeze %dma_wait3A_1085 : memref<1x1x128xf32, #tpu.memory_space<vmem>> -> memref<128xf32, #tpu.memory_space<vmem>>
    %dma_wait3A_1087 = arith.constant 0 : i32
    %dma_wait3A_1088 = tpu.memref_slice %arg13[%dma_wait3A_1080, %dma_wait3A_1081, %dma_wait3A_1087] : memref<4x16x128xi32, #tpu.memory_space<vmem>> -> memref<1x1x128xi32, #tpu.memory_space<vmem>>
    %dma_wait3A_1089 = tpu.memref_squeeze %dma_wait3A_1088 : memref<1x1x128xi32, #tpu.memory_space<vmem>> -> memref<128xi32, #tpu.memory_space<vmem>>
    %dma_wait3A_1090 = arith.constant 0 : i32
    %dma_wait3A_1091 = tpu.memref_slice %arg6[%dma_wait3A_1090] : memref<25600000xf32, #tpu.memory_space<hbm>> -> memref<25600000xf32, #tpu.memory_space<hbm>>
    tpu.wait_indirect_dma semaphore(%arg17 : memref<!tpu.dma_semaphore, #tpu.memory_space<semaphore_mem>>) src(%dma_wait3A_1091 : memref<25600000xf32, #tpu.memory_space<hbm>>) dst(%dma_wait3A_1086 : memref<128xf32, #tpu.memory_space<vmem>>)
    %dma_wait3A_1092 = arith.constant 0 : i32
    %dma_wait3A_1093 = arith.constant 13 : i32
    %dma_wait3A_1094 = arith.constant 0 : i32
    %dma_wait3A_1095 = arith.constant 13 : i32
    %dma_wait3A_1096 = arith.constant 0 : i32
    %dma_wait3A_1097 = tpu.memref_slice %arg14[%dma_wait3A_1094, %dma_wait3A_1095, %dma_wait3A_1096] : memref<4x16x128xf32, #tpu.memory_space<vmem>> -> memref<1x1x128xf32, #tpu.memory_space<vmem>>
    %dma_wait3A_1098 = tpu.memref_squeeze %dma_wait3A_1097 : memref<1x1x128xf32, #tpu.memory_space<vmem>> -> memref<128xf32, #tpu.memory_space<vmem>>
    %dma_wait3A_1099 = arith.constant 0 : i32
    %dma_wait3A_1100 = tpu.memref_slice %arg13[%dma_wait3A_1092, %dma_wait3A_1093, %dma_wait3A_1099] : memref<4x16x128xi32, #tpu.memory_space<vmem>> -> memref<1x1x128xi32, #tpu.memory_space<vmem>>
    %dma_wait3A_1101 = tpu.memref_squeeze %dma_wait3A_1100 : memref<1x1x128xi32, #tpu.memory_space<vmem>> -> memref<128xi32, #tpu.memory_space<vmem>>
    %dma_wait3A_1102 = arith.constant 0 : i32
    %dma_wait3A_1103 = tpu.memref_slice %arg6[%dma_wait3A_1102] : memref<25600000xf32, #tpu.memory_space<hbm>> -> memref<25600000xf32, #tpu.memory_space<hbm>>
    tpu.wait_indirect_dma semaphore(%arg17 : memref<!tpu.dma_semaphore, #tpu.memory_space<semaphore_mem>>) src(%dma_wait3A_1103 : memref<25600000xf32, #tpu.memory_space<hbm>>) dst(%dma_wait3A_1098 : memref<128xf32, #tpu.memory_space<vmem>>)
    %dma_wait3A_1104 = arith.constant 0 : i32
    %dma_wait3A_1105 = arith.constant 14 : i32
    %dma_wait3A_1106 = arith.constant 0 : i32
    %dma_wait3A_1107 = arith.constant 14 : i32
    %dma_wait3A_1108 = arith.constant 0 : i32
    %dma_wait3A_1109 = tpu.memref_slice %arg14[%dma_wait3A_1106, %dma_wait3A_1107, %dma_wait3A_1108] : memref<4x16x128xf32, #tpu.memory_space<vmem>> -> memref<1x1x128xf32, #tpu.memory_space<vmem>>
    %dma_wait3A_1110 = tpu.memref_squeeze %dma_wait3A_1109 : memref<1x1x128xf32, #tpu.memory_space<vmem>> -> memref<128xf32, #tpu.memory_space<vmem>>
    %dma_wait3A_1111 = arith.constant 0 : i32
    %dma_wait3A_1112 = tpu.memref_slice %arg13[%dma_wait3A_1104, %dma_wait3A_1105, %dma_wait3A_1111] : memref<4x16x128xi32, #tpu.memory_space<vmem>> -> memref<1x1x128xi32, #tpu.memory_space<vmem>>
    %dma_wait3A_1113 = tpu.memref_squeeze %dma_wait3A_1112 : memref<1x1x128xi32, #tpu.memory_space<vmem>> -> memref<128xi32, #tpu.memory_space<vmem>>
    %dma_wait3A_1114 = arith.constant 0 : i32
    %dma_wait3A_1115 = tpu.memref_slice %arg6[%dma_wait3A_1114] : memref<25600000xf32, #tpu.memory_space<hbm>> -> memref<25600000xf32, #tpu.memory_space<hbm>>
    tpu.wait_indirect_dma semaphore(%arg17 : memref<!tpu.dma_semaphore, #tpu.memory_space<semaphore_mem>>) src(%dma_wait3A_1115 : memref<25600000xf32, #tpu.memory_space<hbm>>) dst(%dma_wait3A_1110 : memref<128xf32, #tpu.memory_space<vmem>>)
    %dma_wait3A_1116 = arith.constant 0 : i32
    %dma_wait3A_1117 = arith.constant 15 : i32
    %dma_wait3A_1118 = arith.constant 0 : i32
    %dma_wait3A_1119 = arith.constant 15 : i32
    %dma_wait3A_1120 = arith.constant 0 : i32
    %dma_wait3A_1121 = tpu.memref_slice %arg14[%dma_wait3A_1118, %dma_wait3A_1119, %dma_wait3A_1120] : memref<4x16x128xf32, #tpu.memory_space<vmem>> -> memref<1x1x128xf32, #tpu.memory_space<vmem>>
    %dma_wait3A_1122 = tpu.memref_squeeze %dma_wait3A_1121 : memref<1x1x128xf32, #tpu.memory_space<vmem>> -> memref<128xf32, #tpu.memory_space<vmem>>
    %dma_wait3A_1123 = arith.constant 0 : i32
    %dma_wait3A_1124 = tpu.memref_slice %arg13[%dma_wait3A_1116, %dma_wait3A_1117, %dma_wait3A_1123] : memref<4x16x128xi32, #tpu.memory_space<vmem>> -> memref<1x1x128xi32, #tpu.memory_space<vmem>>
    %dma_wait3A_1125 = tpu.memref_squeeze %dma_wait3A_1124 : memref<1x1x128xi32, #tpu.memory_space<vmem>> -> memref<128xi32, #tpu.memory_space<vmem>>
    %dma_wait3A_1126 = arith.constant 0 : i32
    %dma_wait3A_1127 = tpu.memref_slice %arg6[%dma_wait3A_1126] : memref<25600000xf32, #tpu.memory_space<hbm>> -> memref<25600000xf32, #tpu.memory_space<hbm>>
    tpu.wait_indirect_dma semaphore(%arg17 : memref<!tpu.dma_semaphore, #tpu.memory_space<semaphore_mem>>) src(%dma_wait3A_1127 : memref<25600000xf32, #tpu.memory_space<hbm>>) dst(%dma_wait3A_1122 : memref<128xf32, #tpu.memory_space<vmem>>)
    %dma_wait3A_1128 = arith.constant 0 : i32
    %dma_wait3A_1129 = arith.constant 0 : i32
    %dma_wait3A_1130 = arith.constant 0 : i32
    %dma_wait3A_1131 = tpu.memref_slice %arg15[%dma_wait3A_1129, %dma_wait3A_1130] : memref<4x128xf32, #tpu.memory_space<vmem>> -> memref<1x128xf32, #tpu.memory_space<vmem>>
    %dma_wait3A_1132 = tpu.memref_squeeze %dma_wait3A_1131 : memref<1x128xf32, #tpu.memory_space<vmem>> -> memref<128xf32, #tpu.memory_space<vmem>>
    %dma_wait3A_1133 = arith.constant 0 : i32
    %dma_wait3A_1134 = tpu.memref_slice %arg9[%dma_wait3A_1128, %dma_wait3A_1133] : memref<4x128xi32, #tpu.memory_space<vmem>> -> memref<1x128xi32, #tpu.memory_space<vmem>>
    %dma_wait3A_1135 = tpu.memref_squeeze %dma_wait3A_1134 : memref<1x128xi32, #tpu.memory_space<vmem>> -> memref<128xi32, #tpu.memory_space<vmem>>
    %dma_wait3A_1136 = arith.constant 0 : i32
    %dma_wait3A_1137 = tpu.memref_slice %arg7[%dma_wait3A_1136] : memref<100000xf32, #tpu.memory_space<hbm>> -> memref<100000xf32, #tpu.memory_space<hbm>>
    tpu.wait_indirect_dma semaphore(%arg18 : memref<!tpu.dma_semaphore, #tpu.memory_space<semaphore_mem>>) src(%dma_wait3A_1137 : memref<100000xf32, #tpu.memory_space<hbm>>) dst(%dma_wait3A_1132 : memref<128xf32, #tpu.memory_space<vmem>>)
    %dma_wait3A_1138 = arith.constant 1 : i32
    %dma_wait3A_1139 = arith.constant 0 : i32
    %dma_wait3A_1140 = arith.constant 1 : i32
    %dma_wait3A_1141 = arith.constant 0 : i32
    %dma_wait3A_1142 = arith.constant 0 : i32
    %dma_wait3A_1143 = tpu.memref_slice %arg14[%dma_wait3A_1140, %dma_wait3A_1141, %dma_wait3A_1142] : memref<4x16x128xf32, #tpu.memory_space<vmem>> -> memref<1x1x128xf32, #tpu.memory_space<vmem>>
    %dma_wait3A_1144 = tpu.memref_squeeze %dma_wait3A_1143 : memref<1x1x128xf32, #tpu.memory_space<vmem>> -> memref<128xf32, #tpu.memory_space<vmem>>
    %dma_wait3A_1145 = arith.constant 0 : i32
    %dma_wait3A_1146 = tpu.memref_slice %arg13[%dma_wait3A_1138, %dma_wait3A_1139, %dma_wait3A_1145] : memref<4x16x128xi32, #tpu.memory_space<vmem>> -> memref<1x1x128xi32, #tpu.memory_space<vmem>>
    %dma_wait3A_1147 = tpu.memref_squeeze %dma_wait3A_1146 : memref<1x1x128xi32, #tpu.memory_space<vmem>> -> memref<128xi32, #tpu.memory_space<vmem>>
    %dma_wait3A_1148 = arith.constant 0 : i32
    %dma_wait3A_1149 = tpu.memref_slice %arg6[%dma_wait3A_1148] : memref<25600000xf32, #tpu.memory_space<hbm>> -> memref<25600000xf32, #tpu.memory_space<hbm>>
    tpu.wait_indirect_dma semaphore(%arg17 : memref<!tpu.dma_semaphore, #tpu.memory_space<semaphore_mem>>) src(%dma_wait3A_1149 : memref<25600000xf32, #tpu.memory_space<hbm>>) dst(%dma_wait3A_1144 : memref<128xf32, #tpu.memory_space<vmem>>)
    %dma_wait3A_1150 = arith.constant 1 : i32
    %dma_wait3A_1151 = arith.constant 1 : i32
    %dma_wait3A_1152 = arith.constant 1 : i32
    %dma_wait3A_1153 = arith.constant 1 : i32
    %dma_wait3A_1154 = arith.constant 0 : i32
    %dma_wait3A_1155 = tpu.memref_slice %arg14[%dma_wait3A_1152, %dma_wait3A_1153, %dma_wait3A_1154] : memref<4x16x128xf32, #tpu.memory_space<vmem>> -> memref<1x1x128xf32, #tpu.memory_space<vmem>>
    %dma_wait3A_1156 = tpu.memref_squeeze %dma_wait3A_1155 : memref<1x1x128xf32, #tpu.memory_space<vmem>> -> memref<128xf32, #tpu.memory_space<vmem>>
    %dma_wait3A_1157 = arith.constant 0 : i32
    %dma_wait3A_1158 = tpu.memref_slice %arg13[%dma_wait3A_1150, %dma_wait3A_1151, %dma_wait3A_1157] : memref<4x16x128xi32, #tpu.memory_space<vmem>> -> memref<1x1x128xi32, #tpu.memory_space<vmem>>
    %dma_wait3A_1159 = tpu.memref_squeeze %dma_wait3A_1158 : memref<1x1x128xi32, #tpu.memory_space<vmem>> -> memref<128xi32, #tpu.memory_space<vmem>>
    %dma_wait3A_1160 = arith.constant 0 : i32
    %dma_wait3A_1161 = tpu.memref_slice %arg6[%dma_wait3A_1160] : memref<25600000xf32, #tpu.memory_space<hbm>> -> memref<25600000xf32, #tpu.memory_space<hbm>>
    tpu.wait_indirect_dma semaphore(%arg17 : memref<!tpu.dma_semaphore, #tpu.memory_space<semaphore_mem>>) src(%dma_wait3A_1161 : memref<25600000xf32, #tpu.memory_space<hbm>>) dst(%dma_wait3A_1156 : memref<128xf32, #tpu.memory_space<vmem>>)
    %dma_wait3A_1162 = arith.constant 1 : i32
    %dma_wait3A_1163 = arith.constant 2 : i32
    %dma_wait3A_1164 = arith.constant 1 : i32
    %dma_wait3A_1165 = arith.constant 2 : i32
    %dma_wait3A_1166 = arith.constant 0 : i32
    %dma_wait3A_1167 = tpu.memref_slice %arg14[%dma_wait3A_1164, %dma_wait3A_1165, %dma_wait3A_1166] : memref<4x16x128xf32, #tpu.memory_space<vmem>> -> memref<1x1x128xf32, #tpu.memory_space<vmem>>
    %dma_wait3A_1168 = tpu.memref_squeeze %dma_wait3A_1167 : memref<1x1x128xf32, #tpu.memory_space<vmem>> -> memref<128xf32, #tpu.memory_space<vmem>>
    %dma_wait3A_1169 = arith.constant 0 : i32
    %dma_wait3A_1170 = tpu.memref_slice %arg13[%dma_wait3A_1162, %dma_wait3A_1163, %dma_wait3A_1169] : memref<4x16x128xi32, #tpu.memory_space<vmem>> -> memref<1x1x128xi32, #tpu.memory_space<vmem>>
    %dma_wait3A_1171 = tpu.memref_squeeze %dma_wait3A_1170 : memref<1x1x128xi32, #tpu.memory_space<vmem>> -> memref<128xi32, #tpu.memory_space<vmem>>
    %dma_wait3A_1172 = arith.constant 0 : i32
    %dma_wait3A_1173 = tpu.memref_slice %arg6[%dma_wait3A_1172] : memref<25600000xf32, #tpu.memory_space<hbm>> -> memref<25600000xf32, #tpu.memory_space<hbm>>
    tpu.wait_indirect_dma semaphore(%arg17 : memref<!tpu.dma_semaphore, #tpu.memory_space<semaphore_mem>>) src(%dma_wait3A_1173 : memref<25600000xf32, #tpu.memory_space<hbm>>) dst(%dma_wait3A_1168 : memref<128xf32, #tpu.memory_space<vmem>>)
    %dma_wait3A_1174 = arith.constant 1 : i32
    %dma_wait3A_1175 = arith.constant 3 : i32
    %dma_wait3A_1176 = arith.constant 1 : i32
    %dma_wait3A_1177 = arith.constant 3 : i32
    %dma_wait3A_1178 = arith.constant 0 : i32
    %dma_wait3A_1179 = tpu.memref_slice %arg14[%dma_wait3A_1176, %dma_wait3A_1177, %dma_wait3A_1178] : memref<4x16x128xf32, #tpu.memory_space<vmem>> -> memref<1x1x128xf32, #tpu.memory_space<vmem>>
    %dma_wait3A_1180 = tpu.memref_squeeze %dma_wait3A_1179 : memref<1x1x128xf32, #tpu.memory_space<vmem>> -> memref<128xf32, #tpu.memory_space<vmem>>
    %dma_wait3A_1181 = arith.constant 0 : i32
    %dma_wait3A_1182 = tpu.memref_slice %arg13[%dma_wait3A_1174, %dma_wait3A_1175, %dma_wait3A_1181] : memref<4x16x128xi32, #tpu.memory_space<vmem>> -> memref<1x1x128xi32, #tpu.memory_space<vmem>>
    %dma_wait3A_1183 = tpu.memref_squeeze %dma_wait3A_1182 : memref<1x1x128xi32, #tpu.memory_space<vmem>> -> memref<128xi32, #tpu.memory_space<vmem>>
    %dma_wait3A_1184 = arith.constant 0 : i32
    %dma_wait3A_1185 = tpu.memref_slice %arg6[%dma_wait3A_1184] : memref<25600000xf32, #tpu.memory_space<hbm>> -> memref<25600000xf32, #tpu.memory_space<hbm>>
    tpu.wait_indirect_dma semaphore(%arg17 : memref<!tpu.dma_semaphore, #tpu.memory_space<semaphore_mem>>) src(%dma_wait3A_1185 : memref<25600000xf32, #tpu.memory_space<hbm>>) dst(%dma_wait3A_1180 : memref<128xf32, #tpu.memory_space<vmem>>)
    %dma_wait3A_1186 = arith.constant 1 : i32
    %dma_wait3A_1187 = arith.constant 4 : i32
    %dma_wait3A_1188 = arith.constant 1 : i32
    %dma_wait3A_1189 = arith.constant 4 : i32
    %dma_wait3A_1190 = arith.constant 0 : i32
    %dma_wait3A_1191 = tpu.memref_slice %arg14[%dma_wait3A_1188, %dma_wait3A_1189, %dma_wait3A_1190] : memref<4x16x128xf32, #tpu.memory_space<vmem>> -> memref<1x1x128xf32, #tpu.memory_space<vmem>>
    %dma_wait3A_1192 = tpu.memref_squeeze %dma_wait3A_1191 : memref<1x1x128xf32, #tpu.memory_space<vmem>> -> memref<128xf32, #tpu.memory_space<vmem>>
    %dma_wait3A_1193 = arith.constant 0 : i32
    %dma_wait3A_1194 = tpu.memref_slice %arg13[%dma_wait3A_1186, %dma_wait3A_1187, %dma_wait3A_1193] : memref<4x16x128xi32, #tpu.memory_space<vmem>> -> memref<1x1x128xi32, #tpu.memory_space<vmem>>
    %dma_wait3A_1195 = tpu.memref_squeeze %dma_wait3A_1194 : memref<1x1x128xi32, #tpu.memory_space<vmem>> -> memref<128xi32, #tpu.memory_space<vmem>>
    %dma_wait3A_1196 = arith.constant 0 : i32
    %dma_wait3A_1197 = tpu.memref_slice %arg6[%dma_wait3A_1196] : memref<25600000xf32, #tpu.memory_space<hbm>> -> memref<25600000xf32, #tpu.memory_space<hbm>>
    tpu.wait_indirect_dma semaphore(%arg17 : memref<!tpu.dma_semaphore, #tpu.memory_space<semaphore_mem>>) src(%dma_wait3A_1197 : memref<25600000xf32, #tpu.memory_space<hbm>>) dst(%dma_wait3A_1192 : memref<128xf32, #tpu.memory_space<vmem>>)
    %dma_wait3A_1198 = arith.constant 1 : i32
    %dma_wait3A_1199 = arith.constant 5 : i32
    %dma_wait3A_1200 = arith.constant 1 : i32
    %dma_wait3A_1201 = arith.constant 5 : i32
    %dma_wait3A_1202 = arith.constant 0 : i32
    %dma_wait3A_1203 = tpu.memref_slice %arg14[%dma_wait3A_1200, %dma_wait3A_1201, %dma_wait3A_1202] : memref<4x16x128xf32, #tpu.memory_space<vmem>> -> memref<1x1x128xf32, #tpu.memory_space<vmem>>
    %dma_wait3A_1204 = tpu.memref_squeeze %dma_wait3A_1203 : memref<1x1x128xf32, #tpu.memory_space<vmem>> -> memref<128xf32, #tpu.memory_space<vmem>>
    %dma_wait3A_1205 = arith.constant 0 : i32
    %dma_wait3A_1206 = tpu.memref_slice %arg13[%dma_wait3A_1198, %dma_wait3A_1199, %dma_wait3A_1205] : memref<4x16x128xi32, #tpu.memory_space<vmem>> -> memref<1x1x128xi32, #tpu.memory_space<vmem>>
    %dma_wait3A_1207 = tpu.memref_squeeze %dma_wait3A_1206 : memref<1x1x128xi32, #tpu.memory_space<vmem>> -> memref<128xi32, #tpu.memory_space<vmem>>
    %dma_wait3A_1208 = arith.constant 0 : i32
    %dma_wait3A_1209 = tpu.memref_slice %arg6[%dma_wait3A_1208] : memref<25600000xf32, #tpu.memory_space<hbm>> -> memref<25600000xf32, #tpu.memory_space<hbm>>
    tpu.wait_indirect_dma semaphore(%arg17 : memref<!tpu.dma_semaphore, #tpu.memory_space<semaphore_mem>>) src(%dma_wait3A_1209 : memref<25600000xf32, #tpu.memory_space<hbm>>) dst(%dma_wait3A_1204 : memref<128xf32, #tpu.memory_space<vmem>>)
    %dma_wait3A_1210 = arith.constant 1 : i32
    %dma_wait3A_1211 = arith.constant 6 : i32
    %dma_wait3A_1212 = arith.constant 1 : i32
    %dma_wait3A_1213 = arith.constant 6 : i32
    %dma_wait3A_1214 = arith.constant 0 : i32
    %dma_wait3A_1215 = tpu.memref_slice %arg14[%dma_wait3A_1212, %dma_wait3A_1213, %dma_wait3A_1214] : memref<4x16x128xf32, #tpu.memory_space<vmem>> -> memref<1x1x128xf32, #tpu.memory_space<vmem>>
    %dma_wait3A_1216 = tpu.memref_squeeze %dma_wait3A_1215 : memref<1x1x128xf32, #tpu.memory_space<vmem>> -> memref<128xf32, #tpu.memory_space<vmem>>
    %dma_wait3A_1217 = arith.constant 0 : i32
    %dma_wait3A_1218 = tpu.memref_slice %arg13[%dma_wait3A_1210, %dma_wait3A_1211, %dma_wait3A_1217] : memref<4x16x128xi32, #tpu.memory_space<vmem>> -> memref<1x1x128xi32, #tpu.memory_space<vmem>>
    %dma_wait3A_1219 = tpu.memref_squeeze %dma_wait3A_1218 : memref<1x1x128xi32, #tpu.memory_space<vmem>> -> memref<128xi32, #tpu.memory_space<vmem>>
    %dma_wait3A_1220 = arith.constant 0 : i32
    %dma_wait3A_1221 = tpu.memref_slice %arg6[%dma_wait3A_1220] : memref<25600000xf32, #tpu.memory_space<hbm>> -> memref<25600000xf32, #tpu.memory_space<hbm>>
    tpu.wait_indirect_dma semaphore(%arg17 : memref<!tpu.dma_semaphore, #tpu.memory_space<semaphore_mem>>) src(%dma_wait3A_1221 : memref<25600000xf32, #tpu.memory_space<hbm>>) dst(%dma_wait3A_1216 : memref<128xf32, #tpu.memory_space<vmem>>)
    %dma_wait3A_1222 = arith.constant 1 : i32
    %dma_wait3A_1223 = arith.constant 7 : i32
    %dma_wait3A_1224 = arith.constant 1 : i32
    %dma_wait3A_1225 = arith.constant 7 : i32
    %dma_wait3A_1226 = arith.constant 0 : i32
    %dma_wait3A_1227 = tpu.memref_slice %arg14[%dma_wait3A_1224, %dma_wait3A_1225, %dma_wait3A_1226] : memref<4x16x128xf32, #tpu.memory_space<vmem>> -> memref<1x1x128xf32, #tpu.memory_space<vmem>>
    %dma_wait3A_1228 = tpu.memref_squeeze %dma_wait3A_1227 : memref<1x1x128xf32, #tpu.memory_space<vmem>> -> memref<128xf32, #tpu.memory_space<vmem>>
    %dma_wait3A_1229 = arith.constant 0 : i32
    %dma_wait3A_1230 = tpu.memref_slice %arg13[%dma_wait3A_1222, %dma_wait3A_1223, %dma_wait3A_1229] : memref<4x16x128xi32, #tpu.memory_space<vmem>> -> memref<1x1x128xi32, #tpu.memory_space<vmem>>
    %dma_wait3A_1231 = tpu.memref_squeeze %dma_wait3A_1230 : memref<1x1x128xi32, #tpu.memory_space<vmem>> -> memref<128xi32, #tpu.memory_space<vmem>>
    %dma_wait3A_1232 = arith.constant 0 : i32
    %dma_wait3A_1233 = tpu.memref_slice %arg6[%dma_wait3A_1232] : memref<25600000xf32, #tpu.memory_space<hbm>> -> memref<25600000xf32, #tpu.memory_space<hbm>>
    tpu.wait_indirect_dma semaphore(%arg17 : memref<!tpu.dma_semaphore, #tpu.memory_space<semaphore_mem>>) src(%dma_wait3A_1233 : memref<25600000xf32, #tpu.memory_space<hbm>>) dst(%dma_wait3A_1228 : memref<128xf32, #tpu.memory_space<vmem>>)
    %dma_wait3A_1234 = arith.constant 1 : i32
    %dma_wait3A_1235 = arith.constant 8 : i32
    %dma_wait3A_1236 = arith.constant 1 : i32
    %dma_wait3A_1237 = arith.constant 8 : i32
    %dma_wait3A_1238 = arith.constant 0 : i32
    %dma_wait3A_1239 = tpu.memref_slice %arg14[%dma_wait3A_1236, %dma_wait3A_1237, %dma_wait3A_1238] : memref<4x16x128xf32, #tpu.memory_space<vmem>> -> memref<1x1x128xf32, #tpu.memory_space<vmem>>
    %dma_wait3A_1240 = tpu.memref_squeeze %dma_wait3A_1239 : memref<1x1x128xf32, #tpu.memory_space<vmem>> -> memref<128xf32, #tpu.memory_space<vmem>>
    %dma_wait3A_1241 = arith.constant 0 : i32
    %dma_wait3A_1242 = tpu.memref_slice %arg13[%dma_wait3A_1234, %dma_wait3A_1235, %dma_wait3A_1241] : memref<4x16x128xi32, #tpu.memory_space<vmem>> -> memref<1x1x128xi32, #tpu.memory_space<vmem>>
    %dma_wait3A_1243 = tpu.memref_squeeze %dma_wait3A_1242 : memref<1x1x128xi32, #tpu.memory_space<vmem>> -> memref<128xi32, #tpu.memory_space<vmem>>
    %dma_wait3A_1244 = arith.constant 0 : i32
    %dma_wait3A_1245 = tpu.memref_slice %arg6[%dma_wait3A_1244] : memref<25600000xf32, #tpu.memory_space<hbm>> -> memref<25600000xf32, #tpu.memory_space<hbm>>
    tpu.wait_indirect_dma semaphore(%arg17 : memref<!tpu.dma_semaphore, #tpu.memory_space<semaphore_mem>>) src(%dma_wait3A_1245 : memref<25600000xf32, #tpu.memory_space<hbm>>) dst(%dma_wait3A_1240 : memref<128xf32, #tpu.memory_space<vmem>>)
    %dma_wait3A_1246 = arith.constant 1 : i32
    %dma_wait3A_1247 = arith.constant 9 : i32
    %dma_wait3A_1248 = arith.constant 1 : i32
    %dma_wait3A_1249 = arith.constant 9 : i32
    %dma_wait3A_1250 = arith.constant 0 : i32
    %dma_wait3A_1251 = tpu.memref_slice %arg14[%dma_wait3A_1248, %dma_wait3A_1249, %dma_wait3A_1250] : memref<4x16x128xf32, #tpu.memory_space<vmem>> -> memref<1x1x128xf32, #tpu.memory_space<vmem>>
    %dma_wait3A_1252 = tpu.memref_squeeze %dma_wait3A_1251 : memref<1x1x128xf32, #tpu.memory_space<vmem>> -> memref<128xf32, #tpu.memory_space<vmem>>
    %dma_wait3A_1253 = arith.constant 0 : i32
    %dma_wait3A_1254 = tpu.memref_slice %arg13[%dma_wait3A_1246, %dma_wait3A_1247, %dma_wait3A_1253] : memref<4x16x128xi32, #tpu.memory_space<vmem>> -> memref<1x1x128xi32, #tpu.memory_space<vmem>>
    %dma_wait3A_1255 = tpu.memref_squeeze %dma_wait3A_1254 : memref<1x1x128xi32, #tpu.memory_space<vmem>> -> memref<128xi32, #tpu.memory_space<vmem>>
    %dma_wait3A_1256 = arith.constant 0 : i32
    %dma_wait3A_1257 = tpu.memref_slice %arg6[%dma_wait3A_1256] : memref<25600000xf32, #tpu.memory_space<hbm>> -> memref<25600000xf32, #tpu.memory_space<hbm>>
    tpu.wait_indirect_dma semaphore(%arg17 : memref<!tpu.dma_semaphore, #tpu.memory_space<semaphore_mem>>) src(%dma_wait3A_1257 : memref<25600000xf32, #tpu.memory_space<hbm>>) dst(%dma_wait3A_1252 : memref<128xf32, #tpu.memory_space<vmem>>)
    %dma_wait3A_1258 = arith.constant 1 : i32
    %dma_wait3A_1259 = arith.constant 10 : i32
    %dma_wait3A_1260 = arith.constant 1 : i32
    %dma_wait3A_1261 = arith.constant 10 : i32
    %dma_wait3A_1262 = arith.constant 0 : i32
    %dma_wait3A_1263 = tpu.memref_slice %arg14[%dma_wait3A_1260, %dma_wait3A_1261, %dma_wait3A_1262] : memref<4x16x128xf32, #tpu.memory_space<vmem>> -> memref<1x1x128xf32, #tpu.memory_space<vmem>>
    %dma_wait3A_1264 = tpu.memref_squeeze %dma_wait3A_1263 : memref<1x1x128xf32, #tpu.memory_space<vmem>> -> memref<128xf32, #tpu.memory_space<vmem>>
    %dma_wait3A_1265 = arith.constant 0 : i32
    %dma_wait3A_1266 = tpu.memref_slice %arg13[%dma_wait3A_1258, %dma_wait3A_1259, %dma_wait3A_1265] : memref<4x16x128xi32, #tpu.memory_space<vmem>> -> memref<1x1x128xi32, #tpu.memory_space<vmem>>
    %dma_wait3A_1267 = tpu.memref_squeeze %dma_wait3A_1266 : memref<1x1x128xi32, #tpu.memory_space<vmem>> -> memref<128xi32, #tpu.memory_space<vmem>>
    %dma_wait3A_1268 = arith.constant 0 : i32
    %dma_wait3A_1269 = tpu.memref_slice %arg6[%dma_wait3A_1268] : memref<25600000xf32, #tpu.memory_space<hbm>> -> memref<25600000xf32, #tpu.memory_space<hbm>>
    tpu.wait_indirect_dma semaphore(%arg17 : memref<!tpu.dma_semaphore, #tpu.memory_space<semaphore_mem>>) src(%dma_wait3A_1269 : memref<25600000xf32, #tpu.memory_space<hbm>>) dst(%dma_wait3A_1264 : memref<128xf32, #tpu.memory_space<vmem>>)
    %dma_wait3A_1270 = arith.constant 1 : i32
    %dma_wait3A_1271 = arith.constant 11 : i32
    %dma_wait3A_1272 = arith.constant 1 : i32
    %dma_wait3A_1273 = arith.constant 11 : i32
    %dma_wait3A_1274 = arith.constant 0 : i32
    %dma_wait3A_1275 = tpu.memref_slice %arg14[%dma_wait3A_1272, %dma_wait3A_1273, %dma_wait3A_1274] : memref<4x16x128xf32, #tpu.memory_space<vmem>> -> memref<1x1x128xf32, #tpu.memory_space<vmem>>
    %dma_wait3A_1276 = tpu.memref_squeeze %dma_wait3A_1275 : memref<1x1x128xf32, #tpu.memory_space<vmem>> -> memref<128xf32, #tpu.memory_space<vmem>>
    %dma_wait3A_1277 = arith.constant 0 : i32
    %dma_wait3A_1278 = tpu.memref_slice %arg13[%dma_wait3A_1270, %dma_wait3A_1271, %dma_wait3A_1277] : memref<4x16x128xi32, #tpu.memory_space<vmem>> -> memref<1x1x128xi32, #tpu.memory_space<vmem>>
    %dma_wait3A_1279 = tpu.memref_squeeze %dma_wait3A_1278 : memref<1x1x128xi32, #tpu.memory_space<vmem>> -> memref<128xi32, #tpu.memory_space<vmem>>
    %dma_wait3A_1280 = arith.constant 0 : i32
    %dma_wait3A_1281 = tpu.memref_slice %arg6[%dma_wait3A_1280] : memref<25600000xf32, #tpu.memory_space<hbm>> -> memref<25600000xf32, #tpu.memory_space<hbm>>
    tpu.wait_indirect_dma semaphore(%arg17 : memref<!tpu.dma_semaphore, #tpu.memory_space<semaphore_mem>>) src(%dma_wait3A_1281 : memref<25600000xf32, #tpu.memory_space<hbm>>) dst(%dma_wait3A_1276 : memref<128xf32, #tpu.memory_space<vmem>>)
    %dma_wait3A_1282 = arith.constant 1 : i32
    %dma_wait3A_1283 = arith.constant 12 : i32
    %dma_wait3A_1284 = arith.constant 1 : i32
    %dma_wait3A_1285 = arith.constant 12 : i32
    %dma_wait3A_1286 = arith.constant 0 : i32
    %dma_wait3A_1287 = tpu.memref_slice %arg14[%dma_wait3A_1284, %dma_wait3A_1285, %dma_wait3A_1286] : memref<4x16x128xf32, #tpu.memory_space<vmem>> -> memref<1x1x128xf32, #tpu.memory_space<vmem>>
    %dma_wait3A_1288 = tpu.memref_squeeze %dma_wait3A_1287 : memref<1x1x128xf32, #tpu.memory_space<vmem>> -> memref<128xf32, #tpu.memory_space<vmem>>
    %dma_wait3A_1289 = arith.constant 0 : i32
    %dma_wait3A_1290 = tpu.memref_slice %arg13[%dma_wait3A_1282, %dma_wait3A_1283, %dma_wait3A_1289] : memref<4x16x128xi32, #tpu.memory_space<vmem>> -> memref<1x1x128xi32, #tpu.memory_space<vmem>>
    %dma_wait3A_1291 = tpu.memref_squeeze %dma_wait3A_1290 : memref<1x1x128xi32, #tpu.memory_space<vmem>> -> memref<128xi32, #tpu.memory_space<vmem>>
    %dma_wait3A_1292 = arith.constant 0 : i32
    %dma_wait3A_1293 = tpu.memref_slice %arg6[%dma_wait3A_1292] : memref<25600000xf32, #tpu.memory_space<hbm>> -> memref<25600000xf32, #tpu.memory_space<hbm>>
    tpu.wait_indirect_dma semaphore(%arg17 : memref<!tpu.dma_semaphore, #tpu.memory_space<semaphore_mem>>) src(%dma_wait3A_1293 : memref<25600000xf32, #tpu.memory_space<hbm>>) dst(%dma_wait3A_1288 : memref<128xf32, #tpu.memory_space<vmem>>)
    %dma_wait3A_1294 = arith.constant 1 : i32
    %dma_wait3A_1295 = arith.constant 13 : i32
    %dma_wait3A_1296 = arith.constant 1 : i32
    %dma_wait3A_1297 = arith.constant 13 : i32
    %dma_wait3A_1298 = arith.constant 0 : i32
    %dma_wait3A_1299 = tpu.memref_slice %arg14[%dma_wait3A_1296, %dma_wait3A_1297, %dma_wait3A_1298] : memref<4x16x128xf32, #tpu.memory_space<vmem>> -> memref<1x1x128xf32, #tpu.memory_space<vmem>>
    %dma_wait3A_1300 = tpu.memref_squeeze %dma_wait3A_1299 : memref<1x1x128xf32, #tpu.memory_space<vmem>> -> memref<128xf32, #tpu.memory_space<vmem>>
    %dma_wait3A_1301 = arith.constant 0 : i32
    %dma_wait3A_1302 = tpu.memref_slice %arg13[%dma_wait3A_1294, %dma_wait3A_1295, %dma_wait3A_1301] : memref<4x16x128xi32, #tpu.memory_space<vmem>> -> memref<1x1x128xi32, #tpu.memory_space<vmem>>
    %dma_wait3A_1303 = tpu.memref_squeeze %dma_wait3A_1302 : memref<1x1x128xi32, #tpu.memory_space<vmem>> -> memref<128xi32, #tpu.memory_space<vmem>>
    %dma_wait3A_1304 = arith.constant 0 : i32
    %dma_wait3A_1305 = tpu.memref_slice %arg6[%dma_wait3A_1304] : memref<25600000xf32, #tpu.memory_space<hbm>> -> memref<25600000xf32, #tpu.memory_space<hbm>>
    tpu.wait_indirect_dma semaphore(%arg17 : memref<!tpu.dma_semaphore, #tpu.memory_space<semaphore_mem>>) src(%dma_wait3A_1305 : memref<25600000xf32, #tpu.memory_space<hbm>>) dst(%dma_wait3A_1300 : memref<128xf32, #tpu.memory_space<vmem>>)
    %dma_wait3A_1306 = arith.constant 1 : i32
    %dma_wait3A_1307 = arith.constant 14 : i32
    %dma_wait3A_1308 = arith.constant 1 : i32
    %dma_wait3A_1309 = arith.constant 14 : i32
    %dma_wait3A_1310 = arith.constant 0 : i32
    %dma_wait3A_1311 = tpu.memref_slice %arg14[%dma_wait3A_1308, %dma_wait3A_1309, %dma_wait3A_1310] : memref<4x16x128xf32, #tpu.memory_space<vmem>> -> memref<1x1x128xf32, #tpu.memory_space<vmem>>
    %dma_wait3A_1312 = tpu.memref_squeeze %dma_wait3A_1311 : memref<1x1x128xf32, #tpu.memory_space<vmem>> -> memref<128xf32, #tpu.memory_space<vmem>>
    %dma_wait3A_1313 = arith.constant 0 : i32
    %dma_wait3A_1314 = tpu.memref_slice %arg13[%dma_wait3A_1306, %dma_wait3A_1307, %dma_wait3A_1313] : memref<4x16x128xi32, #tpu.memory_space<vmem>> -> memref<1x1x128xi32, #tpu.memory_space<vmem>>
    %dma_wait3A_1315 = tpu.memref_squeeze %dma_wait3A_1314 : memref<1x1x128xi32, #tpu.memory_space<vmem>> -> memref<128xi32, #tpu.memory_space<vmem>>
    %dma_wait3A_1316 = arith.constant 0 : i32
    %dma_wait3A_1317 = tpu.memref_slice %arg6[%dma_wait3A_1316] : memref<25600000xf32, #tpu.memory_space<hbm>> -> memref<25600000xf32, #tpu.memory_space<hbm>>
    tpu.wait_indirect_dma semaphore(%arg17 : memref<!tpu.dma_semaphore, #tpu.memory_space<semaphore_mem>>) src(%dma_wait3A_1317 : memref<25600000xf32, #tpu.memory_space<hbm>>) dst(%dma_wait3A_1312 : memref<128xf32, #tpu.memory_space<vmem>>)
    %dma_wait3A_1318 = arith.constant 1 : i32
    %dma_wait3A_1319 = arith.constant 15 : i32
    %dma_wait3A_1320 = arith.constant 1 : i32
    %dma_wait3A_1321 = arith.constant 15 : i32
    %dma_wait3A_1322 = arith.constant 0 : i32
    %dma_wait3A_1323 = tpu.memref_slice %arg14[%dma_wait3A_1320, %dma_wait3A_1321, %dma_wait3A_1322] : memref<4x16x128xf32, #tpu.memory_space<vmem>> -> memref<1x1x128xf32, #tpu.memory_space<vmem>>
    %dma_wait3A_1324 = tpu.memref_squeeze %dma_wait3A_1323 : memref<1x1x128xf32, #tpu.memory_space<vmem>> -> memref<128xf32, #tpu.memory_space<vmem>>
    %dma_wait3A_1325 = arith.constant 0 : i32
    %dma_wait3A_1326 = tpu.memref_slice %arg13[%dma_wait3A_1318, %dma_wait3A_1319, %dma_wait3A_1325] : memref<4x16x128xi32, #tpu.memory_space<vmem>> -> memref<1x1x128xi32, #tpu.memory_space<vmem>>
    %dma_wait3A_1327 = tpu.memref_squeeze %dma_wait3A_1326 : memref<1x1x128xi32, #tpu.memory_space<vmem>> -> memref<128xi32, #tpu.memory_space<vmem>>
    %dma_wait3A_1328 = arith.constant 0 : i32
    %dma_wait3A_1329 = tpu.memref_slice %arg6[%dma_wait3A_1328] : memref<25600000xf32, #tpu.memory_space<hbm>> -> memref<25600000xf32, #tpu.memory_space<hbm>>
    tpu.wait_indirect_dma semaphore(%arg17 : memref<!tpu.dma_semaphore, #tpu.memory_space<semaphore_mem>>) src(%dma_wait3A_1329 : memref<25600000xf32, #tpu.memory_space<hbm>>) dst(%dma_wait3A_1324 : memref<128xf32, #tpu.memory_space<vmem>>)
    %dma_wait3A_1330 = arith.constant 1 : i32
    %dma_wait3A_1331 = arith.constant 1 : i32
    %dma_wait3A_1332 = arith.constant 0 : i32
    %dma_wait3A_1333 = tpu.memref_slice %arg15[%dma_wait3A_1331, %dma_wait3A_1332] : memref<4x128xf32, #tpu.memory_space<vmem>> -> memref<1x128xf32, #tpu.memory_space<vmem>>
    %dma_wait3A_1334 = tpu.memref_squeeze %dma_wait3A_1333 : memref<1x128xf32, #tpu.memory_space<vmem>> -> memref<128xf32, #tpu.memory_space<vmem>>
    %dma_wait3A_1335 = arith.constant 0 : i32
    %dma_wait3A_1336 = tpu.memref_slice %arg9[%dma_wait3A_1330, %dma_wait3A_1335] : memref<4x128xi32, #tpu.memory_space<vmem>> -> memref<1x128xi32, #tpu.memory_space<vmem>>
    %dma_wait3A_1337 = tpu.memref_squeeze %dma_wait3A_1336 : memref<1x128xi32, #tpu.memory_space<vmem>> -> memref<128xi32, #tpu.memory_space<vmem>>
    %dma_wait3A_1338 = arith.constant 0 : i32
    %dma_wait3A_1339 = tpu.memref_slice %arg7[%dma_wait3A_1338] : memref<100000xf32, #tpu.memory_space<hbm>> -> memref<100000xf32, #tpu.memory_space<hbm>>
    tpu.wait_indirect_dma semaphore(%arg18 : memref<!tpu.dma_semaphore, #tpu.memory_space<semaphore_mem>>) src(%dma_wait3A_1339 : memref<100000xf32, #tpu.memory_space<hbm>>) dst(%dma_wait3A_1334 : memref<128xf32, #tpu.memory_space<vmem>>)
    %dma_wait3A_1340 = arith.constant 2 : i32
    %dma_wait3A_1341 = arith.constant 0 : i32
    %dma_wait3A_1342 = arith.constant 2 : i32
    %dma_wait3A_1343 = arith.constant 0 : i32
    %dma_wait3A_1344 = arith.constant 0 : i32
    %dma_wait3A_1345 = tpu.memref_slice %arg14[%dma_wait3A_1342, %dma_wait3A_1343, %dma_wait3A_1344] : memref<4x16x128xf32, #tpu.memory_space<vmem>> -> memref<1x1x128xf32, #tpu.memory_space<vmem>>
    %dma_wait3A_1346 = tpu.memref_squeeze %dma_wait3A_1345 : memref<1x1x128xf32, #tpu.memory_space<vmem>> -> memref<128xf32, #tpu.memory_space<vmem>>
    %dma_wait3A_1347 = arith.constant 0 : i32
    %dma_wait3A_1348 = tpu.memref_slice %arg13[%dma_wait3A_1340, %dma_wait3A_1341, %dma_wait3A_1347] : memref<4x16x128xi32, #tpu.memory_space<vmem>> -> memref<1x1x128xi32, #tpu.memory_space<vmem>>
    %dma_wait3A_1349 = tpu.memref_squeeze %dma_wait3A_1348 : memref<1x1x128xi32, #tpu.memory_space<vmem>> -> memref<128xi32, #tpu.memory_space<vmem>>
    %dma_wait3A_1350 = arith.constant 0 : i32
    %dma_wait3A_1351 = tpu.memref_slice %arg6[%dma_wait3A_1350] : memref<25600000xf32, #tpu.memory_space<hbm>> -> memref<25600000xf32, #tpu.memory_space<hbm>>
    tpu.wait_indirect_dma semaphore(%arg17 : memref<!tpu.dma_semaphore, #tpu.memory_space<semaphore_mem>>) src(%dma_wait3A_1351 : memref<25600000xf32, #tpu.memory_space<hbm>>) dst(%dma_wait3A_1346 : memref<128xf32, #tpu.memory_space<vmem>>)
    %dma_wait3A_1352 = arith.constant 2 : i32
    %dma_wait3A_1353 = arith.constant 1 : i32
    %dma_wait3A_1354 = arith.constant 2 : i32
    %dma_wait3A_1355 = arith.constant 1 : i32
    %dma_wait3A_1356 = arith.constant 0 : i32
    %dma_wait3A_1357 = tpu.memref_slice %arg14[%dma_wait3A_1354, %dma_wait3A_1355, %dma_wait3A_1356] : memref<4x16x128xf32, #tpu.memory_space<vmem>> -> memref<1x1x128xf32, #tpu.memory_space<vmem>>
    %dma_wait3A_1358 = tpu.memref_squeeze %dma_wait3A_1357 : memref<1x1x128xf32, #tpu.memory_space<vmem>> -> memref<128xf32, #tpu.memory_space<vmem>>
    %dma_wait3A_1359 = arith.constant 0 : i32
    %dma_wait3A_1360 = tpu.memref_slice %arg13[%dma_wait3A_1352, %dma_wait3A_1353, %dma_wait3A_1359] : memref<4x16x128xi32, #tpu.memory_space<vmem>> -> memref<1x1x128xi32, #tpu.memory_space<vmem>>
    %dma_wait3A_1361 = tpu.memref_squeeze %dma_wait3A_1360 : memref<1x1x128xi32, #tpu.memory_space<vmem>> -> memref<128xi32, #tpu.memory_space<vmem>>
    %dma_wait3A_1362 = arith.constant 0 : i32
    %dma_wait3A_1363 = tpu.memref_slice %arg6[%dma_wait3A_1362] : memref<25600000xf32, #tpu.memory_space<hbm>> -> memref<25600000xf32, #tpu.memory_space<hbm>>
    tpu.wait_indirect_dma semaphore(%arg17 : memref<!tpu.dma_semaphore, #tpu.memory_space<semaphore_mem>>) src(%dma_wait3A_1363 : memref<25600000xf32, #tpu.memory_space<hbm>>) dst(%dma_wait3A_1358 : memref<128xf32, #tpu.memory_space<vmem>>)
    %dma_wait3A_1364 = arith.constant 2 : i32
    %dma_wait3A_1365 = arith.constant 2 : i32
    %dma_wait3A_1366 = arith.constant 2 : i32
    %dma_wait3A_1367 = arith.constant 2 : i32
    %dma_wait3A_1368 = arith.constant 0 : i32
    %dma_wait3A_1369 = tpu.memref_slice %arg14[%dma_wait3A_1366, %dma_wait3A_1367, %dma_wait3A_1368] : memref<4x16x128xf32, #tpu.memory_space<vmem>> -> memref<1x1x128xf32, #tpu.memory_space<vmem>>
    %dma_wait3A_1370 = tpu.memref_squeeze %dma_wait3A_1369 : memref<1x1x128xf32, #tpu.memory_space<vmem>> -> memref<128xf32, #tpu.memory_space<vmem>>
    %dma_wait3A_1371 = arith.constant 0 : i32
    %dma_wait3A_1372 = tpu.memref_slice %arg13[%dma_wait3A_1364, %dma_wait3A_1365, %dma_wait3A_1371] : memref<4x16x128xi32, #tpu.memory_space<vmem>> -> memref<1x1x128xi32, #tpu.memory_space<vmem>>
    %dma_wait3A_1373 = tpu.memref_squeeze %dma_wait3A_1372 : memref<1x1x128xi32, #tpu.memory_space<vmem>> -> memref<128xi32, #tpu.memory_space<vmem>>
    %dma_wait3A_1374 = arith.constant 0 : i32
    %dma_wait3A_1375 = tpu.memref_slice %arg6[%dma_wait3A_1374] : memref<25600000xf32, #tpu.memory_space<hbm>> -> memref<25600000xf32, #tpu.memory_space<hbm>>
    tpu.wait_indirect_dma semaphore(%arg17 : memref<!tpu.dma_semaphore, #tpu.memory_space<semaphore_mem>>) src(%dma_wait3A_1375 : memref<25600000xf32, #tpu.memory_space<hbm>>) dst(%dma_wait3A_1370 : memref<128xf32, #tpu.memory_space<vmem>>)
    %dma_wait3A_1376 = arith.constant 2 : i32
    %dma_wait3A_1377 = arith.constant 3 : i32
    %dma_wait3A_1378 = arith.constant 2 : i32
    %dma_wait3A_1379 = arith.constant 3 : i32
    %dma_wait3A_1380 = arith.constant 0 : i32
    %dma_wait3A_1381 = tpu.memref_slice %arg14[%dma_wait3A_1378, %dma_wait3A_1379, %dma_wait3A_1380] : memref<4x16x128xf32, #tpu.memory_space<vmem>> -> memref<1x1x128xf32, #tpu.memory_space<vmem>>
    %dma_wait3A_1382 = tpu.memref_squeeze %dma_wait3A_1381 : memref<1x1x128xf32, #tpu.memory_space<vmem>> -> memref<128xf32, #tpu.memory_space<vmem>>
    %dma_wait3A_1383 = arith.constant 0 : i32
    %dma_wait3A_1384 = tpu.memref_slice %arg13[%dma_wait3A_1376, %dma_wait3A_1377, %dma_wait3A_1383] : memref<4x16x128xi32, #tpu.memory_space<vmem>> -> memref<1x1x128xi32, #tpu.memory_space<vmem>>
    %dma_wait3A_1385 = tpu.memref_squeeze %dma_wait3A_1384 : memref<1x1x128xi32, #tpu.memory_space<vmem>> -> memref<128xi32, #tpu.memory_space<vmem>>
    %dma_wait3A_1386 = arith.constant 0 : i32
    %dma_wait3A_1387 = tpu.memref_slice %arg6[%dma_wait3A_1386] : memref<25600000xf32, #tpu.memory_space<hbm>> -> memref<25600000xf32, #tpu.memory_space<hbm>>
    tpu.wait_indirect_dma semaphore(%arg17 : memref<!tpu.dma_semaphore, #tpu.memory_space<semaphore_mem>>) src(%dma_wait3A_1387 : memref<25600000xf32, #tpu.memory_space<hbm>>) dst(%dma_wait3A_1382 : memref<128xf32, #tpu.memory_space<vmem>>)
    %dma_wait3A_1388 = arith.constant 2 : i32
    %dma_wait3A_1389 = arith.constant 4 : i32
    %dma_wait3A_1390 = arith.constant 2 : i32
    %dma_wait3A_1391 = arith.constant 4 : i32
    %dma_wait3A_1392 = arith.constant 0 : i32
    %dma_wait3A_1393 = tpu.memref_slice %arg14[%dma_wait3A_1390, %dma_wait3A_1391, %dma_wait3A_1392] : memref<4x16x128xf32, #tpu.memory_space<vmem>> -> memref<1x1x128xf32, #tpu.memory_space<vmem>>
    %dma_wait3A_1394 = tpu.memref_squeeze %dma_wait3A_1393 : memref<1x1x128xf32, #tpu.memory_space<vmem>> -> memref<128xf32, #tpu.memory_space<vmem>>
    %dma_wait3A_1395 = arith.constant 0 : i32
    %dma_wait3A_1396 = tpu.memref_slice %arg13[%dma_wait3A_1388, %dma_wait3A_1389, %dma_wait3A_1395] : memref<4x16x128xi32, #tpu.memory_space<vmem>> -> memref<1x1x128xi32, #tpu.memory_space<vmem>>
    %dma_wait3A_1397 = tpu.memref_squeeze %dma_wait3A_1396 : memref<1x1x128xi32, #tpu.memory_space<vmem>> -> memref<128xi32, #tpu.memory_space<vmem>>
    %dma_wait3A_1398 = arith.constant 0 : i32
    %dma_wait3A_1399 = tpu.memref_slice %arg6[%dma_wait3A_1398] : memref<25600000xf32, #tpu.memory_space<hbm>> -> memref<25600000xf32, #tpu.memory_space<hbm>>
    tpu.wait_indirect_dma semaphore(%arg17 : memref<!tpu.dma_semaphore, #tpu.memory_space<semaphore_mem>>) src(%dma_wait3A_1399 : memref<25600000xf32, #tpu.memory_space<hbm>>) dst(%dma_wait3A_1394 : memref<128xf32, #tpu.memory_space<vmem>>)
    %dma_wait3A_1400 = arith.constant 2 : i32
    %dma_wait3A_1401 = arith.constant 5 : i32
    %dma_wait3A_1402 = arith.constant 2 : i32
    %dma_wait3A_1403 = arith.constant 5 : i32
    %dma_wait3A_1404 = arith.constant 0 : i32
    %dma_wait3A_1405 = tpu.memref_slice %arg14[%dma_wait3A_1402, %dma_wait3A_1403, %dma_wait3A_1404] : memref<4x16x128xf32, #tpu.memory_space<vmem>> -> memref<1x1x128xf32, #tpu.memory_space<vmem>>
    %dma_wait3A_1406 = tpu.memref_squeeze %dma_wait3A_1405 : memref<1x1x128xf32, #tpu.memory_space<vmem>> -> memref<128xf32, #tpu.memory_space<vmem>>
    %dma_wait3A_1407 = arith.constant 0 : i32
    %dma_wait3A_1408 = tpu.memref_slice %arg13[%dma_wait3A_1400, %dma_wait3A_1401, %dma_wait3A_1407] : memref<4x16x128xi32, #tpu.memory_space<vmem>> -> memref<1x1x128xi32, #tpu.memory_space<vmem>>
    %dma_wait3A_1409 = tpu.memref_squeeze %dma_wait3A_1408 : memref<1x1x128xi32, #tpu.memory_space<vmem>> -> memref<128xi32, #tpu.memory_space<vmem>>
    %dma_wait3A_1410 = arith.constant 0 : i32
    %dma_wait3A_1411 = tpu.memref_slice %arg6[%dma_wait3A_1410] : memref<25600000xf32, #tpu.memory_space<hbm>> -> memref<25600000xf32, #tpu.memory_space<hbm>>
    tpu.wait_indirect_dma semaphore(%arg17 : memref<!tpu.dma_semaphore, #tpu.memory_space<semaphore_mem>>) src(%dma_wait3A_1411 : memref<25600000xf32, #tpu.memory_space<hbm>>) dst(%dma_wait3A_1406 : memref<128xf32, #tpu.memory_space<vmem>>)
    %dma_wait3A_1412 = arith.constant 2 : i32
    %dma_wait3A_1413 = arith.constant 6 : i32
    %dma_wait3A_1414 = arith.constant 2 : i32
    %dma_wait3A_1415 = arith.constant 6 : i32
    %dma_wait3A_1416 = arith.constant 0 : i32
    %dma_wait3A_1417 = tpu.memref_slice %arg14[%dma_wait3A_1414, %dma_wait3A_1415, %dma_wait3A_1416] : memref<4x16x128xf32, #tpu.memory_space<vmem>> -> memref<1x1x128xf32, #tpu.memory_space<vmem>>
    %dma_wait3A_1418 = tpu.memref_squeeze %dma_wait3A_1417 : memref<1x1x128xf32, #tpu.memory_space<vmem>> -> memref<128xf32, #tpu.memory_space<vmem>>
    %dma_wait3A_1419 = arith.constant 0 : i32
    %dma_wait3A_1420 = tpu.memref_slice %arg13[%dma_wait3A_1412, %dma_wait3A_1413, %dma_wait3A_1419] : memref<4x16x128xi32, #tpu.memory_space<vmem>> -> memref<1x1x128xi32, #tpu.memory_space<vmem>>
    %dma_wait3A_1421 = tpu.memref_squeeze %dma_wait3A_1420 : memref<1x1x128xi32, #tpu.memory_space<vmem>> -> memref<128xi32, #tpu.memory_space<vmem>>
    %dma_wait3A_1422 = arith.constant 0 : i32
    %dma_wait3A_1423 = tpu.memref_slice %arg6[%dma_wait3A_1422] : memref<25600000xf32, #tpu.memory_space<hbm>> -> memref<25600000xf32, #tpu.memory_space<hbm>>
    tpu.wait_indirect_dma semaphore(%arg17 : memref<!tpu.dma_semaphore, #tpu.memory_space<semaphore_mem>>) src(%dma_wait3A_1423 : memref<25600000xf32, #tpu.memory_space<hbm>>) dst(%dma_wait3A_1418 : memref<128xf32, #tpu.memory_space<vmem>>)
    %dma_wait3A_1424 = arith.constant 2 : i32
    %dma_wait3A_1425 = arith.constant 7 : i32
    %dma_wait3A_1426 = arith.constant 2 : i32
    %dma_wait3A_1427 = arith.constant 7 : i32
    %dma_wait3A_1428 = arith.constant 0 : i32
    %dma_wait3A_1429 = tpu.memref_slice %arg14[%dma_wait3A_1426, %dma_wait3A_1427, %dma_wait3A_1428] : memref<4x16x128xf32, #tpu.memory_space<vmem>> -> memref<1x1x128xf32, #tpu.memory_space<vmem>>
    %dma_wait3A_1430 = tpu.memref_squeeze %dma_wait3A_1429 : memref<1x1x128xf32, #tpu.memory_space<vmem>> -> memref<128xf32, #tpu.memory_space<vmem>>
    %dma_wait3A_1431 = arith.constant 0 : i32
    %dma_wait3A_1432 = tpu.memref_slice %arg13[%dma_wait3A_1424, %dma_wait3A_1425, %dma_wait3A_1431] : memref<4x16x128xi32, #tpu.memory_space<vmem>> -> memref<1x1x128xi32, #tpu.memory_space<vmem>>
    %dma_wait3A_1433 = tpu.memref_squeeze %dma_wait3A_1432 : memref<1x1x128xi32, #tpu.memory_space<vmem>> -> memref<128xi32, #tpu.memory_space<vmem>>
    %dma_wait3A_1434 = arith.constant 0 : i32
    %dma_wait3A_1435 = tpu.memref_slice %arg6[%dma_wait3A_1434] : memref<25600000xf32, #tpu.memory_space<hbm>> -> memref<25600000xf32, #tpu.memory_space<hbm>>
    tpu.wait_indirect_dma semaphore(%arg17 : memref<!tpu.dma_semaphore, #tpu.memory_space<semaphore_mem>>) src(%dma_wait3A_1435 : memref<25600000xf32, #tpu.memory_space<hbm>>) dst(%dma_wait3A_1430 : memref<128xf32, #tpu.memory_space<vmem>>)
    %dma_wait3A_1436 = arith.constant 2 : i32
    %dma_wait3A_1437 = arith.constant 8 : i32
    %dma_wait3A_1438 = arith.constant 2 : i32
    %dma_wait3A_1439 = arith.constant 8 : i32
    %dma_wait3A_1440 = arith.constant 0 : i32
    %dma_wait3A_1441 = tpu.memref_slice %arg14[%dma_wait3A_1438, %dma_wait3A_1439, %dma_wait3A_1440] : memref<4x16x128xf32, #tpu.memory_space<vmem>> -> memref<1x1x128xf32, #tpu.memory_space<vmem>>
    %dma_wait3A_1442 = tpu.memref_squeeze %dma_wait3A_1441 : memref<1x1x128xf32, #tpu.memory_space<vmem>> -> memref<128xf32, #tpu.memory_space<vmem>>
    %dma_wait3A_1443 = arith.constant 0 : i32
    %dma_wait3A_1444 = tpu.memref_slice %arg13[%dma_wait3A_1436, %dma_wait3A_1437, %dma_wait3A_1443] : memref<4x16x128xi32, #tpu.memory_space<vmem>> -> memref<1x1x128xi32, #tpu.memory_space<vmem>>
    %dma_wait3A_1445 = tpu.memref_squeeze %dma_wait3A_1444 : memref<1x1x128xi32, #tpu.memory_space<vmem>> -> memref<128xi32, #tpu.memory_space<vmem>>
    %dma_wait3A_1446 = arith.constant 0 : i32
    %dma_wait3A_1447 = tpu.memref_slice %arg6[%dma_wait3A_1446] : memref<25600000xf32, #tpu.memory_space<hbm>> -> memref<25600000xf32, #tpu.memory_space<hbm>>
    tpu.wait_indirect_dma semaphore(%arg17 : memref<!tpu.dma_semaphore, #tpu.memory_space<semaphore_mem>>) src(%dma_wait3A_1447 : memref<25600000xf32, #tpu.memory_space<hbm>>) dst(%dma_wait3A_1442 : memref<128xf32, #tpu.memory_space<vmem>>)
    %dma_wait3A_1448 = arith.constant 2 : i32
    %dma_wait3A_1449 = arith.constant 9 : i32
    %dma_wait3A_1450 = arith.constant 2 : i32
    %dma_wait3A_1451 = arith.constant 9 : i32
    %dma_wait3A_1452 = arith.constant 0 : i32
    %dma_wait3A_1453 = tpu.memref_slice %arg14[%dma_wait3A_1450, %dma_wait3A_1451, %dma_wait3A_1452] : memref<4x16x128xf32, #tpu.memory_space<vmem>> -> memref<1x1x128xf32, #tpu.memory_space<vmem>>
    %dma_wait3A_1454 = tpu.memref_squeeze %dma_wait3A_1453 : memref<1x1x128xf32, #tpu.memory_space<vmem>> -> memref<128xf32, #tpu.memory_space<vmem>>
    %dma_wait3A_1455 = arith.constant 0 : i32
    %dma_wait3A_1456 = tpu.memref_slice %arg13[%dma_wait3A_1448, %dma_wait3A_1449, %dma_wait3A_1455] : memref<4x16x128xi32, #tpu.memory_space<vmem>> -> memref<1x1x128xi32, #tpu.memory_space<vmem>>
    %dma_wait3A_1457 = tpu.memref_squeeze %dma_wait3A_1456 : memref<1x1x128xi32, #tpu.memory_space<vmem>> -> memref<128xi32, #tpu.memory_space<vmem>>
    %dma_wait3A_1458 = arith.constant 0 : i32
    %dma_wait3A_1459 = tpu.memref_slice %arg6[%dma_wait3A_1458] : memref<25600000xf32, #tpu.memory_space<hbm>> -> memref<25600000xf32, #tpu.memory_space<hbm>>
    tpu.wait_indirect_dma semaphore(%arg17 : memref<!tpu.dma_semaphore, #tpu.memory_space<semaphore_mem>>) src(%dma_wait3A_1459 : memref<25600000xf32, #tpu.memory_space<hbm>>) dst(%dma_wait3A_1454 : memref<128xf32, #tpu.memory_space<vmem>>)
    %dma_wait3A_1460 = arith.constant 2 : i32
    %dma_wait3A_1461 = arith.constant 10 : i32
    %dma_wait3A_1462 = arith.constant 2 : i32
    %dma_wait3A_1463 = arith.constant 10 : i32
    %dma_wait3A_1464 = arith.constant 0 : i32
    %dma_wait3A_1465 = tpu.memref_slice %arg14[%dma_wait3A_1462, %dma_wait3A_1463, %dma_wait3A_1464] : memref<4x16x128xf32, #tpu.memory_space<vmem>> -> memref<1x1x128xf32, #tpu.memory_space<vmem>>
    %dma_wait3A_1466 = tpu.memref_squeeze %dma_wait3A_1465 : memref<1x1x128xf32, #tpu.memory_space<vmem>> -> memref<128xf32, #tpu.memory_space<vmem>>
    %dma_wait3A_1467 = arith.constant 0 : i32
    %dma_wait3A_1468 = tpu.memref_slice %arg13[%dma_wait3A_1460, %dma_wait3A_1461, %dma_wait3A_1467] : memref<4x16x128xi32, #tpu.memory_space<vmem>> -> memref<1x1x128xi32, #tpu.memory_space<vmem>>
    %dma_wait3A_1469 = tpu.memref_squeeze %dma_wait3A_1468 : memref<1x1x128xi32, #tpu.memory_space<vmem>> -> memref<128xi32, #tpu.memory_space<vmem>>
    %dma_wait3A_1470 = arith.constant 0 : i32
    %dma_wait3A_1471 = tpu.memref_slice %arg6[%dma_wait3A_1470] : memref<25600000xf32, #tpu.memory_space<hbm>> -> memref<25600000xf32, #tpu.memory_space<hbm>>
    tpu.wait_indirect_dma semaphore(%arg17 : memref<!tpu.dma_semaphore, #tpu.memory_space<semaphore_mem>>) src(%dma_wait3A_1471 : memref<25600000xf32, #tpu.memory_space<hbm>>) dst(%dma_wait3A_1466 : memref<128xf32, #tpu.memory_space<vmem>>)
    %dma_wait3A_1472 = arith.constant 2 : i32
    %dma_wait3A_1473 = arith.constant 11 : i32
    %dma_wait3A_1474 = arith.constant 2 : i32
    %dma_wait3A_1475 = arith.constant 11 : i32
    %dma_wait3A_1476 = arith.constant 0 : i32
    %dma_wait3A_1477 = tpu.memref_slice %arg14[%dma_wait3A_1474, %dma_wait3A_1475, %dma_wait3A_1476] : memref<4x16x128xf32, #tpu.memory_space<vmem>> -> memref<1x1x128xf32, #tpu.memory_space<vmem>>
    %dma_wait3A_1478 = tpu.memref_squeeze %dma_wait3A_1477 : memref<1x1x128xf32, #tpu.memory_space<vmem>> -> memref<128xf32, #tpu.memory_space<vmem>>
    %dma_wait3A_1479 = arith.constant 0 : i32
    %dma_wait3A_1480 = tpu.memref_slice %arg13[%dma_wait3A_1472, %dma_wait3A_1473, %dma_wait3A_1479] : memref<4x16x128xi32, #tpu.memory_space<vmem>> -> memref<1x1x128xi32, #tpu.memory_space<vmem>>
    %dma_wait3A_1481 = tpu.memref_squeeze %dma_wait3A_1480 : memref<1x1x128xi32, #tpu.memory_space<vmem>> -> memref<128xi32, #tpu.memory_space<vmem>>
    %dma_wait3A_1482 = arith.constant 0 : i32
    %dma_wait3A_1483 = tpu.memref_slice %arg6[%dma_wait3A_1482] : memref<25600000xf32, #tpu.memory_space<hbm>> -> memref<25600000xf32, #tpu.memory_space<hbm>>
    tpu.wait_indirect_dma semaphore(%arg17 : memref<!tpu.dma_semaphore, #tpu.memory_space<semaphore_mem>>) src(%dma_wait3A_1483 : memref<25600000xf32, #tpu.memory_space<hbm>>) dst(%dma_wait3A_1478 : memref<128xf32, #tpu.memory_space<vmem>>)
    %dma_wait3A_1484 = arith.constant 2 : i32
    %dma_wait3A_1485 = arith.constant 12 : i32
    %dma_wait3A_1486 = arith.constant 2 : i32
    %dma_wait3A_1487 = arith.constant 12 : i32
    %dma_wait3A_1488 = arith.constant 0 : i32
    %dma_wait3A_1489 = tpu.memref_slice %arg14[%dma_wait3A_1486, %dma_wait3A_1487, %dma_wait3A_1488] : memref<4x16x128xf32, #tpu.memory_space<vmem>> -> memref<1x1x128xf32, #tpu.memory_space<vmem>>
    %dma_wait3A_1490 = tpu.memref_squeeze %dma_wait3A_1489 : memref<1x1x128xf32, #tpu.memory_space<vmem>> -> memref<128xf32, #tpu.memory_space<vmem>>
    %dma_wait3A_1491 = arith.constant 0 : i32
    %dma_wait3A_1492 = tpu.memref_slice %arg13[%dma_wait3A_1484, %dma_wait3A_1485, %dma_wait3A_1491] : memref<4x16x128xi32, #tpu.memory_space<vmem>> -> memref<1x1x128xi32, #tpu.memory_space<vmem>>
    %dma_wait3A_1493 = tpu.memref_squeeze %dma_wait3A_1492 : memref<1x1x128xi32, #tpu.memory_space<vmem>> -> memref<128xi32, #tpu.memory_space<vmem>>
    %dma_wait3A_1494 = arith.constant 0 : i32
    %dma_wait3A_1495 = tpu.memref_slice %arg6[%dma_wait3A_1494] : memref<25600000xf32, #tpu.memory_space<hbm>> -> memref<25600000xf32, #tpu.memory_space<hbm>>
    tpu.wait_indirect_dma semaphore(%arg17 : memref<!tpu.dma_semaphore, #tpu.memory_space<semaphore_mem>>) src(%dma_wait3A_1495 : memref<25600000xf32, #tpu.memory_space<hbm>>) dst(%dma_wait3A_1490 : memref<128xf32, #tpu.memory_space<vmem>>)
    %dma_wait3A_1496 = arith.constant 2 : i32
    %dma_wait3A_1497 = arith.constant 13 : i32
    %dma_wait3A_1498 = arith.constant 2 : i32
    %dma_wait3A_1499 = arith.constant 13 : i32
    %dma_wait3A_1500 = arith.constant 0 : i32
    %dma_wait3A_1501 = tpu.memref_slice %arg14[%dma_wait3A_1498, %dma_wait3A_1499, %dma_wait3A_1500] : memref<4x16x128xf32, #tpu.memory_space<vmem>> -> memref<1x1x128xf32, #tpu.memory_space<vmem>>
    %dma_wait3A_1502 = tpu.memref_squeeze %dma_wait3A_1501 : memref<1x1x128xf32, #tpu.memory_space<vmem>> -> memref<128xf32, #tpu.memory_space<vmem>>
    %dma_wait3A_1503 = arith.constant 0 : i32
    %dma_wait3A_1504 = tpu.memref_slice %arg13[%dma_wait3A_1496, %dma_wait3A_1497, %dma_wait3A_1503] : memref<4x16x128xi32, #tpu.memory_space<vmem>> -> memref<1x1x128xi32, #tpu.memory_space<vmem>>
    %dma_wait3A_1505 = tpu.memref_squeeze %dma_wait3A_1504 : memref<1x1x128xi32, #tpu.memory_space<vmem>> -> memref<128xi32, #tpu.memory_space<vmem>>
    %dma_wait3A_1506 = arith.constant 0 : i32
    %dma_wait3A_1507 = tpu.memref_slice %arg6[%dma_wait3A_1506] : memref<25600000xf32, #tpu.memory_space<hbm>> -> memref<25600000xf32, #tpu.memory_space<hbm>>
    tpu.wait_indirect_dma semaphore(%arg17 : memref<!tpu.dma_semaphore, #tpu.memory_space<semaphore_mem>>) src(%dma_wait3A_1507 : memref<25600000xf32, #tpu.memory_space<hbm>>) dst(%dma_wait3A_1502 : memref<128xf32, #tpu.memory_space<vmem>>)
    %dma_wait3A_1508 = arith.constant 2 : i32
    %dma_wait3A_1509 = arith.constant 14 : i32
    %dma_wait3A_1510 = arith.constant 2 : i32
    %dma_wait3A_1511 = arith.constant 14 : i32
    %dma_wait3A_1512 = arith.constant 0 : i32
    %dma_wait3A_1513 = tpu.memref_slice %arg14[%dma_wait3A_1510, %dma_wait3A_1511, %dma_wait3A_1512] : memref<4x16x128xf32, #tpu.memory_space<vmem>> -> memref<1x1x128xf32, #tpu.memory_space<vmem>>
    %dma_wait3A_1514 = tpu.memref_squeeze %dma_wait3A_1513 : memref<1x1x128xf32, #tpu.memory_space<vmem>> -> memref<128xf32, #tpu.memory_space<vmem>>
    %dma_wait3A_1515 = arith.constant 0 : i32
    %dma_wait3A_1516 = tpu.memref_slice %arg13[%dma_wait3A_1508, %dma_wait3A_1509, %dma_wait3A_1515] : memref<4x16x128xi32, #tpu.memory_space<vmem>> -> memref<1x1x128xi32, #tpu.memory_space<vmem>>
    %dma_wait3A_1517 = tpu.memref_squeeze %dma_wait3A_1516 : memref<1x1x128xi32, #tpu.memory_space<vmem>> -> memref<128xi32, #tpu.memory_space<vmem>>
    %dma_wait3A_1518 = arith.constant 0 : i32
    %dma_wait3A_1519 = tpu.memref_slice %arg6[%dma_wait3A_1518] : memref<25600000xf32, #tpu.memory_space<hbm>> -> memref<25600000xf32, #tpu.memory_space<hbm>>
    tpu.wait_indirect_dma semaphore(%arg17 : memref<!tpu.dma_semaphore, #tpu.memory_space<semaphore_mem>>) src(%dma_wait3A_1519 : memref<25600000xf32, #tpu.memory_space<hbm>>) dst(%dma_wait3A_1514 : memref<128xf32, #tpu.memory_space<vmem>>)
    %dma_wait3A_1520 = arith.constant 2 : i32
    %dma_wait3A_1521 = arith.constant 15 : i32
    %dma_wait3A_1522 = arith.constant 2 : i32
    %dma_wait3A_1523 = arith.constant 15 : i32
    %dma_wait3A_1524 = arith.constant 0 : i32
    %dma_wait3A_1525 = tpu.memref_slice %arg14[%dma_wait3A_1522, %dma_wait3A_1523, %dma_wait3A_1524] : memref<4x16x128xf32, #tpu.memory_space<vmem>> -> memref<1x1x128xf32, #tpu.memory_space<vmem>>
    %dma_wait3A_1526 = tpu.memref_squeeze %dma_wait3A_1525 : memref<1x1x128xf32, #tpu.memory_space<vmem>> -> memref<128xf32, #tpu.memory_space<vmem>>
    %dma_wait3A_1527 = arith.constant 0 : i32
    %dma_wait3A_1528 = tpu.memref_slice %arg13[%dma_wait3A_1520, %dma_wait3A_1521, %dma_wait3A_1527] : memref<4x16x128xi32, #tpu.memory_space<vmem>> -> memref<1x1x128xi32, #tpu.memory_space<vmem>>
    %dma_wait3A_1529 = tpu.memref_squeeze %dma_wait3A_1528 : memref<1x1x128xi32, #tpu.memory_space<vmem>> -> memref<128xi32, #tpu.memory_space<vmem>>
    %dma_wait3A_1530 = arith.constant 0 : i32
    %dma_wait3A_1531 = tpu.memref_slice %arg6[%dma_wait3A_1530] : memref<25600000xf32, #tpu.memory_space<hbm>> -> memref<25600000xf32, #tpu.memory_space<hbm>>
    tpu.wait_indirect_dma semaphore(%arg17 : memref<!tpu.dma_semaphore, #tpu.memory_space<semaphore_mem>>) src(%dma_wait3A_1531 : memref<25600000xf32, #tpu.memory_space<hbm>>) dst(%dma_wait3A_1526 : memref<128xf32, #tpu.memory_space<vmem>>)
    %dma_wait3A_1532 = arith.constant 2 : i32
    %dma_wait3A_1533 = arith.constant 2 : i32
    %dma_wait3A_1534 = arith.constant 0 : i32
    %dma_wait3A_1535 = tpu.memref_slice %arg15[%dma_wait3A_1533, %dma_wait3A_1534] : memref<4x128xf32, #tpu.memory_space<vmem>> -> memref<1x128xf32, #tpu.memory_space<vmem>>
    %dma_wait3A_1536 = tpu.memref_squeeze %dma_wait3A_1535 : memref<1x128xf32, #tpu.memory_space<vmem>> -> memref<128xf32, #tpu.memory_space<vmem>>
    %dma_wait3A_1537 = arith.constant 0 : i32
    %dma_wait3A_1538 = tpu.memref_slice %arg9[%dma_wait3A_1532, %dma_wait3A_1537] : memref<4x128xi32, #tpu.memory_space<vmem>> -> memref<1x128xi32, #tpu.memory_space<vmem>>
    %dma_wait3A_1539 = tpu.memref_squeeze %dma_wait3A_1538 : memref<1x128xi32, #tpu.memory_space<vmem>> -> memref<128xi32, #tpu.memory_space<vmem>>
    %dma_wait3A_1540 = arith.constant 0 : i32
    %dma_wait3A_1541 = tpu.memref_slice %arg7[%dma_wait3A_1540] : memref<100000xf32, #tpu.memory_space<hbm>> -> memref<100000xf32, #tpu.memory_space<hbm>>
    tpu.wait_indirect_dma semaphore(%arg18 : memref<!tpu.dma_semaphore, #tpu.memory_space<semaphore_mem>>) src(%dma_wait3A_1541 : memref<100000xf32, #tpu.memory_space<hbm>>) dst(%dma_wait3A_1536 : memref<128xf32, #tpu.memory_space<vmem>>)
    %dma_wait3A_1542 = arith.constant 3 : i32
    %dma_wait3A_1543 = arith.constant 0 : i32
    %dma_wait3A_1544 = arith.constant 3 : i32
    %dma_wait3A_1545 = arith.constant 0 : i32
    %dma_wait3A_1546 = arith.constant 0 : i32
    %dma_wait3A_1547 = tpu.memref_slice %arg14[%dma_wait3A_1544, %dma_wait3A_1545, %dma_wait3A_1546] : memref<4x16x128xf32, #tpu.memory_space<vmem>> -> memref<1x1x128xf32, #tpu.memory_space<vmem>>
    %dma_wait3A_1548 = tpu.memref_squeeze %dma_wait3A_1547 : memref<1x1x128xf32, #tpu.memory_space<vmem>> -> memref<128xf32, #tpu.memory_space<vmem>>
    %dma_wait3A_1549 = arith.constant 0 : i32
    %dma_wait3A_1550 = tpu.memref_slice %arg13[%dma_wait3A_1542, %dma_wait3A_1543, %dma_wait3A_1549] : memref<4x16x128xi32, #tpu.memory_space<vmem>> -> memref<1x1x128xi32, #tpu.memory_space<vmem>>
    %dma_wait3A_1551 = tpu.memref_squeeze %dma_wait3A_1550 : memref<1x1x128xi32, #tpu.memory_space<vmem>> -> memref<128xi32, #tpu.memory_space<vmem>>
    %dma_wait3A_1552 = arith.constant 0 : i32
    %dma_wait3A_1553 = tpu.memref_slice %arg6[%dma_wait3A_1552] : memref<25600000xf32, #tpu.memory_space<hbm>> -> memref<25600000xf32, #tpu.memory_space<hbm>>
    tpu.wait_indirect_dma semaphore(%arg17 : memref<!tpu.dma_semaphore, #tpu.memory_space<semaphore_mem>>) src(%dma_wait3A_1553 : memref<25600000xf32, #tpu.memory_space<hbm>>) dst(%dma_wait3A_1548 : memref<128xf32, #tpu.memory_space<vmem>>)
    %dma_wait3A_1554 = arith.constant 3 : i32
    %dma_wait3A_1555 = arith.constant 1 : i32
    %dma_wait3A_1556 = arith.constant 3 : i32
    %dma_wait3A_1557 = arith.constant 1 : i32
    %dma_wait3A_1558 = arith.constant 0 : i32
    %dma_wait3A_1559 = tpu.memref_slice %arg14[%dma_wait3A_1556, %dma_wait3A_1557, %dma_wait3A_1558] : memref<4x16x128xf32, #tpu.memory_space<vmem>> -> memref<1x1x128xf32, #tpu.memory_space<vmem>>
    %dma_wait3A_1560 = tpu.memref_squeeze %dma_wait3A_1559 : memref<1x1x128xf32, #tpu.memory_space<vmem>> -> memref<128xf32, #tpu.memory_space<vmem>>
    %dma_wait3A_1561 = arith.constant 0 : i32
    %dma_wait3A_1562 = tpu.memref_slice %arg13[%dma_wait3A_1554, %dma_wait3A_1555, %dma_wait3A_1561] : memref<4x16x128xi32, #tpu.memory_space<vmem>> -> memref<1x1x128xi32, #tpu.memory_space<vmem>>
    %dma_wait3A_1563 = tpu.memref_squeeze %dma_wait3A_1562 : memref<1x1x128xi32, #tpu.memory_space<vmem>> -> memref<128xi32, #tpu.memory_space<vmem>>
    %dma_wait3A_1564 = arith.constant 0 : i32
    %dma_wait3A_1565 = tpu.memref_slice %arg6[%dma_wait3A_1564] : memref<25600000xf32, #tpu.memory_space<hbm>> -> memref<25600000xf32, #tpu.memory_space<hbm>>
    tpu.wait_indirect_dma semaphore(%arg17 : memref<!tpu.dma_semaphore, #tpu.memory_space<semaphore_mem>>) src(%dma_wait3A_1565 : memref<25600000xf32, #tpu.memory_space<hbm>>) dst(%dma_wait3A_1560 : memref<128xf32, #tpu.memory_space<vmem>>)
    %dma_wait3A_1566 = arith.constant 3 : i32
    %dma_wait3A_1567 = arith.constant 2 : i32
    %dma_wait3A_1568 = arith.constant 3 : i32
    %dma_wait3A_1569 = arith.constant 2 : i32
    %dma_wait3A_1570 = arith.constant 0 : i32
    %dma_wait3A_1571 = tpu.memref_slice %arg14[%dma_wait3A_1568, %dma_wait3A_1569, %dma_wait3A_1570] : memref<4x16x128xf32, #tpu.memory_space<vmem>> -> memref<1x1x128xf32, #tpu.memory_space<vmem>>
    %dma_wait3A_1572 = tpu.memref_squeeze %dma_wait3A_1571 : memref<1x1x128xf32, #tpu.memory_space<vmem>> -> memref<128xf32, #tpu.memory_space<vmem>>
    %dma_wait3A_1573 = arith.constant 0 : i32
    %dma_wait3A_1574 = tpu.memref_slice %arg13[%dma_wait3A_1566, %dma_wait3A_1567, %dma_wait3A_1573] : memref<4x16x128xi32, #tpu.memory_space<vmem>> -> memref<1x1x128xi32, #tpu.memory_space<vmem>>
    %dma_wait3A_1575 = tpu.memref_squeeze %dma_wait3A_1574 : memref<1x1x128xi32, #tpu.memory_space<vmem>> -> memref<128xi32, #tpu.memory_space<vmem>>
    %dma_wait3A_1576 = arith.constant 0 : i32
    %dma_wait3A_1577 = tpu.memref_slice %arg6[%dma_wait3A_1576] : memref<25600000xf32, #tpu.memory_space<hbm>> -> memref<25600000xf32, #tpu.memory_space<hbm>>
    tpu.wait_indirect_dma semaphore(%arg17 : memref<!tpu.dma_semaphore, #tpu.memory_space<semaphore_mem>>) src(%dma_wait3A_1577 : memref<25600000xf32, #tpu.memory_space<hbm>>) dst(%dma_wait3A_1572 : memref<128xf32, #tpu.memory_space<vmem>>)
    %dma_wait3A_1578 = arith.constant 3 : i32
    %dma_wait3A_1579 = arith.constant 3 : i32
    %dma_wait3A_1580 = arith.constant 3 : i32
    %dma_wait3A_1581 = arith.constant 3 : i32
    %dma_wait3A_1582 = arith.constant 0 : i32
    %dma_wait3A_1583 = tpu.memref_slice %arg14[%dma_wait3A_1580, %dma_wait3A_1581, %dma_wait3A_1582] : memref<4x16x128xf32, #tpu.memory_space<vmem>> -> memref<1x1x128xf32, #tpu.memory_space<vmem>>
    %dma_wait3A_1584 = tpu.memref_squeeze %dma_wait3A_1583 : memref<1x1x128xf32, #tpu.memory_space<vmem>> -> memref<128xf32, #tpu.memory_space<vmem>>
    %dma_wait3A_1585 = arith.constant 0 : i32
    %dma_wait3A_1586 = tpu.memref_slice %arg13[%dma_wait3A_1578, %dma_wait3A_1579, %dma_wait3A_1585] : memref<4x16x128xi32, #tpu.memory_space<vmem>> -> memref<1x1x128xi32, #tpu.memory_space<vmem>>
    %dma_wait3A_1587 = tpu.memref_squeeze %dma_wait3A_1586 : memref<1x1x128xi32, #tpu.memory_space<vmem>> -> memref<128xi32, #tpu.memory_space<vmem>>
    %dma_wait3A_1588 = arith.constant 0 : i32
    %dma_wait3A_1589 = tpu.memref_slice %arg6[%dma_wait3A_1588] : memref<25600000xf32, #tpu.memory_space<hbm>> -> memref<25600000xf32, #tpu.memory_space<hbm>>
    tpu.wait_indirect_dma semaphore(%arg17 : memref<!tpu.dma_semaphore, #tpu.memory_space<semaphore_mem>>) src(%dma_wait3A_1589 : memref<25600000xf32, #tpu.memory_space<hbm>>) dst(%dma_wait3A_1584 : memref<128xf32, #tpu.memory_space<vmem>>)
    %dma_wait3A_1590 = arith.constant 3 : i32
    %dma_wait3A_1591 = arith.constant 4 : i32
    %dma_wait3A_1592 = arith.constant 3 : i32
    %dma_wait3A_1593 = arith.constant 4 : i32
    %dma_wait3A_1594 = arith.constant 0 : i32
    %dma_wait3A_1595 = tpu.memref_slice %arg14[%dma_wait3A_1592, %dma_wait3A_1593, %dma_wait3A_1594] : memref<4x16x128xf32, #tpu.memory_space<vmem>> -> memref<1x1x128xf32, #tpu.memory_space<vmem>>
    %dma_wait3A_1596 = tpu.memref_squeeze %dma_wait3A_1595 : memref<1x1x128xf32, #tpu.memory_space<vmem>> -> memref<128xf32, #tpu.memory_space<vmem>>
    %dma_wait3A_1597 = arith.constant 0 : i32
    %dma_wait3A_1598 = tpu.memref_slice %arg13[%dma_wait3A_1590, %dma_wait3A_1591, %dma_wait3A_1597] : memref<4x16x128xi32, #tpu.memory_space<vmem>> -> memref<1x1x128xi32, #tpu.memory_space<vmem>>
    %dma_wait3A_1599 = tpu.memref_squeeze %dma_wait3A_1598 : memref<1x1x128xi32, #tpu.memory_space<vmem>> -> memref<128xi32, #tpu.memory_space<vmem>>
    %dma_wait3A_1600 = arith.constant 0 : i32
    %dma_wait3A_1601 = tpu.memref_slice %arg6[%dma_wait3A_1600] : memref<25600000xf32, #tpu.memory_space<hbm>> -> memref<25600000xf32, #tpu.memory_space<hbm>>
    tpu.wait_indirect_dma semaphore(%arg17 : memref<!tpu.dma_semaphore, #tpu.memory_space<semaphore_mem>>) src(%dma_wait3A_1601 : memref<25600000xf32, #tpu.memory_space<hbm>>) dst(%dma_wait3A_1596 : memref<128xf32, #tpu.memory_space<vmem>>)
    %dma_wait3A_1602 = arith.constant 3 : i32
    %dma_wait3A_1603 = arith.constant 5 : i32
    %dma_wait3A_1604 = arith.constant 3 : i32
    %dma_wait3A_1605 = arith.constant 5 : i32
    %dma_wait3A_1606 = arith.constant 0 : i32
    %dma_wait3A_1607 = tpu.memref_slice %arg14[%dma_wait3A_1604, %dma_wait3A_1605, %dma_wait3A_1606] : memref<4x16x128xf32, #tpu.memory_space<vmem>> -> memref<1x1x128xf32, #tpu.memory_space<vmem>>
    %dma_wait3A_1608 = tpu.memref_squeeze %dma_wait3A_1607 : memref<1x1x128xf32, #tpu.memory_space<vmem>> -> memref<128xf32, #tpu.memory_space<vmem>>
    %dma_wait3A_1609 = arith.constant 0 : i32
    %dma_wait3A_1610 = tpu.memref_slice %arg13[%dma_wait3A_1602, %dma_wait3A_1603, %dma_wait3A_1609] : memref<4x16x128xi32, #tpu.memory_space<vmem>> -> memref<1x1x128xi32, #tpu.memory_space<vmem>>
    %dma_wait3A_1611 = tpu.memref_squeeze %dma_wait3A_1610 : memref<1x1x128xi32, #tpu.memory_space<vmem>> -> memref<128xi32, #tpu.memory_space<vmem>>
    %dma_wait3A_1612 = arith.constant 0 : i32
    %dma_wait3A_1613 = tpu.memref_slice %arg6[%dma_wait3A_1612] : memref<25600000xf32, #tpu.memory_space<hbm>> -> memref<25600000xf32, #tpu.memory_space<hbm>>
    tpu.wait_indirect_dma semaphore(%arg17 : memref<!tpu.dma_semaphore, #tpu.memory_space<semaphore_mem>>) src(%dma_wait3A_1613 : memref<25600000xf32, #tpu.memory_space<hbm>>) dst(%dma_wait3A_1608 : memref<128xf32, #tpu.memory_space<vmem>>)
    %dma_wait3A_1614 = arith.constant 3 : i32
    %dma_wait3A_1615 = arith.constant 6 : i32
    %dma_wait3A_1616 = arith.constant 3 : i32
    %dma_wait3A_1617 = arith.constant 6 : i32
    %dma_wait3A_1618 = arith.constant 0 : i32
    %dma_wait3A_1619 = tpu.memref_slice %arg14[%dma_wait3A_1616, %dma_wait3A_1617, %dma_wait3A_1618] : memref<4x16x128xf32, #tpu.memory_space<vmem>> -> memref<1x1x128xf32, #tpu.memory_space<vmem>>
    %dma_wait3A_1620 = tpu.memref_squeeze %dma_wait3A_1619 : memref<1x1x128xf32, #tpu.memory_space<vmem>> -> memref<128xf32, #tpu.memory_space<vmem>>
    %dma_wait3A_1621 = arith.constant 0 : i32
    %dma_wait3A_1622 = tpu.memref_slice %arg13[%dma_wait3A_1614, %dma_wait3A_1615, %dma_wait3A_1621] : memref<4x16x128xi32, #tpu.memory_space<vmem>> -> memref<1x1x128xi32, #tpu.memory_space<vmem>>
    %dma_wait3A_1623 = tpu.memref_squeeze %dma_wait3A_1622 : memref<1x1x128xi32, #tpu.memory_space<vmem>> -> memref<128xi32, #tpu.memory_space<vmem>>
    %dma_wait3A_1624 = arith.constant 0 : i32
    %dma_wait3A_1625 = tpu.memref_slice %arg6[%dma_wait3A_1624] : memref<25600000xf32, #tpu.memory_space<hbm>> -> memref<25600000xf32, #tpu.memory_space<hbm>>
    tpu.wait_indirect_dma semaphore(%arg17 : memref<!tpu.dma_semaphore, #tpu.memory_space<semaphore_mem>>) src(%dma_wait3A_1625 : memref<25600000xf32, #tpu.memory_space<hbm>>) dst(%dma_wait3A_1620 : memref<128xf32, #tpu.memory_space<vmem>>)
    %dma_wait3A_1626 = arith.constant 3 : i32
    %dma_wait3A_1627 = arith.constant 7 : i32
    %dma_wait3A_1628 = arith.constant 3 : i32
    %dma_wait3A_1629 = arith.constant 7 : i32
    %dma_wait3A_1630 = arith.constant 0 : i32
    %dma_wait3A_1631 = tpu.memref_slice %arg14[%dma_wait3A_1628, %dma_wait3A_1629, %dma_wait3A_1630] : memref<4x16x128xf32, #tpu.memory_space<vmem>> -> memref<1x1x128xf32, #tpu.memory_space<vmem>>
    %dma_wait3A_1632 = tpu.memref_squeeze %dma_wait3A_1631 : memref<1x1x128xf32, #tpu.memory_space<vmem>> -> memref<128xf32, #tpu.memory_space<vmem>>
    %dma_wait3A_1633 = arith.constant 0 : i32
    %dma_wait3A_1634 = tpu.memref_slice %arg13[%dma_wait3A_1626, %dma_wait3A_1627, %dma_wait3A_1633] : memref<4x16x128xi32, #tpu.memory_space<vmem>> -> memref<1x1x128xi32, #tpu.memory_space<vmem>>
    %dma_wait3A_1635 = tpu.memref_squeeze %dma_wait3A_1634 : memref<1x1x128xi32, #tpu.memory_space<vmem>> -> memref<128xi32, #tpu.memory_space<vmem>>
    %dma_wait3A_1636 = arith.constant 0 : i32
    %dma_wait3A_1637 = tpu.memref_slice %arg6[%dma_wait3A_1636] : memref<25600000xf32, #tpu.memory_space<hbm>> -> memref<25600000xf32, #tpu.memory_space<hbm>>
    tpu.wait_indirect_dma semaphore(%arg17 : memref<!tpu.dma_semaphore, #tpu.memory_space<semaphore_mem>>) src(%dma_wait3A_1637 : memref<25600000xf32, #tpu.memory_space<hbm>>) dst(%dma_wait3A_1632 : memref<128xf32, #tpu.memory_space<vmem>>)
    %dma_wait3A_1638 = arith.constant 3 : i32
    %dma_wait3A_1639 = arith.constant 8 : i32
    %dma_wait3A_1640 = arith.constant 3 : i32
    %dma_wait3A_1641 = arith.constant 8 : i32
    %dma_wait3A_1642 = arith.constant 0 : i32
    %dma_wait3A_1643 = tpu.memref_slice %arg14[%dma_wait3A_1640, %dma_wait3A_1641, %dma_wait3A_1642] : memref<4x16x128xf32, #tpu.memory_space<vmem>> -> memref<1x1x128xf32, #tpu.memory_space<vmem>>
    %dma_wait3A_1644 = tpu.memref_squeeze %dma_wait3A_1643 : memref<1x1x128xf32, #tpu.memory_space<vmem>> -> memref<128xf32, #tpu.memory_space<vmem>>
    %dma_wait3A_1645 = arith.constant 0 : i32
    %dma_wait3A_1646 = tpu.memref_slice %arg13[%dma_wait3A_1638, %dma_wait3A_1639, %dma_wait3A_1645] : memref<4x16x128xi32, #tpu.memory_space<vmem>> -> memref<1x1x128xi32, #tpu.memory_space<vmem>>
    %dma_wait3A_1647 = tpu.memref_squeeze %dma_wait3A_1646 : memref<1x1x128xi32, #tpu.memory_space<vmem>> -> memref<128xi32, #tpu.memory_space<vmem>>
    %dma_wait3A_1648 = arith.constant 0 : i32
    %dma_wait3A_1649 = tpu.memref_slice %arg6[%dma_wait3A_1648] : memref<25600000xf32, #tpu.memory_space<hbm>> -> memref<25600000xf32, #tpu.memory_space<hbm>>
    tpu.wait_indirect_dma semaphore(%arg17 : memref<!tpu.dma_semaphore, #tpu.memory_space<semaphore_mem>>) src(%dma_wait3A_1649 : memref<25600000xf32, #tpu.memory_space<hbm>>) dst(%dma_wait3A_1644 : memref<128xf32, #tpu.memory_space<vmem>>)
    %dma_wait3A_1650 = arith.constant 3 : i32
    %dma_wait3A_1651 = arith.constant 9 : i32
    %dma_wait3A_1652 = arith.constant 3 : i32
    %dma_wait3A_1653 = arith.constant 9 : i32
    %dma_wait3A_1654 = arith.constant 0 : i32
    %dma_wait3A_1655 = tpu.memref_slice %arg14[%dma_wait3A_1652, %dma_wait3A_1653, %dma_wait3A_1654] : memref<4x16x128xf32, #tpu.memory_space<vmem>> -> memref<1x1x128xf32, #tpu.memory_space<vmem>>
    %dma_wait3A_1656 = tpu.memref_squeeze %dma_wait3A_1655 : memref<1x1x128xf32, #tpu.memory_space<vmem>> -> memref<128xf32, #tpu.memory_space<vmem>>
    %dma_wait3A_1657 = arith.constant 0 : i32
    %dma_wait3A_1658 = tpu.memref_slice %arg13[%dma_wait3A_1650, %dma_wait3A_1651, %dma_wait3A_1657] : memref<4x16x128xi32, #tpu.memory_space<vmem>> -> memref<1x1x128xi32, #tpu.memory_space<vmem>>
    %dma_wait3A_1659 = tpu.memref_squeeze %dma_wait3A_1658 : memref<1x1x128xi32, #tpu.memory_space<vmem>> -> memref<128xi32, #tpu.memory_space<vmem>>
    %dma_wait3A_1660 = arith.constant 0 : i32
    %dma_wait3A_1661 = tpu.memref_slice %arg6[%dma_wait3A_1660] : memref<25600000xf32, #tpu.memory_space<hbm>> -> memref<25600000xf32, #tpu.memory_space<hbm>>
    tpu.wait_indirect_dma semaphore(%arg17 : memref<!tpu.dma_semaphore, #tpu.memory_space<semaphore_mem>>) src(%dma_wait3A_1661 : memref<25600000xf32, #tpu.memory_space<hbm>>) dst(%dma_wait3A_1656 : memref<128xf32, #tpu.memory_space<vmem>>)
    %dma_wait3A_1662 = arith.constant 3 : i32
    %dma_wait3A_1663 = arith.constant 10 : i32
    %dma_wait3A_1664 = arith.constant 3 : i32
    %dma_wait3A_1665 = arith.constant 10 : i32
    %dma_wait3A_1666 = arith.constant 0 : i32
    %dma_wait3A_1667 = tpu.memref_slice %arg14[%dma_wait3A_1664, %dma_wait3A_1665, %dma_wait3A_1666] : memref<4x16x128xf32, #tpu.memory_space<vmem>> -> memref<1x1x128xf32, #tpu.memory_space<vmem>>
    %dma_wait3A_1668 = tpu.memref_squeeze %dma_wait3A_1667 : memref<1x1x128xf32, #tpu.memory_space<vmem>> -> memref<128xf32, #tpu.memory_space<vmem>>
    %dma_wait3A_1669 = arith.constant 0 : i32
    %dma_wait3A_1670 = tpu.memref_slice %arg13[%dma_wait3A_1662, %dma_wait3A_1663, %dma_wait3A_1669] : memref<4x16x128xi32, #tpu.memory_space<vmem>> -> memref<1x1x128xi32, #tpu.memory_space<vmem>>
    %dma_wait3A_1671 = tpu.memref_squeeze %dma_wait3A_1670 : memref<1x1x128xi32, #tpu.memory_space<vmem>> -> memref<128xi32, #tpu.memory_space<vmem>>
    %dma_wait3A_1672 = arith.constant 0 : i32
    %dma_wait3A_1673 = tpu.memref_slice %arg6[%dma_wait3A_1672] : memref<25600000xf32, #tpu.memory_space<hbm>> -> memref<25600000xf32, #tpu.memory_space<hbm>>
    tpu.wait_indirect_dma semaphore(%arg17 : memref<!tpu.dma_semaphore, #tpu.memory_space<semaphore_mem>>) src(%dma_wait3A_1673 : memref<25600000xf32, #tpu.memory_space<hbm>>) dst(%dma_wait3A_1668 : memref<128xf32, #tpu.memory_space<vmem>>)
    %dma_wait3A_1674 = arith.constant 3 : i32
    %dma_wait3A_1675 = arith.constant 11 : i32
    %dma_wait3A_1676 = arith.constant 3 : i32
    %dma_wait3A_1677 = arith.constant 11 : i32
    %dma_wait3A_1678 = arith.constant 0 : i32
    %dma_wait3A_1679 = tpu.memref_slice %arg14[%dma_wait3A_1676, %dma_wait3A_1677, %dma_wait3A_1678] : memref<4x16x128xf32, #tpu.memory_space<vmem>> -> memref<1x1x128xf32, #tpu.memory_space<vmem>>
    %dma_wait3A_1680 = tpu.memref_squeeze %dma_wait3A_1679 : memref<1x1x128xf32, #tpu.memory_space<vmem>> -> memref<128xf32, #tpu.memory_space<vmem>>
    %dma_wait3A_1681 = arith.constant 0 : i32
    %dma_wait3A_1682 = tpu.memref_slice %arg13[%dma_wait3A_1674, %dma_wait3A_1675, %dma_wait3A_1681] : memref<4x16x128xi32, #tpu.memory_space<vmem>> -> memref<1x1x128xi32, #tpu.memory_space<vmem>>
    %dma_wait3A_1683 = tpu.memref_squeeze %dma_wait3A_1682 : memref<1x1x128xi32, #tpu.memory_space<vmem>> -> memref<128xi32, #tpu.memory_space<vmem>>
    %dma_wait3A_1684 = arith.constant 0 : i32
    %dma_wait3A_1685 = tpu.memref_slice %arg6[%dma_wait3A_1684] : memref<25600000xf32, #tpu.memory_space<hbm>> -> memref<25600000xf32, #tpu.memory_space<hbm>>
    tpu.wait_indirect_dma semaphore(%arg17 : memref<!tpu.dma_semaphore, #tpu.memory_space<semaphore_mem>>) src(%dma_wait3A_1685 : memref<25600000xf32, #tpu.memory_space<hbm>>) dst(%dma_wait3A_1680 : memref<128xf32, #tpu.memory_space<vmem>>)
    %dma_wait3A_1686 = arith.constant 3 : i32
    %dma_wait3A_1687 = arith.constant 12 : i32
    %dma_wait3A_1688 = arith.constant 3 : i32
    %dma_wait3A_1689 = arith.constant 12 : i32
    %dma_wait3A_1690 = arith.constant 0 : i32
    %dma_wait3A_1691 = tpu.memref_slice %arg14[%dma_wait3A_1688, %dma_wait3A_1689, %dma_wait3A_1690] : memref<4x16x128xf32, #tpu.memory_space<vmem>> -> memref<1x1x128xf32, #tpu.memory_space<vmem>>
    %dma_wait3A_1692 = tpu.memref_squeeze %dma_wait3A_1691 : memref<1x1x128xf32, #tpu.memory_space<vmem>> -> memref<128xf32, #tpu.memory_space<vmem>>
    %dma_wait3A_1693 = arith.constant 0 : i32
    %dma_wait3A_1694 = tpu.memref_slice %arg13[%dma_wait3A_1686, %dma_wait3A_1687, %dma_wait3A_1693] : memref<4x16x128xi32, #tpu.memory_space<vmem>> -> memref<1x1x128xi32, #tpu.memory_space<vmem>>
    %dma_wait3A_1695 = tpu.memref_squeeze %dma_wait3A_1694 : memref<1x1x128xi32, #tpu.memory_space<vmem>> -> memref<128xi32, #tpu.memory_space<vmem>>
    %dma_wait3A_1696 = arith.constant 0 : i32
    %dma_wait3A_1697 = tpu.memref_slice %arg6[%dma_wait3A_1696] : memref<25600000xf32, #tpu.memory_space<hbm>> -> memref<25600000xf32, #tpu.memory_space<hbm>>
    tpu.wait_indirect_dma semaphore(%arg17 : memref<!tpu.dma_semaphore, #tpu.memory_space<semaphore_mem>>) src(%dma_wait3A_1697 : memref<25600000xf32, #tpu.memory_space<hbm>>) dst(%dma_wait3A_1692 : memref<128xf32, #tpu.memory_space<vmem>>)
    %dma_wait3A_1698 = arith.constant 3 : i32
    %dma_wait3A_1699 = arith.constant 13 : i32
    %dma_wait3A_1700 = arith.constant 3 : i32
    %dma_wait3A_1701 = arith.constant 13 : i32
    %dma_wait3A_1702 = arith.constant 0 : i32
    %dma_wait3A_1703 = tpu.memref_slice %arg14[%dma_wait3A_1700, %dma_wait3A_1701, %dma_wait3A_1702] : memref<4x16x128xf32, #tpu.memory_space<vmem>> -> memref<1x1x128xf32, #tpu.memory_space<vmem>>
    %dma_wait3A_1704 = tpu.memref_squeeze %dma_wait3A_1703 : memref<1x1x128xf32, #tpu.memory_space<vmem>> -> memref<128xf32, #tpu.memory_space<vmem>>
    %dma_wait3A_1705 = arith.constant 0 : i32
    %dma_wait3A_1706 = tpu.memref_slice %arg13[%dma_wait3A_1698, %dma_wait3A_1699, %dma_wait3A_1705] : memref<4x16x128xi32, #tpu.memory_space<vmem>> -> memref<1x1x128xi32, #tpu.memory_space<vmem>>
    %dma_wait3A_1707 = tpu.memref_squeeze %dma_wait3A_1706 : memref<1x1x128xi32, #tpu.memory_space<vmem>> -> memref<128xi32, #tpu.memory_space<vmem>>
    %dma_wait3A_1708 = arith.constant 0 : i32
    %dma_wait3A_1709 = tpu.memref_slice %arg6[%dma_wait3A_1708] : memref<25600000xf32, #tpu.memory_space<hbm>> -> memref<25600000xf32, #tpu.memory_space<hbm>>
    tpu.wait_indirect_dma semaphore(%arg17 : memref<!tpu.dma_semaphore, #tpu.memory_space<semaphore_mem>>) src(%dma_wait3A_1709 : memref<25600000xf32, #tpu.memory_space<hbm>>) dst(%dma_wait3A_1704 : memref<128xf32, #tpu.memory_space<vmem>>)
    %dma_wait3A_1710 = arith.constant 3 : i32
    %dma_wait3A_1711 = arith.constant 14 : i32
    %dma_wait3A_1712 = arith.constant 3 : i32
    %dma_wait3A_1713 = arith.constant 14 : i32
    %dma_wait3A_1714 = arith.constant 0 : i32
    %dma_wait3A_1715 = tpu.memref_slice %arg14[%dma_wait3A_1712, %dma_wait3A_1713, %dma_wait3A_1714] : memref<4x16x128xf32, #tpu.memory_space<vmem>> -> memref<1x1x128xf32, #tpu.memory_space<vmem>>
    %dma_wait3A_1716 = tpu.memref_squeeze %dma_wait3A_1715 : memref<1x1x128xf32, #tpu.memory_space<vmem>> -> memref<128xf32, #tpu.memory_space<vmem>>
    %dma_wait3A_1717 = arith.constant 0 : i32
    %dma_wait3A_1718 = tpu.memref_slice %arg13[%dma_wait3A_1710, %dma_wait3A_1711, %dma_wait3A_1717] : memref<4x16x128xi32, #tpu.memory_space<vmem>> -> memref<1x1x128xi32, #tpu.memory_space<vmem>>
    %dma_wait3A_1719 = tpu.memref_squeeze %dma_wait3A_1718 : memref<1x1x128xi32, #tpu.memory_space<vmem>> -> memref<128xi32, #tpu.memory_space<vmem>>
    %dma_wait3A_1720 = arith.constant 0 : i32
    %dma_wait3A_1721 = tpu.memref_slice %arg6[%dma_wait3A_1720] : memref<25600000xf32, #tpu.memory_space<hbm>> -> memref<25600000xf32, #tpu.memory_space<hbm>>
    tpu.wait_indirect_dma semaphore(%arg17 : memref<!tpu.dma_semaphore, #tpu.memory_space<semaphore_mem>>) src(%dma_wait3A_1721 : memref<25600000xf32, #tpu.memory_space<hbm>>) dst(%dma_wait3A_1716 : memref<128xf32, #tpu.memory_space<vmem>>)
    %dma_wait3A_1722 = arith.constant 3 : i32
    %dma_wait3A_1723 = arith.constant 15 : i32
    %dma_wait3A_1724 = arith.constant 3 : i32
    %dma_wait3A_1725 = arith.constant 15 : i32
    %dma_wait3A_1726 = arith.constant 0 : i32
    %dma_wait3A_1727 = tpu.memref_slice %arg14[%dma_wait3A_1724, %dma_wait3A_1725, %dma_wait3A_1726] : memref<4x16x128xf32, #tpu.memory_space<vmem>> -> memref<1x1x128xf32, #tpu.memory_space<vmem>>
    %dma_wait3A_1728 = tpu.memref_squeeze %dma_wait3A_1727 : memref<1x1x128xf32, #tpu.memory_space<vmem>> -> memref<128xf32, #tpu.memory_space<vmem>>
    %dma_wait3A_1729 = arith.constant 0 : i32
    %dma_wait3A_1730 = tpu.memref_slice %arg13[%dma_wait3A_1722, %dma_wait3A_1723, %dma_wait3A_1729] : memref<4x16x128xi32, #tpu.memory_space<vmem>> -> memref<1x1x128xi32, #tpu.memory_space<vmem>>
    %dma_wait3A_1731 = tpu.memref_squeeze %dma_wait3A_1730 : memref<1x1x128xi32, #tpu.memory_space<vmem>> -> memref<128xi32, #tpu.memory_space<vmem>>
    %dma_wait3A_1732 = arith.constant 0 : i32
    %dma_wait3A_1733 = tpu.memref_slice %arg6[%dma_wait3A_1732] : memref<25600000xf32, #tpu.memory_space<hbm>> -> memref<25600000xf32, #tpu.memory_space<hbm>>
    tpu.wait_indirect_dma semaphore(%arg17 : memref<!tpu.dma_semaphore, #tpu.memory_space<semaphore_mem>>) src(%dma_wait3A_1733 : memref<25600000xf32, #tpu.memory_space<hbm>>) dst(%dma_wait3A_1728 : memref<128xf32, #tpu.memory_space<vmem>>)
    %dma_wait3A_1734 = arith.constant 3 : i32
    %dma_wait3A_1735 = arith.constant 3 : i32
    %dma_wait3A_1736 = arith.constant 0 : i32
    %dma_wait3A_1737 = tpu.memref_slice %arg15[%dma_wait3A_1735, %dma_wait3A_1736] : memref<4x128xf32, #tpu.memory_space<vmem>> -> memref<1x128xf32, #tpu.memory_space<vmem>>
    %dma_wait3A_1738 = tpu.memref_squeeze %dma_wait3A_1737 : memref<1x128xf32, #tpu.memory_space<vmem>> -> memref<128xf32, #tpu.memory_space<vmem>>
    %dma_wait3A_1739 = arith.constant 0 : i32
    %dma_wait3A_1740 = tpu.memref_slice %arg9[%dma_wait3A_1734, %dma_wait3A_1739] : memref<4x128xi32, #tpu.memory_space<vmem>> -> memref<1x128xi32, #tpu.memory_space<vmem>>
    %dma_wait3A_1741 = tpu.memref_squeeze %dma_wait3A_1740 : memref<1x128xi32, #tpu.memory_space<vmem>> -> memref<128xi32, #tpu.memory_space<vmem>>
    %dma_wait3A_1742 = arith.constant 0 : i32
    %dma_wait3A_1743 = tpu.memref_slice %arg7[%dma_wait3A_1742] : memref<100000xf32, #tpu.memory_space<hbm>> -> memref<100000xf32, #tpu.memory_space<hbm>>
    tpu.wait_indirect_dma semaphore(%arg18 : memref<!tpu.dma_semaphore, #tpu.memory_space<semaphore_mem>>) src(%dma_wait3A_1743 : memref<100000xf32, #tpu.memory_space<hbm>>) dst(%dma_wait3A_1738 : memref<128xf32, #tpu.memory_space<vmem>>)
    %scan3A_1744 = arith.constant 0 : i32
    %scan3A_1745 = arith.constant 0 : i32
    %scan3A_1746 = arith.constant 8 : i32
    %scan3A_1747 = arith.addi %scan3A_1745, %scan3A_1746 : i32
    %scan3A_1748 = arith.constant 1 : i32
    %scan3A_1749 = scf.for %scan3A_1772 = %scan3A_1745 to %scan3A_1747 step %scan3A_1748 iter_args(%scan3A_1773 = %scan3A_1744) -> (i32)  : i32 {
      %mul3A_1774 = arith.constant 16 : i32
      %mul3A_1775 = arith.muli %scan3A_1772, %mul3A_1774 : i32
      %get3A = arith.constant 0 : i32
      %get3A_1776 = arith.index_cast %get3A : i32 to index
      %get3A_1777 = arith.index_cast %mul3A_1775 : i32 to index
      %get3A_1778 = tpu.vector_load %arg15[%get3A_1776, %get3A_1777] {strides = array<i32>} : memref<4x128xf32, #tpu.memory_space<vmem>>, vector<16xf32>,
      %get3A_1779 = arith.constant 0 : i32
      %get3A_1780 = arith.constant 0 : i32
      %get3A_1781 = arith.index_cast %get3A_1779 : i32 to index
      %get3A_1782 = arith.index_cast %get3A_1780 : i32 to index
      %get3A_1783 = arith.index_cast %mul3A_1775 : i32 to index
      %get3A_1784 = tpu.vector_load %arg14[%get3A_1781, %get3A_1782, %get3A_1783] {strides = array<i32>} : memref<4x16x128xf32, #tpu.memory_space<vmem>>, vector<16xf32>,
      %add3A_1785 = arith.constant 0 : i32
      %add3A_1786 = arith.addi %add3A_1785, %mul3A_1775 : i32
      %get3A_1787 = arith.constant 0 : i32
      %get3A_1788 = arith.index_cast %get3A_1787 : i32 to index
      %get3A_1789 = arith.index_cast %add3A_1786 : i32 to index
      %get3A_1790 = tpu.vector_load %arg12[%get3A_1788, %get3A_1789] {strides = array<i32>} : memref<16x512xf32, #tpu.memory_space<vmem>>, vector<16xf32>,
      %mul3A_1791 = arith.mulf %get3A_1784, %get3A_1790 : vector<16xf32>
      %add3A_1792 = arith.addf %get3A_1778, %mul3A_1791 : vector<16xf32>
      %get3A_1793 = arith.constant 0 : i32
      %get3A_1794 = arith.constant 1 : i32
      %get3A_1795 = arith.index_cast %get3A_1793 : i32 to index
      %get3A_1796 = arith.index_cast %get3A_1794 : i32 to index
      %get3A_1797 = arith.index_cast %mul3A_1775 : i32 to index
      %get3A_1798 = tpu.vector_load %arg14[%get3A_1795, %get3A_1796, %get3A_1797] {strides = array<i32>} : memref<4x16x128xf32, #tpu.memory_space<vmem>>, vector<16xf32>,
      %add3A_1799 = arith.constant 0 : i32
      %add3A_1800 = arith.addi %add3A_1799, %mul3A_1775 : i32
      %get3A_1801 = arith.constant 1 : i32
      %get3A_1802 = arith.index_cast %get3A_1801 : i32 to index
      %get3A_1803 = arith.index_cast %add3A_1800 : i32 to index
      %get3A_1804 = tpu.vector_load %arg12[%get3A_1802, %get3A_1803] {strides = array<i32>} : memref<16x512xf32, #tpu.memory_space<vmem>>, vector<16xf32>,
      %mul3A_1805 = arith.mulf %get3A_1798, %get3A_1804 : vector<16xf32>
      %add3A_1806 = arith.addf %add3A_1792, %mul3A_1805 : vector<16xf32>
      %get3A_1807 = arith.constant 0 : i32
      %get3A_1808 = arith.constant 2 : i32
      %get3A_1809 = arith.index_cast %get3A_1807 : i32 to index
      %get3A_1810 = arith.index_cast %get3A_1808 : i32 to index
      %get3A_1811 = arith.index_cast %mul3A_1775 : i32 to index
      %get3A_1812 = tpu.vector_load %arg14[%get3A_1809, %get3A_1810, %get3A_1811] {strides = array<i32>} : memref<4x16x128xf32, #tpu.memory_space<vmem>>, vector<16xf32>,
      %add3A_1813 = arith.constant 0 : i32
      %add3A_1814 = arith.addi %add3A_1813, %mul3A_1775 : i32
      %get3A_1815 = arith.constant 2 : i32
      %get3A_1816 = arith.index_cast %get3A_1815 : i32 to index
      %get3A_1817 = arith.index_cast %add3A_1814 : i32 to index
      %get3A_1818 = tpu.vector_load %arg12[%get3A_1816, %get3A_1817] {strides = array<i32>} : memref<16x512xf32, #tpu.memory_space<vmem>>, vector<16xf32>,
      %mul3A_1819 = arith.mulf %get3A_1812, %get3A_1818 : vector<16xf32>
      %add3A_1820 = arith.addf %add3A_1806, %mul3A_1819 : vector<16xf32>
      %get3A_1821 = arith.constant 0 : i32
      %get3A_1822 = arith.constant 3 : i32
      %get3A_1823 = arith.index_cast %get3A_1821 : i32 to index
      %get3A_1824 = arith.index_cast %get3A_1822 : i32 to index
      %get3A_1825 = arith.index_cast %mul3A_1775 : i32 to index
      %get3A_1826 = tpu.vector_load %arg14[%get3A_1823, %get3A_1824, %get3A_1825] {strides = array<i32>} : memref<4x16x128xf32, #tpu.memory_space<vmem>>, vector<16xf32>,
      %add3A_1827 = arith.constant 0 : i32
      %add3A_1828 = arith.addi %add3A_1827, %mul3A_1775 : i32
      %get3A_1829 = arith.constant 3 : i32
      %get3A_1830 = arith.index_cast %get3A_1829 : i32 to index
      %get3A_1831 = arith.index_cast %add3A_1828 : i32 to index
      %get3A_1832 = tpu.vector_load %arg12[%get3A_1830, %get3A_1831] {strides = array<i32>} : memref<16x512xf32, #tpu.memory_space<vmem>>, vector<16xf32>,
      %mul3A_1833 = arith.mulf %get3A_1826, %get3A_1832 : vector<16xf32>
      %add3A_1834 = arith.addf %add3A_1820, %mul3A_1833 : vector<16xf32>
      %get3A_1835 = arith.constant 0 : i32
      %get3A_1836 = arith.constant 4 : i32
      %get3A_1837 = arith.index_cast %get3A_1835 : i32 to index
      %get3A_1838 = arith.index_cast %get3A_1836 : i32 to index
      %get3A_1839 = arith.index_cast %mul3A_1775 : i32 to index
      %get3A_1840 = tpu.vector_load %arg14[%get3A_1837, %get3A_1838, %get3A_1839] {strides = array<i32>} : memref<4x16x128xf32, #tpu.memory_space<vmem>>, vector<16xf32>,
      %add3A_1841 = arith.constant 0 : i32
      %add3A_1842 = arith.addi %add3A_1841, %mul3A_1775 : i32
      %get3A_1843 = arith.constant 4 : i32
      %get3A_1844 = arith.index_cast %get3A_1843 : i32 to index
      %get3A_1845 = arith.index_cast %add3A_1842 : i32 to index
      %get3A_1846 = tpu.vector_load %arg12[%get3A_1844, %get3A_1845] {strides = array<i32>} : memref<16x512xf32, #tpu.memory_space<vmem>>, vector<16xf32>,
      %mul3A_1847 = arith.mulf %get3A_1840, %get3A_1846 : vector<16xf32>
      %add3A_1848 = arith.addf %add3A_1834, %mul3A_1847 : vector<16xf32>
      %get3A_1849 = arith.constant 0 : i32
      %get3A_1850 = arith.constant 5 : i32
      %get3A_1851 = arith.index_cast %get3A_1849 : i32 to index
      %get3A_1852 = arith.index_cast %get3A_1850 : i32 to index
      %get3A_1853 = arith.index_cast %mul3A_1775 : i32 to index
      %get3A_1854 = tpu.vector_load %arg14[%get3A_1851, %get3A_1852, %get3A_1853] {strides = array<i32>} : memref<4x16x128xf32, #tpu.memory_space<vmem>>, vector<16xf32>,
      %add3A_1855 = arith.constant 0 : i32
      %add3A_1856 = arith.addi %add3A_1855, %mul3A_1775 : i32
      %get3A_1857 = arith.constant 5 : i32
      %get3A_1858 = arith.index_cast %get3A_1857 : i32 to index
      %get3A_1859 = arith.index_cast %add3A_1856 : i32 to index
      %get3A_1860 = tpu.vector_load %arg12[%get3A_1858, %get3A_1859] {strides = array<i32>} : memref<16x512xf32, #tpu.memory_space<vmem>>, vector<16xf32>,
      %mul3A_1861 = arith.mulf %get3A_1854, %get3A_1860 : vector<16xf32>
      %add3A_1862 = arith.addf %add3A_1848, %mul3A_1861 : vector<16xf32>
      %get3A_1863 = arith.constant 0 : i32
      %get3A_1864 = arith.constant 6 : i32
      %get3A_1865 = arith.index_cast %get3A_1863 : i32 to index
      %get3A_1866 = arith.index_cast %get3A_1864 : i32 to index
      %get3A_1867 = arith.index_cast %mul3A_1775 : i32 to index
      %get3A_1868 = tpu.vector_load %arg14[%get3A_1865, %get3A_1866, %get3A_1867] {strides = array<i32>} : memref<4x16x128xf32, #tpu.memory_space<vmem>>, vector<16xf32>,
      %add3A_1869 = arith.constant 0 : i32
      %add3A_1870 = arith.addi %add3A_1869, %mul3A_1775 : i32
      %get3A_1871 = arith.constant 6 : i32
      %get3A_1872 = arith.index_cast %get3A_1871 : i32 to index
      %get3A_1873 = arith.index_cast %add3A_1870 : i32 to index
      %get3A_1874 = tpu.vector_load %arg12[%get3A_1872, %get3A_1873] {strides = array<i32>} : memref<16x512xf32, #tpu.memory_space<vmem>>, vector<16xf32>,
      %mul3A_1875 = arith.mulf %get3A_1868, %get3A_1874 : vector<16xf32>
      %add3A_1876 = arith.addf %add3A_1862, %mul3A_1875 : vector<16xf32>
      %get3A_1877 = arith.constant 0 : i32
      %get3A_1878 = arith.constant 7 : i32
      %get3A_1879 = arith.index_cast %get3A_1877 : i32 to index
      %get3A_1880 = arith.index_cast %get3A_1878 : i32 to index
      %get3A_1881 = arith.index_cast %mul3A_1775 : i32 to index
      %get3A_1882 = tpu.vector_load %arg14[%get3A_1879, %get3A_1880, %get3A_1881] {strides = array<i32>} : memref<4x16x128xf32, #tpu.memory_space<vmem>>, vector<16xf32>,
      %add3A_1883 = arith.constant 0 : i32
      %add3A_1884 = arith.addi %add3A_1883, %mul3A_1775 : i32
      %get3A_1885 = arith.constant 7 : i32
      %get3A_1886 = arith.index_cast %get3A_1885 : i32 to index
      %get3A_1887 = arith.index_cast %add3A_1884 : i32 to index
      %get3A_1888 = tpu.vector_load %arg12[%get3A_1886, %get3A_1887] {strides = array<i32>} : memref<16x512xf32, #tpu.memory_space<vmem>>, vector<16xf32>,
      %mul3A_1889 = arith.mulf %get3A_1882, %get3A_1888 : vector<16xf32>
      %add3A_1890 = arith.addf %add3A_1876, %mul3A_1889 : vector<16xf32>
      %get3A_1891 = arith.constant 0 : i32
      %get3A_1892 = arith.constant 8 : i32
      %get3A_1893 = arith.index_cast %get3A_1891 : i32 to index
      %get3A_1894 = arith.index_cast %get3A_1892 : i32 to index
      %get3A_1895 = arith.index_cast %mul3A_1775 : i32 to index
      %get3A_1896 = tpu.vector_load %arg14[%get3A_1893, %get3A_1894, %get3A_1895] {strides = array<i32>} : memref<4x16x128xf32, #tpu.memory_space<vmem>>, vector<16xf32>,
      %add3A_1897 = arith.constant 0 : i32
      %add3A_1898 = arith.addi %add3A_1897, %mul3A_1775 : i32
      %get3A_1899 = arith.constant 8 : i32
      %get3A_1900 = arith.index_cast %get3A_1899 : i32 to index
      %get3A_1901 = arith.index_cast %add3A_1898 : i32 to index
      %get3A_1902 = tpu.vector_load %arg12[%get3A_1900, %get3A_1901] {strides = array<i32>} : memref<16x512xf32, #tpu.memory_space<vmem>>, vector<16xf32>,
      %mul3A_1903 = arith.mulf %get3A_1896, %get3A_1902 : vector<16xf32>
      %add3A_1904 = arith.addf %add3A_1890, %mul3A_1903 : vector<16xf32>
      %get3A_1905 = arith.constant 0 : i32
      %get3A_1906 = arith.constant 9 : i32
      %get3A_1907 = arith.index_cast %get3A_1905 : i32 to index
      %get3A_1908 = arith.index_cast %get3A_1906 : i32 to index
      %get3A_1909 = arith.index_cast %mul3A_1775 : i32 to index
      %get3A_1910 = tpu.vector_load %arg14[%get3A_1907, %get3A_1908, %get3A_1909] {strides = array<i32>} : memref<4x16x128xf32, #tpu.memory_space<vmem>>, vector<16xf32>,
      %add3A_1911 = arith.constant 0 : i32
      %add3A_1912 = arith.addi %add3A_1911, %mul3A_1775 : i32
      %get3A_1913 = arith.constant 9 : i32
      %get3A_1914 = arith.index_cast %get3A_1913 : i32 to index
      %get3A_1915 = arith.index_cast %add3A_1912 : i32 to index
      %get3A_1916 = tpu.vector_load %arg12[%get3A_1914, %get3A_1915] {strides = array<i32>} : memref<16x512xf32, #tpu.memory_space<vmem>>, vector<16xf32>,
      %mul3A_1917 = arith.mulf %get3A_1910, %get3A_1916 : vector<16xf32>
      %add3A_1918 = arith.addf %add3A_1904, %mul3A_1917 : vector<16xf32>
      %get3A_1919 = arith.constant 0 : i32
      %get3A_1920 = arith.constant 10 : i32
      %get3A_1921 = arith.index_cast %get3A_1919 : i32 to index
      %get3A_1922 = arith.index_cast %get3A_1920 : i32 to index
      %get3A_1923 = arith.index_cast %mul3A_1775 : i32 to index
      %get3A_1924 = tpu.vector_load %arg14[%get3A_1921, %get3A_1922, %get3A_1923] {strides = array<i32>} : memref<4x16x128xf32, #tpu.memory_space<vmem>>, vector<16xf32>,
      %add3A_1925 = arith.constant 0 : i32
      %add3A_1926 = arith.addi %add3A_1925, %mul3A_1775 : i32
      %get3A_1927 = arith.constant 10 : i32
      %get3A_1928 = arith.index_cast %get3A_1927 : i32 to index
      %get3A_1929 = arith.index_cast %add3A_1926 : i32 to index
      %get3A_1930 = tpu.vector_load %arg12[%get3A_1928, %get3A_1929] {strides = array<i32>} : memref<16x512xf32, #tpu.memory_space<vmem>>, vector<16xf32>,
      %mul3A_1931 = arith.mulf %get3A_1924, %get3A_1930 : vector<16xf32>
      %add3A_1932 = arith.addf %add3A_1918, %mul3A_1931 : vector<16xf32>
      %get3A_1933 = arith.constant 0 : i32
      %get3A_1934 = arith.constant 11 : i32
      %get3A_1935 = arith.index_cast %get3A_1933 : i32 to index
      %get3A_1936 = arith.index_cast %get3A_1934 : i32 to index
      %get3A_1937 = arith.index_cast %mul3A_1775 : i32 to index
      %get3A_1938 = tpu.vector_load %arg14[%get3A_1935, %get3A_1936, %get3A_1937] {strides = array<i32>} : memref<4x16x128xf32, #tpu.memory_space<vmem>>, vector<16xf32>,
      %add3A_1939 = arith.constant 0 : i32
      %add3A_1940 = arith.addi %add3A_1939, %mul3A_1775 : i32
      %get3A_1941 = arith.constant 11 : i32
      %get3A_1942 = arith.index_cast %get3A_1941 : i32 to index
      %get3A_1943 = arith.index_cast %add3A_1940 : i32 to index
      %get3A_1944 = tpu.vector_load %arg12[%get3A_1942, %get3A_1943] {strides = array<i32>} : memref<16x512xf32, #tpu.memory_space<vmem>>, vector<16xf32>,
      %mul3A_1945 = arith.mulf %get3A_1938, %get3A_1944 : vector<16xf32>
      %add3A_1946 = arith.addf %add3A_1932, %mul3A_1945 : vector<16xf32>
      %get3A_1947 = arith.constant 0 : i32
      %get3A_1948 = arith.constant 12 : i32
      %get3A_1949 = arith.index_cast %get3A_1947 : i32 to index
      %get3A_1950 = arith.index_cast %get3A_1948 : i32 to index
      %get3A_1951 = arith.index_cast %mul3A_1775 : i32 to index
      %get3A_1952 = tpu.vector_load %arg14[%get3A_1949, %get3A_1950, %get3A_1951] {strides = array<i32>} : memref<4x16x128xf32, #tpu.memory_space<vmem>>, vector<16xf32>,
      %add3A_1953 = arith.constant 0 : i32
      %add3A_1954 = arith.addi %add3A_1953, %mul3A_1775 : i32
      %get3A_1955 = arith.constant 12 : i32
      %get3A_1956 = arith.index_cast %get3A_1955 : i32 to index
      %get3A_1957 = arith.index_cast %add3A_1954 : i32 to index
      %get3A_1958 = tpu.vector_load %arg12[%get3A_1956, %get3A_1957] {strides = array<i32>} : memref<16x512xf32, #tpu.memory_space<vmem>>, vector<16xf32>,
      %mul3A_1959 = arith.mulf %get3A_1952, %get3A_1958 : vector<16xf32>
      %add3A_1960 = arith.addf %add3A_1946, %mul3A_1959 : vector<16xf32>
      %get3A_1961 = arith.constant 0 : i32
      %get3A_1962 = arith.constant 13 : i32
      %get3A_1963 = arith.index_cast %get3A_1961 : i32 to index
      %get3A_1964 = arith.index_cast %get3A_1962 : i32 to index
      %get3A_1965 = arith.index_cast %mul3A_1775 : i32 to index
      %get3A_1966 = tpu.vector_load %arg14[%get3A_1963, %get3A_1964, %get3A_1965] {strides = array<i32>} : memref<4x16x128xf32, #tpu.memory_space<vmem>>, vector<16xf32>,
      %add3A_1967 = arith.constant 0 : i32
      %add3A_1968 = arith.addi %add3A_1967, %mul3A_1775 : i32
      %get3A_1969 = arith.constant 13 : i32
      %get3A_1970 = arith.index_cast %get3A_1969 : i32 to index
      %get3A_1971 = arith.index_cast %add3A_1968 : i32 to index
      %get3A_1972 = tpu.vector_load %arg12[%get3A_1970, %get3A_1971] {strides = array<i32>} : memref<16x512xf32, #tpu.memory_space<vmem>>, vector<16xf32>,
      %mul3A_1973 = arith.mulf %get3A_1966, %get3A_1972 : vector<16xf32>
      %add3A_1974 = arith.addf %add3A_1960, %mul3A_1973 : vector<16xf32>
      %get3A_1975 = arith.constant 0 : i32
      %get3A_1976 = arith.constant 14 : i32
      %get3A_1977 = arith.index_cast %get3A_1975 : i32 to index
      %get3A_1978 = arith.index_cast %get3A_1976 : i32 to index
      %get3A_1979 = arith.index_cast %mul3A_1775 : i32 to index
      %get3A_1980 = tpu.vector_load %arg14[%get3A_1977, %get3A_1978, %get3A_1979] {strides = array<i32>} : memref<4x16x128xf32, #tpu.memory_space<vmem>>, vector<16xf32>,
      %add3A_1981 = arith.constant 0 : i32
      %add3A_1982 = arith.addi %add3A_1981, %mul3A_1775 : i32
      %get3A_1983 = arith.constant 14 : i32
      %get3A_1984 = arith.index_cast %get3A_1983 : i32 to index
      %get3A_1985 = arith.index_cast %add3A_1982 : i32 to index
      %get3A_1986 = tpu.vector_load %arg12[%get3A_1984, %get3A_1985] {strides = array<i32>} : memref<16x512xf32, #tpu.memory_space<vmem>>, vector<16xf32>,
      %mul3A_1987 = arith.mulf %get3A_1980, %get3A_1986 : vector<16xf32>
      %add3A_1988 = arith.addf %add3A_1974, %mul3A_1987 : vector<16xf32>
      %get3A_1989 = arith.constant 0 : i32
      %get3A_1990 = arith.constant 15 : i32
      %get3A_1991 = arith.index_cast %get3A_1989 : i32 to index
      %get3A_1992 = arith.index_cast %get3A_1990 : i32 to index
      %get3A_1993 = arith.index_cast %mul3A_1775 : i32 to index
      %get3A_1994 = tpu.vector_load %arg14[%get3A_1991, %get3A_1992, %get3A_1993] {strides = array<i32>} : memref<4x16x128xf32, #tpu.memory_space<vmem>>, vector<16xf32>,
      %add3A_1995 = arith.constant 0 : i32
      %add3A_1996 = arith.addi %add3A_1995, %mul3A_1775 : i32
      %get3A_1997 = arith.constant 15 : i32
      %get3A_1998 = arith.index_cast %get3A_1997 : i32 to index
      %get3A_1999 = arith.index_cast %add3A_1996 : i32 to index
      %get3A_2000 = tpu.vector_load %arg12[%get3A_1998, %get3A_1999] {strides = array<i32>} : memref<16x512xf32, #tpu.memory_space<vmem>>, vector<16xf32>,
      %mul3A_2001 = arith.mulf %get3A_1994, %get3A_2000 : vector<16xf32>
      %add3A_2002 = arith.addf %add3A_1988, %mul3A_2001 : vector<16xf32>
      %add3A_2003 = arith.constant 0 : i32
      %add3A_2004 = arith.addi %add3A_2003, %mul3A_1775 : i32
      %swap3A = arith.index_cast %add3A_2004 : i32 to index
      %swap3A_2005 = tpu.vector_load %arg16[%swap3A] {strides = array<i32>} : memref<512xf32, #tpu.memory_space<vmem>>, vector<16xf32>,
      tpu.vector_store %arg16[%swap3A], %add3A_2002 {strides = array<i32>} : memref<512xf32, #tpu.memory_space<vmem>>, vector<16xf32>,
      %scan3A_2006 = arith.constant 0 : i32
      scf.yield %scan3A_2006 : i32
    }
    %scan3A_1750 = arith.constant 8 : i32
    %scan3A_1751 = arith.constant 0 : i32
    %scan3A_1752 = arith.constant 0 : i32
    %scan3A_1753 = arith.constant 8 : i32
    %scan3A_1754 = arith.addi %scan3A_1752, %scan3A_1753 : i32
    %scan3A_1755 = arith.constant 1 : i32
    %scan3A_1756 = scf.for %scan3A_1772 = %scan3A_1752 to %scan3A_1754 step %scan3A_1755 iter_args(%scan3A_1773 = %scan3A_1751) -> (i32)  : i32 {
      %mul3A_1774 = arith.constant 16 : i32
      %mul3A_1775 = arith.muli %scan3A_1772, %mul3A_1774 : i32
      %get3A = arith.constant 1 : i32
      %get3A_1776 = arith.index_cast %get3A : i32 to index
      %get3A_1777 = arith.index_cast %mul3A_1775 : i32 to index
      %get3A_1778 = tpu.vector_load %arg15[%get3A_1776, %get3A_1777] {strides = array<i32>} : memref<4x128xf32, #tpu.memory_space<vmem>>, vector<16xf32>,
      %get3A_1779 = arith.constant 1 : i32
      %get3A_1780 = arith.constant 0 : i32
      %get3A_1781 = arith.index_cast %get3A_1779 : i32 to index
      %get3A_1782 = arith.index_cast %get3A_1780 : i32 to index
      %get3A_1783 = arith.index_cast %mul3A_1775 : i32 to index
      %get3A_1784 = tpu.vector_load %arg14[%get3A_1781, %get3A_1782, %get3A_1783] {strides = array<i32>} : memref<4x16x128xf32, #tpu.memory_space<vmem>>, vector<16xf32>,
      %add3A_1785 = arith.constant 128 : i32
      %add3A_1786 = arith.addi %add3A_1785, %mul3A_1775 : i32
      %get3A_1787 = arith.constant 0 : i32
      %get3A_1788 = arith.index_cast %get3A_1787 : i32 to index
      %get3A_1789 = arith.index_cast %add3A_1786 : i32 to index
      %get3A_1790 = tpu.vector_load %arg12[%get3A_1788, %get3A_1789] {strides = array<i32>} : memref<16x512xf32, #tpu.memory_space<vmem>>, vector<16xf32>,
      %mul3A_1791 = arith.mulf %get3A_1784, %get3A_1790 : vector<16xf32>
      %add3A_1792 = arith.addf %get3A_1778, %mul3A_1791 : vector<16xf32>
      %get3A_1793 = arith.constant 1 : i32
      %get3A_1794 = arith.constant 1 : i32
      %get3A_1795 = arith.index_cast %get3A_1793 : i32 to index
      %get3A_1796 = arith.index_cast %get3A_1794 : i32 to index
      %get3A_1797 = arith.index_cast %mul3A_1775 : i32 to index
      %get3A_1798 = tpu.vector_load %arg14[%get3A_1795, %get3A_1796, %get3A_1797] {strides = array<i32>} : memref<4x16x128xf32, #tpu.memory_space<vmem>>, vector<16xf32>,
      %add3A_1799 = arith.constant 128 : i32
      %add3A_1800 = arith.addi %add3A_1799, %mul3A_1775 : i32
      %get3A_1801 = arith.constant 1 : i32
      %get3A_1802 = arith.index_cast %get3A_1801 : i32 to index
      %get3A_1803 = arith.index_cast %add3A_1800 : i32 to index
      %get3A_1804 = tpu.vector_load %arg12[%get3A_1802, %get3A_1803] {strides = array<i32>} : memref<16x512xf32, #tpu.memory_space<vmem>>, vector<16xf32>,
      %mul3A_1805 = arith.mulf %get3A_1798, %get3A_1804 : vector<16xf32>
      %add3A_1806 = arith.addf %add3A_1792, %mul3A_1805 : vector<16xf32>
      %get3A_1807 = arith.constant 1 : i32
      %get3A_1808 = arith.constant 2 : i32
      %get3A_1809 = arith.index_cast %get3A_1807 : i32 to index
      %get3A_1810 = arith.index_cast %get3A_1808 : i32 to index
      %get3A_1811 = arith.index_cast %mul3A_1775 : i32 to index
      %get3A_1812 = tpu.vector_load %arg14[%get3A_1809, %get3A_1810, %get3A_1811] {strides = array<i32>} : memref<4x16x128xf32, #tpu.memory_space<vmem>>, vector<16xf32>,
      %add3A_1813 = arith.constant 128 : i32
      %add3A_1814 = arith.addi %add3A_1813, %mul3A_1775 : i32
      %get3A_1815 = arith.constant 2 : i32
      %get3A_1816 = arith.index_cast %get3A_1815 : i32 to index
      %get3A_1817 = arith.index_cast %add3A_1814 : i32 to index
      %get3A_1818 = tpu.vector_load %arg12[%get3A_1816, %get3A_1817] {strides = array<i32>} : memref<16x512xf32, #tpu.memory_space<vmem>>, vector<16xf32>,
      %mul3A_1819 = arith.mulf %get3A_1812, %get3A_1818 : vector<16xf32>
      %add3A_1820 = arith.addf %add3A_1806, %mul3A_1819 : vector<16xf32>
      %get3A_1821 = arith.constant 1 : i32
      %get3A_1822 = arith.constant 3 : i32
      %get3A_1823 = arith.index_cast %get3A_1821 : i32 to index
      %get3A_1824 = arith.index_cast %get3A_1822 : i32 to index
      %get3A_1825 = arith.index_cast %mul3A_1775 : i32 to index
      %get3A_1826 = tpu.vector_load %arg14[%get3A_1823, %get3A_1824, %get3A_1825] {strides = array<i32>} : memref<4x16x128xf32, #tpu.memory_space<vmem>>, vector<16xf32>,
      %add3A_1827 = arith.constant 128 : i32
      %add3A_1828 = arith.addi %add3A_1827, %mul3A_1775 : i32
      %get3A_1829 = arith.constant 3 : i32
      %get3A_1830 = arith.index_cast %get3A_1829 : i32 to index
      %get3A_1831 = arith.index_cast %add3A_1828 : i32 to index
      %get3A_1832 = tpu.vector_load %arg12[%get3A_1830, %get3A_1831] {strides = array<i32>} : memref<16x512xf32, #tpu.memory_space<vmem>>, vector<16xf32>,
      %mul3A_1833 = arith.mulf %get3A_1826, %get3A_1832 : vector<16xf32>
      %add3A_1834 = arith.addf %add3A_1820, %mul3A_1833 : vector<16xf32>
      %get3A_1835 = arith.constant 1 : i32
      %get3A_1836 = arith.constant 4 : i32
      %get3A_1837 = arith.index_cast %get3A_1835 : i32 to index
      %get3A_1838 = arith.index_cast %get3A_1836 : i32 to index
      %get3A_1839 = arith.index_cast %mul3A_1775 : i32 to index
      %get3A_1840 = tpu.vector_load %arg14[%get3A_1837, %get3A_1838, %get3A_1839] {strides = array<i32>} : memref<4x16x128xf32, #tpu.memory_space<vmem>>, vector<16xf32>,
      %add3A_1841 = arith.constant 128 : i32
      %add3A_1842 = arith.addi %add3A_1841, %mul3A_1775 : i32
      %get3A_1843 = arith.constant 4 : i32
      %get3A_1844 = arith.index_cast %get3A_1843 : i32 to index
      %get3A_1845 = arith.index_cast %add3A_1842 : i32 to index
      %get3A_1846 = tpu.vector_load %arg12[%get3A_1844, %get3A_1845] {strides = array<i32>} : memref<16x512xf32, #tpu.memory_space<vmem>>, vector<16xf32>,
      %mul3A_1847 = arith.mulf %get3A_1840, %get3A_1846 : vector<16xf32>
      %add3A_1848 = arith.addf %add3A_1834, %mul3A_1847 : vector<16xf32>
      %get3A_1849 = arith.constant 1 : i32
      %get3A_1850 = arith.constant 5 : i32
      %get3A_1851 = arith.index_cast %get3A_1849 : i32 to index
      %get3A_1852 = arith.index_cast %get3A_1850 : i32 to index
      %get3A_1853 = arith.index_cast %mul3A_1775 : i32 to index
      %get3A_1854 = tpu.vector_load %arg14[%get3A_1851, %get3A_1852, %get3A_1853] {strides = array<i32>} : memref<4x16x128xf32, #tpu.memory_space<vmem>>, vector<16xf32>,
      %add3A_1855 = arith.constant 128 : i32
      %add3A_1856 = arith.addi %add3A_1855, %mul3A_1775 : i32
      %get3A_1857 = arith.constant 5 : i32
      %get3A_1858 = arith.index_cast %get3A_1857 : i32 to index
      %get3A_1859 = arith.index_cast %add3A_1856 : i32 to index
      %get3A_1860 = tpu.vector_load %arg12[%get3A_1858, %get3A_1859] {strides = array<i32>} : memref<16x512xf32, #tpu.memory_space<vmem>>, vector<16xf32>,
      %mul3A_1861 = arith.mulf %get3A_1854, %get3A_1860 : vector<16xf32>
      %add3A_1862 = arith.addf %add3A_1848, %mul3A_1861 : vector<16xf32>
      %get3A_1863 = arith.constant 1 : i32
      %get3A_1864 = arith.constant 6 : i32
      %get3A_1865 = arith.index_cast %get3A_1863 : i32 to index
      %get3A_1866 = arith.index_cast %get3A_1864 : i32 to index
      %get3A_1867 = arith.index_cast %mul3A_1775 : i32 to index
      %get3A_1868 = tpu.vector_load %arg14[%get3A_1865, %get3A_1866, %get3A_1867] {strides = array<i32>} : memref<4x16x128xf32, #tpu.memory_space<vmem>>, vector<16xf32>,
      %add3A_1869 = arith.constant 128 : i32
      %add3A_1870 = arith.addi %add3A_1869, %mul3A_1775 : i32
      %get3A_1871 = arith.constant 6 : i32
      %get3A_1872 = arith.index_cast %get3A_1871 : i32 to index
      %get3A_1873 = arith.index_cast %add3A_1870 : i32 to index
      %get3A_1874 = tpu.vector_load %arg12[%get3A_1872, %get3A_1873] {strides = array<i32>} : memref<16x512xf32, #tpu.memory_space<vmem>>, vector<16xf32>,
      %mul3A_1875 = arith.mulf %get3A_1868, %get3A_1874 : vector<16xf32>
      %add3A_1876 = arith.addf %add3A_1862, %mul3A_1875 : vector<16xf32>
      %get3A_1877 = arith.constant 1 : i32
      %get3A_1878 = arith.constant 7 : i32
      %get3A_1879 = arith.index_cast %get3A_1877 : i32 to index
      %get3A_1880 = arith.index_cast %get3A_1878 : i32 to index
      %get3A_1881 = arith.index_cast %mul3A_1775 : i32 to index
      %get3A_1882 = tpu.vector_load %arg14[%get3A_1879, %get3A_1880, %get3A_1881] {strides = array<i32>} : memref<4x16x128xf32, #tpu.memory_space<vmem>>, vector<16xf32>,
      %add3A_1883 = arith.constant 128 : i32
      %add3A_1884 = arith.addi %add3A_1883, %mul3A_1775 : i32
      %get3A_1885 = arith.constant 7 : i32
      %get3A_1886 = arith.index_cast %get3A_1885 : i32 to index
      %get3A_1887 = arith.index_cast %add3A_1884 : i32 to index
      %get3A_1888 = tpu.vector_load %arg12[%get3A_1886, %get3A_1887] {strides = array<i32>} : memref<16x512xf32, #tpu.memory_space<vmem>>, vector<16xf32>,
      %mul3A_1889 = arith.mulf %get3A_1882, %get3A_1888 : vector<16xf32>
      %add3A_1890 = arith.addf %add3A_1876, %mul3A_1889 : vector<16xf32>
      %get3A_1891 = arith.constant 1 : i32
      %get3A_1892 = arith.constant 8 : i32
      %get3A_1893 = arith.index_cast %get3A_1891 : i32 to index
      %get3A_1894 = arith.index_cast %get3A_1892 : i32 to index
      %get3A_1895 = arith.index_cast %mul3A_1775 : i32 to index
      %get3A_1896 = tpu.vector_load %arg14[%get3A_1893, %get3A_1894, %get3A_1895] {strides = array<i32>} : memref<4x16x128xf32, #tpu.memory_space<vmem>>, vector<16xf32>,
      %add3A_1897 = arith.constant 128 : i32
      %add3A_1898 = arith.addi %add3A_1897, %mul3A_1775 : i32
      %get3A_1899 = arith.constant 8 : i32
      %get3A_1900 = arith.index_cast %get3A_1899 : i32 to index
      %get3A_1901 = arith.index_cast %add3A_1898 : i32 to index
      %get3A_1902 = tpu.vector_load %arg12[%get3A_1900, %get3A_1901] {strides = array<i32>} : memref<16x512xf32, #tpu.memory_space<vmem>>, vector<16xf32>,
      %mul3A_1903 = arith.mulf %get3A_1896, %get3A_1902 : vector<16xf32>
      %add3A_1904 = arith.addf %add3A_1890, %mul3A_1903 : vector<16xf32>
      %get3A_1905 = arith.constant 1 : i32
      %get3A_1906 = arith.constant 9 : i32
      %get3A_1907 = arith.index_cast %get3A_1905 : i32 to index
      %get3A_1908 = arith.index_cast %get3A_1906 : i32 to index
      %get3A_1909 = arith.index_cast %mul3A_1775 : i32 to index
      %get3A_1910 = tpu.vector_load %arg14[%get3A_1907, %get3A_1908, %get3A_1909] {strides = array<i32>} : memref<4x16x128xf32, #tpu.memory_space<vmem>>, vector<16xf32>,
      %add3A_1911 = arith.constant 128 : i32
      %add3A_1912 = arith.addi %add3A_1911, %mul3A_1775 : i32
      %get3A_1913 = arith.constant 9 : i32
      %get3A_1914 = arith.index_cast %get3A_1913 : i32 to index
      %get3A_1915 = arith.index_cast %add3A_1912 : i32 to index
      %get3A_1916 = tpu.vector_load %arg12[%get3A_1914, %get3A_1915] {strides = array<i32>} : memref<16x512xf32, #tpu.memory_space<vmem>>, vector<16xf32>,
      %mul3A_1917 = arith.mulf %get3A_1910, %get3A_1916 : vector<16xf32>
      %add3A_1918 = arith.addf %add3A_1904, %mul3A_1917 : vector<16xf32>
      %get3A_1919 = arith.constant 1 : i32
      %get3A_1920 = arith.constant 10 : i32
      %get3A_1921 = arith.index_cast %get3A_1919 : i32 to index
      %get3A_1922 = arith.index_cast %get3A_1920 : i32 to index
      %get3A_1923 = arith.index_cast %mul3A_1775 : i32 to index
      %get3A_1924 = tpu.vector_load %arg14[%get3A_1921, %get3A_1922, %get3A_1923] {strides = array<i32>} : memref<4x16x128xf32, #tpu.memory_space<vmem>>, vector<16xf32>,
      %add3A_1925 = arith.constant 128 : i32
      %add3A_1926 = arith.addi %add3A_1925, %mul3A_1775 : i32
      %get3A_1927 = arith.constant 10 : i32
      %get3A_1928 = arith.index_cast %get3A_1927 : i32 to index
      %get3A_1929 = arith.index_cast %add3A_1926 : i32 to index
      %get3A_1930 = tpu.vector_load %arg12[%get3A_1928, %get3A_1929] {strides = array<i32>} : memref<16x512xf32, #tpu.memory_space<vmem>>, vector<16xf32>,
      %mul3A_1931 = arith.mulf %get3A_1924, %get3A_1930 : vector<16xf32>
      %add3A_1932 = arith.addf %add3A_1918, %mul3A_1931 : vector<16xf32>
      %get3A_1933 = arith.constant 1 : i32
      %get3A_1934 = arith.constant 11 : i32
      %get3A_1935 = arith.index_cast %get3A_1933 : i32 to index
      %get3A_1936 = arith.index_cast %get3A_1934 : i32 to index
      %get3A_1937 = arith.index_cast %mul3A_1775 : i32 to index
      %get3A_1938 = tpu.vector_load %arg14[%get3A_1935, %get3A_1936, %get3A_1937] {strides = array<i32>} : memref<4x16x128xf32, #tpu.memory_space<vmem>>, vector<16xf32>,
      %add3A_1939 = arith.constant 128 : i32
      %add3A_1940 = arith.addi %add3A_1939, %mul3A_1775 : i32
      %get3A_1941 = arith.constant 11 : i32
      %get3A_1942 = arith.index_cast %get3A_1941 : i32 to index
      %get3A_1943 = arith.index_cast %add3A_1940 : i32 to index
      %get3A_1944 = tpu.vector_load %arg12[%get3A_1942, %get3A_1943] {strides = array<i32>} : memref<16x512xf32, #tpu.memory_space<vmem>>, vector<16xf32>,
      %mul3A_1945 = arith.mulf %get3A_1938, %get3A_1944 : vector<16xf32>
      %add3A_1946 = arith.addf %add3A_1932, %mul3A_1945 : vector<16xf32>
      %get3A_1947 = arith.constant 1 : i32
      %get3A_1948 = arith.constant 12 : i32
      %get3A_1949 = arith.index_cast %get3A_1947 : i32 to index
      %get3A_1950 = arith.index_cast %get3A_1948 : i32 to index
      %get3A_1951 = arith.index_cast %mul3A_1775 : i32 to index
      %get3A_1952 = tpu.vector_load %arg14[%get3A_1949, %get3A_1950, %get3A_1951] {strides = array<i32>} : memref<4x16x128xf32, #tpu.memory_space<vmem>>, vector<16xf32>,
      %add3A_1953 = arith.constant 128 : i32
      %add3A_1954 = arith.addi %add3A_1953, %mul3A_1775 : i32
      %get3A_1955 = arith.constant 12 : i32
      %get3A_1956 = arith.index_cast %get3A_1955 : i32 to index
      %get3A_1957 = arith.index_cast %add3A_1954 : i32 to index
      %get3A_1958 = tpu.vector_load %arg12[%get3A_1956, %get3A_1957] {strides = array<i32>} : memref<16x512xf32, #tpu.memory_space<vmem>>, vector<16xf32>,
      %mul3A_1959 = arith.mulf %get3A_1952, %get3A_1958 : vector<16xf32>
      %add3A_1960 = arith.addf %add3A_1946, %mul3A_1959 : vector<16xf32>
      %get3A_1961 = arith.constant 1 : i32
      %get3A_1962 = arith.constant 13 : i32
      %get3A_1963 = arith.index_cast %get3A_1961 : i32 to index
      %get3A_1964 = arith.index_cast %get3A_1962 : i32 to index
      %get3A_1965 = arith.index_cast %mul3A_1775 : i32 to index
      %get3A_1966 = tpu.vector_load %arg14[%get3A_1963, %get3A_1964, %get3A_1965] {strides = array<i32>} : memref<4x16x128xf32, #tpu.memory_space<vmem>>, vector<16xf32>,
      %add3A_1967 = arith.constant 128 : i32
      %add3A_1968 = arith.addi %add3A_1967, %mul3A_1775 : i32
      %get3A_1969 = arith.constant 13 : i32
      %get3A_1970 = arith.index_cast %get3A_1969 : i32 to index
      %get3A_1971 = arith.index_cast %add3A_1968 : i32 to index
      %get3A_1972 = tpu.vector_load %arg12[%get3A_1970, %get3A_1971] {strides = array<i32>} : memref<16x512xf32, #tpu.memory_space<vmem>>, vector<16xf32>,
      %mul3A_1973 = arith.mulf %get3A_1966, %get3A_1972 : vector<16xf32>
      %add3A_1974 = arith.addf %add3A_1960, %mul3A_1973 : vector<16xf32>
      %get3A_1975 = arith.constant 1 : i32
      %get3A_1976 = arith.constant 14 : i32
      %get3A_1977 = arith.index_cast %get3A_1975 : i32 to index
      %get3A_1978 = arith.index_cast %get3A_1976 : i32 to index
      %get3A_1979 = arith.index_cast %mul3A_1775 : i32 to index
      %get3A_1980 = tpu.vector_load %arg14[%get3A_1977, %get3A_1978, %get3A_1979] {strides = array<i32>} : memref<4x16x128xf32, #tpu.memory_space<vmem>>, vector<16xf32>,
      %add3A_1981 = arith.constant 128 : i32
      %add3A_1982 = arith.addi %add3A_1981, %mul3A_1775 : i32
      %get3A_1983 = arith.constant 14 : i32
      %get3A_1984 = arith.index_cast %get3A_1983 : i32 to index
      %get3A_1985 = arith.index_cast %add3A_1982 : i32 to index
      %get3A_1986 = tpu.vector_load %arg12[%get3A_1984, %get3A_1985] {strides = array<i32>} : memref<16x512xf32, #tpu.memory_space<vmem>>, vector<16xf32>,
      %mul3A_1987 = arith.mulf %get3A_1980, %get3A_1986 : vector<16xf32>
      %add3A_1988 = arith.addf %add3A_1974, %mul3A_1987 : vector<16xf32>
      %get3A_1989 = arith.constant 1 : i32
      %get3A_1990 = arith.constant 15 : i32
      %get3A_1991 = arith.index_cast %get3A_1989 : i32 to index
      %get3A_1992 = arith.index_cast %get3A_1990 : i32 to index
      %get3A_1993 = arith.index_cast %mul3A_1775 : i32 to index
      %get3A_1994 = tpu.vector_load %arg14[%get3A_1991, %get3A_1992, %get3A_1993] {strides = array<i32>} : memref<4x16x128xf32, #tpu.memory_space<vmem>>, vector<16xf32>,
      %add3A_1995 = arith.constant 128 : i32
      %add3A_1996 = arith.addi %add3A_1995, %mul3A_1775 : i32
      %get3A_1997 = arith.constant 15 : i32
      %get3A_1998 = arith.index_cast %get3A_1997 : i32 to index
      %get3A_1999 = arith.index_cast %add3A_1996 : i32 to index
      %get3A_2000 = tpu.vector_load %arg12[%get3A_1998, %get3A_1999] {strides = array<i32>} : memref<16x512xf32, #tpu.memory_space<vmem>>, vector<16xf32>,
      %mul3A_2001 = arith.mulf %get3A_1994, %get3A_2000 : vector<16xf32>
      %add3A_2002 = arith.addf %add3A_1988, %mul3A_2001 : vector<16xf32>
      %add3A_2003 = arith.constant 128 : i32
      %add3A_2004 = arith.addi %add3A_2003, %mul3A_1775 : i32
      %swap3A = arith.index_cast %add3A_2004 : i32 to index
      %swap3A_2005 = tpu.vector_load %arg16[%swap3A] {strides = array<i32>} : memref<512xf32, #tpu.memory_space<vmem>>, vector<16xf32>,
      tpu.vector_store %arg16[%swap3A], %add3A_2002 {strides = array<i32>} : memref<512xf32, #tpu.memory_space<vmem>>, vector<16xf32>,
      %scan3A_2006 = arith.constant 0 : i32
      scf.yield %scan3A_2006 : i32
    }
    %scan3A_1757 = arith.constant 8 : i32
    %scan3A_1758 = arith.constant 0 : i32
    %scan3A_1759 = arith.constant 0 : i32
    %scan3A_1760 = arith.constant 8 : i32
    %scan3A_1761 = arith.addi %scan3A_1759, %scan3A_1760 : i32
    %scan3A_1762 = arith.constant 1 : i32
    %scan3A_1763 = scf.for %scan3A_1772 = %scan3A_1759 to %scan3A_1761 step %scan3A_1762 iter_args(%scan3A_1773 = %scan3A_1758) -> (i32)  : i32 {
      %mul3A_1774 = arith.constant 16 : i32
      %mul3A_1775 = arith.muli %scan3A_1772, %mul3A_1774 : i32
      %get3A = arith.constant 2 : i32
      %get3A_1776 = arith.index_cast %get3A : i32 to index
      %get3A_1777 = arith.index_cast %mul3A_1775 : i32 to index
      %get3A_1778 = tpu.vector_load %arg15[%get3A_1776, %get3A_1777] {strides = array<i32>} : memref<4x128xf32, #tpu.memory_space<vmem>>, vector<16xf32>,
      %get3A_1779 = arith.constant 2 : i32
      %get3A_1780 = arith.constant 0 : i32
      %get3A_1781 = arith.index_cast %get3A_1779 : i32 to index
      %get3A_1782 = arith.index_cast %get3A_1780 : i32 to index
      %get3A_1783 = arith.index_cast %mul3A_1775 : i32 to index
      %get3A_1784 = tpu.vector_load %arg14[%get3A_1781, %get3A_1782, %get3A_1783] {strides = array<i32>} : memref<4x16x128xf32, #tpu.memory_space<vmem>>, vector<16xf32>,
      %add3A_1785 = arith.constant 256 : i32
      %add3A_1786 = arith.addi %add3A_1785, %mul3A_1775 : i32
      %get3A_1787 = arith.constant 0 : i32
      %get3A_1788 = arith.index_cast %get3A_1787 : i32 to index
      %get3A_1789 = arith.index_cast %add3A_1786 : i32 to index
      %get3A_1790 = tpu.vector_load %arg12[%get3A_1788, %get3A_1789] {strides = array<i32>} : memref<16x512xf32, #tpu.memory_space<vmem>>, vector<16xf32>,
      %mul3A_1791 = arith.mulf %get3A_1784, %get3A_1790 : vector<16xf32>
      %add3A_1792 = arith.addf %get3A_1778, %mul3A_1791 : vector<16xf32>
      %get3A_1793 = arith.constant 2 : i32
      %get3A_1794 = arith.constant 1 : i32
      %get3A_1795 = arith.index_cast %get3A_1793 : i32 to index
      %get3A_1796 = arith.index_cast %get3A_1794 : i32 to index
      %get3A_1797 = arith.index_cast %mul3A_1775 : i32 to index
      %get3A_1798 = tpu.vector_load %arg14[%get3A_1795, %get3A_1796, %get3A_1797] {strides = array<i32>} : memref<4x16x128xf32, #tpu.memory_space<vmem>>, vector<16xf32>,
      %add3A_1799 = arith.constant 256 : i32
      %add3A_1800 = arith.addi %add3A_1799, %mul3A_1775 : i32
      %get3A_1801 = arith.constant 1 : i32
      %get3A_1802 = arith.index_cast %get3A_1801 : i32 to index
      %get3A_1803 = arith.index_cast %add3A_1800 : i32 to index
      %get3A_1804 = tpu.vector_load %arg12[%get3A_1802, %get3A_1803] {strides = array<i32>} : memref<16x512xf32, #tpu.memory_space<vmem>>, vector<16xf32>,
      %mul3A_1805 = arith.mulf %get3A_1798, %get3A_1804 : vector<16xf32>
      %add3A_1806 = arith.addf %add3A_1792, %mul3A_1805 : vector<16xf32>
      %get3A_1807 = arith.constant 2 : i32
      %get3A_1808 = arith.constant 2 : i32
      %get3A_1809 = arith.index_cast %get3A_1807 : i32 to index
      %get3A_1810 = arith.index_cast %get3A_1808 : i32 to index
      %get3A_1811 = arith.index_cast %mul3A_1775 : i32 to index
      %get3A_1812 = tpu.vector_load %arg14[%get3A_1809, %get3A_1810, %get3A_1811] {strides = array<i32>} : memref<4x16x128xf32, #tpu.memory_space<vmem>>, vector<16xf32>,
      %add3A_1813 = arith.constant 256 : i32
      %add3A_1814 = arith.addi %add3A_1813, %mul3A_1775 : i32
      %get3A_1815 = arith.constant 2 : i32
      %get3A_1816 = arith.index_cast %get3A_1815 : i32 to index
      %get3A_1817 = arith.index_cast %add3A_1814 : i32 to index
      %get3A_1818 = tpu.vector_load %arg12[%get3A_1816, %get3A_1817] {strides = array<i32>} : memref<16x512xf32, #tpu.memory_space<vmem>>, vector<16xf32>,
      %mul3A_1819 = arith.mulf %get3A_1812, %get3A_1818 : vector<16xf32>
      %add3A_1820 = arith.addf %add3A_1806, %mul3A_1819 : vector<16xf32>
      %get3A_1821 = arith.constant 2 : i32
      %get3A_1822 = arith.constant 3 : i32
      %get3A_1823 = arith.index_cast %get3A_1821 : i32 to index
      %get3A_1824 = arith.index_cast %get3A_1822 : i32 to index
      %get3A_1825 = arith.index_cast %mul3A_1775 : i32 to index
      %get3A_1826 = tpu.vector_load %arg14[%get3A_1823, %get3A_1824, %get3A_1825] {strides = array<i32>} : memref<4x16x128xf32, #tpu.memory_space<vmem>>, vector<16xf32>,
      %add3A_1827 = arith.constant 256 : i32
      %add3A_1828 = arith.addi %add3A_1827, %mul3A_1775 : i32
      %get3A_1829 = arith.constant 3 : i32
      %get3A_1830 = arith.index_cast %get3A_1829 : i32 to index
      %get3A_1831 = arith.index_cast %add3A_1828 : i32 to index
      %get3A_1832 = tpu.vector_load %arg12[%get3A_1830, %get3A_1831] {strides = array<i32>} : memref<16x512xf32, #tpu.memory_space<vmem>>, vector<16xf32>,
      %mul3A_1833 = arith.mulf %get3A_1826, %get3A_1832 : vector<16xf32>
      %add3A_1834 = arith.addf %add3A_1820, %mul3A_1833 : vector<16xf32>
      %get3A_1835 = arith.constant 2 : i32
      %get3A_1836 = arith.constant 4 : i32
      %get3A_1837 = arith.index_cast %get3A_1835 : i32 to index
      %get3A_1838 = arith.index_cast %get3A_1836 : i32 to index
      %get3A_1839 = arith.index_cast %mul3A_1775 : i32 to index
      %get3A_1840 = tpu.vector_load %arg14[%get3A_1837, %get3A_1838, %get3A_1839] {strides = array<i32>} : memref<4x16x128xf32, #tpu.memory_space<vmem>>, vector<16xf32>,
      %add3A_1841 = arith.constant 256 : i32
      %add3A_1842 = arith.addi %add3A_1841, %mul3A_1775 : i32
      %get3A_1843 = arith.constant 4 : i32
      %get3A_1844 = arith.index_cast %get3A_1843 : i32 to index
      %get3A_1845 = arith.index_cast %add3A_1842 : i32 to index
      %get3A_1846 = tpu.vector_load %arg12[%get3A_1844, %get3A_1845] {strides = array<i32>} : memref<16x512xf32, #tpu.memory_space<vmem>>, vector<16xf32>,
      %mul3A_1847 = arith.mulf %get3A_1840, %get3A_1846 : vector<16xf32>
      %add3A_1848 = arith.addf %add3A_1834, %mul3A_1847 : vector<16xf32>
      %get3A_1849 = arith.constant 2 : i32
      %get3A_1850 = arith.constant 5 : i32
      %get3A_1851 = arith.index_cast %get3A_1849 : i32 to index
      %get3A_1852 = arith.index_cast %get3A_1850 : i32 to index
      %get3A_1853 = arith.index_cast %mul3A_1775 : i32 to index
      %get3A_1854 = tpu.vector_load %arg14[%get3A_1851, %get3A_1852, %get3A_1853] {strides = array<i32>} : memref<4x16x128xf32, #tpu.memory_space<vmem>>, vector<16xf32>,
      %add3A_1855 = arith.constant 256 : i32
      %add3A_1856 = arith.addi %add3A_1855, %mul3A_1775 : i32
      %get3A_1857 = arith.constant 5 : i32
      %get3A_1858 = arith.index_cast %get3A_1857 : i32 to index
      %get3A_1859 = arith.index_cast %add3A_1856 : i32 to index
      %get3A_1860 = tpu.vector_load %arg12[%get3A_1858, %get3A_1859] {strides = array<i32>} : memref<16x512xf32, #tpu.memory_space<vmem>>, vector<16xf32>,
      %mul3A_1861 = arith.mulf %get3A_1854, %get3A_1860 : vector<16xf32>
      %add3A_1862 = arith.addf %add3A_1848, %mul3A_1861 : vector<16xf32>
      %get3A_1863 = arith.constant 2 : i32
      %get3A_1864 = arith.constant 6 : i32
      %get3A_1865 = arith.index_cast %get3A_1863 : i32 to index
      %get3A_1866 = arith.index_cast %get3A_1864 : i32 to index
      %get3A_1867 = arith.index_cast %mul3A_1775 : i32 to index
      %get3A_1868 = tpu.vector_load %arg14[%get3A_1865, %get3A_1866, %get3A_1867] {strides = array<i32>} : memref<4x16x128xf32, #tpu.memory_space<vmem>>, vector<16xf32>,
      %add3A_1869 = arith.constant 256 : i32
      %add3A_1870 = arith.addi %add3A_1869, %mul3A_1775 : i32
      %get3A_1871 = arith.constant 6 : i32
      %get3A_1872 = arith.index_cast %get3A_1871 : i32 to index
      %get3A_1873 = arith.index_cast %add3A_1870 : i32 to index
      %get3A_1874 = tpu.vector_load %arg12[%get3A_1872, %get3A_1873] {strides = array<i32>} : memref<16x512xf32, #tpu.memory_space<vmem>>, vector<16xf32>,
      %mul3A_1875 = arith.mulf %get3A_1868, %get3A_1874 : vector<16xf32>
      %add3A_1876 = arith.addf %add3A_1862, %mul3A_1875 : vector<16xf32>
      %get3A_1877 = arith.constant 2 : i32
      %get3A_1878 = arith.constant 7 : i32
      %get3A_1879 = arith.index_cast %get3A_1877 : i32 to index
      %get3A_1880 = arith.index_cast %get3A_1878 : i32 to index
      %get3A_1881 = arith.index_cast %mul3A_1775 : i32 to index
      %get3A_1882 = tpu.vector_load %arg14[%get3A_1879, %get3A_1880, %get3A_1881] {strides = array<i32>} : memref<4x16x128xf32, #tpu.memory_space<vmem>>, vector<16xf32>,
      %add3A_1883 = arith.constant 256 : i32
      %add3A_1884 = arith.addi %add3A_1883, %mul3A_1775 : i32
      %get3A_1885 = arith.constant 7 : i32
      %get3A_1886 = arith.index_cast %get3A_1885 : i32 to index
      %get3A_1887 = arith.index_cast %add3A_1884 : i32 to index
      %get3A_1888 = tpu.vector_load %arg12[%get3A_1886, %get3A_1887] {strides = array<i32>} : memref<16x512xf32, #tpu.memory_space<vmem>>, vector<16xf32>,
      %mul3A_1889 = arith.mulf %get3A_1882, %get3A_1888 : vector<16xf32>
      %add3A_1890 = arith.addf %add3A_1876, %mul3A_1889 : vector<16xf32>
      %get3A_1891 = arith.constant 2 : i32
      %get3A_1892 = arith.constant 8 : i32
      %get3A_1893 = arith.index_cast %get3A_1891 : i32 to index
      %get3A_1894 = arith.index_cast %get3A_1892 : i32 to index
      %get3A_1895 = arith.index_cast %mul3A_1775 : i32 to index
      %get3A_1896 = tpu.vector_load %arg14[%get3A_1893, %get3A_1894, %get3A_1895] {strides = array<i32>} : memref<4x16x128xf32, #tpu.memory_space<vmem>>, vector<16xf32>,
      %add3A_1897 = arith.constant 256 : i32
      %add3A_1898 = arith.addi %add3A_1897, %mul3A_1775 : i32
      %get3A_1899 = arith.constant 8 : i32
      %get3A_1900 = arith.index_cast %get3A_1899 : i32 to index
      %get3A_1901 = arith.index_cast %add3A_1898 : i32 to index
      %get3A_1902 = tpu.vector_load %arg12[%get3A_1900, %get3A_1901] {strides = array<i32>} : memref<16x512xf32, #tpu.memory_space<vmem>>, vector<16xf32>,
      %mul3A_1903 = arith.mulf %get3A_1896, %get3A_1902 : vector<16xf32>
      %add3A_1904 = arith.addf %add3A_1890, %mul3A_1903 : vector<16xf32>
      %get3A_1905 = arith.constant 2 : i32
      %get3A_1906 = arith.constant 9 : i32
      %get3A_1907 = arith.index_cast %get3A_1905 : i32 to index
      %get3A_1908 = arith.index_cast %get3A_1906 : i32 to index
      %get3A_1909 = arith.index_cast %mul3A_1775 : i32 to index
      %get3A_1910 = tpu.vector_load %arg14[%get3A_1907, %get3A_1908, %get3A_1909] {strides = array<i32>} : memref<4x16x128xf32, #tpu.memory_space<vmem>>, vector<16xf32>,
      %add3A_1911 = arith.constant 256 : i32
      %add3A_1912 = arith.addi %add3A_1911, %mul3A_1775 : i32
      %get3A_1913 = arith.constant 9 : i32
      %get3A_1914 = arith.index_cast %get3A_1913 : i32 to index
      %get3A_1915 = arith.index_cast %add3A_1912 : i32 to index
      %get3A_1916 = tpu.vector_load %arg12[%get3A_1914, %get3A_1915] {strides = array<i32>} : memref<16x512xf32, #tpu.memory_space<vmem>>, vector<16xf32>,
      %mul3A_1917 = arith.mulf %get3A_1910, %get3A_1916 : vector<16xf32>
      %add3A_1918 = arith.addf %add3A_1904, %mul3A_1917 : vector<16xf32>
      %get3A_1919 = arith.constant 2 : i32
      %get3A_1920 = arith.constant 10 : i32
      %get3A_1921 = arith.index_cast %get3A_1919 : i32 to index
      %get3A_1922 = arith.index_cast %get3A_1920 : i32 to index
      %get3A_1923 = arith.index_cast %mul3A_1775 : i32 to index
      %get3A_1924 = tpu.vector_load %arg14[%get3A_1921, %get3A_1922, %get3A_1923] {strides = array<i32>} : memref<4x16x128xf32, #tpu.memory_space<vmem>>, vector<16xf32>,
      %add3A_1925 = arith.constant 256 : i32
      %add3A_1926 = arith.addi %add3A_1925, %mul3A_1775 : i32
      %get3A_1927 = arith.constant 10 : i32
      %get3A_1928 = arith.index_cast %get3A_1927 : i32 to index
      %get3A_1929 = arith.index_cast %add3A_1926 : i32 to index
      %get3A_1930 = tpu.vector_load %arg12[%get3A_1928, %get3A_1929] {strides = array<i32>} : memref<16x512xf32, #tpu.memory_space<vmem>>, vector<16xf32>,
      %mul3A_1931 = arith.mulf %get3A_1924, %get3A_1930 : vector<16xf32>
      %add3A_1932 = arith.addf %add3A_1918, %mul3A_1931 : vector<16xf32>
      %get3A_1933 = arith.constant 2 : i32
      %get3A_1934 = arith.constant 11 : i32
      %get3A_1935 = arith.index_cast %get3A_1933 : i32 to index
      %get3A_1936 = arith.index_cast %get3A_1934 : i32 to index
      %get3A_1937 = arith.index_cast %mul3A_1775 : i32 to index
      %get3A_1938 = tpu.vector_load %arg14[%get3A_1935, %get3A_1936, %get3A_1937] {strides = array<i32>} : memref<4x16x128xf32, #tpu.memory_space<vmem>>, vector<16xf32>,
      %add3A_1939 = arith.constant 256 : i32
      %add3A_1940 = arith.addi %add3A_1939, %mul3A_1775 : i32
      %get3A_1941 = arith.constant 11 : i32
      %get3A_1942 = arith.index_cast %get3A_1941 : i32 to index
      %get3A_1943 = arith.index_cast %add3A_1940 : i32 to index
      %get3A_1944 = tpu.vector_load %arg12[%get3A_1942, %get3A_1943] {strides = array<i32>} : memref<16x512xf32, #tpu.memory_space<vmem>>, vector<16xf32>,
      %mul3A_1945 = arith.mulf %get3A_1938, %get3A_1944 : vector<16xf32>
      %add3A_1946 = arith.addf %add3A_1932, %mul3A_1945 : vector<16xf32>
      %get3A_1947 = arith.constant 2 : i32
      %get3A_1948 = arith.constant 12 : i32
      %get3A_1949 = arith.index_cast %get3A_1947 : i32 to index
      %get3A_1950 = arith.index_cast %get3A_1948 : i32 to index
      %get3A_1951 = arith.index_cast %mul3A_1775 : i32 to index
      %get3A_1952 = tpu.vector_load %arg14[%get3A_1949, %get3A_1950, %get3A_1951] {strides = array<i32>} : memref<4x16x128xf32, #tpu.memory_space<vmem>>, vector<16xf32>,
      %add3A_1953 = arith.constant 256 : i32
      %add3A_1954 = arith.addi %add3A_1953, %mul3A_1775 : i32
      %get3A_1955 = arith.constant 12 : i32
      %get3A_1956 = arith.index_cast %get3A_1955 : i32 to index
      %get3A_1957 = arith.index_cast %add3A_1954 : i32 to index
      %get3A_1958 = tpu.vector_load %arg12[%get3A_1956, %get3A_1957] {strides = array<i32>} : memref<16x512xf32, #tpu.memory_space<vmem>>, vector<16xf32>,
      %mul3A_1959 = arith.mulf %get3A_1952, %get3A_1958 : vector<16xf32>
      %add3A_1960 = arith.addf %add3A_1946, %mul3A_1959 : vector<16xf32>
      %get3A_1961 = arith.constant 2 : i32
      %get3A_1962 = arith.constant 13 : i32
      %get3A_1963 = arith.index_cast %get3A_1961 : i32 to index
      %get3A_1964 = arith.index_cast %get3A_1962 : i32 to index
      %get3A_1965 = arith.index_cast %mul3A_1775 : i32 to index
      %get3A_1966 = tpu.vector_load %arg14[%get3A_1963, %get3A_1964, %get3A_1965] {strides = array<i32>} : memref<4x16x128xf32, #tpu.memory_space<vmem>>, vector<16xf32>,
      %add3A_1967 = arith.constant 256 : i32
      %add3A_1968 = arith.addi %add3A_1967, %mul3A_1775 : i32
      %get3A_1969 = arith.constant 13 : i32
      %get3A_1970 = arith.index_cast %get3A_1969 : i32 to index
      %get3A_1971 = arith.index_cast %add3A_1968 : i32 to index
      %get3A_1972 = tpu.vector_load %arg12[%get3A_1970, %get3A_1971] {strides = array<i32>} : memref<16x512xf32, #tpu.memory_space<vmem>>, vector<16xf32>,
      %mul3A_1973 = arith.mulf %get3A_1966, %get3A_1972 : vector<16xf32>
      %add3A_1974 = arith.addf %add3A_1960, %mul3A_1973 : vector<16xf32>
      %get3A_1975 = arith.constant 2 : i32
      %get3A_1976 = arith.constant 14 : i32
      %get3A_1977 = arith.index_cast %get3A_1975 : i32 to index
      %get3A_1978 = arith.index_cast %get3A_1976 : i32 to index
      %get3A_1979 = arith.index_cast %mul3A_1775 : i32 to index
      %get3A_1980 = tpu.vector_load %arg14[%get3A_1977, %get3A_1978, %get3A_1979] {strides = array<i32>} : memref<4x16x128xf32, #tpu.memory_space<vmem>>, vector<16xf32>,
      %add3A_1981 = arith.constant 256 : i32
      %add3A_1982 = arith.addi %add3A_1981, %mul3A_1775 : i32
      %get3A_1983 = arith.constant 14 : i32
      %get3A_1984 = arith.index_cast %get3A_1983 : i32 to index
      %get3A_1985 = arith.index_cast %add3A_1982 : i32 to index
      %get3A_1986 = tpu.vector_load %arg12[%get3A_1984, %get3A_1985] {strides = array<i32>} : memref<16x512xf32, #tpu.memory_space<vmem>>, vector<16xf32>,
      %mul3A_1987 = arith.mulf %get3A_1980, %get3A_1986 : vector<16xf32>
      %add3A_1988 = arith.addf %add3A_1974, %mul3A_1987 : vector<16xf32>
      %get3A_1989 = arith.constant 2 : i32
      %get3A_1990 = arith.constant 15 : i32
      %get3A_1991 = arith.index_cast %get3A_1989 : i32 to index
      %get3A_1992 = arith.index_cast %get3A_1990 : i32 to index
      %get3A_1993 = arith.index_cast %mul3A_1775 : i32 to index
      %get3A_1994 = tpu.vector_load %arg14[%get3A_1991, %get3A_1992, %get3A_1993] {strides = array<i32>} : memref<4x16x128xf32, #tpu.memory_space<vmem>>, vector<16xf32>,
      %add3A_1995 = arith.constant 256 : i32
      %add3A_1996 = arith.addi %add3A_1995, %mul3A_1775 : i32
      %get3A_1997 = arith.constant 15 : i32
      %get3A_1998 = arith.index_cast %get3A_1997 : i32 to index
      %get3A_1999 = arith.index_cast %add3A_1996 : i32 to index
      %get3A_2000 = tpu.vector_load %arg12[%get3A_1998, %get3A_1999] {strides = array<i32>} : memref<16x512xf32, #tpu.memory_space<vmem>>, vector<16xf32>,
      %mul3A_2001 = arith.mulf %get3A_1994, %get3A_2000 : vector<16xf32>
      %add3A_2002 = arith.addf %add3A_1988, %mul3A_2001 : vector<16xf32>
      %add3A_2003 = arith.constant 256 : i32
      %add3A_2004 = arith.addi %add3A_2003, %mul3A_1775 : i32
      %swap3A = arith.index_cast %add3A_2004 : i32 to index
      %swap3A_2005 = tpu.vector_load %arg16[%swap3A] {strides = array<i32>} : memref<512xf32, #tpu.memory_space<vmem>>, vector<16xf32>,
      tpu.vector_store %arg16[%swap3A], %add3A_2002 {strides = array<i32>} : memref<512xf32, #tpu.memory_space<vmem>>, vector<16xf32>,
      %scan3A_2006 = arith.constant 0 : i32
      scf.yield %scan3A_2006 : i32
    }
    %scan3A_1764 = arith.constant 8 : i32
    %scan3A_1765 = arith.constant 0 : i32
    %scan3A_1766 = arith.constant 0 : i32
    %scan3A_1767 = arith.constant 8 : i32
    %scan3A_1768 = arith.addi %scan3A_1766, %scan3A_1767 : i32
    %scan3A_1769 = arith.constant 1 : i32
    %scan3A_1770 = scf.for %scan3A_1772 = %scan3A_1766 to %scan3A_1768 step %scan3A_1769 iter_args(%scan3A_1773 = %scan3A_1765) -> (i32)  : i32 {
      %mul3A_1774 = arith.constant 16 : i32
      %mul3A_1775 = arith.muli %scan3A_1772, %mul3A_1774 : i32
      %get3A = arith.constant 3 : i32
      %get3A_1776 = arith.index_cast %get3A : i32 to index
      %get3A_1777 = arith.index_cast %mul3A_1775 : i32 to index
      %get3A_1778 = tpu.vector_load %arg15[%get3A_1776, %get3A_1777] {strides = array<i32>} : memref<4x128xf32, #tpu.memory_space<vmem>>, vector<16xf32>,
      %get3A_1779 = arith.constant 3 : i32
      %get3A_1780 = arith.constant 0 : i32
      %get3A_1781 = arith.index_cast %get3A_1779 : i32 to index
      %get3A_1782 = arith.index_cast %get3A_1780 : i32 to index
      %get3A_1783 = arith.index_cast %mul3A_1775 : i32 to index
      %get3A_1784 = tpu.vector_load %arg14[%get3A_1781, %get3A_1782, %get3A_1783] {strides = array<i32>} : memref<4x16x128xf32, #tpu.memory_space<vmem>>, vector<16xf32>,
      %add3A_1785 = arith.constant 384 : i32
      %add3A_1786 = arith.addi %add3A_1785, %mul3A_1775 : i32
      %get3A_1787 = arith.constant 0 : i32
      %get3A_1788 = arith.index_cast %get3A_1787 : i32 to index
      %get3A_1789 = arith.index_cast %add3A_1786 : i32 to index
      %get3A_1790 = tpu.vector_load %arg12[%get3A_1788, %get3A_1789] {strides = array<i32>} : memref<16x512xf32, #tpu.memory_space<vmem>>, vector<16xf32>,
      %mul3A_1791 = arith.mulf %get3A_1784, %get3A_1790 : vector<16xf32>
      %add3A_1792 = arith.addf %get3A_1778, %mul3A_1791 : vector<16xf32>
      %get3A_1793 = arith.constant 3 : i32
      %get3A_1794 = arith.constant 1 : i32
      %get3A_1795 = arith.index_cast %get3A_1793 : i32 to index
      %get3A_1796 = arith.index_cast %get3A_1794 : i32 to index
      %get3A_1797 = arith.index_cast %mul3A_1775 : i32 to index
      %get3A_1798 = tpu.vector_load %arg14[%get3A_1795, %get3A_1796, %get3A_1797] {strides = array<i32>} : memref<4x16x128xf32, #tpu.memory_space<vmem>>, vector<16xf32>,
      %add3A_1799 = arith.constant 384 : i32
      %add3A_1800 = arith.addi %add3A_1799, %mul3A_1775 : i32
      %get3A_1801 = arith.constant 1 : i32
      %get3A_1802 = arith.index_cast %get3A_1801 : i32 to index
      %get3A_1803 = arith.index_cast %add3A_1800 : i32 to index
      %get3A_1804 = tpu.vector_load %arg12[%get3A_1802, %get3A_1803] {strides = array<i32>} : memref<16x512xf32, #tpu.memory_space<vmem>>, vector<16xf32>,
      %mul3A_1805 = arith.mulf %get3A_1798, %get3A_1804 : vector<16xf32>
      %add3A_1806 = arith.addf %add3A_1792, %mul3A_1805 : vector<16xf32>
      %get3A_1807 = arith.constant 3 : i32
      %get3A_1808 = arith.constant 2 : i32
      %get3A_1809 = arith.index_cast %get3A_1807 : i32 to index
      %get3A_1810 = arith.index_cast %get3A_1808 : i32 to index
      %get3A_1811 = arith.index_cast %mul3A_1775 : i32 to index
      %get3A_1812 = tpu.vector_load %arg14[%get3A_1809, %get3A_1810, %get3A_1811] {strides = array<i32>} : memref<4x16x128xf32, #tpu.memory_space<vmem>>, vector<16xf32>,
      %add3A_1813 = arith.constant 384 : i32
      %add3A_1814 = arith.addi %add3A_1813, %mul3A_1775 : i32
      %get3A_1815 = arith.constant 2 : i32
      %get3A_1816 = arith.index_cast %get3A_1815 : i32 to index
      %get3A_1817 = arith.index_cast %add3A_1814 : i32 to index
      %get3A_1818 = tpu.vector_load %arg12[%get3A_1816, %get3A_1817] {strides = array<i32>} : memref<16x512xf32, #tpu.memory_space<vmem>>, vector<16xf32>,
      %mul3A_1819 = arith.mulf %get3A_1812, %get3A_1818 : vector<16xf32>
      %add3A_1820 = arith.addf %add3A_1806, %mul3A_1819 : vector<16xf32>
      %get3A_1821 = arith.constant 3 : i32
      %get3A_1822 = arith.constant 3 : i32
      %get3A_1823 = arith.index_cast %get3A_1821 : i32 to index
      %get3A_1824 = arith.index_cast %get3A_1822 : i32 to index
      %get3A_1825 = arith.index_cast %mul3A_1775 : i32 to index
      %get3A_1826 = tpu.vector_load %arg14[%get3A_1823, %get3A_1824, %get3A_1825] {strides = array<i32>} : memref<4x16x128xf32, #tpu.memory_space<vmem>>, vector<16xf32>,
      %add3A_1827 = arith.constant 384 : i32
      %add3A_1828 = arith.addi %add3A_1827, %mul3A_1775 : i32
      %get3A_1829 = arith.constant 3 : i32
      %get3A_1830 = arith.index_cast %get3A_1829 : i32 to index
      %get3A_1831 = arith.index_cast %add3A_1828 : i32 to index
      %get3A_1832 = tpu.vector_load %arg12[%get3A_1830, %get3A_1831] {strides = array<i32>} : memref<16x512xf32, #tpu.memory_space<vmem>>, vector<16xf32>,
      %mul3A_1833 = arith.mulf %get3A_1826, %get3A_1832 : vector<16xf32>
      %add3A_1834 = arith.addf %add3A_1820, %mul3A_1833 : vector<16xf32>
      %get3A_1835 = arith.constant 3 : i32
      %get3A_1836 = arith.constant 4 : i32
      %get3A_1837 = arith.index_cast %get3A_1835 : i32 to index
      %get3A_1838 = arith.index_cast %get3A_1836 : i32 to index
      %get3A_1839 = arith.index_cast %mul3A_1775 : i32 to index
      %get3A_1840 = tpu.vector_load %arg14[%get3A_1837, %get3A_1838, %get3A_1839] {strides = array<i32>} : memref<4x16x128xf32, #tpu.memory_space<vmem>>, vector<16xf32>,
      %add3A_1841 = arith.constant 384 : i32
      %add3A_1842 = arith.addi %add3A_1841, %mul3A_1775 : i32
      %get3A_1843 = arith.constant 4 : i32
      %get3A_1844 = arith.index_cast %get3A_1843 : i32 to index
      %get3A_1845 = arith.index_cast %add3A_1842 : i32 to index
      %get3A_1846 = tpu.vector_load %arg12[%get3A_1844, %get3A_1845] {strides = array<i32>} : memref<16x512xf32, #tpu.memory_space<vmem>>, vector<16xf32>,
      %mul3A_1847 = arith.mulf %get3A_1840, %get3A_1846 : vector<16xf32>
      %add3A_1848 = arith.addf %add3A_1834, %mul3A_1847 : vector<16xf32>
      %get3A_1849 = arith.constant 3 : i32
      %get3A_1850 = arith.constant 5 : i32
      %get3A_1851 = arith.index_cast %get3A_1849 : i32 to index
      %get3A_1852 = arith.index_cast %get3A_1850 : i32 to index
      %get3A_1853 = arith.index_cast %mul3A_1775 : i32 to index
      %get3A_1854 = tpu.vector_load %arg14[%get3A_1851, %get3A_1852, %get3A_1853] {strides = array<i32>} : memref<4x16x128xf32, #tpu.memory_space<vmem>>, vector<16xf32>,
      %add3A_1855 = arith.constant 384 : i32
      %add3A_1856 = arith.addi %add3A_1855, %mul3A_1775 : i32
      %get3A_1857 = arith.constant 5 : i32
      %get3A_1858 = arith.index_cast %get3A_1857 : i32 to index
      %get3A_1859 = arith.index_cast %add3A_1856 : i32 to index
      %get3A_1860 = tpu.vector_load %arg12[%get3A_1858, %get3A_1859] {strides = array<i32>} : memref<16x512xf32, #tpu.memory_space<vmem>>, vector<16xf32>,
      %mul3A_1861 = arith.mulf %get3A_1854, %get3A_1860 : vector<16xf32>
      %add3A_1862 = arith.addf %add3A_1848, %mul3A_1861 : vector<16xf32>
      %get3A_1863 = arith.constant 3 : i32
      %get3A_1864 = arith.constant 6 : i32
      %get3A_1865 = arith.index_cast %get3A_1863 : i32 to index
      %get3A_1866 = arith.index_cast %get3A_1864 : i32 to index
      %get3A_1867 = arith.index_cast %mul3A_1775 : i32 to index
      %get3A_1868 = tpu.vector_load %arg14[%get3A_1865, %get3A_1866, %get3A_1867] {strides = array<i32>} : memref<4x16x128xf32, #tpu.memory_space<vmem>>, vector<16xf32>,
      %add3A_1869 = arith.constant 384 : i32
      %add3A_1870 = arith.addi %add3A_1869, %mul3A_1775 : i32
      %get3A_1871 = arith.constant 6 : i32
      %get3A_1872 = arith.index_cast %get3A_1871 : i32 to index
      %get3A_1873 = arith.index_cast %add3A_1870 : i32 to index
      %get3A_1874 = tpu.vector_load %arg12[%get3A_1872, %get3A_1873] {strides = array<i32>} : memref<16x512xf32, #tpu.memory_space<vmem>>, vector<16xf32>,
      %mul3A_1875 = arith.mulf %get3A_1868, %get3A_1874 : vector<16xf32>
      %add3A_1876 = arith.addf %add3A_1862, %mul3A_1875 : vector<16xf32>
      %get3A_1877 = arith.constant 3 : i32
      %get3A_1878 = arith.constant 7 : i32
      %get3A_1879 = arith.index_cast %get3A_1877 : i32 to index
      %get3A_1880 = arith.index_cast %get3A_1878 : i32 to index
      %get3A_1881 = arith.index_cast %mul3A_1775 : i32 to index
      %get3A_1882 = tpu.vector_load %arg14[%get3A_1879, %get3A_1880, %get3A_1881] {strides = array<i32>} : memref<4x16x128xf32, #tpu.memory_space<vmem>>, vector<16xf32>,
      %add3A_1883 = arith.constant 384 : i32
      %add3A_1884 = arith.addi %add3A_1883, %mul3A_1775 : i32
      %get3A_1885 = arith.constant 7 : i32
      %get3A_1886 = arith.index_cast %get3A_1885 : i32 to index
      %get3A_1887 = arith.index_cast %add3A_1884 : i32 to index
      %get3A_1888 = tpu.vector_load %arg12[%get3A_1886, %get3A_1887] {strides = array<i32>} : memref<16x512xf32, #tpu.memory_space<vmem>>, vector<16xf32>,
      %mul3A_1889 = arith.mulf %get3A_1882, %get3A_1888 : vector<16xf32>
      %add3A_1890 = arith.addf %add3A_1876, %mul3A_1889 : vector<16xf32>
      %get3A_1891 = arith.constant 3 : i32
      %get3A_1892 = arith.constant 8 : i32
      %get3A_1893 = arith.index_cast %get3A_1891 : i32 to index
      %get3A_1894 = arith.index_cast %get3A_1892 : i32 to index
      %get3A_1895 = arith.index_cast %mul3A_1775 : i32 to index
      %get3A_1896 = tpu.vector_load %arg14[%get3A_1893, %get3A_1894, %get3A_1895] {strides = array<i32>} : memref<4x16x128xf32, #tpu.memory_space<vmem>>, vector<16xf32>,
      %add3A_1897 = arith.constant 384 : i32
      %add3A_1898 = arith.addi %add3A_1897, %mul3A_1775 : i32
      %get3A_1899 = arith.constant 8 : i32
      %get3A_1900 = arith.index_cast %get3A_1899 : i32 to index
      %get3A_1901 = arith.index_cast %add3A_1898 : i32 to index
      %get3A_1902 = tpu.vector_load %arg12[%get3A_1900, %get3A_1901] {strides = array<i32>} : memref<16x512xf32, #tpu.memory_space<vmem>>, vector<16xf32>,
      %mul3A_1903 = arith.mulf %get3A_1896, %get3A_1902 : vector<16xf32>
      %add3A_1904 = arith.addf %add3A_1890, %mul3A_1903 : vector<16xf32>
      %get3A_1905 = arith.constant 3 : i32
      %get3A_1906 = arith.constant 9 : i32
      %get3A_1907 = arith.index_cast %get3A_1905 : i32 to index
      %get3A_1908 = arith.index_cast %get3A_1906 : i32 to index
      %get3A_1909 = arith.index_cast %mul3A_1775 : i32 to index
      %get3A_1910 = tpu.vector_load %arg14[%get3A_1907, %get3A_1908, %get3A_1909] {strides = array<i32>} : memref<4x16x128xf32, #tpu.memory_space<vmem>>, vector<16xf32>,
      %add3A_1911 = arith.constant 384 : i32
      %add3A_1912 = arith.addi %add3A_1911, %mul3A_1775 : i32
      %get3A_1913 = arith.constant 9 : i32
      %get3A_1914 = arith.index_cast %get3A_1913 : i32 to index
      %get3A_1915 = arith.index_cast %add3A_1912 : i32 to index
      %get3A_1916 = tpu.vector_load %arg12[%get3A_1914, %get3A_1915] {strides = array<i32>} : memref<16x512xf32, #tpu.memory_space<vmem>>, vector<16xf32>,
      %mul3A_1917 = arith.mulf %get3A_1910, %get3A_1916 : vector<16xf32>
      %add3A_1918 = arith.addf %add3A_1904, %mul3A_1917 : vector<16xf32>
      %get3A_1919 = arith.constant 3 : i32
      %get3A_1920 = arith.constant 10 : i32
      %get3A_1921 = arith.index_cast %get3A_1919 : i32 to index
      %get3A_1922 = arith.index_cast %get3A_1920 : i32 to index
      %get3A_1923 = arith.index_cast %mul3A_1775 : i32 to index
      %get3A_1924 = tpu.vector_load %arg14[%get3A_1921, %get3A_1922, %get3A_1923] {strides = array<i32>} : memref<4x16x128xf32, #tpu.memory_space<vmem>>, vector<16xf32>,
      %add3A_1925 = arith.constant 384 : i32
      %add3A_1926 = arith.addi %add3A_1925, %mul3A_1775 : i32
      %get3A_1927 = arith.constant 10 : i32
      %get3A_1928 = arith.index_cast %get3A_1927 : i32 to index
      %get3A_1929 = arith.index_cast %add3A_1926 : i32 to index
      %get3A_1930 = tpu.vector_load %arg12[%get3A_1928, %get3A_1929] {strides = array<i32>} : memref<16x512xf32, #tpu.memory_space<vmem>>, vector<16xf32>,
      %mul3A_1931 = arith.mulf %get3A_1924, %get3A_1930 : vector<16xf32>
      %add3A_1932 = arith.addf %add3A_1918, %mul3A_1931 : vector<16xf32>
      %get3A_1933 = arith.constant 3 : i32
      %get3A_1934 = arith.constant 11 : i32
      %get3A_1935 = arith.index_cast %get3A_1933 : i32 to index
      %get3A_1936 = arith.index_cast %get3A_1934 : i32 to index
      %get3A_1937 = arith.index_cast %mul3A_1775 : i32 to index
      %get3A_1938 = tpu.vector_load %arg14[%get3A_1935, %get3A_1936, %get3A_1937] {strides = array<i32>} : memref<4x16x128xf32, #tpu.memory_space<vmem>>, vector<16xf32>,
      %add3A_1939 = arith.constant 384 : i32
      %add3A_1940 = arith.addi %add3A_1939, %mul3A_1775 : i32
      %get3A_1941 = arith.constant 11 : i32
      %get3A_1942 = arith.index_cast %get3A_1941 : i32 to index
      %get3A_1943 = arith.index_cast %add3A_1940 : i32 to index
      %get3A_1944 = tpu.vector_load %arg12[%get3A_1942, %get3A_1943] {strides = array<i32>} : memref<16x512xf32, #tpu.memory_space<vmem>>, vector<16xf32>,
      %mul3A_1945 = arith.mulf %get3A_1938, %get3A_1944 : vector<16xf32>
      %add3A_1946 = arith.addf %add3A_1932, %mul3A_1945 : vector<16xf32>
      %get3A_1947 = arith.constant 3 : i32
      %get3A_1948 = arith.constant 12 : i32
      %get3A_1949 = arith.index_cast %get3A_1947 : i32 to index
      %get3A_1950 = arith.index_cast %get3A_1948 : i32 to index
      %get3A_1951 = arith.index_cast %mul3A_1775 : i32 to index
      %get3A_1952 = tpu.vector_load %arg14[%get3A_1949, %get3A_1950, %get3A_1951] {strides = array<i32>} : memref<4x16x128xf32, #tpu.memory_space<vmem>>, vector<16xf32>,
      %add3A_1953 = arith.constant 384 : i32
      %add3A_1954 = arith.addi %add3A_1953, %mul3A_1775 : i32
      %get3A_1955 = arith.constant 12 : i32
      %get3A_1956 = arith.index_cast %get3A_1955 : i32 to index
      %get3A_1957 = arith.index_cast %add3A_1954 : i32 to index
      %get3A_1958 = tpu.vector_load %arg12[%get3A_1956, %get3A_1957] {strides = array<i32>} : memref<16x512xf32, #tpu.memory_space<vmem>>, vector<16xf32>,
      %mul3A_1959 = arith.mulf %get3A_1952, %get3A_1958 : vector<16xf32>
      %add3A_1960 = arith.addf %add3A_1946, %mul3A_1959 : vector<16xf32>
      %get3A_1961 = arith.constant 3 : i32
      %get3A_1962 = arith.constant 13 : i32
      %get3A_1963 = arith.index_cast %get3A_1961 : i32 to index
      %get3A_1964 = arith.index_cast %get3A_1962 : i32 to index
      %get3A_1965 = arith.index_cast %mul3A_1775 : i32 to index
      %get3A_1966 = tpu.vector_load %arg14[%get3A_1963, %get3A_1964, %get3A_1965] {strides = array<i32>} : memref<4x16x128xf32, #tpu.memory_space<vmem>>, vector<16xf32>,
      %add3A_1967 = arith.constant 384 : i32
      %add3A_1968 = arith.addi %add3A_1967, %mul3A_1775 : i32
      %get3A_1969 = arith.constant 13 : i32
      %get3A_1970 = arith.index_cast %get3A_1969 : i32 to index
      %get3A_1971 = arith.index_cast %add3A_1968 : i32 to index
      %get3A_1972 = tpu.vector_load %arg12[%get3A_1970, %get3A_1971] {strides = array<i32>} : memref<16x512xf32, #tpu.memory_space<vmem>>, vector<16xf32>,
      %mul3A_1973 = arith.mulf %get3A_1966, %get3A_1972 : vector<16xf32>
      %add3A_1974 = arith.addf %add3A_1960, %mul3A_1973 : vector<16xf32>
      %get3A_1975 = arith.constant 3 : i32
      %get3A_1976 = arith.constant 14 : i32
      %get3A_1977 = arith.index_cast %get3A_1975 : i32 to index
      %get3A_1978 = arith.index_cast %get3A_1976 : i32 to index
      %get3A_1979 = arith.index_cast %mul3A_1775 : i32 to index
      %get3A_1980 = tpu.vector_load %arg14[%get3A_1977, %get3A_1978, %get3A_1979] {strides = array<i32>} : memref<4x16x128xf32, #tpu.memory_space<vmem>>, vector<16xf32>,
      %add3A_1981 = arith.constant 384 : i32
      %add3A_1982 = arith.addi %add3A_1981, %mul3A_1775 : i32
      %get3A_1983 = arith.constant 14 : i32
      %get3A_1984 = arith.index_cast %get3A_1983 : i32 to index
      %get3A_1985 = arith.index_cast %add3A_1982 : i32 to index
      %get3A_1986 = tpu.vector_load %arg12[%get3A_1984, %get3A_1985] {strides = array<i32>} : memref<16x512xf32, #tpu.memory_space<vmem>>, vector<16xf32>,
      %mul3A_1987 = arith.mulf %get3A_1980, %get3A_1986 : vector<16xf32>
      %add3A_1988 = arith.addf %add3A_1974, %mul3A_1987 : vector<16xf32>
      %get3A_1989 = arith.constant 3 : i32
      %get3A_1990 = arith.constant 15 : i32
      %get3A_1991 = arith.index_cast %get3A_1989 : i32 to index
      %get3A_1992 = arith.index_cast %get3A_1990 : i32 to index
      %get3A_1993 = arith.index_cast %mul3A_1775 : i32 to index
      %get3A_1994 = tpu.vector_load %arg14[%get3A_1991, %get3A_1992, %get3A_1993] {strides = array<i32>} : memref<4x16x128xf32, #tpu.memory_space<vmem>>, vector<16xf32>,
      %add3A_1995 = arith.constant 384 : i32
      %add3A_1996 = arith.addi %add3A_1995, %mul3A_1775 : i32
      %get3A_1997 = arith.constant 15 : i32
      %get3A_1998 = arith.index_cast %get3A_1997 : i32 to index
      %get3A_1999 = arith.index_cast %add3A_1996 : i32 to index
      %get3A_2000 = tpu.vector_load %arg12[%get3A_1998, %get3A_1999] {strides = array<i32>} : memref<16x512xf32, #tpu.memory_space<vmem>>, vector<16xf32>,
      %mul3A_2001 = arith.mulf %get3A_1994, %get3A_2000 : vector<16xf32>
      %add3A_2002 = arith.addf %add3A_1988, %mul3A_2001 : vector<16xf32>
      %add3A_2003 = arith.constant 384 : i32
      %add3A_2004 = arith.addi %add3A_2003, %mul3A_1775 : i32
      %swap3A = arith.index_cast %add3A_2004 : i32 to index
      %swap3A_2005 = tpu.vector_load %arg16[%swap3A] {strides = array<i32>} : memref<512xf32, #tpu.memory_space<vmem>>, vector<16xf32>,
      tpu.vector_store %arg16[%swap3A], %add3A_2002 {strides = array<i32>} : memref<512xf32, #tpu.memory_space<vmem>>, vector<16xf32>,
      %scan3A_2006 = arith.constant 0 : i32
      scf.yield %scan3A_2006 : i32
    }
    %scan3A_1771 = arith.constant 8 : i32
    "tpu.region"() ({
      %run_scoped3A = tpu.sem_alloc : memref<!tpu.dma_semaphore, #tpu.memory_space<semaphore_mem>>
      %dma_start3A_1772 = tpu.memref_slice %arg8[%mul3A_2] : memref<16384xf32, #tpu.memory_space<hbm>> -> memref<512xf32, #tpu.memory_space<hbm>>
      %dma_start3A_1773 = tpu.memref_slice %arg8[%mul3A_2] : memref<16384xf32, #tpu.memory_space<hbm>> -> memref<512xf32, #tpu.memory_space<hbm>>
      tpu.enqueue_dma source(%arg16 : memref<512xf32, #tpu.memory_space<vmem>>) target(%dma_start3A_1773 : memref<512xf32, #tpu.memory_space<hbm>>) target_semaphore(%run_scoped3A : memref<!tpu.dma_semaphore, #tpu.memory_space<semaphore_mem>>)
      %dma_wait3A_1774 = tpu.memref_slice %arg8[%mul3A_2] : memref<16384xf32, #tpu.memory_space<hbm>> -> memref<512xf32, #tpu.memory_space<hbm>>
      %dma_wait3A_1775 = tpu.memref_slice %arg8[%mul3A_2] : memref<16384xf32, #tpu.memory_space<hbm>> -> memref<512xf32, #tpu.memory_space<hbm>>
      tpu.wait_dma2 semaphore(%run_scoped3A : memref<!tpu.dma_semaphore, #tpu.memory_space<semaphore_mem>>) src(%arg16 : memref<512xf32, #tpu.memory_space<vmem>>) dst(%dma_wait3A_1775 : memref<512xf32, #tpu.memory_space<hbm>>)
      tpu.yield
    }) : () -> ()
    return
  }
}

</mosaic_0001>

<sc_bundles>
// kernel: kernel.3.cloned.1.call-start
scs
__scs_entry_jumppad:
0x0: {  	(pc) =	sbr.rel $0x88, $3  }
0x1: {  	(tag) =	ssettag $0x0;
	lr =	simm.s32 $0x1  }
0x2: {  	[smem:$0x3F9B] =	sst lr;
	_ =	strace $0xD0000000  }
0x3: {  	_ = 	snop  }
0x4: {  	_ = 	snop  }
0x5: {  	_ = 	snop  }
0x6: {  	_ = 	snop  }
0x7: {  	_ = 	snop  }
__scs_overlays_trampoline_lowered:
0x8: {  	[smem:$0x3FAA] =	sst s0  }
0x9: {  	[smem:$0x3FAB] =	sst s1  }
0xa: {  	[smem:$0x3FAC] =	sst s2  }
0xb: {  	[smem:$0x3FAD] =	sst s3  }
0xc: {  	[smem:$0x3FAE] =	sst s4  }
0xd: {  	[smem:$0x3FAF] =	sst s5  }
0xe: {  	[smem:$0x3FB0] =	sst s6  }
0xf: {  	[smem:$0x3FB1] =	sst s7  }
0x10: {  	[smem:$0x3FB2] =	sst s8  }
0x11: {  	[smem:$0x3FB3] =	sst s9;
	s0 =	simm.s32 @!p0 $0x0  }
0x12: {  	s1 =	sld [smem:$0x3F99];
	s0 =	simm.s32 @p0 $0x1  }
0x13: {  	[smem:$0x3FB4] =	sst s0;
	s0 =	simm.s32 @!p1 $0x0  }
0x14: {  	s2 =	sld [smem:$0x3F98];
	s0 =	simm.s32 @p1 $0x1  }
0x15: {  	[smem:$0x3FB5] =	sst s0;
	s0 =	simm.s32 @!p2 $0x0  }
0x16: {  	s3 =	sld [smem:$0x3FDB];
	s0 =	simm.s32 @p2 $0x1  }
0x17: {  	s4 =	simm.s32 $0x1BF5;
	[smem:$0x3FB7] =	sst s0  }
0x18: {  	s0 =	sld [smem:$0x3F9A];
	_ =	swait.ge [sflag:s4], $0x0  }
0x19: {  	s7 =	sld [smem:$0x3F9B]  }
0x1a: {  	s8 =	sadd.s32 $0xFFFFE003, lr  }
0x1b: {  	s9 =	sadd.s32 $0xFFFFFEF7, lr;
	s5 =	simm.s32 $0xFFFFFFFF;
	p2 =	slt.u32 s8, $0xFFFFF086  }
0x1c: {  	p1 =	slt.u32 s9, $0xF7A;
	s5 =	simm.s32 @!p2 $0x0  }
0x1d: {  	s5 =	simm.s32 @p1 $0x1;
	p0 =	seq.s32 s7, s2  }
0x1e: {  	s7 =	smul.u32 @!p0 $0xF7A, s2;
	p2 =	seq.s32 @!p0 s5, $0x0  }
0x1f: {  	s9 =	smul.u32 $0xF7A, s1;
	s8 =	simm.s32 @!p0 $0x1BF5;
	p2 =	por !p2, p0  }
0x20: {  	[sflag:s8] =	ssyncset.s32 @!p0 $0xFFFFF086;
	s6 =	sadd.s32 @!p0 s3, s7;
	s7 =	simm.s32 @!p0 $0x108  }
0x21: {  	s3 =	sadd.s32 s3, s9;
	s6 =	sadd.s32 @!p0 $0x88, s6;
	s7 =	simm.s32 @p2 $0x1082  }
0x22: {  	[simem:s7], [sflag:s8] =	dma.local @!p0 [hbm:s6], $0xF7A  }
0x23: {  	s9 =	sor.u32 $0xD0000000, s2;
	s6 =	simm.s32 $0x108;
	_ =	swait.ge @!p0 [sflag:s8], $0x0  }
0x24: {  	s3 =	sadd.s32 $0x88, s3;
	s6 =	simm.s32 @!p1 $0x1082;
	[sflag:s4] =	ssyncset.s32 $0xFFFFF086  }
0x25: {  	[simem:s6], [sflag:s4] =	dma.local [hbm:s3], $0xF7A  }
0x26: {  	[smem:$0x3F9B] =	sst s1;
	(tag) =	ssettag s2;
	_ =	strace s9  }
0x27: {  	s1 =	sld [smem:$0x3FAB]  }
0x28: {  	s2 =	sld [smem:$0x3FAC]  }
0x29: {  	s4 =	sld [smem:$0x3FAE]  }
0x2a: {  	p0 =	seq.s32 s5, $0x0;
	s5 =	sld [smem:$0x3FAF]  }
0x2b: {  	s6 =	sld [smem:$0x3FB0]  }
0x2c: {  	s7 =	sld [smem:$0x3FB1]  }
0x2d: {  	s3 =	simm.s32 $0x108;
	s8 =	sld [smem:$0x3FB2]  }
0x2e: {  	s3 =	simm.s32 @!p0 $0x1082;
	s9 =	sld [smem:$0x3FB3]  }
0x2f: {  	lr =	sadd.s32 s0, s3;
	s0 =	sld [smem:$0x3FAA]  }
0x30: {  	s3 =	sld [smem:$0x3FAD]  }
0x31: {  	[smem:$0x3FB6] =	sst s10  }
0x32: {  	s10 =	sld [smem:$0x3FB4];
	_ =	sdelay $0x3  }
0x33: {  	p0 =	seq.s32 s10, $0x1;
	s10 =	sld [smem:$0x3FB6];
	_ =	sdelay $0x3  }
0x34: {  	[smem:$0x3FB6] =	sst s10  }
0x35: {  	s10 =	sld [smem:$0x3FB5];
	_ =	sdelay $0x3  }
0x36: {  	p1 =	seq.s32 s10, $0x1;
	s10 =	sld [smem:$0x3FB6];
	_ =	sdelay $0x3  }
0x37: {  	[smem:$0x3FB6] =	sst s10  }
0x38: {  	s10 =	sld [smem:$0x3FB7]  }
0x39: {  	_ = 	snop;
	(pc) =	sbr.ind lr, $3  }
0x3a: {  	_ = 	snop  }
0x3b: {  	_ = 	snop  }
0x3c: {  	p2 =	seq.s32 s10, $0x1;
	s10 =	sld [smem:$0x3FB6]  }
0x3d: {  	_ =	shalt  }
0x3e: {  	_ =	shalt  }
0x3f: {  	_ =	shalt  }
0x40: {  	_ =	shalt  }
0x41: {  	_ =	shalt  }
0x42: {  	_ =	shalt  }
0x43: {  	_ =	shalt  }
0x44: {  	_ =	shalt  }
0x45: {  	_ =	shalt  }
0x46: {  	_ =	shalt  }
0x47: {  	_ =	shalt  }
0x48: {  	_ =	shalt  }
0x49: {  	_ =	shalt  }
0x4a: {  	_ =	shalt  }
0x4b: {  	_ =	shalt  }
0x4c: {  	_ =	shalt  }
0x4d: {  	_ =	shalt  }
0x4e: {  	_ =	shalt  }
0x4f: {  	_ =	shalt  }
0x50: {  	_ =	shalt  }
0x51: {  	_ =	shalt  }
0x52: {  	_ =	shalt  }
0x53: {  	_ =	shalt  }
0x54: {  	_ =	shalt  }
0x55: {  	_ =	shalt  }
0x56: {  	_ =	shalt  }
0x57: {  	_ =	shalt  }
0x58: {  	_ =	shalt  }
0x59: {  	_ =	shalt  }
0x5a: {  	_ =	shalt  }
0x5b: {  	_ =	shalt  }
0x5c: {  	_ =	shalt  }
0x5d: {  	_ =	shalt  }
0x5e: {  	_ =	shalt  }
0x5f: {  	_ =	shalt  }
0x60: {  	_ =	shalt  }
0x61: {  	_ =	shalt  }
0x62: {  	_ =	shalt  }
0x63: {  	_ =	shalt  }
0x64: {  	_ =	shalt  }
0x65: {  	_ =	shalt  }
0x66: {  	_ =	shalt  }
0x67: {  	_ =	shalt  }
0x68: {  	_ =	shalt  }
0x69: {  	_ =	shalt  }
0x6a: {  	_ =	shalt  }
0x6b: {  	_ =	shalt  }
0x6c: {  	_ =	shalt  }
0x6d: {  	_ =	shalt  }
0x6e: {  	_ =	shalt  }
0x6f: {  	_ =	shalt  }
0x70: {  	_ =	shalt  }
0x71: {  	_ =	shalt  }
0x72: {  	_ =	shalt  }
0x73: {  	_ =	shalt  }
0x74: {  	_ =	shalt  }
0x75: {  	_ =	shalt  }
0x76: {  	_ =	shalt  }
0x77: {  	_ =	shalt  }
0x78: {  	_ =	shalt  }
0x79: {  	_ =	shalt  }
0x7a: {  	_ =	shalt  }
0x7b: {  	_ =	shalt  }
0x7c: {  	_ =	shalt  }
0x7d: {  	_ =	shalt  }
0x7e: {  	_ =	shalt  }
0x7f: {  	_ =	shalt  }
0x80: {  	_ =	shalt  }
0x81: {  	_ =	shalt  }
0x82: {  	_ =	shalt  }
0x83: {  	_ =	shalt  }
0x84: {  	_ =	shalt  }
0x85: {  	_ =	shalt  }
0x86: {  	_ =	shalt  }
0x87: {  	_ =	shalt  }
.Lfunc_end0:
.L_simem_size_0:
called_computation_lowered:
.L_overlay_start_0:
0x88: {  	s2 =	sld [smem:$0x3FD9]  }
0x89: {  	s3 =	sld [smem:$0x3FFE];
	_ =	sdelay $0x1  }
0x8a: {  	s1 =	srdreg.scid  }
0x8b: {  	s0 =	sand.u32 $0x1, s1  }
0x8c: {  	s17 =	sshll.u32 s0, $0xA;
	s2 =	sadd.s32 s3, s2  }
0x8d: {  	s2 =	sadd.s32 s2, s17  }
0x8e: {  	[smem:$0x3FC2] =	sst s2  }
0x8f: {  	_ = 	snop  }
0x90: {  	s2 =	sld [smem:$0x3FC9]  }
0x91: {  	s18 =	sld [smem:$0x3FC8]  }
0x92: {  	s4 =	sld [smem:$0x3FC4]  }
0x93: {  	s5 =	sld [smem:$0x3FD0];
	(tm) =	ssettm $0x1  }
0x94: {  	s6 =	sld [smem:$0x3FFB];
	_ =	sdelay $0x3  }
0x95: {  	_ =	strace s6  }
0x96: {  	s6 =	sld [smem:$0x3FFC];
	_ =	sdelay $0x3  }
0x97: {  	_ =	strace s6  }
0x98: {  	s6 =	sld [smem:$0x3FFD];
	_ =	sdelay $0x3  }
0x99: {  	_ =	strace s6  }
0x9a: {  	_ =	strace $0x8FFFFFFF  }
0x9b: {  	s19 =	sld [smem:$0x3FDB];
	_ =	sdelay $0x1  }
0x9c: {  	s7 =	simm.s32 $_scs_section_size  }
0x9d: {  	s8 =	simm.s32 $_size__tile_overlayer_lowered;
	s9 =	simm.s32 $_tile_overlayer_lowered  }
0x9e: {  	s22 =	simm.s32 $0x1BFF;
	s21 =	sshll.u32 s9, $0x1;
	s6 =	sadd.s32 s7, s19  }
0x9f: {  	s10 =	simm.s32 $0x0;
	s20 =	sshll.u32 s8, $0x1;
	s8 =	sadd.s32 s21, s6  }
0xa0: {  	[timem:s10], [sflag:s22] =	dma.local [hbm:s8], s20  }
0xa1: {  	_ =	swait.ge [sflag:s22], s20  }
0xa2: {  	s7 =	ssub.s32 $0x0, s20;
	[sflag:s22] =	ssyncset.done $0x0  }
0xa3: {  	[sflag:s22] =	ssyncadd.s32 s7;
	_ =	sdelay $0x1  }
0xa4: {  	s23 =	simm.s32 $0x1B8B  }
0xa5: {  	_ =	swait.ge [sflag:s23], $0x1  }
0xa6: {  	[sflag:s23] =	ssyncset.done $0x0  }
0xa7: {  	s25 =	simm.s32 $0x1B8E;
	s24 =	sld [smem:$0x3FFE];
	[sflag:s23] =	ssyncadd.s32 $0xFFFFFFFF  }
0xa8: {  	s26 =	simm.s32 $execute0_lowered;
	[smem:$0x3FD2] =	sst s25  }
0xa9: {  	s8 =	sshll.u32 s26, $0x1;
	_ =	strace $0x80000046;
	[dreg:$0x1] =	wrdreg $0xFFFFFFFF  }
0xaa: {  	s28 =	simm.s32 $_size_execute0_lowered;
	s6 =	sadd.s32 s6, s8;
	[dreg:$0x0] =	wrdreg $0x0  }
0xab: {  	s8 =	sshll.u32 s28, $0x1;
	[dreg:$0x2] =	wrdreg s6  }
0xac: {  	[dreg:$0x3] =	wrdreg s8  }
0xad: {  	[dreg:$0x4] =	wrdreg $0xC0  }
0xae: {  	_ =	task [dreg:s10], $0x5FFFF  }
0xaf: {  	[dreg:$0x1] =	wrdreg $0xFFFFFFFF  }
0xb0: {  	[dreg:$0x0] =	wrdreg $0x60  }
0xb1: {  	[dreg:$0x2] =	wrdreg s2  }
0xb2: {  	[dreg:$0x3] =	wrdreg s18  }
0xb3: {  	[dreg:$0x4] =	wrdreg s24  }
0xb4: {  	[dreg:$0x5] =	wrdreg s4  }
0xb5: {  	[dreg:$0x6] =	wrdreg s5  }
0xb6: {  	[dreg:$0x7] =	wrdreg $0x9  }
0xb7: {  	_ =	task.clear_ibuf [dreg:s10], $0x8FFFF;
	_ =	strace $0x90000046  }
0xb8: {  	s29 =	simm.s32 $0x9;
	_ =	strace $0x80000048  }
0xb9: {  	_ =	swait.ge [sflag:s29], $0x1  }
0xba: {  	[sflag:s29] =	ssyncadd.s32 $0xFFFFFFFF  }
0xbb: {  	_ =	strace $0x90000048  }
0xbc: {  	_ =	sfence  }
0xbd: {  	s30 =	sld [smem:$0x0];
	_ =	sdelay $0x2  }
0xbe: {  	s31 =	sshll.u32 s1, $0xD;
	s1 =	sshrl.u32 s1, $0x2  }
0xbf: {  	s3 =	sand.u32 $0x4000, s31;
	s1 =	sadd.s32 s1, s30  }
0xc0: {  	s0 =	sor.u32 s3, s0;
	s1 =	sshll.u32 s1, $0x11  }
0xc1: {  	s0 =	sor.u32 s1, s0  }
0xc2: {  	s0 =	sadd.s32 $0x8F2B, s0  }
0xc3: {  	[sflag:s0] =	ssyncadd.remote.s32 $0x1  }
0xc4: {  	_ =	sfence.sel $0xFFFF  }
0xc5: {  	[dreg:$0x0] =	wrdreg $0xFFFFFFFF;
	(pc) =	sbr.abs _section_cstart, $3  }
0xc6: {  	[dreg:$0x1] =	wrdreg $0xFFFFFFFF  }
0xc7: {  	_ =	task.clear_ibuf [dreg:s10], $0x2FFFF;
	_ =	strace $0x9FFFFFFF  }
0xc8: {  	(tm) =	ssettm $0x7FFFFFFF  }
0xc9: {  	_ =	shalt  }
tec
execute0_lowered:
.L_overlay_start_1:
0x0: {  	(tag) =	ssettag $0x1  }
0x1: {  	s0 =	rddreg [dreg:$0x0]  }
0x2: {  	s1 =	rddreg [dreg:$0x1]  }
0x3: {  	s4 =	rddreg [dreg:$0x2]  }
0x4: {  	s2 =	rddreg [dreg:$0x3]  }
0x5: {  	s12 =	rddreg [dreg:$0x4]  }
0x6: {  	s3 =	srdreg.scid;
	s6 =	stileid.u32  }
0x7: {  	s14 =	simm.s32 $0x80;
	s15 =	simm.s32 $0x100;
	s16 =	simm.s32 $0x180  }
0x8: {  	s17 =	simm.s32 $0x200;
	s18 =	simm.s32 $0x4000;
	s21 =	simm.s32 $0x2  }
0x9: {  	s19 =	simm.s32 $0x4780;
	s20 =	simm.s32 $0x6780;
	s22 =	simm.s32 $0x6980  }
0xa: {  	s23 =	simm.s32 $0x3;
	s24 =	simm.s32 $0x1;
	s25 =	simm.s32 $0x6A00  }
0xb: {  	s26 =	simm.s32 $0x4;
	s28 =	simm.s32 $0x0;
	s5 =	sand.u32 $0x1, s3  }
0xc: {  	s3 =	simm.s32 $0x0;
	s6 =	sshll.u32 s6, $0x7;
	s7 =	sshll.u32 s5, $0x6  }
0xd: {  	[smem:$0x7FF] =	sst s3;
	s29 =	ssub.s32 $0x2, s5;
	s13 =	sor.u32 s7, s6  }
0xe: {  	_ =	strace $0x80000047;
	s30 =	sshrl.u32 s29, $0x1;
	s11 =	sadd.s32 s13, s4  }
0xf: {  	s4 =	sadd.s32 $0x30E800, s4;
	s5 =	sadd.s32 s0, s13;
	s31 =	ssub.s32 s29, s30  }
0x10: {  	s9 =	sadd.s32 s1, s13;
	s12 =	sadd.s32 s12, s13;
	s1 =	simm.s32 $0x6700  }
0x11: {  	s6 =	sadd.s32 $0x10, s5;
	s7 =	sadd.s32 $0x20, s5;
	s8 =	sadd.s32 $0x30, s5  }
0x12: {  	s10 =	sadd.s32 $0x8800, s11;
	s11 =	sadd.s32 $0x800, s11;
	s13 =	smax.u32 s31, $0x1  }
.LBB2_1:
0x13: {  	[tilespmem:s3], [sflag:$0x2] =	stream.linear.gather [hbm4b:s5+s3], $0x80, $0x38;
	[tilespmem:$0x6C00] =	vst v63  }
0x14: {  	_ = 	snop  }
0x15: {  	[tilespmem:s14], [sflag:$0x2] =	stream.linear.gather [hbm4b:s6+s3], $0x80, $0x38;
	[tilespmem:$0x6C00] =	vst v63  }
0x16: {  	_ = 	snop  }
0x17: {  	[tilespmem:s15], [sflag:$0x2] =	stream.linear.gather [hbm4b:s7+s3], $0x80, $0x38;
	[tilespmem:$0x6C00] =	vst v63  }
0x18: {  	_ = 	snop  }
0x19: {  	[tilespmem:s16], [sflag:$0x2] =	stream.linear.gather [hbm4b:s8+s3], $0x80, $0x38;
	[tilespmem:$0x6C00] =	vst v63  }
0x1a: {  	_ = 	snop  }
0x1b: {  	[tilespmem:s17], [sflag:$0x2] =	stream.linear.gather [hbm4b:s9+s3], $0x200, $0x38;
	[tilespmem:$0x6C00] =	vst v63  }
0x1c: {  	s0 =	simm.s32 $0x400  }
0x1d: {  	[tilespmem:s0], [sflag:$0x2] =	stream.strided.gather [hbm4b:s10+s17], $0x400, s18, s17, $0x38;
	[tilespmem:$0x6C00] =	vst v63  }
0x1e: {  	s31 =	simm.s32 $0x800  }
0x1f: {  	[tilespmem:s31], [sflag:$0x3] =	stream.strided.gather [hbm4b:s11+s17], $0x2000, s18, s17, $0x38;
	[tilespmem:$0x6C00] =	vst v63  }
0x20: {  	_ =	swait.ge [sflag:s21], $0x80  }
0x21: {  	[sflag:s21] =	ssyncset.done $0x0  }
0x22: {  	[sflag:s21] =	ssyncadd.s32 $0xFFFFFF80  }
0x23: {  	_ =	swait.ge [sflag:s21], $0x80  }
0x24: {  	[sflag:s21] =	ssyncset.done $0x0  }
0x25: {  	[sflag:s21] =	ssyncadd.s32 $0xFFFFFF80  }
0x26: {  	_ =	swait.ge [sflag:s21], $0x80  }
0x27: {  	[sflag:s21] =	ssyncset.done $0x0  }
0x28: {  	[sflag:s21] =	ssyncadd.s32 $0xFFFFFF80  }
0x29: {  	_ =	swait.ge [sflag:s21], $0x80  }
0x2a: {  	[sflag:s21] =	ssyncset.done $0x0  }
0x2b: {  	[sflag:s21] =	ssyncadd.s32 $0xFFFFFF80  }
0x2c: {  	_ =	swait.ge [sflag:s21], $0x200  }
0x2d: {  	[sflag:s21] =	ssyncset.done $0x0  }
0x2e: {  	[sflag:s21] =	ssyncadd.s32 $0xFFFFFE00  }
0x2f: {  	_ =	swait.ge [sflag:s21], $0x400  }
0x30: {  	[sflag:s21] =	ssyncset.done $0x0  }
0x31: {  	s29 =	simm.s32 $0x0;
	[sflag:s21] =	ssyncadd.s32 $0xFFFFFC00  }
0x32: {  	v0 =	vld [tilespmem:s29+$0x400]  }
0x33: {  	v1 =	vld [tilespmem:s29+$0x200]  }
0x34: {  	v2 =	vld [tilespmem:s29+$0x600];
	_ =	sdelay $0x2  }
0x35: {  	vm0 =	vlt.s32 v0, $0x1  }
0x36: {  	v0 =	vnsel vm0, $0x1, v0  }
0x37: {  	v3 =	vld [tilespmem:s29+$0x0];
	vm15 =	vlt.s32 v2, $0x3;
	v1 =	vshll.u32 v1, $0x3;
	v0 =	vshll.u32 v0, $0x2  }
0x38: {  	v2 =	vnsel vm15, $0x3, v2;
	v0 =	vadd.s32 v1, v0  }
0x39: {  	v0 =	vadd.s32 v2, v0  }
0x3a: {  	v0 =	vmul.u32 $0x186A00, v0;
	_ =	sdelay $0x1  }
0x3b: {  	v4 =	vadd.s32 v3, v0  }
0x3c: {  	[tilespmem:s29+$0x2800] =	vst v4;
	v2 =	vadd.s32 $0x186A0, v4;
	v1 =	vadd.s32 $0x493E0, v4;
	v6 =	vadd.s32 $0x16E360, v4  }
0x3d: {  	s0 =	simm.s32 $0x40;
	v0 =	vadd.s32 $0x30D40, v4;
	v3 =	vadd.s32 $0x61A80, v4;
	v5 =	vadd.s32 $0x155CC0, v4;
	[tilespmem:s29+$0x2F80] =	vst v6  }
.LBB2_2:
0x3e: {  	s30 =	sshra.s32 s0, $0x2;
	p0 =	sne.s32 s0, $0x1C0;
	s0 =	sadd.s32 $0x40, s0;
	v6 =	vadd.s32 $0x13D620, v4;
	[tilespmem:s29+$0x2F00] =	vst v5  }
0x3f: {  	v7 =	vadd.s32 $0x124F80, v4;
	v5 =	vld [tilespmem:s30+$0x400];
	[tilespmem:s29+$0x2E80] =	vst v6  }
0x40: {  	v8 =	vadd.s32 $0x10C8E0, v4;
	v6 =	vld [tilespmem:s30+$0x200];
	[tilespmem:s29+$0x2E00] =	vst v7  }
0x41: {  	v9 =	vadd.s32 $0xF4240, v4;
	v7 =	vld [tilespmem:s30+$0x600];
	[tilespmem:s29+$0x2D80] =	vst v8  }
0x42: {  	v8 =	vadd.s32 $0xDBBA0, v4;
	[tilespmem:s29+$0x2D00] =	vst v9  }
0x43: {  	v9 =	vadd.s32 $0xC3500, v4;
	[tilespmem:s29+$0x2C80] =	vst v8  }
0x44: {  	v8 =	vadd.s32 $0xAAE60, v4;
	vm0 =	vlt.s32 v5, $0x1;
	[tilespmem:s29+$0x2C00] =	vst v9  }
0x45: {  	v9 =	vadd.s32 $0x7A120, v4;
	v4 =	vadd.s32 $0x927C0, v4;
	v5 =	vnsel vm0, $0x1, v5;
	[tilespmem:s29+$0x2B80] =	vst v8  }
0x46: {  	v6 =	vshll.u32 v6, $0x3;
	v8 =	vld [tilespmem:s30+$0x0];
	vm0 =	vlt.s32 v7, $0x3;
	v5 =	vshll.u32 v5, $0x2;
	[tilespmem:s29+$0x2B00] =	vst v4  }
0x47: {  	v4 =	vnsel vm0, $0x3, v7;
	v5 =	vadd.s32 v6, v5;
	[tilespmem:s29+$0x2A80] =	vst v9  }
0x48: {  	v4 =	vadd.s32 v4, v5;
	[tilespmem:s29+$0x2880] =	vst v2  }
.Ltmp0:
0x49: {  	v2 =	vmul.u32 $0x186A00, v4;
	[tilespmem:s29+$0x2980] =	vst v1;
	(pc) =	sbr.rel @p0 .LBB2_2-.Ltmp0, $4  }
0x4a: {  	[tilespmem:s29+$0x2A00] =	vst v3  }
0x4b: {  	v4 =	vadd.s32 v8, v2;
	[tilespmem:s29+$0x2900] =	vst v0;
	s29 =	smov.u32 s30  }
0x4c: {  	[tilespmem:s29+$0x2800] =	vst v4;
	v2 =	vadd.s32 $0x186A0, v4;
	v1 =	vadd.s32 $0x493E0, v4;
	v6 =	vadd.s32 $0x16E360, v4  }
0x4d: {  	v0 =	vadd.s32 $0x30D40, v4;
	v3 =	vadd.s32 $0x61A80, v4;
	v5 =	vadd.s32 $0x155CC0, v4;
	[tilespmem:s29+$0x2F80] =	vst v6  }
0x4e: {  	[tilespmem:s29+$0x2F00] =	vst v5  }
0x4f: {  	[tilespmem:s29+$0x2880] =	vst v2  }
0x50: {  	[tilespmem:s29+$0x2980] =	vst v1  }
0x51: {  	[tilespmem:s29+$0x2A00] =	vst v3  }
0x52: {  	v6 =	vadd.s32 $0x13D620, v4;
	[tilespmem:s29+$0x2900] =	vst v0  }
0x53: {  	v5 =	vadd.s32 $0x124F80, v4;
	[tilespmem:s29+$0x2E80] =	vst v6  }
0x54: {  	v6 =	vadd.s32 $0x10C8E0, v4;
	[tilespmem:s29+$0x2E00] =	vst v5  }
0x55: {  	v5 =	vadd.s32 $0xF4240, v4;
	[tilespmem:s29+$0x2D80] =	vst v6  }
0x56: {  	v6 =	vadd.s32 $0xDBBA0, v4;
	[tilespmem:s29+$0x2D00] =	vst v5  }
0x57: {  	v5 =	vadd.s32 $0xC3500, v4;
	[tilespmem:s29+$0x2C80] =	vst v6  }
0x58: {  	v6 =	vadd.s32 $0xAAE60, v4;
	[tilespmem:s29+$0x2C00] =	vst v5  }
0x59: {  	v5 =	vadd.s32 $0x927C0, v4;
	[tilespmem:s29+$0x2B80] =	vst v6  }
0x5a: {  	v4 =	vadd.s32 $0x7A120, v4;
	[tilespmem:s29+$0x2B00] =	vst v5  }
0x5b: {  	s0 =	simm.s32 $0x2800;
	[tilespmem:s29+$0x2A80] =	vst v4;
	s29 =	simm.s32 $0x4800  }
0x5c: {  	[tilespmem:s29], [sflag:$0x1] =	stream.indirect.gather [hbm4b:s4+s14], $0x1, s0, s14, $0xb8;
	[tilespmem:$0x6C00] =	vst v63  }
0x5d: {  	s30 =	simm.s32 $0x2880;
	s29 =	simm.s32 $0x4880  }
0x5e: {  	[tilespmem:s29], [sflag:$0x1] =	stream.indirect.gather [hbm4b:s4+s14], $0x1, s30, s14, $0xb8;
	[tilespmem:$0x6C00] =	vst v63  }
0x5f: {  	s31 =	simm.s32 $0x2900;
	s29 =	simm.s32 $0x4900  }
0x60: {  	[tilespmem:s29], [sflag:$0x1] =	stream.indirect.gather [hbm4b:s4+s14], $0x1, s31, s14, $0xb8;
	[tilespmem:$0x6C00] =	vst v63  }
0x61: {  	s30 =	simm.s32 $0x2980;
	s29 =	simm.s32 $0x4980  }
0x62: {  	[tilespmem:s29], [sflag:$0x1] =	stream.indirect.gather [hbm4b:s4+s14], $0x1, s30, s14, $0xb8;
	[tilespmem:$0x6C00] =	vst v63  }
0x63: {  	s31 =	simm.s32 $0x2A00;
	s29 =	simm.s32 $0x4A00  }
0x64: {  	[tilespmem:s29], [sflag:$0x1] =	stream.indirect.gather [hbm4b:s4+s14], $0x1, s31, s14, $0xb8;
	[tilespmem:$0x6C00] =	vst v63  }
0x65: {  	s30 =	simm.s32 $0x2A80;
	s29 =	simm.s32 $0x4A80  }
0x66: {  	[tilespmem:s29], [sflag:$0x1] =	stream.indirect.gather [hbm4b:s4+s14], $0x1, s30, s14, $0xb8;
	[tilespmem:$0x6C00] =	vst v63  }
0x67: {  	s31 =	simm.s32 $0x2B00;
	s29 =	simm.s32 $0x4B00  }
0x68: {  	[tilespmem:s29], [sflag:$0x1] =	stream.indirect.gather [hbm4b:s4+s14], $0x1, s31, s14, $0xb8;
	[tilespmem:$0x6C00] =	vst v63  }
0x69: {  	s30 =	simm.s32 $0x2B80;
	s29 =	simm.s32 $0x4B80  }
0x6a: {  	[tilespmem:s29], [sflag:$0x1] =	stream.indirect.gather [hbm4b:s4+s14], $0x1, s30, s14, $0xb8;
	[tilespmem:$0x6C00] =	vst v63  }
0x6b: {  	s31 =	simm.s32 $0x2C00;
	s29 =	simm.s32 $0x4C00  }
0x6c: {  	[tilespmem:s29], [sflag:$0x1] =	stream.indirect.gather [hbm4b:s4+s14], $0x1, s31, s14, $0xb8;
	[tilespmem:$0x6C00] =	vst v63  }
0x6d: {  	s30 =	simm.s32 $0x2C80;
	s29 =	simm.s32 $0x4C80  }
0x6e: {  	[tilespmem:s29], [sflag:$0x1] =	stream.indirect.gather [hbm4b:s4+s14], $0x1, s30, s14, $0xb8;
	[tilespmem:$0x6C00] =	vst v63  }
0x6f: {  	s31 =	simm.s32 $0x2D00;
	s29 =	simm.s32 $0x4D00  }
0x70: {  	[tilespmem:s29], [sflag:$0x1] =	stream.indirect.gather [hbm4b:s4+s14], $0x1, s31, s14, $0xb8;
	[tilespmem:$0x6C00] =	vst v63  }
0x71: {  	s30 =	simm.s32 $0x2D80;
	s29 =	simm.s32 $0x4D80  }
0x72: {  	[tilespmem:s29], [sflag:$0x1] =	stream.indirect.gather [hbm4b:s4+s14], $0x1, s30, s14, $0xb8;
	[tilespmem:$0x6C00] =	vst v63  }
0x73: {  	s31 =	simm.s32 $0x2E00;
	s29 =	simm.s32 $0x4E00  }
0x74: {  	[tilespmem:s29], [sflag:$0x1] =	stream.indirect.gather [hbm4b:s4+s14], $0x1, s31, s14, $0xb8;
	[tilespmem:$0x6C00] =	vst v63  }
0x75: {  	s30 =	simm.s32 $0x2E80;
	s29 =	simm.s32 $0x4E80  }
0x76: {  	[tilespmem:s29], [sflag:$0x1] =	stream.indirect.gather [hbm4b:s4+s14], $0x1, s30, s14, $0xb8;
	[tilespmem:$0x6C00] =	vst v63  }
0x77: {  	s31 =	simm.s32 $0x2F00;
	s29 =	simm.s32 $0x4F00  }
0x78: {  	[tilespmem:s29], [sflag:$0x1] =	stream.indirect.gather [hbm4b:s4+s14], $0x1, s31, s14, $0xb8;
	[tilespmem:$0x6C00] =	vst v63  }
0x79: {  	s30 =	simm.s32 $0x2F80;
	s29 =	simm.s32 $0x4F80  }
0x7a: {  	[tilespmem:s29], [sflag:$0x1] =	stream.indirect.gather [hbm4b:s4+s14], $0x1, s30, s14, $0xb8;
	[tilespmem:$0x6C00] =	vst v63  }
0x7b: {  	s31 =	simm.s32 $0x0;
	s29 =	simm.s32 $0x6800  }
0x7c: {  	[tilespmem:s29], [sflag:$0x2] =	stream.indirect.gather [hbm4b:s2+s14], $0x1, s31, s14, $0xb8;
	[tilespmem:$0x6C00] =	vst v63  }
0x7d: {  	s29 =	simm.s32 $0x0  }
0x7e: {  	v0 =	vld [tilespmem:s29+$0x480]  }
0x7f: {  	v1 =	vld [tilespmem:s29+$0x280]  }
0x80: {  	v2 =	vld [tilespmem:s29+$0x680];
	_ =	sdelay $0x2  }
0x81: {  	vm0 =	vlt.s32 v0, $0x1  }
0x82: {  	v0 =	vnsel vm0, $0x1, v0  }
0x83: {  	v3 =	vld [tilespmem:s29+$0x80];
	vm15 =	vlt.s32 v2, $0x3;
	v1 =	vshll.u32 v1, $0x3;
	v0 =	vshll.u32 v0, $0x2  }
0x84: {  	v2 =	vnsel vm15, $0x3, v2;
	v0 =	vadd.s32 v1, v0  }
0x85: {  	v0 =	vadd.s32 v2, v0  }
0x86: {  	v0 =	vmul.u32 $0x186A00, v0;
	_ =	sdelay $0x1  }
0x87: {  	v4 =	vadd.s32 v3, v0  }
0x88: {  	[tilespmem:s29+$0x3000] =	vst v4;
	v2 =	vadd.s32 $0x186A0, v4;
	v1 =	vadd.s32 $0x493E0, v4;
	v6 =	vadd.s32 $0x16E360, v4  }
0x89: {  	s0 =	simm.s32 $0x40;
	v0 =	vadd.s32 $0x30D40, v4;
	v3 =	vadd.s32 $0x61A80, v4;
	v5 =	vadd.s32 $0x155CC0, v4;
	[tilespmem:s29+$0x3780] =	vst v6  }
.LBB2_4:
0x8a: {  	s30 =	sshra.s32 s0, $0x2;
	p0 =	sne.s32 s0, $0x1C0;
	s0 =	sadd.s32 $0x40, s0;
	v6 =	vadd.s32 $0x13D620, v4;
	[tilespmem:s29+$0x3700] =	vst v5  }
0x8b: {  	v7 =	vadd.s32 $0x124F80, v4;
	v5 =	vld [tilespmem:s30+$0x480];
	[tilespmem:s29+$0x3680] =	vst v6  }
0x8c: {  	v8 =	vadd.s32 $0x10C8E0, v4;
	v6 =	vld [tilespmem:s30+$0x280];
	[tilespmem:s29+$0x3600] =	vst v7  }
0x8d: {  	v9 =	vadd.s32 $0xF4240, v4;
	v7 =	vld [tilespmem:s30+$0x680];
	[tilespmem:s29+$0x3580] =	vst v8  }
0x8e: {  	v8 =	vadd.s32 $0xDBBA0, v4;
	[tilespmem:s29+$0x3500] =	vst v9  }
0x8f: {  	v9 =	vadd.s32 $0xC3500, v4;
	[tilespmem:s29+$0x3480] =	vst v8  }
0x90: {  	v8 =	vadd.s32 $0xAAE60, v4;
	vm0 =	vlt.s32 v5, $0x1;
	[tilespmem:s29+$0x3400] =	vst v9  }
0x91: {  	v9 =	vadd.s32 $0x7A120, v4;
	v4 =	vadd.s32 $0x927C0, v4;
	v5 =	vnsel vm0, $0x1, v5;
	[tilespmem:s29+$0x3380] =	vst v8  }
0x92: {  	v6 =	vshll.u32 v6, $0x3;
	v8 =	vld [tilespmem:s30+$0x80];
	vm0 =	vlt.s32 v7, $0x3;
	v5 =	vshll.u32 v5, $0x2;
	[tilespmem:s29+$0x3300] =	vst v4  }
0x93: {  	v4 =	vnsel vm0, $0x3, v7;
	v5 =	vadd.s32 v6, v5;
	[tilespmem:s29+$0x3280] =	vst v9  }
0x94: {  	v4 =	vadd.s32 v4, v5;
	[tilespmem:s29+$0x3080] =	vst v2  }
.Ltmp1:
0x95: {  	v2 =	vmul.u32 $0x186A00, v4;
	[tilespmem:s29+$0x3180] =	vst v1;
	(pc) =	sbr.rel @p0 .LBB2_4-.Ltmp1, $4  }
0x96: {  	[tilespmem:s29+$0x3200] =	vst v3  }
0x97: {  	v4 =	vadd.s32 v8, v2;
	[tilespmem:s29+$0x3100] =	vst v0;
	s29 =	smov.u32 s30  }
0x98: {  	[tilespmem:s29+$0x3000] =	vst v4;
	v2 =	vadd.s32 $0x186A0, v4;
	v1 =	vadd.s32 $0x493E0, v4;
	v6 =	vadd.s32 $0x16E360, v4  }
0x99: {  	v0 =	vadd.s32 $0x30D40, v4;
	v3 =	vadd.s32 $0x61A80, v4;
	v5 =	vadd.s32 $0x155CC0, v4;
	[tilespmem:s29+$0x3780] =	vst v6  }
0x9a: {  	[tilespmem:s29+$0x3700] =	vst v5  }
0x9b: {  	[tilespmem:s29+$0x3080] =	vst v2  }
0x9c: {  	[tilespmem:s29+$0x3180] =	vst v1  }
0x9d: {  	[tilespmem:s29+$0x3200] =	vst v3  }
0x9e: {  	v6 =	vadd.s32 $0x13D620, v4;
	[tilespmem:s29+$0x3100] =	vst v0  }
0x9f: {  	v5 =	vadd.s32 $0x124F80, v4;
	[tilespmem:s29+$0x3680] =	vst v6  }
0xa0: {  	v6 =	vadd.s32 $0x10C8E0, v4;
	[tilespmem:s29+$0x3600] =	vst v5  }
0xa1: {  	v5 =	vadd.s32 $0xF4240, v4;
	[tilespmem:s29+$0x3580] =	vst v6  }
0xa2: {  	v6 =	vadd.s32 $0xDBBA0, v4;
	[tilespmem:s29+$0x3500] =	vst v5  }
0xa3: {  	v5 =	vadd.s32 $0xC3500, v4;
	[tilespmem:s29+$0x3480] =	vst v6  }
0xa4: {  	v6 =	vadd.s32 $0xAAE60, v4;
	[tilespmem:s29+$0x3400] =	vst v5  }
0xa5: {  	v5 =	vadd.s32 $0x927C0, v4;
	[tilespmem:s29+$0x3380] =	vst v6  }
0xa6: {  	v4 =	vadd.s32 $0x7A120, v4;
	[tilespmem:s29+$0x3300] =	vst v5  }
0xa7: {  	s0 =	simm.s32 $0x3000;
	[tilespmem:s29+$0x3280] =	vst v4;
	s29 =	simm.s32 $0x5000  }
0xa8: {  	[tilespmem:s29], [sflag:$0x1] =	stream.indirect.gather [hbm4b:s4+s14], $0x1, s0, s14, $0xb8;
	[tilespmem:$0x6C00] =	vst v63  }
0xa9: {  	s30 =	simm.s32 $0x3080;
	s29 =	simm.s32 $0x5080  }
0xaa: {  	[tilespmem:s29], [sflag:$0x1] =	stream.indirect.gather [hbm4b:s4+s14], $0x1, s30, s14, $0xb8;
	[tilespmem:$0x6C00] =	vst v63  }
0xab: {  	s31 =	simm.s32 $0x3100;
	s29 =	simm.s32 $0x5100  }
0xac: {  	[tilespmem:s29], [sflag:$0x1] =	stream.indirect.gather [hbm4b:s4+s14], $0x1, s31, s14, $0xb8;
	[tilespmem:$0x6C00] =	vst v63  }
0xad: {  	s30 =	simm.s32 $0x3180;
	s29 =	simm.s32 $0x5180  }
0xae: {  	[tilespmem:s29], [sflag:$0x1] =	stream.indirect.gather [hbm4b:s4+s14], $0x1, s30, s14, $0xb8;
	[tilespmem:$0x6C00] =	vst v63  }
0xaf: {  	s31 =	simm.s32 $0x3200;
	s29 =	simm.s32 $0x5200  }
0xb0: {  	[tilespmem:s29], [sflag:$0x1] =	stream.indirect.gather [hbm4b:s4+s14], $0x1, s31, s14, $0xb8;
	[tilespmem:$0x6C00] =	vst v63  }
0xb1: {  	s30 =	simm.s32 $0x3280;
	s29 =	simm.s32 $0x5280  }
0xb2: {  	[tilespmem:s29], [sflag:$0x1] =	stream.indirect.gather [hbm4b:s4+s14], $0x1, s30, s14, $0xb8;
	[tilespmem:$0x6C00] =	vst v63  }
0xb3: {  	s31 =	simm.s32 $0x3300;
	s29 =	simm.s32 $0x5300  }
0xb4: {  	[tilespmem:s29], [sflag:$0x1] =	stream.indirect.gather [hbm4b:s4+s14], $0x1, s31, s14, $0xb8;
	[tilespmem:$0x6C00] =	vst v63  }
0xb5: {  	s30 =	simm.s32 $0x3380;
	s29 =	simm.s32 $0x5380  }
0xb6: {  	[tilespmem:s29], [sflag:$0x1] =	stream.indirect.gather [hbm4b:s4+s14], $0x1, s30, s14, $0xb8;
	[tilespmem:$0x6C00] =	vst v63  }
0xb7: {  	s31 =	simm.s32 $0x3400;
	s29 =	simm.s32 $0x5400  }
0xb8: {  	[tilespmem:s29], [sflag:$0x1] =	stream.indirect.gather [hbm4b:s4+s14], $0x1, s31, s14, $0xb8;
	[tilespmem:$0x6C00] =	vst v63  }
0xb9: {  	s30 =	simm.s32 $0x3480;
	s29 =	simm.s32 $0x5480  }
0xba: {  	[tilespmem:s29], [sflag:$0x1] =	stream.indirect.gather [hbm4b:s4+s14], $0x1, s30, s14, $0xb8;
	[tilespmem:$0x6C00] =	vst v63  }
0xbb: {  	s31 =	simm.s32 $0x3500;
	s29 =	simm.s32 $0x5500  }
0xbc: {  	[tilespmem:s29], [sflag:$0x1] =	stream.indirect.gather [hbm4b:s4+s14], $0x1, s31, s14, $0xb8;
	[tilespmem:$0x6C00] =	vst v63  }
0xbd: {  	s30 =	simm.s32 $0x3580;
	s29 =	simm.s32 $0x5580  }
0xbe: {  	[tilespmem:s29], [sflag:$0x1] =	stream.indirect.gather [hbm4b:s4+s14], $0x1, s30, s14, $0xb8;
	[tilespmem:$0x6C00] =	vst v63  }
0xbf: {  	s31 =	simm.s32 $0x3600;
	s29 =	simm.s32 $0x5600  }
0xc0: {  	[tilespmem:s29], [sflag:$0x1] =	stream.indirect.gather [hbm4b:s4+s14], $0x1, s31, s14, $0xb8;
	[tilespmem:$0x6C00] =	vst v63  }
0xc1: {  	s30 =	simm.s32 $0x3680;
	s29 =	simm.s32 $0x5680  }
0xc2: {  	[tilespmem:s29], [sflag:$0x1] =	stream.indirect.gather [hbm4b:s4+s14], $0x1, s30, s14, $0xb8;
	[tilespmem:$0x6C00] =	vst v63  }
0xc3: {  	s31 =	simm.s32 $0x3700;
	s29 =	simm.s32 $0x5700  }
0xc4: {  	[tilespmem:s29], [sflag:$0x1] =	stream.indirect.gather [hbm4b:s4+s14], $0x1, s31, s14, $0xb8;
	[tilespmem:$0x6C00] =	vst v63  }
0xc5: {  	s30 =	simm.s32 $0x3780;
	s29 =	simm.s32 $0x5780  }
0xc6: {  	[tilespmem:s29], [sflag:$0x1] =	stream.indirect.gather [hbm4b:s4+s14], $0x1, s30, s14, $0xb8;
	[tilespmem:$0x6C00] =	vst v63  }
0xc7: {  	s31 =	simm.s32 $0x6880;
	s29 =	simm.s32 $0x0  }
0xc8: {  	[tilespmem:s31], [sflag:$0x2] =	stream.indirect.gather [hbm4b:s2+s14], $0x1, s14, s14, $0xb8;
	[tilespmem:$0x6C00] =	vst v63  }
0xc9: {  	v0 =	vld [tilespmem:s29+$0x500]  }
0xca: {  	v1 =	vld [tilespmem:s29+$0x300]  }
0xcb: {  	v2 =	vld [tilespmem:s29+$0x700];
	_ =	sdelay $0x2  }
0xcc: {  	vm0 =	vlt.s32 v0, $0x1  }
0xcd: {  	v0 =	vnsel vm0, $0x1, v0  }
0xce: {  	v3 =	vld [tilespmem:s29+$0x100];
	vm15 =	vlt.s32 v2, $0x3;
	v1 =	vshll.u32 v1, $0x3;
	v0 =	vshll.u32 v0, $0x2  }
0xcf: {  	v2 =	vnsel vm15, $0x3, v2;
	v0 =	vadd.s32 v1, v0  }
0xd0: {  	v0 =	vadd.s32 v2, v0  }
0xd1: {  	v0 =	vmul.u32 $0x186A00, v0;
	_ =	sdelay $0x1  }
0xd2: {  	v4 =	vadd.s32 v3, v0  }
0xd3: {  	[tilespmem:s29+$0x3800] =	vst v4;
	v2 =	vadd.s32 $0x186A0, v4;
	v1 =	vadd.s32 $0x493E0, v4;
	v6 =	vadd.s32 $0x16E360, v4  }
0xd4: {  	s0 =	simm.s32 $0x40;
	v0 =	vadd.s32 $0x30D40, v4;
	v3 =	vadd.s32 $0x61A80, v4;
	v5 =	vadd.s32 $0x155CC0, v4;
	[tilespmem:s29+$0x3F80] =	vst v6  }
.LBB2_6:
0xd5: {  	s30 =	sshra.s32 s0, $0x2;
	p0 =	sne.s32 s0, $0x1C0;
	s0 =	sadd.s32 $0x40, s0;
	v6 =	vadd.s32 $0x13D620, v4;
	[tilespmem:s29+$0x3F00] =	vst v5  }
0xd6: {  	v7 =	vadd.s32 $0x124F80, v4;
	v5 =	vld [tilespmem:s30+$0x500];
	[tilespmem:s29+$0x3E80] =	vst v6  }
0xd7: {  	v8 =	vadd.s32 $0x10C8E0, v4;
	v6 =	vld [tilespmem:s30+$0x300];
	[tilespmem:s29+$0x3E00] =	vst v7  }
0xd8: {  	v9 =	vadd.s32 $0xF4240, v4;
	v7 =	vld [tilespmem:s30+$0x700];
	[tilespmem:s29+$0x3D80] =	vst v8  }
0xd9: {  	v8 =	vadd.s32 $0xDBBA0, v4;
	[tilespmem:s29+$0x3D00] =	vst v9  }
0xda: {  	v9 =	vadd.s32 $0xC3500, v4;
	[tilespmem:s29+$0x3C80] =	vst v8  }
0xdb: {  	v8 =	vadd.s32 $0xAAE60, v4;
	vm0 =	vlt.s32 v5, $0x1;
	[tilespmem:s29+$0x3C00] =	vst v9  }
0xdc: {  	v9 =	vadd.s32 $0x7A120, v4;
	v4 =	vadd.s32 $0x927C0, v4;
	v5 =	vnsel vm0, $0x1, v5;
	[tilespmem:s29+$0x3B80] =	vst v8  }
0xdd: {  	v6 =	vshll.u32 v6, $0x3;
	v8 =	vld [tilespmem:s30+$0x100];
	vm0 =	vlt.s32 v7, $0x3;
	v5 =	vshll.u32 v5, $0x2;
	[tilespmem:s29+$0x3B00] =	vst v4  }
0xde: {  	v4 =	vnsel vm0, $0x3, v7;
	v5 =	vadd.s32 v6, v5;
	[tilespmem:s29+$0x3A80] =	vst v9  }
0xdf: {  	v4 =	vadd.s32 v4, v5;
	[tilespmem:s29+$0x3880] =	vst v2  }
.Ltmp2:
0xe0: {  	v2 =	vmul.u32 $0x186A00, v4;
	[tilespmem:s29+$0x3980] =	vst v1;
	(pc) =	sbr.rel @p0 .LBB2_6-.Ltmp2, $4  }
0xe1: {  	[tilespmem:s29+$0x3A00] =	vst v3  }
0xe2: {  	v4 =	vadd.s32 v8, v2;
	[tilespmem:s29+$0x3900] =	vst v0;
	s29 =	smov.u32 s30  }
0xe3: {  	[tilespmem:s29+$0x3800] =	vst v4;
	v2 =	vadd.s32 $0x186A0, v4;
	v1 =	vadd.s32 $0x493E0, v4;
	v6 =	vadd.s32 $0x16E360, v4  }
0xe4: {  	v0 =	vadd.s32 $0x30D40, v4;
	v3 =	vadd.s32 $0x61A80, v4;
	v5 =	vadd.s32 $0x155CC0, v4;
	[tilespmem:s29+$0x3F80] =	vst v6  }
0xe5: {  	[tilespmem:s29+$0x3F00] =	vst v5  }
0xe6: {  	[tilespmem:s29+$0x3880] =	vst v2  }
0xe7: {  	[tilespmem:s29+$0x3980] =	vst v1  }
0xe8: {  	[tilespmem:s29+$0x3A00] =	vst v3  }
0xe9: {  	v6 =	vadd.s32 $0x13D620, v4;
	[tilespmem:s29+$0x3900] =	vst v0  }
0xea: {  	v5 =	vadd.s32 $0x124F80, v4;
	[tilespmem:s29+$0x3E80] =	vst v6  }
0xeb: {  	v6 =	vadd.s32 $0x10C8E0, v4;
	[tilespmem:s29+$0x3E00] =	vst v5  }
0xec: {  	v5 =	vadd.s32 $0xF4240, v4;
	[tilespmem:s29+$0x3D80] =	vst v6  }
0xed: {  	v6 =	vadd.s32 $0xDBBA0, v4;
	[tilespmem:s29+$0x3D00] =	vst v5  }
0xee: {  	v5 =	vadd.s32 $0xC3500, v4;
	[tilespmem:s29+$0x3C80] =	vst v6  }
0xef: {  	v6 =	vadd.s32 $0xAAE60, v4;
	[tilespmem:s29+$0x3C00] =	vst v5  }
0xf0: {  	v5 =	vadd.s32 $0x927C0, v4;
	[tilespmem:s29+$0x3B80] =	vst v6  }
0xf1: {  	v4 =	vadd.s32 $0x7A120, v4;
	[tilespmem:s29+$0x3B00] =	vst v5  }
0xf2: {  	s0 =	simm.s32 $0x3800;
	[tilespmem:s29+$0x3A80] =	vst v4;
	s29 =	simm.s32 $0x5800  }
0xf3: {  	[tilespmem:s29], [sflag:$0x1] =	stream.indirect.gather [hbm4b:s4+s14], $0x1, s0, s14, $0xb8;
	[tilespmem:$0x6C00] =	vst v63  }
0xf4: {  	s30 =	simm.s32 $0x3880;
	s29 =	simm.s32 $0x5880  }
0xf5: {  	[tilespmem:s29], [sflag:$0x1] =	stream.indirect.gather [hbm4b:s4+s14], $0x1, s30, s14, $0xb8;
	[tilespmem:$0x6C00] =	vst v63  }
0xf6: {  	s31 =	simm.s32 $0x3900;
	s29 =	simm.s32 $0x5900  }
0xf7: {  	[tilespmem:s29], [sflag:$0x1] =	stream.indirect.gather [hbm4b:s4+s14], $0x1, s31, s14, $0xb8;
	[tilespmem:$0x6C00] =	vst v63  }
0xf8: {  	s30 =	simm.s32 $0x3980;
	s29 =	simm.s32 $0x5980  }
0xf9: {  	[tilespmem:s29], [sflag:$0x1] =	stream.indirect.gather [hbm4b:s4+s14], $0x1, s30, s14, $0xb8;
	[tilespmem:$0x6C00] =	vst v63  }
0xfa: {  	s31 =	simm.s32 $0x3A00;
	s29 =	simm.s32 $0x5A00  }
0xfb: {  	[tilespmem:s29], [sflag:$0x1] =	stream.indirect.gather [hbm4b:s4+s14], $0x1, s31, s14, $0xb8;
	[tilespmem:$0x6C00] =	vst v63  }
0xfc: {  	s30 =	simm.s32 $0x3A80;
	s29 =	simm.s32 $0x5A80  }
0xfd: {  	[tilespmem:s29], [sflag:$0x1] =	stream.indirect.gather [hbm4b:s4+s14], $0x1, s30, s14, $0xb8;
	[tilespmem:$0x6C00] =	vst v63  }
0xfe: {  	s31 =	simm.s32 $0x3B00;
	s29 =	simm.s32 $0x5B00  }
0xff: {  	[tilespmem:s29], [sflag:$0x1] =	stream.indirect.gather [hbm4b:s4+s14], $0x1, s31, s14, $0xb8;
	[tilespmem:$0x6C00] =	vst v63  }
0x100: {  	s30 =	simm.s32 $0x3B80;
	s29 =	simm.s32 $0x5B80  }
0x101: {  	[tilespmem:s29], [sflag:$0x1] =	stream.indirect.gather [hbm4b:s4+s14], $0x1, s30, s14, $0xb8;
	[tilespmem:$0x6C00] =	vst v63  }
0x102: {  	s31 =	simm.s32 $0x3C00;
	s29 =	simm.s32 $0x5C00  }
0x103: {  	[tilespmem:s29], [sflag:$0x1] =	stream.indirect.gather [hbm4b:s4+s14], $0x1, s31, s14, $0xb8;
	[tilespmem:$0x6C00] =	vst v63  }
0x104: {  	s30 =	simm.s32 $0x3C80;
	s29 =	simm.s32 $0x5C80  }
0x105: {  	[tilespmem:s29], [sflag:$0x1] =	stream.indirect.gather [hbm4b:s4+s14], $0x1, s30, s14, $0xb8;
	[tilespmem:$0x6C00] =	vst v63  }
0x106: {  	s31 =	simm.s32 $0x3D00;
	s29 =	simm.s32 $0x5D00  }
0x107: {  	[tilespmem:s29], [sflag:$0x1] =	stream.indirect.gather [hbm4b:s4+s14], $0x1, s31, s14, $0xb8;
	[tilespmem:$0x6C00] =	vst v63  }
0x108: {  	s30 =	simm.s32 $0x3D80;
	s29 =	simm.s32 $0x5D80  }
0x109: {  	[tilespmem:s29], [sflag:$0x1] =	stream.indirect.gather [hbm4b:s4+s14], $0x1, s30, s14, $0xb8;
	[tilespmem:$0x6C00] =	vst v63  }
0x10a: {  	s31 =	simm.s32 $0x3E00;
	s29 =	simm.s32 $0x5E00  }
0x10b: {  	[tilespmem:s29], [sflag:$0x1] =	stream.indirect.gather [hbm4b:s4+s14], $0x1, s31, s14, $0xb8;
	[tilespmem:$0x6C00] =	vst v63  }
0x10c: {  	s30 =	simm.s32 $0x3E80;
	s29 =	simm.s32 $0x5E80  }
0x10d: {  	[tilespmem:s29], [sflag:$0x1] =	stream.indirect.gather [hbm4b:s4+s14], $0x1, s30, s14, $0xb8;
	[tilespmem:$0x6C00] =	vst v63  }
0x10e: {  	s31 =	simm.s32 $0x3F00;
	s29 =	simm.s32 $0x5F00  }
0x10f: {  	[tilespmem:s29], [sflag:$0x1] =	stream.indirect.gather [hbm4b:s4+s14], $0x1, s31, s14, $0xb8;
	[tilespmem:$0x6C00] =	vst v63  }
0x110: {  	s30 =	simm.s32 $0x3F80;
	s29 =	simm.s32 $0x5F80  }
0x111: {  	[tilespmem:s29], [sflag:$0x1] =	stream.indirect.gather [hbm4b:s4+s14], $0x1, s30, s14, $0xb8;
	[tilespmem:$0x6C00] =	vst v63  }
0x112: {  	s31 =	simm.s32 $0x6900;
	s29 =	simm.s32 $0x0  }
0x113: {  	[tilespmem:s31], [sflag:$0x2] =	stream.indirect.gather [hbm4b:s2+s14], $0x1, s15, s14, $0xb8;
	[tilespmem:$0x6C00] =	vst v63  }
0x114: {  	v0 =	vld [tilespmem:s29+$0x580]  }
0x115: {  	v1 =	vld [tilespmem:s29+$0x380]  }
0x116: {  	v2 =	vld [tilespmem:s29+$0x780];
	_ =	sdelay $0x2  }
0x117: {  	vm0 =	vlt.s32 v0, $0x1  }
0x118: {  	v0 =	vnsel vm0, $0x1, v0  }
0x119: {  	v3 =	vld [tilespmem:s29+$0x180];
	vm15 =	vlt.s32 v2, $0x3;
	v1 =	vshll.u32 v1, $0x3;
	v0 =	vshll.u32 v0, $0x2  }
0x11a: {  	v2 =	vnsel vm15, $0x3, v2;
	v0 =	vadd.s32 v1, v0  }
0x11b: {  	v0 =	vadd.s32 v2, v0  }
0x11c: {  	v0 =	vmul.u32 $0x186A00, v0;
	_ =	sdelay $0x1  }
0x11d: {  	v4 =	vadd.s32 v3, v0  }
0x11e: {  	[tilespmem:s29+$0x4000] =	vst v4;
	v2 =	vadd.s32 $0x186A0, v4;
	v1 =	vadd.s32 $0x493E0, v4;
	v6 =	vadd.s32 $0x16E360, v4  }
0x11f: {  	s0 =	simm.s32 $0x40;
	v0 =	vadd.s32 $0x30D40, v4;
	v3 =	vadd.s32 $0x61A80, v4;
	v5 =	vadd.s32 $0x155CC0, v4;
	[tilespmem:s29+$0x4780] =	vst v6  }
.LBB2_8:
0x120: {  	s30 =	sshra.s32 s0, $0x2;
	p0 =	sne.s32 s0, $0x1C0;
	s0 =	sadd.s32 $0x40, s0;
	v6 =	vadd.s32 $0x13D620, v4;
	[tilespmem:s29+$0x4700] =	vst v5  }
0x121: {  	v7 =	vadd.s32 $0x124F80, v4;
	v5 =	vld [tilespmem:s30+$0x580];
	[tilespmem:s29+$0x4680] =	vst v6  }
0x122: {  	v8 =	vadd.s32 $0x10C8E0, v4;
	v6 =	vld [tilespmem:s30+$0x380];
	[tilespmem:s29+$0x4600] =	vst v7  }
0x123: {  	v9 =	vadd.s32 $0xF4240, v4;
	v7 =	vld [tilespmem:s30+$0x780];
	[tilespmem:s29+$0x4580] =	vst v8  }
0x124: {  	v8 =	vadd.s32 $0xDBBA0, v4;
	[tilespmem:s29+$0x4500] =	vst v9  }
0x125: {  	v9 =	vadd.s32 $0xC3500, v4;
	[tilespmem:s29+$0x4480] =	vst v8  }
0x126: {  	v8 =	vadd.s32 $0xAAE60, v4;
	vm0 =	vlt.s32 v5, $0x1;
	[tilespmem:s29+$0x4400] =	vst v9  }
0x127: {  	v9 =	vadd.s32 $0x7A120, v4;
	v4 =	vadd.s32 $0x927C0, v4;
	v5 =	vnsel vm0, $0x1, v5;
	[tilespmem:s29+$0x4380] =	vst v8  }
0x128: {  	v6 =	vshll.u32 v6, $0x3;
	v8 =	vld [tilespmem:s30+$0x180];
	vm0 =	vlt.s32 v7, $0x3;
	v5 =	vshll.u32 v5, $0x2;
	[tilespmem:s29+$0x4300] =	vst v4  }
0x129: {  	v4 =	vnsel vm0, $0x3, v7;
	v5 =	vadd.s32 v6, v5;
	[tilespmem:s29+$0x4280] =	vst v9  }
0x12a: {  	v4 =	vadd.s32 v4, v5;
	[tilespmem:s29+$0x4080] =	vst v2  }
.Ltmp3:
0x12b: {  	v2 =	vmul.u32 $0x186A00, v4;
	[tilespmem:s29+$0x4180] =	vst v1;
	(pc) =	sbr.rel @p0 .LBB2_8-.Ltmp3, $4  }
0x12c: {  	[tilespmem:s29+$0x4200] =	vst v3  }
0x12d: {  	v4 =	vadd.s32 v8, v2;
	[tilespmem:s29+$0x4100] =	vst v0;
	s29 =	smov.u32 s30  }
0x12e: {  	[tilespmem:s29+$0x4000] =	vst v4;
	v2 =	vadd.s32 $0x186A0, v4;
	v1 =	vadd.s32 $0x493E0, v4;
	v6 =	vadd.s32 $0x16E360, v4  }
0x12f: {  	v0 =	vadd.s32 $0x30D40, v4;
	v3 =	vadd.s32 $0x61A80, v4;
	v5 =	vadd.s32 $0x155CC0, v4;
	[tilespmem:s29+$0x4780] =	vst v6  }
0x130: {  	[tilespmem:s29+$0x4700] =	vst v5  }
0x131: {  	[tilespmem:s29+$0x4080] =	vst v2  }
0x132: {  	[tilespmem:s29+$0x4180] =	vst v1  }
0x133: {  	[tilespmem:s29+$0x4200] =	vst v3  }
0x134: {  	v6 =	vadd.s32 $0x13D620, v4;
	[tilespmem:s29+$0x4100] =	vst v0  }
0x135: {  	v5 =	vadd.s32 $0x124F80, v4;
	[tilespmem:s29+$0x4680] =	vst v6  }
0x136: {  	v6 =	vadd.s32 $0x10C8E0, v4;
	[tilespmem:s29+$0x4600] =	vst v5  }
0x137: {  	v5 =	vadd.s32 $0xF4240, v4;
	[tilespmem:s29+$0x4580] =	vst v6  }
0x138: {  	v6 =	vadd.s32 $0xDBBA0, v4;
	[tilespmem:s29+$0x4500] =	vst v5  }
0x139: {  	v5 =	vadd.s32 $0xC3500, v4;
	[tilespmem:s29+$0x4480] =	vst v6  }
0x13a: {  	v6 =	vadd.s32 $0xAAE60, v4;
	[tilespmem:s29+$0x4400] =	vst v5  }
0x13b: {  	v5 =	vadd.s32 $0x927C0, v4;
	[tilespmem:s29+$0x4380] =	vst v6  }
0x13c: {  	v4 =	vadd.s32 $0x7A120, v4;
	[tilespmem:s29+$0x4300] =	vst v5  }
0x13d: {  	s0 =	simm.s32 $0x6000;
	[tilespmem:s29+$0x4280] =	vst v4  }
0x13e: {  	[tilespmem:s0], [sflag:$0x1] =	stream.indirect.gather [hbm4b:s4+s14], $0x1, s18, s14, $0xb8;
	[tilespmem:$0x6C00] =	vst v63  }
0x13f: {  	s29 =	simm.s32 $0x6080;
	s0 =	simm.s32 $0x4080  }
0x140: {  	[tilespmem:s29], [sflag:$0x1] =	stream.indirect.gather [hbm4b:s4+s14], $0x1, s0, s14, $0xb8;
	[tilespmem:$0x6C00] =	vst v63  }
0x141: {  	s0 =	simm.s32 $0x4100;
	s29 =	simm.s32 $0x6100  }
0x142: {  	[tilespmem:s29], [sflag:$0x1] =	stream.indirect.gather [hbm4b:s4+s14], $0x1, s0, s14, $0xb8;
	[tilespmem:$0x6C00] =	vst v63  }
0x143: {  	s0 =	simm.s32 $0x4180;
	s29 =	simm.s32 $0x6180  }
0x144: {  	[tilespmem:s29], [sflag:$0x1] =	stream.indirect.gather [hbm4b:s4+s14], $0x1, s0, s14, $0xb8;
	[tilespmem:$0x6C00] =	vst v63  }
0x145: {  	s0 =	simm.s32 $0x4200;
	s29 =	simm.s32 $0x6200  }
0x146: {  	[tilespmem:s29], [sflag:$0x1] =	stream.indirect.gather [hbm4b:s4+s14], $0x1, s0, s14, $0xb8;
	[tilespmem:$0x6C00] =	vst v63  }
0x147: {  	s0 =	simm.s32 $0x4280;
	s29 =	simm.s32 $0x6280  }
0x148: {  	[tilespmem:s29], [sflag:$0x1] =	stream.indirect.gather [hbm4b:s4+s14], $0x1, s0, s14, $0xb8;
	[tilespmem:$0x6C00] =	vst v63  }
0x149: {  	s0 =	simm.s32 $0x4300;
	s29 =	simm.s32 $0x6300  }
0x14a: {  	[tilespmem:s29], [sflag:$0x1] =	stream.indirect.gather [hbm4b:s4+s14], $0x1, s0, s14, $0xb8;
	[tilespmem:$0x6C00] =	vst v63  }
0x14b: {  	s0 =	simm.s32 $0x4380;
	s29 =	simm.s32 $0x6380  }
0x14c: {  	[tilespmem:s29], [sflag:$0x1] =	stream.indirect.gather [hbm4b:s4+s14], $0x1, s0, s14, $0xb8;
	[tilespmem:$0x6C00] =	vst v63  }
0x14d: {  	s0 =	simm.s32 $0x4400;
	s29 =	simm.s32 $0x6400  }
0x14e: {  	[tilespmem:s29], [sflag:$0x1] =	stream.indirect.gather [hbm4b:s4+s14], $0x1, s0, s14, $0xb8;
	[tilespmem:$0x6C00] =	vst v63  }
0x14f: {  	s0 =	simm.s32 $0x4480;
	s29 =	simm.s32 $0x6480  }
0x150: {  	[tilespmem:s29], [sflag:$0x1] =	stream.indirect.gather [hbm4b:s4+s14], $0x1, s0, s14, $0xb8;
	[tilespmem:$0x6C00] =	vst v63  }
0x151: {  	s0 =	simm.s32 $0x4500;
	s29 =	simm.s32 $0x6500  }
0x152: {  	[tilespmem:s29], [sflag:$0x1] =	stream.indirect.gather [hbm4b:s4+s14], $0x1, s0, s14, $0xb8;
	[tilespmem:$0x6C00] =	vst v63  }
0x153: {  	s0 =	simm.s32 $0x4580;
	s29 =	simm.s32 $0x6580  }
0x154: {  	[tilespmem:s29], [sflag:$0x1] =	stream.indirect.gather [hbm4b:s4+s14], $0x1, s0, s14, $0xb8;
	[tilespmem:$0x6C00] =	vst v63  }
0x155: {  	s0 =	simm.s32 $0x4600;
	s29 =	simm.s32 $0x6600  }
0x156: {  	[tilespmem:s29], [sflag:$0x1] =	stream.indirect.gather [hbm4b:s4+s14], $0x1, s0, s14, $0xb8;
	[tilespmem:$0x6C00] =	vst v63  }
0x157: {  	s0 =	simm.s32 $0x4680;
	s29 =	simm.s32 $0x6680  }
0x158: {  	[tilespmem:s29], [sflag:$0x1] =	stream.indirect.gather [hbm4b:s4+s14], $0x1, s0, s14, $0xb8;
	[tilespmem:$0x6C00] =	vst v63  }
0x159: {  	s0 =	simm.s32 $0x4700  }
0x15a: {  	[tilespmem:s1], [sflag:$0x1] =	stream.indirect.gather [hbm4b:s4+s14], $0x1, s0, s14, $0xb8;
	[tilespmem:$0x6C00] =	vst v63  }
0x15b: {  	_ = 	snop  }
0x15c: {  	[tilespmem:s20], [sflag:$0x1] =	stream.indirect.gather [hbm4b:s4+s14], $0x1, s19, s14, $0xb8;
	[tilespmem:$0x6C00] =	vst v63  }
0x15d: {  	_ = 	snop  }
0x15e: {  	[tilespmem:s22], [sflag:$0x2] =	stream.indirect.gather [hbm4b:s2+s14], $0x1, s16, s14, $0xb8;
	[tilespmem:$0x6C00] =	vst v63  }
0x15f: {  	_ =	swait.ge [sflag:s23], $0x2000  }
0x160: {  	[sflag:s23] =	ssyncset.done $0x0  }
0x161: {  	[sflag:s23] =	ssyncadd.s32 $0xFFFFE000  }
0x162: {  	_ =	swait.ge [sflag:s24], $0x80  }
0x163: {  	[sflag:s24] =	ssyncset.done $0x0  }
0x164: {  	[sflag:s24] =	ssyncadd.s32 $0xFFFFFF80  }
0x165: {  	_ =	swait.ge [sflag:s24], $0x80  }
0x166: {  	[sflag:s24] =	ssyncset.done $0x0  }
0x167: {  	[sflag:s24] =	ssyncadd.s32 $0xFFFFFF80  }
0x168: {  	_ =	swait.ge [sflag:s24], $0x80  }
0x169: {  	[sflag:s24] =	ssyncset.done $0x0  }
0x16a: {  	[sflag:s24] =	ssyncadd.s32 $0xFFFFFF80  }
0x16b: {  	_ =	swait.ge [sflag:s24], $0x80  }
0x16c: {  	[sflag:s24] =	ssyncset.done $0x0  }
0x16d: {  	[sflag:s24] =	ssyncadd.s32 $0xFFFFFF80  }
0x16e: {  	_ =	swait.ge [sflag:s24], $0x80  }
0x16f: {  	[sflag:s24] =	ssyncset.done $0x0  }
0x170: {  	[sflag:s24] =	ssyncadd.s32 $0xFFFFFF80  }
0x171: {  	_ =	swait.ge [sflag:s24], $0x80  }
0x172: {  	[sflag:s24] =	ssyncset.done $0x0  }
0x173: {  	[sflag:s24] =	ssyncadd.s32 $0xFFFFFF80  }
0x174: {  	_ =	swait.ge [sflag:s24], $0x80  }
0x175: {  	[sflag:s24] =	ssyncset.done $0x0  }
0x176: {  	[sflag:s24] =	ssyncadd.s32 $0xFFFFFF80  }
0x177: {  	_ =	swait.ge [sflag:s24], $0x80  }
0x178: {  	[sflag:s24] =	ssyncset.done $0x0  }
0x179: {  	[sflag:s24] =	ssyncadd.s32 $0xFFFFFF80  }
0x17a: {  	_ =	swait.ge [sflag:s24], $0x80  }
0x17b: {  	[sflag:s24] =	ssyncset.done $0x0  }
0x17c: {  	[sflag:s24] =	ssyncadd.s32 $0xFFFFFF80  }
0x17d: {  	_ =	swait.ge [sflag:s24], $0x80  }
0x17e: {  	[sflag:s24] =	ssyncset.done $0x0  }
0x17f: {  	[sflag:s24] =	ssyncadd.s32 $0xFFFFFF80  }
0x180: {  	_ =	swait.ge [sflag:s24], $0x80  }
0x181: {  	[sflag:s24] =	ssyncset.done $0x0  }
0x182: {  	[sflag:s24] =	ssyncadd.s32 $0xFFFFFF80  }
0x183: {  	_ =	swait.ge [sflag:s24], $0x80  }
0x184: {  	[sflag:s24] =	ssyncset.done $0x0  }
0x185: {  	[sflag:s24] =	ssyncadd.s32 $0xFFFFFF80  }
0x186: {  	_ =	swait.ge [sflag:s24], $0x80  }
0x187: {  	[sflag:s24] =	ssyncset.done $0x0  }
0x188: {  	[sflag:s24] =	ssyncadd.s32 $0xFFFFFF80  }
0x189: {  	_ =	swait.ge [sflag:s24], $0x80  }
0x18a: {  	[sflag:s24] =	ssyncset.done $0x0  }
0x18b: {  	[sflag:s24] =	ssyncadd.s32 $0xFFFFFF80  }
0x18c: {  	_ =	swait.ge [sflag:s24], $0x80  }
0x18d: {  	[sflag:s24] =	ssyncset.done $0x0  }
0x18e: {  	[sflag:s24] =	ssyncadd.s32 $0xFFFFFF80  }
0x18f: {  	_ =	swait.ge [sflag:s24], $0x80  }
0x190: {  	[sflag:s24] =	ssyncset.done $0x0  }
0x191: {  	[sflag:s24] =	ssyncadd.s32 $0xFFFFFF80  }
0x192: {  	_ =	swait.ge [sflag:s21], $0x80  }
0x193: {  	[sflag:s21] =	ssyncset.done $0x0  }
0x194: {  	[sflag:s21] =	ssyncadd.s32 $0xFFFFFF80  }
0x195: {  	_ =	swait.ge [sflag:s24], $0x80  }
0x196: {  	[sflag:s24] =	ssyncset.done $0x0  }
0x197: {  	[sflag:s24] =	ssyncadd.s32 $0xFFFFFF80  }
0x198: {  	_ =	swait.ge [sflag:s24], $0x80  }
0x199: {  	[sflag:s24] =	ssyncset.done $0x0  }
0x19a: {  	[sflag:s24] =	ssyncadd.s32 $0xFFFFFF80  }
0x19b: {  	_ =	swait.ge [sflag:s24], $0x80  }
0x19c: {  	[sflag:s24] =	ssyncset.done $0x0  }
0x19d: {  	[sflag:s24] =	ssyncadd.s32 $0xFFFFFF80  }
0x19e: {  	_ =	swait.ge [sflag:s24], $0x80  }
0x19f: {  	[sflag:s24] =	ssyncset.done $0x0  }
0x1a0: {  	[sflag:s24] =	ssyncadd.s32 $0xFFFFFF80  }
0x1a1: {  	_ =	swait.ge [sflag:s24], $0x80  }
0x1a2: {  	[sflag:s24] =	ssyncset.done $0x0  }
0x1a3: {  	[sflag:s24] =	ssyncadd.s32 $0xFFFFFF80  }
0x1a4: {  	_ =	swait.ge [sflag:s24], $0x80  }
0x1a5: {  	[sflag:s24] =	ssyncset.done $0x0  }
0x1a6: {  	[sflag:s24] =	ssyncadd.s32 $0xFFFFFF80  }
0x1a7: {  	_ =	swait.ge [sflag:s24], $0x80  }
0x1a8: {  	[sflag:s24] =	ssyncset.done $0x0  }
0x1a9: {  	[sflag:s24] =	ssyncadd.s32 $0xFFFFFF80  }
0x1aa: {  	_ =	swait.ge [sflag:s24], $0x80  }
0x1ab: {  	[sflag:s24] =	ssyncset.done $0x0  }
0x1ac: {  	[sflag:s24] =	ssyncadd.s32 $0xFFFFFF80  }
0x1ad: {  	_ =	swait.ge [sflag:s24], $0x80  }
0x1ae: {  	[sflag:s24] =	ssyncset.done $0x0  }
0x1af: {  	[sflag:s24] =	ssyncadd.s32 $0xFFFFFF80  }
0x1b0: {  	_ =	swait.ge [sflag:s24], $0x80  }
0x1b1: {  	[sflag:s24] =	ssyncset.done $0x0  }
0x1b2: {  	[sflag:s24] =	ssyncadd.s32 $0xFFFFFF80  }
0x1b3: {  	_ =	swait.ge [sflag:s24], $0x80  }
0x1b4: {  	[sflag:s24] =	ssyncset.done $0x0  }
0x1b5: {  	[sflag:s24] =	ssyncadd.s32 $0xFFFFFF80  }
0x1b6: {  	_ =	swait.ge [sflag:s24], $0x80  }
0x1b7: {  	[sflag:s24] =	ssyncset.done $0x0  }
0x1b8: {  	[sflag:s24] =	ssyncadd.s32 $0xFFFFFF80  }
0x1b9: {  	_ =	swait.ge [sflag:s24], $0x80  }
0x1ba: {  	[sflag:s24] =	ssyncset.done $0x0  }
0x1bb: {  	[sflag:s24] =	ssyncadd.s32 $0xFFFFFF80  }
0x1bc: {  	_ =	swait.ge [sflag:s24], $0x80  }
0x1bd: {  	[sflag:s24] =	ssyncset.done $0x0  }
0x1be: {  	[sflag:s24] =	ssyncadd.s32 $0xFFFFFF80  }
0x1bf: {  	_ =	swait.ge [sflag:s24], $0x80  }
0x1c0: {  	[sflag:s24] =	ssyncset.done $0x0  }
0x1c1: {  	[sflag:s24] =	ssyncadd.s32 $0xFFFFFF80  }
0x1c2: {  	_ =	swait.ge [sflag:s24], $0x80  }
0x1c3: {  	[sflag:s24] =	ssyncset.done $0x0  }
0x1c4: {  	[sflag:s24] =	ssyncadd.s32 $0xFFFFFF80  }
0x1c5: {  	_ =	swait.ge [sflag:s21], $0x80  }
0x1c6: {  	[sflag:s21] =	ssyncset.done $0x0  }
0x1c7: {  	[sflag:s21] =	ssyncadd.s32 $0xFFFFFF80  }
0x1c8: {  	_ =	swait.ge [sflag:s24], $0x80  }
0x1c9: {  	[sflag:s24] =	ssyncset.done $0x0  }
0x1ca: {  	[sflag:s24] =	ssyncadd.s32 $0xFFFFFF80  }
0x1cb: {  	_ =	swait.ge [sflag:s24], $0x80  }
0x1cc: {  	[sflag:s24] =	ssyncset.done $0x0  }
0x1cd: {  	[sflag:s24] =	ssyncadd.s32 $0xFFFFFF80  }
0x1ce: {  	_ =	swait.ge [sflag:s24], $0x80  }
0x1cf: {  	[sflag:s24] =	ssyncset.done $0x0  }
0x1d0: {  	[sflag:s24] =	ssyncadd.s32 $0xFFFFFF80  }
0x1d1: {  	_ =	swait.ge [sflag:s24], $0x80  }
0x1d2: {  	[sflag:s24] =	ssyncset.done $0x0  }
0x1d3: {  	[sflag:s24] =	ssyncadd.s32 $0xFFFFFF80  }
0x1d4: {  	_ =	swait.ge [sflag:s24], $0x80  }
0x1d5: {  	[sflag:s24] =	ssyncset.done $0x0  }
0x1d6: {  	[sflag:s24] =	ssyncadd.s32 $0xFFFFFF80  }
0x1d7: {  	_ =	swait.ge [sflag:s24], $0x80  }
0x1d8: {  	[sflag:s24] =	ssyncset.done $0x0  }
0x1d9: {  	[sflag:s24] =	ssyncadd.s32 $0xFFFFFF80  }
0x1da: {  	_ =	swait.ge [sflag:s24], $0x80  }
0x1db: {  	[sflag:s24] =	ssyncset.done $0x0  }
0x1dc: {  	[sflag:s24] =	ssyncadd.s32 $0xFFFFFF80  }
0x1dd: {  	_ =	swait.ge [sflag:s24], $0x80  }
0x1de: {  	[sflag:s24] =	ssyncset.done $0x0  }
0x1df: {  	[sflag:s24] =	ssyncadd.s32 $0xFFFFFF80  }
0x1e0: {  	_ =	swait.ge [sflag:s24], $0x80  }
0x1e1: {  	[sflag:s24] =	ssyncset.done $0x0  }
0x1e2: {  	[sflag:s24] =	ssyncadd.s32 $0xFFFFFF80  }
0x1e3: {  	_ =	swait.ge [sflag:s24], $0x80  }
0x1e4: {  	[sflag:s24] =	ssyncset.done $0x0  }
0x1e5: {  	[sflag:s24] =	ssyncadd.s32 $0xFFFFFF80  }
0x1e6: {  	_ =	swait.ge [sflag:s24], $0x80  }
0x1e7: {  	[sflag:s24] =	ssyncset.done $0x0  }
0x1e8: {  	[sflag:s24] =	ssyncadd.s32 $0xFFFFFF80  }
0x1e9: {  	_ =	swait.ge [sflag:s24], $0x80  }
0x1ea: {  	[sflag:s24] =	ssyncset.done $0x0  }
0x1eb: {  	[sflag:s24] =	ssyncadd.s32 $0xFFFFFF80  }
0x1ec: {  	_ =	swait.ge [sflag:s24], $0x80  }
0x1ed: {  	[sflag:s24] =	ssyncset.done $0x0  }
0x1ee: {  	[sflag:s24] =	ssyncadd.s32 $0xFFFFFF80  }
0x1ef: {  	_ =	swait.ge [sflag:s24], $0x80  }
0x1f0: {  	[sflag:s24] =	ssyncset.done $0x0  }
0x1f1: {  	[sflag:s24] =	ssyncadd.s32 $0xFFFFFF80  }
0x1f2: {  	_ =	swait.ge [sflag:s24], $0x80  }
0x1f3: {  	[sflag:s24] =	ssyncset.done $0x0  }
0x1f4: {  	[sflag:s24] =	ssyncadd.s32 $0xFFFFFF80  }
0x1f5: {  	_ =	swait.ge [sflag:s24], $0x80  }
0x1f6: {  	[sflag:s24] =	ssyncset.done $0x0  }
0x1f7: {  	[sflag:s24] =	ssyncadd.s32 $0xFFFFFF80  }
0x1f8: {  	_ =	swait.ge [sflag:s21], $0x80  }
0x1f9: {  	[sflag:s21] =	ssyncset.done $0x0  }
0x1fa: {  	[sflag:s21] =	ssyncadd.s32 $0xFFFFFF80  }
0x1fb: {  	_ =	swait.ge [sflag:s24], $0x80  }
0x1fc: {  	[sflag:s24] =	ssyncset.done $0x0  }
0x1fd: {  	[sflag:s24] =	ssyncadd.s32 $0xFFFFFF80  }
0x1fe: {  	_ =	swait.ge [sflag:s24], $0x80  }
0x1ff: {  	[sflag:s24] =	ssyncset.done $0x0  }
0x200: {  	[sflag:s24] =	ssyncadd.s32 $0xFFFFFF80  }
0x201: {  	_ =	swait.ge [sflag:s24], $0x80  }
0x202: {  	[sflag:s24] =	ssyncset.done $0x0  }
0x203: {  	[sflag:s24] =	ssyncadd.s32 $0xFFFFFF80  }
0x204: {  	_ =	swait.ge [sflag:s24], $0x80  }
0x205: {  	[sflag:s24] =	ssyncset.done $0x0  }
0x206: {  	[sflag:s24] =	ssyncadd.s32 $0xFFFFFF80  }
0x207: {  	_ =	swait.ge [sflag:s24], $0x80  }
0x208: {  	[sflag:s24] =	ssyncset.done $0x0  }
0x209: {  	[sflag:s24] =	ssyncadd.s32 $0xFFFFFF80  }
0x20a: {  	_ =	swait.ge [sflag:s24], $0x80  }
0x20b: {  	[sflag:s24] =	ssyncset.done $0x0  }
0x20c: {  	[sflag:s24] =	ssyncadd.s32 $0xFFFFFF80  }
0x20d: {  	_ =	swait.ge [sflag:s24], $0x80  }
0x20e: {  	[sflag:s24] =	ssyncset.done $0x0  }
0x20f: {  	[sflag:s24] =	ssyncadd.s32 $0xFFFFFF80  }
0x210: {  	_ =	swait.ge [sflag:s24], $0x80  }
0x211: {  	[sflag:s24] =	ssyncset.done $0x0  }
0x212: {  	[sflag:s24] =	ssyncadd.s32 $0xFFFFFF80  }
0x213: {  	_ =	swait.ge [sflag:s24], $0x80  }
0x214: {  	[sflag:s24] =	ssyncset.done $0x0  }
0x215: {  	[sflag:s24] =	ssyncadd.s32 $0xFFFFFF80  }
0x216: {  	_ =	swait.ge [sflag:s24], $0x80  }
0x217: {  	[sflag:s24] =	ssyncset.done $0x0  }
0x218: {  	[sflag:s24] =	ssyncadd.s32 $0xFFFFFF80  }
0x219: {  	_ =	swait.ge [sflag:s24], $0x80  }
0x21a: {  	[sflag:s24] =	ssyncset.done $0x0  }
0x21b: {  	[sflag:s24] =	ssyncadd.s32 $0xFFFFFF80  }
0x21c: {  	_ =	swait.ge [sflag:s24], $0x80  }
0x21d: {  	[sflag:s24] =	ssyncset.done $0x0  }
0x21e: {  	[sflag:s24] =	ssyncadd.s32 $0xFFFFFF80  }
0x21f: {  	_ =	swait.ge [sflag:s24], $0x80  }
0x220: {  	[sflag:s24] =	ssyncset.done $0x0  }
0x221: {  	[sflag:s24] =	ssyncadd.s32 $0xFFFFFF80  }
0x222: {  	_ =	swait.ge [sflag:s24], $0x80  }
0x223: {  	[sflag:s24] =	ssyncset.done $0x0  }
0x224: {  	[sflag:s24] =	ssyncadd.s32 $0xFFFFFF80  }
0x225: {  	_ =	swait.ge [sflag:s24], $0x80  }
0x226: {  	[sflag:s24] =	ssyncset.done $0x0  }
0x227: {  	[sflag:s24] =	ssyncadd.s32 $0xFFFFFF80  }
0x228: {  	_ =	swait.ge [sflag:s24], $0x80  }
0x229: {  	[sflag:s24] =	ssyncset.done $0x0  }
0x22a: {  	[sflag:s24] =	ssyncadd.s32 $0xFFFFFF80  }
0x22b: {  	_ =	swait.ge [sflag:s21], $0x80  }
0x22c: {  	[sflag:s21] =	ssyncset.done $0x0  }
0x22d: {  	s29 =	simm.s32 $0x0;
	[sflag:s21] =	ssyncadd.s32 $0xFFFFFF80  }
0x22e: {  	v0 =	vld [tilespmem:s29+$0x6800]  }
0x22f: {  	v1 =	vld [tilespmem:s29+$0x4800]  }
0x230: {  	v2 =	vld [tilespmem:s29+$0x800]  }
0x231: {  	v3 =	vld [tilespmem:s29+$0x4880]  }
0x232: {  	v4 =	vld [tilespmem:s29+$0xA00]  }
0x233: {  	v5 =	vld [tilespmem:s29+$0x4900]  }
0x234: {  	v6 =	vld [tilespmem:s29+$0xC00]  }
0x235: {  	v7 =	vld [tilespmem:s29+$0x4980];
	v1 =	vmul.f32 v2, v1  }
0x236: {  	v2 =	vld [tilespmem:s29+$0xE00]  }
0x237: {  	v8 =	vld [tilespmem:s29+$0x4A00];
	v0 =	vadd.f32 v1, v0;
	v1 =	vmul.f32 v4, v3  }
0x238: {  	v3 =	vld [tilespmem:s29+$0x1000]  }
0x239: {  	v4 =	vld [tilespmem:s29+$0x4A80];
	v0 =	vadd.f32 v1, v0;
	v1 =	vmul.f32 v6, v5  }
0x23a: {  	v5 =	vld [tilespmem:s29+$0x1200]  }
0x23b: {  	v6 =	vld [tilespmem:s29+$0x4B00];
	v0 =	vadd.f32 v1, v0;
	v1 =	vmul.f32 v2, v7  }
0x23c: {  	v2 =	vld [tilespmem:s29+$0x1400]  }
0x23d: {  	v7 =	vld [tilespmem:s29+$0x4B80];
	v0 =	vadd.f32 v1, v0;
	v1 =	vmul.f32 v3, v8  }
0x23e: {  	v3 =	vld [tilespmem:s29+$0x1600]  }
0x23f: {  	v8 =	vld [tilespmem:s29+$0x4C00];
	v0 =	vadd.f32 v1, v0;
	v1 =	vmul.f32 v5, v4  }
0x240: {  	v4 =	vld [tilespmem:s29+$0x1800]  }
0x241: {  	v5 =	vld [tilespmem:s29+$0x4C80];
	v0 =	vadd.f32 v1, v0;
	v1 =	vmul.f32 v2, v6  }
0x242: {  	v2 =	vld [tilespmem:s29+$0x1A00]  }
0x243: {  	v6 =	vld [tilespmem:s29+$0x4D00];
	v0 =	vadd.f32 v1, v0;
	v1 =	vmul.f32 v3, v7  }
0x244: {  	v3 =	vld [tilespmem:s29+$0x1C00]  }
0x245: {  	v7 =	vld [tilespmem:s29+$0x4D80];
	v0 =	vadd.f32 v1, v0;
	v1 =	vmul.f32 v4, v8  }
0x246: {  	v4 =	vld [tilespmem:s29+$0x1E00]  }
0x247: {  	v8 =	vld [tilespmem:s29+$0x4E00];
	v0 =	vadd.f32 v1, v0;
	v1 =	vmul.f32 v2, v5  }
0x248: {  	v5 =	vld [tilespmem:s29+$0x2000]  }
0x249: {  	v9 =	vld [tilespmem:s29+$0x4E80];
	v2 =	vmul.f32 v3, v6;
	v0 =	vadd.f32 v1, v0  }
0x24a: {  	v10 =	vld [tilespmem:s29+$0x2200]  }
0x24b: {  	v3 =	vld [tilespmem:s29+$0x2400];
	v4 =	vmul.f32 v4, v7;
	v0 =	vadd.f32 v2, v0  }
0x24c: {  	v1 =	vld [tilespmem:s29+$0x4F00]  }
0x24d: {  	v2 =	vld [tilespmem:s29+$0x4F80];
	v6 =	vmul.f32 v5, v8;
	v4 =	vadd.f32 v4, v0  }
0x24e: {  	s31 =	simm.s32 $0x10;
	v5 =	vld [tilespmem:s29+$0x2600]  }
0x24f: {  	v7 =	vmul.f32 v10, v9;
	v0 =	vld [tilespmem:s31+$0x6800];
	v6 =	vadd.f32 v6, v4  }
0x250: {  	s30 =	simm.s32 $0x0;
	s0 =	simm.s32 $0x80;
	v4 =	vld [tilespmem:s31+$0x4800]  }
.LBB2_10:
0x251: {  	p0 =	sne.s32 s0, $0x1C0;
	v8 =	vld [tilespmem:s31+$0x800];
	v6 =	vadd.f32 v7, v6;
	v1 =	vmul.f32 v3, v1  }
0x252: {  	v3 =	vld [tilespmem:s31+$0x4880]  }
0x253: {  	v7 =	vld [tilespmem:s31+$0xA00];
	v1 =	vadd.f32 v1, v6;
	v2 =	vmul.f32 v5, v2  }
0x254: {  	v5 =	vld [tilespmem:s31+$0x4900]  }
0x255: {  	v6 =	vld [tilespmem:s31+$0xC00];
	v1 =	vadd.f32 v2, v1  }
0x256: {  	v2 =	vmul.f32 v8, v4;
	v4 =	vld [tilespmem:s31+$0x4980]  }
0x257: {  	v8 =	vld [tilespmem:s31+$0xE00];
	[tilespmem:s30+$0x6A00] =	vst v1;
	s30 =	smov.u32 s31  }
0x258: {  	v0 =	vadd.f32 v2, v0;
	v1 =	vmul.f32 v7, v3;
	v2 =	vld [tilespmem:s30+$0x4A00]  }
0x259: {  	v3 =	vld [tilespmem:s30+$0x1000]  }
0x25a: {  	v0 =	vadd.f32 v1, v0;
	v1 =	vmul.f32 v6, v5;
	v5 =	vld [tilespmem:s30+$0x4A80]  }
0x25b: {  	v6 =	vld [tilespmem:s30+$0x1200]  }
0x25c: {  	v0 =	vadd.f32 v1, v0;
	v1 =	vmul.f32 v8, v4;
	v4 =	vld [tilespmem:s30+$0x4B00]  }
0x25d: {  	v7 =	vld [tilespmem:s30+$0x1400]  }
0x25e: {  	v0 =	vadd.f32 v1, v0;
	v1 =	vmul.f32 v3, v2;
	v2 =	vld [tilespmem:s30+$0x4B80]  }
0x25f: {  	v3 =	vld [tilespmem:s30+$0x1600]  }
0x260: {  	v0 =	vadd.f32 v1, v0;
	v1 =	vmul.f32 v6, v5;
	v5 =	vld [tilespmem:s30+$0x4C00]  }
0x261: {  	v6 =	vld [tilespmem:s30+$0x1800]  }
0x262: {  	v0 =	vadd.f32 v1, v0;
	v1 =	vmul.f32 v7, v4;
	v4 =	vld [tilespmem:s30+$0x4C80]  }
0x263: {  	v7 =	vld [tilespmem:s30+$0x1A00]  }
0x264: {  	v0 =	vadd.f32 v1, v0;
	v1 =	vmul.f32 v3, v2;
	v2 =	vld [tilespmem:s30+$0x4D00]  }
0x265: {  	v3 =	vld [tilespmem:s30+$0x1C00]  }
0x266: {  	v0 =	vadd.f32 v1, v0;
	v1 =	vmul.f32 v6, v5;
	v5 =	vld [tilespmem:s30+$0x4D80]  }
0x267: {  	v6 =	vld [tilespmem:s30+$0x1E00]  }
0x268: {  	v0 =	vadd.f32 v1, v0;
	v1 =	vmul.f32 v7, v4;
	v4 =	vld [tilespmem:s30+$0x4E00]  }
0x269: {  	v7 =	vld [tilespmem:s30+$0x2000]  }
0x26a: {  	v0 =	vadd.f32 v1, v0;
	v1 =	vmul.f32 v3, v2;
	v8 =	vld [tilespmem:s30+$0x4E80]  }
0x26b: {  	v9 =	vld [tilespmem:s30+$0x2200]  }
0x26c: {  	v0 =	vadd.f32 v1, v0;
	v2 =	vmul.f32 v6, v5;
	v1 =	vld [tilespmem:s30+$0x4F00]  }
.Ltmp4:
0x26d: {  	v3 =	vld [tilespmem:s30+$0x2400];
	(pc) =	sbr.rel @p0 .LBB2_10-.Ltmp4, $4  }
0x26e: {  	v6 =	vadd.f32 v2, v0;
	v4 =	vmul.f32 v7, v4;
	v2 =	vld [tilespmem:s30+$0x4F80]  }
0x26f: {  	s31 =	sshra.s32 s0, $0x2;
	v5 =	vld [tilespmem:s30+$0x2600]  }
0x270: {  	v0 =	vld [tilespmem:s31+$0x6800];
	v6 =	vadd.f32 v4, v6;
	v7 =	vmul.f32 v9, v8  }
0x271: {  	s0 =	sadd.s32 $0x40, s0;
	v4 =	vld [tilespmem:s31+$0x4800]  }
0x272: {  	v8 =	vld [tilespmem:s31+$0x800];
	v6 =	vadd.f32 v7, v6;
	v1 =	vmul.f32 v3, v1  }
0x273: {  	v3 =	vld [tilespmem:s31+$0x4880]  }
0x274: {  	v7 =	vld [tilespmem:s31+$0xA00];
	v1 =	vadd.f32 v1, v6;
	v2 =	vmul.f32 v5, v2  }
0x275: {  	v5 =	vld [tilespmem:s31+$0x4900]  }
0x276: {  	v6 =	vld [tilespmem:s31+$0xC00];
	v1 =	vadd.f32 v2, v1  }
0x277: {  	v2 =	vld [tilespmem:s31+$0x4980];
	v4 =	vmul.f32 v8, v4  }
0x278: {  	v8 =	vld [tilespmem:s31+$0xE00];
	[tilespmem:s30+$0x6A00] =	vst v1  }
0x279: {  	v1 =	vmul.f32 v7, v3;
	v0 =	vadd.f32 v4, v0;
	v3 =	vld [tilespmem:s31+$0x4A00]  }
0x27a: {  	v4 =	vld [tilespmem:s31+$0x1000]  }
0x27b: {  	v0 =	vadd.f32 v1, v0;
	v1 =	vmul.f32 v6, v5;
	v5 =	vld [tilespmem:s31+$0x4A80]  }
0x27c: {  	v6 =	vld [tilespmem:s31+$0x1200]  }
0x27d: {  	v7 =	vld [tilespmem:s31+$0x1400];
	v0 =	vadd.f32 v1, v0;
	v1 =	vmul.f32 v8, v2  }
0x27e: {  	v2 =	vld [tilespmem:s31+$0x4B00]  }
0x27f: {  	v0 =	vadd.f32 v1, v0;
	v1 =	vmul.f32 v4, v3;
	v3 =	vld [tilespmem:s31+$0x4B80]  }
0x280: {  	v4 =	vld [tilespmem:s31+$0x1600]  }
0x281: {  	v0 =	vadd.f32 v1, v0;
	v1 =	vmul.f32 v6, v5;
	v5 =	vld [tilespmem:s31+$0x4C00]  }
0x282: {  	v6 =	vld [tilespmem:s31+$0x1800]  }
0x283: {  	v0 =	vadd.f32 v1, v0;
	v1 =	vmul.f32 v7, v2;
	v2 =	vld [tilespmem:s31+$0x4C80]  }
0x284: {  	v7 =	vld [tilespmem:s31+$0x1A00]  }
0x285: {  	v0 =	vadd.f32 v1, v0;
	v1 =	vmul.f32 v4, v3;
	v3 =	vld [tilespmem:s31+$0x4D00]  }
0x286: {  	v4 =	vld [tilespmem:s31+$0x1C00]  }
0x287: {  	v0 =	vadd.f32 v1, v0;
	v1 =	vmul.f32 v6, v5;
	v5 =	vld [tilespmem:s31+$0x4D80]  }
0x288: {  	v6 =	vld [tilespmem:s31+$0x1E00]  }
0x289: {  	v0 =	vadd.f32 v1, v0;
	v1 =	vmul.f32 v7, v2;
	v2 =	vld [tilespmem:s31+$0x4E00]  }
0x28a: {  	v7 =	vld [tilespmem:s31+$0x2000]  }
0x28b: {  	v0 =	vadd.f32 v1, v0;
	v1 =	vmul.f32 v4, v3;
	v3 =	vld [tilespmem:s31+$0x4E80]  }
0x28c: {  	v4 =	vld [tilespmem:s31+$0x2200]  }
0x28d: {  	v0 =	vadd.f32 v1, v0;
	v1 =	vmul.f32 v6, v5;
	v5 =	vld [tilespmem:s31+$0x4F00]  }
0x28e: {  	v6 =	vld [tilespmem:s31+$0x2400]  }
0x28f: {  	v0 =	vadd.f32 v1, v0;
	v1 =	vmul.f32 v7, v2;
	v2 =	vld [tilespmem:s31+$0x4F80]  }
0x290: {  	v7 =	vld [tilespmem:s31+$0x2600]  }
0x291: {  	v0 =	vadd.f32 v1, v0;
	v1 =	vmul.f32 v4, v3;
	_ =	sdelay $0x1  }
0x292: {  	v0 =	vadd.f32 v1, v0;
	v1 =	vmul.f32 v6, v5;
	_ =	sdelay $0x1  }
0x293: {  	v0 =	vadd.f32 v1, v0;
	v1 =	vmul.f32 v7, v2;
	_ =	sdelay $0x1  }
0x294: {  	v0 =	vadd.f32 v1, v0;
	_ =	sdelay $0x1  }
0x295: {  	[tilespmem:s31+$0x6A00] =	vst v0  }
0x296: {  	v0 =	vld [tilespmem:s29+$0x6880]  }
0x297: {  	v1 =	vld [tilespmem:s29+$0x5000]  }
0x298: {  	v2 =	vld [tilespmem:s29+$0x880]  }
0x299: {  	v3 =	vld [tilespmem:s29+$0x5080]  }
0x29a: {  	v4 =	vld [tilespmem:s29+$0xA80]  }
0x29b: {  	v5 =	vld [tilespmem:s29+$0x5100]  }
0x29c: {  	v6 =	vld [tilespmem:s29+$0xC80]  }
0x29d: {  	v7 =	vld [tilespmem:s29+$0x5180];
	v1 =	vmul.f32 v2, v1  }
0x29e: {  	v2 =	vld [tilespmem:s29+$0xE80]  }
0x29f: {  	v8 =	vld [tilespmem:s29+$0x5200];
	v0 =	vadd.f32 v1, v0;
	v1 =	vmul.f32 v4, v3  }
0x2a0: {  	v3 =	vld [tilespmem:s29+$0x1080]  }
0x2a1: {  	v4 =	vld [tilespmem:s29+$0x5280];
	v0 =	vadd.f32 v1, v0;
	v1 =	vmul.f32 v6, v5  }
0x2a2: {  	v5 =	vld [tilespmem:s29+$0x1280]  }
0x2a3: {  	v6 =	vld [tilespmem:s29+$0x5300];
	v0 =	vadd.f32 v1, v0;
	v1 =	vmul.f32 v2, v7  }
0x2a4: {  	v2 =	vld [tilespmem:s29+$0x1480]  }
0x2a5: {  	v7 =	vld [tilespmem:s29+$0x5380];
	v0 =	vadd.f32 v1, v0;
	v1 =	vmul.f32 v3, v8  }
0x2a6: {  	v3 =	vld [tilespmem:s29+$0x1680]  }
0x2a7: {  	v8 =	vld [tilespmem:s29+$0x5400];
	v0 =	vadd.f32 v1, v0;
	v1 =	vmul.f32 v5, v4  }
0x2a8: {  	v4 =	vld [tilespmem:s29+$0x1880]  }
0x2a9: {  	v5 =	vld [tilespmem:s29+$0x5480];
	v0 =	vadd.f32 v1, v0;
	v1 =	vmul.f32 v2, v6  }
0x2aa: {  	v2 =	vld [tilespmem:s29+$0x1A80]  }
0x2ab: {  	v6 =	vld [tilespmem:s29+$0x5500];
	v0 =	vadd.f32 v1, v0;
	v1 =	vmul.f32 v3, v7  }
0x2ac: {  	v3 =	vld [tilespmem:s29+$0x1C80]  }
0x2ad: {  	v7 =	vld [tilespmem:s29+$0x5580];
	v0 =	vadd.f32 v1, v0;
	v1 =	vmul.f32 v4, v8  }
0x2ae: {  	v4 =	vld [tilespmem:s29+$0x1E80]  }
0x2af: {  	v8 =	vld [tilespmem:s29+$0x5600];
	v0 =	vadd.f32 v1, v0;
	v1 =	vmul.f32 v2, v5  }
0x2b0: {  	v5 =	vld [tilespmem:s29+$0x2080]  }
0x2b1: {  	v9 =	vld [tilespmem:s29+$0x5680];
	v2 =	vmul.f32 v3, v6;
	v0 =	vadd.f32 v1, v0  }
0x2b2: {  	v10 =	vld [tilespmem:s29+$0x2280]  }
0x2b3: {  	v3 =	vld [tilespmem:s29+$0x2480];
	v4 =	vmul.f32 v4, v7;
	v0 =	vadd.f32 v2, v0  }
0x2b4: {  	v1 =	vld [tilespmem:s29+$0x5700]  }
0x2b5: {  	v2 =	vld [tilespmem:s29+$0x5780];
	v6 =	vmul.f32 v5, v8;
	v4 =	vadd.f32 v4, v0  }
0x2b6: {  	s30 =	simm.s32 $0x10;
	v5 =	vld [tilespmem:s29+$0x2680]  }
0x2b7: {  	v7 =	vmul.f32 v10, v9;
	v0 =	vld [tilespmem:s30+$0x6880];
	v6 =	vadd.f32 v6, v4  }
0x2b8: {  	s0 =	simm.s32 $0x80;
	v4 =	vld [tilespmem:s30+$0x5000]  }
.LBB2_12:
0x2b9: {  	p0 =	sne.s32 s0, $0x1C0;
	v8 =	vld [tilespmem:s30+$0x880];
	v6 =	vadd.f32 v7, v6;
	v1 =	vmul.f32 v3, v1  }
0x2ba: {  	v3 =	vld [tilespmem:s30+$0x5080]  }
0x2bb: {  	v7 =	vld [tilespmem:s30+$0xA80];
	v1 =	vadd.f32 v1, v6;
	v2 =	vmul.f32 v5, v2  }
0x2bc: {  	v5 =	vld [tilespmem:s30+$0x5100]  }
0x2bd: {  	v6 =	vld [tilespmem:s30+$0xC80];
	v1 =	vadd.f32 v2, v1  }
0x2be: {  	v2 =	vmul.f32 v8, v4;
	v4 =	vld [tilespmem:s30+$0x5180]  }
0x2bf: {  	v8 =	vld [tilespmem:s30+$0xE80];
	[tilespmem:s29+$0x6A80] =	vst v1;
	s29 =	smov.u32 s30  }
0x2c0: {  	v0 =	vadd.f32 v2, v0;
	v1 =	vmul.f32 v7, v3;
	v2 =	vld [tilespmem:s29+$0x5200]  }
0x2c1: {  	v3 =	vld [tilespmem:s29+$0x1080]  }
0x2c2: {  	v0 =	vadd.f32 v1, v0;
	v1 =	vmul.f32 v6, v5;
	v5 =	vld [tilespmem:s29+$0x5280]  }
0x2c3: {  	v6 =	vld [tilespmem:s29+$0x1280]  }
0x2c4: {  	v0 =	vadd.f32 v1, v0;
	v1 =	vmul.f32 v8, v4;
	v4 =	vld [tilespmem:s29+$0x5300]  }
0x2c5: {  	v7 =	vld [tilespmem:s29+$0x1480]  }
0x2c6: {  	v0 =	vadd.f32 v1, v0;
	v1 =	vmul.f32 v3, v2;
	v2 =	vld [tilespmem:s29+$0x5380]  }
0x2c7: {  	v3 =	vld [tilespmem:s29+$0x1680]  }
0x2c8: {  	v0 =	vadd.f32 v1, v0;
	v1 =	vmul.f32 v6, v5;
	v5 =	vld [tilespmem:s29+$0x5400]  }
0x2c9: {  	v6 =	vld [tilespmem:s29+$0x1880]  }
0x2ca: {  	v0 =	vadd.f32 v1, v0;
	v1 =	vmul.f32 v7, v4;
	v4 =	vld [tilespmem:s29+$0x5480]  }
0x2cb: {  	v7 =	vld [tilespmem:s29+$0x1A80]  }
0x2cc: {  	v0 =	vadd.f32 v1, v0;
	v1 =	vmul.f32 v3, v2;
	v2 =	vld [tilespmem:s29+$0x5500]  }
0x2cd: {  	v3 =	vld [tilespmem:s29+$0x1C80]  }
0x2ce: {  	v0 =	vadd.f32 v1, v0;
	v1 =	vmul.f32 v6, v5;
	v5 =	vld [tilespmem:s29+$0x5580]  }
0x2cf: {  	v6 =	vld [tilespmem:s29+$0x1E80]  }
0x2d0: {  	v0 =	vadd.f32 v1, v0;
	v1 =	vmul.f32 v7, v4;
	v4 =	vld [tilespmem:s29+$0x5600]  }
0x2d1: {  	v7 =	vld [tilespmem:s29+$0x2080]  }
0x2d2: {  	v0 =	vadd.f32 v1, v0;
	v1 =	vmul.f32 v3, v2;
	v8 =	vld [tilespmem:s29+$0x5680]  }
0x2d3: {  	v9 =	vld [tilespmem:s29+$0x2280]  }
0x2d4: {  	v0 =	vadd.f32 v1, v0;
	v2 =	vmul.f32 v6, v5;
	v1 =	vld [tilespmem:s29+$0x5700]  }
.Ltmp5:
0x2d5: {  	v3 =	vld [tilespmem:s29+$0x2480];
	(pc) =	sbr.rel @p0 .LBB2_12-.Ltmp5, $4  }
0x2d6: {  	v6 =	vadd.f32 v2, v0;
	v4 =	vmul.f32 v7, v4;
	v2 =	vld [tilespmem:s29+$0x5780]  }
0x2d7: {  	s30 =	sshra.s32 s0, $0x2;
	v5 =	vld [tilespmem:s29+$0x2680]  }
0x2d8: {  	v0 =	vld [tilespmem:s30+$0x6880];
	v6 =	vadd.f32 v4, v6;
	v7 =	vmul.f32 v9, v8  }
0x2d9: {  	s0 =	sadd.s32 $0x40, s0;
	v4 =	vld [tilespmem:s30+$0x5000]  }
0x2da: {  	v8 =	vld [tilespmem:s30+$0x880];
	v6 =	vadd.f32 v7, v6;
	v1 =	vmul.f32 v3, v1  }
0x2db: {  	v3 =	vld [tilespmem:s30+$0x5080]  }
0x2dc: {  	v7 =	vld [tilespmem:s30+$0xA80];
	v1 =	vadd.f32 v1, v6;
	v2 =	vmul.f32 v5, v2  }
0x2dd: {  	v5 =	vld [tilespmem:s30+$0x5100]  }
0x2de: {  	v6 =	vld [tilespmem:s30+$0xC80];
	v1 =	vadd.f32 v2, v1  }
0x2df: {  	v2 =	vld [tilespmem:s30+$0x5180];
	v4 =	vmul.f32 v8, v4  }
0x2e0: {  	v8 =	vld [tilespmem:s30+$0xE80];
	[tilespmem:s29+$0x6A80] =	vst v1  }
0x2e1: {  	v1 =	vmul.f32 v7, v3;
	v0 =	vadd.f32 v4, v0;
	v3 =	vld [tilespmem:s30+$0x5200]  }
0x2e2: {  	v4 =	vld [tilespmem:s30+$0x1080]  }
0x2e3: {  	v0 =	vadd.f32 v1, v0;
	v1 =	vmul.f32 v6, v5;
	v5 =	vld [tilespmem:s30+$0x5280]  }
0x2e4: {  	v6 =	vld [tilespmem:s30+$0x1280]  }
0x2e5: {  	v7 =	vld [tilespmem:s30+$0x1480];
	v0 =	vadd.f32 v1, v0;
	v1 =	vmul.f32 v8, v2  }
0x2e6: {  	v2 =	vld [tilespmem:s30+$0x5300]  }
0x2e7: {  	v0 =	vadd.f32 v1, v0;
	v1 =	vmul.f32 v4, v3;
	v3 =	vld [tilespmem:s30+$0x5380]  }
0x2e8: {  	v4 =	vld [tilespmem:s30+$0x1680]  }
0x2e9: {  	v0 =	vadd.f32 v1, v0;
	v1 =	vmul.f32 v6, v5;
	v5 =	vld [tilespmem:s30+$0x5400]  }
0x2ea: {  	v6 =	vld [tilespmem:s30+$0x1880]  }
0x2eb: {  	v0 =	vadd.f32 v1, v0;
	v1 =	vmul.f32 v7, v2;
	v2 =	vld [tilespmem:s30+$0x5480]  }
0x2ec: {  	v7 =	vld [tilespmem:s30+$0x1A80]  }
0x2ed: {  	v0 =	vadd.f32 v1, v0;
	v1 =	vmul.f32 v4, v3;
	v3 =	vld [tilespmem:s30+$0x5500]  }
0x2ee: {  	v4 =	vld [tilespmem:s30+$0x1C80]  }
0x2ef: {  	v0 =	vadd.f32 v1, v0;
	v1 =	vmul.f32 v6, v5;
	v5 =	vld [tilespmem:s30+$0x5580]  }
0x2f0: {  	v6 =	vld [tilespmem:s30+$0x1E80]  }
0x2f1: {  	v0 =	vadd.f32 v1, v0;
	v1 =	vmul.f32 v7, v2;
	v2 =	vld [tilespmem:s30+$0x5600]  }
0x2f2: {  	v7 =	vld [tilespmem:s30+$0x2080]  }
0x2f3: {  	v0 =	vadd.f32 v1, v0;
	v1 =	vmul.f32 v4, v3;
	v3 =	vld [tilespmem:s30+$0x5680]  }
0x2f4: {  	v4 =	vld [tilespmem:s30+$0x2280]  }
0x2f5: {  	v0 =	vadd.f32 v1, v0;
	v1 =	vmul.f32 v6, v5;
	v5 =	vld [tilespmem:s30+$0x5700]  }
0x2f6: {  	v6 =	vld [tilespmem:s30+$0x2480]  }
0x2f7: {  	v0 =	vadd.f32 v1, v0;
	v1 =	vmul.f32 v7, v2;
	v2 =	vld [tilespmem:s30+$0x5780]  }
0x2f8: {  	v7 =	vld [tilespmem:s30+$0x2680]  }
0x2f9: {  	v0 =	vadd.f32 v1, v0;
	v1 =	vmul.f32 v4, v3;
	_ =	sdelay $0x1  }
0x2fa: {  	v0 =	vadd.f32 v1, v0;
	v1 =	vmul.f32 v6, v5;
	_ =	sdelay $0x1  }
0x2fb: {  	v0 =	vadd.f32 v1, v0;
	v1 =	vmul.f32 v7, v2;
	_ =	sdelay $0x1  }
0x2fc: {  	v0 =	vadd.f32 v1, v0;
	_ =	sdelay $0x1  }
0x2fd: {  	s29 =	simm.s32 $0x0;
	[tilespmem:s30+$0x6A80] =	vst v0  }
0x2fe: {  	v0 =	vld [tilespmem:s29+$0x6900]  }
0x2ff: {  	v1 =	vld [tilespmem:s29+$0x5800]  }
0x300: {  	v2 =	vld [tilespmem:s29+$0x900]  }
0x301: {  	v3 =	vld [tilespmem:s29+$0x5880]  }
0x302: {  	v4 =	vld [tilespmem:s29+$0xB00]  }
0x303: {  	v5 =	vld [tilespmem:s29+$0x5900]  }
0x304: {  	v6 =	vld [tilespmem:s29+$0xD00]  }
0x305: {  	v7 =	vld [tilespmem:s29+$0x5980];
	v1 =	vmul.f32 v2, v1  }
0x306: {  	v2 =	vld [tilespmem:s29+$0xF00]  }
0x307: {  	v8 =	vld [tilespmem:s29+$0x5A00];
	v0 =	vadd.f32 v1, v0;
	v1 =	vmul.f32 v4, v3  }
0x308: {  	v3 =	vld [tilespmem:s29+$0x1100]  }
0x309: {  	v4 =	vld [tilespmem:s29+$0x5A80];
	v0 =	vadd.f32 v1, v0;
	v1 =	vmul.f32 v6, v5  }
0x30a: {  	v5 =	vld [tilespmem:s29+$0x1300]  }
0x30b: {  	v6 =	vld [tilespmem:s29+$0x5B00];
	v0 =	vadd.f32 v1, v0;
	v1 =	vmul.f32 v2, v7  }
0x30c: {  	v2 =	vld [tilespmem:s29+$0x1500]  }
0x30d: {  	v7 =	vld [tilespmem:s29+$0x5B80];
	v0 =	vadd.f32 v1, v0;
	v1 =	vmul.f32 v3, v8  }
0x30e: {  	v3 =	vld [tilespmem:s29+$0x1700]  }
0x30f: {  	v8 =	vld [tilespmem:s29+$0x5C00];
	v0 =	vadd.f32 v1, v0;
	v1 =	vmul.f32 v5, v4  }
0x310: {  	v4 =	vld [tilespmem:s29+$0x1900]  }
0x311: {  	v5 =	vld [tilespmem:s29+$0x5C80];
	v0 =	vadd.f32 v1, v0;
	v1 =	vmul.f32 v2, v6  }
0x312: {  	v2 =	vld [tilespmem:s29+$0x1B00]  }
0x313: {  	v6 =	vld [tilespmem:s29+$0x5D00];
	v0 =	vadd.f32 v1, v0;
	v1 =	vmul.f32 v3, v7  }
0x314: {  	v3 =	vld [tilespmem:s29+$0x1D00]  }
0x315: {  	v7 =	vld [tilespmem:s29+$0x5D80];
	v0 =	vadd.f32 v1, v0;
	v1 =	vmul.f32 v4, v8  }
0x316: {  	v4 =	vld [tilespmem:s29+$0x1F00]  }
0x317: {  	v8 =	vld [tilespmem:s29+$0x5E00];
	v0 =	vadd.f32 v1, v0;
	v1 =	vmul.f32 v2, v5  }
0x318: {  	v5 =	vld [tilespmem:s29+$0x2100]  }
0x319: {  	v9 =	vld [tilespmem:s29+$0x5E80];
	v2 =	vmul.f32 v3, v6;
	v0 =	vadd.f32 v1, v0  }
0x31a: {  	v10 =	vld [tilespmem:s29+$0x2300]  }
0x31b: {  	v3 =	vld [tilespmem:s29+$0x2500];
	v4 =	vmul.f32 v4, v7;
	v0 =	vadd.f32 v2, v0  }
0x31c: {  	v1 =	vld [tilespmem:s29+$0x5F00]  }
0x31d: {  	v2 =	vld [tilespmem:s29+$0x5F80];
	v6 =	vmul.f32 v5, v8;
	v4 =	vadd.f32 v4, v0  }
0x31e: {  	s31 =	simm.s32 $0x10;
	v5 =	vld [tilespmem:s29+$0x2700]  }
0x31f: {  	v7 =	vmul.f32 v10, v9;
	v0 =	vld [tilespmem:s31+$0x6900];
	v6 =	vadd.f32 v6, v4  }
0x320: {  	s0 =	simm.s32 $0x80;
	s30 =	simm.s32 $0x0;
	v4 =	vld [tilespmem:s31+$0x5800]  }
.LBB2_14:
0x321: {  	p0 =	sne.s32 s0, $0x1C0;
	v8 =	vld [tilespmem:s31+$0x900];
	v6 =	vadd.f32 v7, v6;
	v1 =	vmul.f32 v3, v1  }
0x322: {  	v3 =	vld [tilespmem:s31+$0x5880]  }
0x323: {  	v7 =	vld [tilespmem:s31+$0xB00];
	v1 =	vadd.f32 v1, v6;
	v2 =	vmul.f32 v5, v2  }
0x324: {  	v5 =	vld [tilespmem:s31+$0x5900]  }
0x325: {  	v6 =	vld [tilespmem:s31+$0xD00];
	v1 =	vadd.f32 v2, v1  }
0x326: {  	v2 =	vmul.f32 v8, v4;
	v4 =	vld [tilespmem:s31+$0x5980]  }
0x327: {  	v8 =	vld [tilespmem:s31+$0xF00];
	[tilespmem:s30+$0x6B00] =	vst v1;
	s30 =	smov.u32 s31  }
0x328: {  	v0 =	vadd.f32 v2, v0;
	v1 =	vmul.f32 v7, v3;
	v2 =	vld [tilespmem:s30+$0x5A00]  }
0x329: {  	v3 =	vld [tilespmem:s30+$0x1100]  }
0x32a: {  	v0 =	vadd.f32 v1, v0;
	v1 =	vmul.f32 v6, v5;
	v5 =	vld [tilespmem:s30+$0x5A80]  }
0x32b: {  	v6 =	vld [tilespmem:s30+$0x1300]  }
0x32c: {  	v0 =	vadd.f32 v1, v0;
	v1 =	vmul.f32 v8, v4;
	v4 =	vld [tilespmem:s30+$0x5B00]  }
0x32d: {  	v7 =	vld [tilespmem:s30+$0x1500]  }
0x32e: {  	v0 =	vadd.f32 v1, v0;
	v1 =	vmul.f32 v3, v2;
	v2 =	vld [tilespmem:s30+$0x5B80]  }
0x32f: {  	v3 =	vld [tilespmem:s30+$0x1700]  }
0x330: {  	v0 =	vadd.f32 v1, v0;
	v1 =	vmul.f32 v6, v5;
	v5 =	vld [tilespmem:s30+$0x5C00]  }
0x331: {  	v6 =	vld [tilespmem:s30+$0x1900]  }
0x332: {  	v0 =	vadd.f32 v1, v0;
	v1 =	vmul.f32 v7, v4;
	v4 =	vld [tilespmem:s30+$0x5C80]  }
0x333: {  	v7 =	vld [tilespmem:s30+$0x1B00]  }
0x334: {  	v0 =	vadd.f32 v1, v0;
	v1 =	vmul.f32 v3, v2;
	v2 =	vld [tilespmem:s30+$0x5D00]  }
0x335: {  	v3 =	vld [tilespmem:s30+$0x1D00]  }
0x336: {  	v0 =	vadd.f32 v1, v0;
	v1 =	vmul.f32 v6, v5;
	v5 =	vld [tilespmem:s30+$0x5D80]  }
0x337: {  	v6 =	vld [tilespmem:s30+$0x1F00]  }
0x338: {  	v0 =	vadd.f32 v1, v0;
	v1 =	vmul.f32 v7, v4;
	v4 =	vld [tilespmem:s30+$0x5E00]  }
0x339: {  	v7 =	vld [tilespmem:s30+$0x2100]  }
0x33a: {  	v0 =	vadd.f32 v1, v0;
	v1 =	vmul.f32 v3, v2;
	v8 =	vld [tilespmem:s30+$0x5E80]  }
0x33b: {  	v9 =	vld [tilespmem:s30+$0x2300]  }
0x33c: {  	v0 =	vadd.f32 v1, v0;
	v2 =	vmul.f32 v6, v5;
	v1 =	vld [tilespmem:s30+$0x5F00]  }
.Ltmp6:
0x33d: {  	v3 =	vld [tilespmem:s30+$0x2500];
	(pc) =	sbr.rel @p0 .LBB2_14-.Ltmp6, $4  }
0x33e: {  	v6 =	vadd.f32 v2, v0;
	v4 =	vmul.f32 v7, v4;
	v2 =	vld [tilespmem:s30+$0x5F80]  }
0x33f: {  	s31 =	sshra.s32 s0, $0x2;
	v5 =	vld [tilespmem:s30+$0x2700]  }
0x340: {  	v0 =	vld [tilespmem:s31+$0x6900];
	v6 =	vadd.f32 v4, v6;
	v7 =	vmul.f32 v9, v8  }
0x341: {  	s0 =	sadd.s32 $0x40, s0;
	v4 =	vld [tilespmem:s31+$0x5800]  }
0x342: {  	v8 =	vld [tilespmem:s31+$0x900];
	v6 =	vadd.f32 v7, v6;
	v1 =	vmul.f32 v3, v1  }
0x343: {  	v3 =	vld [tilespmem:s31+$0x5880]  }
0x344: {  	v7 =	vld [tilespmem:s31+$0xB00];
	v1 =	vadd.f32 v1, v6;
	v2 =	vmul.f32 v5, v2  }
0x345: {  	v5 =	vld [tilespmem:s31+$0x5900]  }
0x346: {  	v6 =	vld [tilespmem:s31+$0xD00];
	v1 =	vadd.f32 v2, v1  }
0x347: {  	v2 =	vld [tilespmem:s31+$0x5980];
	v4 =	vmul.f32 v8, v4  }
0x348: {  	v8 =	vld [tilespmem:s31+$0xF00];
	[tilespmem:s30+$0x6B00] =	vst v1  }
0x349: {  	v1 =	vmul.f32 v7, v3;
	v0 =	vadd.f32 v4, v0;
	v3 =	vld [tilespmem:s31+$0x5A00]  }
0x34a: {  	v4 =	vld [tilespmem:s31+$0x1100]  }
0x34b: {  	v0 =	vadd.f32 v1, v0;
	v1 =	vmul.f32 v6, v5;
	v5 =	vld [tilespmem:s31+$0x5A80]  }
0x34c: {  	v6 =	vld [tilespmem:s31+$0x1300]  }
0x34d: {  	v7 =	vld [tilespmem:s31+$0x1500];
	v0 =	vadd.f32 v1, v0;
	v1 =	vmul.f32 v8, v2  }
0x34e: {  	v2 =	vld [tilespmem:s31+$0x5B00]  }
0x34f: {  	v0 =	vadd.f32 v1, v0;
	v1 =	vmul.f32 v4, v3;
	v3 =	vld [tilespmem:s31+$0x5B80]  }
0x350: {  	v4 =	vld [tilespmem:s31+$0x1700]  }
0x351: {  	v0 =	vadd.f32 v1, v0;
	v1 =	vmul.f32 v6, v5;
	v5 =	vld [tilespmem:s31+$0x5C00]  }
0x352: {  	v6 =	vld [tilespmem:s31+$0x1900]  }
0x353: {  	v0 =	vadd.f32 v1, v0;
	v1 =	vmul.f32 v7, v2;
	v2 =	vld [tilespmem:s31+$0x5C80]  }
0x354: {  	v7 =	vld [tilespmem:s31+$0x1B00]  }
0x355: {  	v0 =	vadd.f32 v1, v0;
	v1 =	vmul.f32 v4, v3;
	v3 =	vld [tilespmem:s31+$0x5D00]  }
0x356: {  	v4 =	vld [tilespmem:s31+$0x1D00]  }
0x357: {  	v0 =	vadd.f32 v1, v0;
	v1 =	vmul.f32 v6, v5;
	v5 =	vld [tilespmem:s31+$0x5D80]  }
0x358: {  	v6 =	vld [tilespmem:s31+$0x1F00]  }
0x359: {  	v0 =	vadd.f32 v1, v0;
	v1 =	vmul.f32 v7, v2;
	v2 =	vld [tilespmem:s31+$0x5E00]  }
0x35a: {  	v7 =	vld [tilespmem:s31+$0x2100]  }
0x35b: {  	v0 =	vadd.f32 v1, v0;
	v1 =	vmul.f32 v4, v3;
	v3 =	vld [tilespmem:s31+$0x5E80]  }
0x35c: {  	v4 =	vld [tilespmem:s31+$0x2300]  }
0x35d: {  	v0 =	vadd.f32 v1, v0;
	v1 =	vmul.f32 v6, v5;
	v5 =	vld [tilespmem:s31+$0x5F00]  }
0x35e: {  	v6 =	vld [tilespmem:s31+$0x2500]  }
0x35f: {  	v0 =	vadd.f32 v1, v0;
	v1 =	vmul.f32 v7, v2;
	v2 =	vld [tilespmem:s31+$0x5F80]  }
0x360: {  	v7 =	vld [tilespmem:s31+$0x2700]  }
0x361: {  	v0 =	vadd.f32 v1, v0;
	v1 =	vmul.f32 v4, v3;
	_ =	sdelay $0x1  }
0x362: {  	v0 =	vadd.f32 v1, v0;
	v1 =	vmul.f32 v6, v5;
	_ =	sdelay $0x1  }
0x363: {  	v0 =	vadd.f32 v1, v0;
	v1 =	vmul.f32 v7, v2;
	_ =	sdelay $0x1  }
0x364: {  	v0 =	vadd.f32 v1, v0;
	_ =	sdelay $0x1  }
0x365: {  	[tilespmem:s31+$0x6B00] =	vst v0  }
0x366: {  	v0 =	vld [tilespmem:s29+$0x6980]  }
0x367: {  	v1 =	vld [tilespmem:s29+$0x6000]  }
0x368: {  	v2 =	vld [tilespmem:s29+$0x980]  }
0x369: {  	v3 =	vld [tilespmem:s29+$0x6080]  }
0x36a: {  	v4 =	vld [tilespmem:s29+$0xB80]  }
0x36b: {  	v5 =	vld [tilespmem:s29+$0x6100]  }
0x36c: {  	v6 =	vld [tilespmem:s29+$0xD80]  }
0x36d: {  	v7 =	vld [tilespmem:s29+$0x6180];
	v1 =	vmul.f32 v2, v1  }
0x36e: {  	v2 =	vld [tilespmem:s29+$0xF80]  }
0x36f: {  	v8 =	vld [tilespmem:s29+$0x6200];
	v0 =	vadd.f32 v1, v0;
	v1 =	vmul.f32 v4, v3  }
0x370: {  	v3 =	vld [tilespmem:s29+$0x1180]  }
0x371: {  	v4 =	vld [tilespmem:s29+$0x6280];
	v0 =	vadd.f32 v1, v0;
	v1 =	vmul.f32 v6, v5  }
0x372: {  	v5 =	vld [tilespmem:s29+$0x1380]  }
0x373: {  	v6 =	vld [tilespmem:s29+$0x6300];
	v0 =	vadd.f32 v1, v0;
	v1 =	vmul.f32 v2, v7  }
0x374: {  	v2 =	vld [tilespmem:s29+$0x1580]  }
0x375: {  	v7 =	vld [tilespmem:s29+$0x6380];
	v0 =	vadd.f32 v1, v0;
	v1 =	vmul.f32 v3, v8  }
0x376: {  	v3 =	vld [tilespmem:s29+$0x1780]  }
0x377: {  	v8 =	vld [tilespmem:s29+$0x6400];
	v0 =	vadd.f32 v1, v0;
	v1 =	vmul.f32 v5, v4  }
0x378: {  	v4 =	vld [tilespmem:s29+$0x1980]  }
0x379: {  	v5 =	vld [tilespmem:s29+$0x6480];
	v0 =	vadd.f32 v1, v0;
	v1 =	vmul.f32 v2, v6  }
0x37a: {  	v2 =	vld [tilespmem:s29+$0x1B80]  }
0x37b: {  	v6 =	vld [tilespmem:s29+$0x6500];
	v0 =	vadd.f32 v1, v0;
	v1 =	vmul.f32 v3, v7  }
0x37c: {  	v3 =	vld [tilespmem:s29+$0x1D80]  }
0x37d: {  	v7 =	vld [tilespmem:s29+$0x6580];
	v0 =	vadd.f32 v1, v0;
	v1 =	vmul.f32 v4, v8  }
0x37e: {  	v4 =	vld [tilespmem:s29+$0x1F80]  }
0x37f: {  	v8 =	vld [tilespmem:s29+$0x6600];
	v0 =	vadd.f32 v1, v0;
	v1 =	vmul.f32 v2, v5  }
0x380: {  	v5 =	vld [tilespmem:s29+$0x2180]  }
0x381: {  	v9 =	vld [tilespmem:s29+$0x6680];
	v2 =	vmul.f32 v3, v6;
	v0 =	vadd.f32 v1, v0  }
0x382: {  	v10 =	vld [tilespmem:s29+$0x2380]  }
0x383: {  	v3 =	vld [tilespmem:s29+$0x2580];
	v4 =	vmul.f32 v4, v7;
	v0 =	vadd.f32 v2, v0  }
0x384: {  	v1 =	vld [tilespmem:s29+$0x6700]  }
0x385: {  	v2 =	vld [tilespmem:s29+$0x6780];
	v6 =	vmul.f32 v5, v8;
	v4 =	vadd.f32 v4, v0  }
0x386: {  	s30 =	simm.s32 $0x10;
	v5 =	vld [tilespmem:s29+$0x2780]  }
0x387: {  	v7 =	vmul.f32 v10, v9;
	v0 =	vld [tilespmem:s30+$0x6980];
	v6 =	vadd.f32 v6, v4  }
0x388: {  	s0 =	simm.s32 $0x80;
	v4 =	vld [tilespmem:s30+$0x6000]  }
.LBB2_16:
0x389: {  	p0 =	sne.s32 s0, $0x1C0;
	v8 =	vld [tilespmem:s30+$0x980];
	v6 =	vadd.f32 v7, v6;
	v1 =	vmul.f32 v3, v1  }
0x38a: {  	v3 =	vld [tilespmem:s30+$0x6080]  }
0x38b: {  	v7 =	vld [tilespmem:s30+$0xB80];
	v1 =	vadd.f32 v1, v6;
	v2 =	vmul.f32 v5, v2  }
0x38c: {  	v5 =	vld [tilespmem:s30+$0x6100]  }
0x38d: {  	v6 =	vld [tilespmem:s30+$0xD80];
	v1 =	vadd.f32 v2, v1  }
0x38e: {  	v2 =	vmul.f32 v8, v4;
	v4 =	vld [tilespmem:s30+$0x6180]  }
0x38f: {  	v8 =	vld [tilespmem:s30+$0xF80];
	[tilespmem:s29+$0x6B80] =	vst v1;
	s29 =	smov.u32 s30  }
0x390: {  	v0 =	vadd.f32 v2, v0;
	v1 =	vmul.f32 v7, v3;
	v2 =	vld [tilespmem:s29+$0x6200]  }
0x391: {  	v3 =	vld [tilespmem:s29+$0x1180]  }
0x392: {  	v0 =	vadd.f32 v1, v0;
	v1 =	vmul.f32 v6, v5;
	v5 =	vld [tilespmem:s29+$0x6280]  }
0x393: {  	v6 =	vld [tilespmem:s29+$0x1380]  }
0x394: {  	v0 =	vadd.f32 v1, v0;
	v1 =	vmul.f32 v8, v4;
	v4 =	vld [tilespmem:s29+$0x6300]  }
0x395: {  	v7 =	vld [tilespmem:s29+$0x1580]  }
0x396: {  	v0 =	vadd.f32 v1, v0;
	v1 =	vmul.f32 v3, v2;
	v2 =	vld [tilespmem:s29+$0x6380]  }
0x397: {  	v3 =	vld [tilespmem:s29+$0x1780]  }
0x398: {  	v0 =	vadd.f32 v1, v0;
	v1 =	vmul.f32 v6, v5;
	v5 =	vld [tilespmem:s29+$0x6400]  }
0x399: {  	v6 =	vld [tilespmem:s29+$0x1980]  }
0x39a: {  	v0 =	vadd.f32 v1, v0;
	v1 =	vmul.f32 v7, v4;
	v4 =	vld [tilespmem:s29+$0x6480]  }
0x39b: {  	v7 =	vld [tilespmem:s29+$0x1B80]  }
0x39c: {  	v0 =	vadd.f32 v1, v0;
	v1 =	vmul.f32 v3, v2;
	v2 =	vld [tilespmem:s29+$0x6500]  }
0x39d: {  	v3 =	vld [tilespmem:s29+$0x1D80]  }
0x39e: {  	v0 =	vadd.f32 v1, v0;
	v1 =	vmul.f32 v6, v5;
	v5 =	vld [tilespmem:s29+$0x6580]  }
0x39f: {  	v6 =	vld [tilespmem:s29+$0x1F80]  }
0x3a0: {  	v0 =	vadd.f32 v1, v0;
	v1 =	vmul.f32 v7, v4;
	v4 =	vld [tilespmem:s29+$0x6600]  }
0x3a1: {  	v7 =	vld [tilespmem:s29+$0x2180]  }
0x3a2: {  	v0 =	vadd.f32 v1, v0;
	v1 =	vmul.f32 v3, v2;
	v8 =	vld [tilespmem:s29+$0x6680]  }
0x3a3: {  	v9 =	vld [tilespmem:s29+$0x2380]  }
0x3a4: {  	v0 =	vadd.f32 v1, v0;
	v2 =	vmul.f32 v6, v5;
	v1 =	vld [tilespmem:s29+$0x6700]  }
.Ltmp7:
0x3a5: {  	v3 =	vld [tilespmem:s29+$0x2580];
	(pc) =	sbr.rel @p0 .LBB2_16-.Ltmp7, $4  }
0x3a6: {  	v6 =	vadd.f32 v2, v0;
	v4 =	vmul.f32 v7, v4;
	v2 =	vld [tilespmem:s29+$0x6780]  }
0x3a7: {  	s30 =	sshra.s32 s0, $0x2;
	v5 =	vld [tilespmem:s29+$0x2780]  }
0x3a8: {  	v0 =	vld [tilespmem:s30+$0x6980];
	v6 =	vadd.f32 v4, v6;
	v7 =	vmul.f32 v9, v8  }
0x3a9: {  	s0 =	sadd.s32 $0x40, s0;
	v4 =	vld [tilespmem:s30+$0x6000]  }
0x3aa: {  	v8 =	vld [tilespmem:s30+$0x980];
	v6 =	vadd.f32 v7, v6;
	v1 =	vmul.f32 v3, v1  }
0x3ab: {  	v19 =	vld [tilespmem:s30+$0x6080]  }
0x3ac: {  	v20 =	vld [tilespmem:s30+$0xB80];
	v1 =	vadd.f32 v1, v6;
	v2 =	vmul.f32 v5, v2  }
0x3ad: {  	v21 =	vld [tilespmem:s30+$0x6100]  }
0x3ae: {  	v22 =	vld [tilespmem:s30+$0xD80];
	v1 =	vadd.f32 v2, v1  }
0x3af: {  	v23 =	vld [tilespmem:s30+$0x6180];
	v4 =	vmul.f32 v8, v4  }
0x3b0: {  	v24 =	vld [tilespmem:s30+$0xF80];
	[tilespmem:s29+$0x6B80] =	vst v1  }
0x3b1: {  	v25 =	vmul.f32 v20, v19;
	v0 =	vadd.f32 v4, v0;
	v26 =	vld [tilespmem:s30+$0x6200]  }
0x3b2: {  	v27 =	vld [tilespmem:s30+$0x1180]  }
0x3b3: {  	v28 =	vmul.f32 v22, v21;
	v29 =	vld [tilespmem:s30+$0x6280];
	v0 =	vadd.f32 v25, v0  }
0x3b4: {  	v30 =	vld [tilespmem:s30+$0x1380]  }
0x3b5: {  	v31 =	vmul.f32 v24, v23;
	v32 =	vld [tilespmem:s30+$0x6300];
	v0 =	vadd.f32 v28, v0  }
0x3b6: {  	v33 =	vld [tilespmem:s30+$0x1580]  }
0x3b7: {  	v35 =	vld [tilespmem:s30+$0x6380];
	v34 =	vmul.f32 v27, v26;
	v0 =	vadd.f32 v31, v0  }
0x3b8: {  	v36 =	vld [tilespmem:s30+$0x1780]  }
0x3b9: {  	v38 =	vld [tilespmem:s30+$0x6400];
	v37 =	vmul.f32 v30, v29;
	v0 =	vadd.f32 v34, v0  }
0x3ba: {  	v39 =	vld [tilespmem:s30+$0x1980]  }
0x3bb: {  	v41 =	vld [tilespmem:s30+$0x6480];
	v40 =	vmul.f32 v33, v32;
	v0 =	vadd.f32 v37, v0  }
0x3bc: {  	v42 =	vld [tilespmem:s30+$0x1B80]  }
0x3bd: {  	v44 =	vld [tilespmem:s30+$0x6500];
	v43 =	vmul.f32 v36, v35;
	v0 =	vadd.f32 v40, v0  }
0x3be: {  	v45 =	vld [tilespmem:s30+$0x1D80]  }
0x3bf: {  	v47 =	vld [tilespmem:s30+$0x6580];
	v46 =	vmul.f32 v39, v38;
	v0 =	vadd.f32 v43, v0  }
0x3c0: {  	v48 =	vld [tilespmem:s30+$0x1F80]  }
0x3c1: {  	v50 =	vld [tilespmem:s30+$0x6600];
	v49 =	vmul.f32 v42, v41;
	v0 =	vadd.f32 v46, v0  }
0x3c2: {  	v51 =	vld [tilespmem:s30+$0x2180]  }
0x3c3: {  	v53 =	vld [tilespmem:s30+$0x6680];
	v52 =	vmul.f32 v45, v44;
	v0 =	vadd.f32 v49, v0  }
0x3c4: {  	v54 =	vld [tilespmem:s30+$0x2380]  }
0x3c5: {  	v56 =	vld [tilespmem:s30+$0x6700];
	v55 =	vmul.f32 v48, v47;
	v0 =	vadd.f32 v52, v0  }
0x3c6: {  	v57 =	vld [tilespmem:s30+$0x2580]  }
0x3c7: {  	v59 =	vld [tilespmem:s30+$0x6780];
	v58 =	vmul.f32 v51, v50;
	v0 =	vadd.f32 v55, v0  }
0x3c8: {  	v60 =	vld [tilespmem:s30+$0x2780]  }
0x3c9: {  	v61 =	vmul.f32 v54, v53;
	v0 =	vadd.f32 v58, v0;
	_ =	sdelay $0x1  }
0x3ca: {  	v62 =	vmul.f32 v57, v56;
	v0 =	vadd.f32 v61, v0;
	_ =	sdelay $0x1  }
0x3cb: {  	v63 =	vmul.f32 v60, v59;
	v0 =	vadd.f32 v62, v0;
	_ =	sdelay $0x1  }
0x3cc: {  	s28 =	sadd.s32 $0x1, s28;
	v0 =	vadd.f32 v63, v0  }
0x3cd: {  	p0 =	sne.s32 s28, s13  }
.Ltmp8:
0x3ce: {  	[tilespmem:s30+$0x6B80] =	vst v0;
	(pc) =	sbr.rel @p0 .LBB2_1-.Ltmp8, $4  }
0x3cf: {  	[hbm4b:s12+s3] =	stream.linear.scatter [tilespmem:s25], [sflag:$0x4], $0x200, $0x38;
	[tilespmem:$0x6C00] =	vst v63  }
0x3d0: {  	_ =	swait.ge [sflag:s26], $0x200  }
0x3d1: {  	[sflag:s26] =	ssyncset.done $0x0  }
0x3d2: {  	[sflag:s26] =	ssyncadd.s32 $0xFFFFFE00  }
0x3d3: {  	_ =	sfence.sel $0x180000  }
0x3d4: {  	[bflag:$0x0] =	sbarrier.arrive $0xFFFF  }
0x3d5: {  	_ =	strace $0x90000047  }
0x3d6: {  	s0 =	stileid.u32;
	[bflag:$0x2] =	sbarrier.arrive $0xFFFF  }
0x3d7: {  	p0 =	sne.s32 s0, $0x0;
	s0 =	rddreg [dreg:$0x5]  }
0x3d8: {  	s0 =	sadd.s32 @!p0 $0x100000, s0  }
0x3d9: {  	[sflag:s0] =	ssyncadd.tile.s32 @!p0 $0x1;
	_ =	shalt  }
.Lfunc_end2:
_tile_overlayer_lowered:
.L_overlay_start_2:
0x3da: {  	(tag) =	ssettag $0x2  }
0x3db: {  	s0 =	rddreg [dreg:$0x0];
	s2 =	stileid.u32  }
0x3dc: {  	s1 =	rddreg [dreg:$0x1];
	p0 =	sne.s32 s2, $0x0  }
0x3dd: {  	s3 =	rddreg [dreg:$0x2];
	[bflag:$0x3] =	sbarrier.arrive $0xFFFF;
	s2 =	simm.s32 @!p0 $0x1C04  }
0x3de: {  	[timem:s3], [sflag:s2] =	dma.local @!p0 [hbm:s0], s1  }
0x3df: {  	s0 =	simm.s32 @!p0 $0x4  }
0x3e0: {  	_ =	swait.ge @!p0 [sflag:s0], s1  }
0x3e1: {  	s1 =	ssub.s32 @!p0 $0x0, s1;
	[sflag:s0] =	ssyncset.done @!p0 $0x0  }
0x3e2: {  	[sflag:s0] =	ssyncadd.s32 @!p0 s1  }
0x3e3: {  	[bflag:$0x3] =	sbarrier.arrive $0xFFFF  }
0x3e4: {  	_ =	shalt  }

</sc_bundles>
